<compile_context>
chip_gen: v7x
topology: tpu7x:2x2x1
jax: 0.10.2.dev20260603
libtpu: 0.0.44.dev20260713+nightly
codegen_flags: <defaults>
</compile_context>

<pallas_src>
import jax
import jax.numpy as jnp
from jax import lax
from jax.experimental import pallas as pl
from jax.experimental.pallas import tpu as pltpu
from jax.experimental.pallas import tpu_sc as plsc

VOCAB = 1000000
EMBED = 128
BATCH = 4096
NUM_DENSE = 13
NUM_CAT = 26

N_IDX = BATCH * NUM_CAT
NC, NS = 2, 16
NW = NC * NS
PER_W = N_IDX // NW
CHUNK = 128
N_CHUNK = PER_W // CHUNK
_NBUF = 4
_FPB = 2


def _gather_body(table_hbm, idx_hbm, out_hbm, idx_v, *rest):
    bufs = rest[:_NBUF]
    stages = rest[_NBUF:2 * _NBUF]
    gsems = rest[2 * _NBUF:3 * _NBUF]
    ssems = rest[3 * _NBUF:4 * _NBUF]
    wid = lax.axis_index("s") * NC + lax.axis_index("c")
    pltpu.sync_copy(idx_hbm.at[pl.ds(wid * PER_W, PER_W)], idx_v)

    lane = lax.iota(jnp.int32, 16) * NUM_CAT
    out_base = wid * CHUNK

    def build_stage(f, b):
        for i in range(CHUNK // 16):
            pos = lane + (NUM_CAT * 16 * i + f)
            stages[b][pl.ds(16 * i, 16)] = plsc.load_gather(idx_v, [pos])

    def gather(b):
        return pltpu.make_async_copy(table_hbm.at[stages[b]], bufs[b],
                                     gsems[b])

    def store(f, b):
        return pltpu.make_async_copy(
            bufs[b],
            out_hbm.at[f // _FPB, pl.ds(out_base, CHUNK),
                       pl.ds((f % _FPB) * EMBED, EMBED)],
            ssems[b])

    for c in range(N_CHUNK + _NBUF - 1):
        if c < N_CHUNK:
            s = c % _NBUF
            if c >= _NBUF:
                store(c - _NBUF, s).wait()
            build_stage(c, s)
            gather(s).start()
        d = c - (_NBUF - 1)
        if 0 <= d < N_CHUNK:
            sd = d % _NBUF
            gather(sd).wait()
            store(d, sd).start()
    for d in range(max(0, N_CHUNK - _NBUF), N_CHUNK):
        store(d, d % _NBUF).wait()


def _sc_gather(table, idx_flat):
    mesh = plsc.VectorSubcoreMesh(core_axis_name="c", subcore_axis_name="s")
    return pl.kernel(
        _gather_body,
        out_type=jax.ShapeDtypeStruct(
            (NUM_CAT // _FPB, BATCH, _FPB * EMBED), jnp.float32),
        mesh=mesh,
        compiler_params=pltpu.CompilerParams(needs_layout_passes=False),
        scratch_types=(
            [pltpu.VMEM((PER_W,), jnp.int32)]
            + [pltpu.VMEM((CHUNK, EMBED), jnp.float32)] * _NBUF
            + [pltpu.VMEM((CHUNK,), jnp.int32)] * _NBUF
            + [pltpu.SemaphoreType.DMA] * (2 * _NBUF)
        ),
    )(table, idx_flat)


def _mlp_body(x_ref, emb_ref, wf_ref, wb0, bb0, wb1, bb1, wb2, bb2,
              wt0a, bt0, wt1, bt1, wt2, bt2, wt3, bt3, wo, bo,
              out_ref, acc_ref):
    f32 = jnp.float32
    f = pl.program_id(0)

    @pl.when(f == 0)
    def _init():
        xb = x_ref[:, :NUM_DENSE]
        bot = jax.nn.relu(jnp.dot(xb, wb0[:], preferred_element_type=f32) + bb0[:])
        bot = bot + jax.nn.relu(jnp.dot(bot, wb1[:], preferred_element_type=f32) + bb1[:])
        bot = bot + jax.nn.relu(jnp.dot(bot, wb2[:], preferred_element_type=f32) + bb2[:])
        acc_ref[:] = jnp.dot(bot, wt0a[:], preferred_element_type=f32) + bt0[:]

    acc_ref[:] += jnp.dot(emb_ref[0], wf_ref[:], preferred_element_type=f32)

    @pl.when(f == NUM_CAT // _FPB - 1)
    def _finish():
        t = jax.nn.relu(acc_ref[:])
        t = t + jax.nn.relu(jnp.dot(t, wt1[:], preferred_element_type=f32) + bt1[:])
        t = t + jax.nn.relu(jnp.dot(t, wt2[:], preferred_element_type=f32) + bt2[:])
        t = t + jax.nn.relu(jnp.dot(t, wt3[:], preferred_element_type=f32) + bt3[:])
        out_ref[:] = jnp.dot(t, wo[:], preferred_element_type=f32) + bo[:]


def _tc_mlp(x, emb, wt0b, wb0, bb0, wb1, bb1, wb2, bb2,
            wt0a, bt0, wt1, bt1, wt2, bt2, wt3, bt3, wo, bo):
    def bspec(shape):
        return pl.BlockSpec(shape, lambda f: (0,) * len(shape))

    return pl.pallas_call(
        _mlp_body,
        grid=(NUM_CAT // _FPB,),
        in_specs=[
            pl.BlockSpec((BATCH, NUM_DENSE + NUM_CAT), lambda f: (0, 0)),
            pl.BlockSpec((1, BATCH, _FPB * EMBED), lambda f: (f, 0, 0)),
            pl.BlockSpec((_FPB * EMBED, 256), lambda f: (f, 0)),
            bspec(wb0.shape), bspec(bb0.shape),
            bspec(wb1.shape), bspec(bb1.shape),
            bspec(wb2.shape), bspec(bb2.shape),
            bspec(wt0a.shape), bspec(bt0.shape),
            bspec(wt1.shape), bspec(bt1.shape),
            bspec(wt2.shape), bspec(bt2.shape),
            bspec(wt3.shape), bspec(bt3.shape),
            bspec(wo.shape), bspec(bo.shape),
        ],
        out_specs=pl.BlockSpec((BATCH, 1), lambda f: (0, 0)),
        out_shape=jax.ShapeDtypeStruct((BATCH, 1), jnp.float32),
        scratch_shapes=[pltpu.VMEM((BATCH, 256), jnp.float32)],
    )(x, emb, wt0b, wb0, bb0, wb1, bb1, wb2, bb2,
      wt0a, bt0, wt1, bt1, wt2, bt2, wt3, bt3, wo, bo)


def kernel(x, W_bot0, b_bot0, W_bot1, b_bot1, W_bot2, b_bot2, embedding_table,
           W_top0, b_top0, W_top1, b_top1, W_top2, b_top2, W_top3, b_top3,
           W_out, b_out):
    idx = jnp.asarray(x[:, NUM_DENSE:], jnp.int32) % VOCAB
    emb = _sc_gather(embedding_table, idx.reshape(-1))
    wt0a = W_top0[:256]
    wt0b = W_top0[256:]
    return _tc_mlp(
        x, emb, wt0b,
        W_bot0, b_bot0.reshape(1, -1),
        W_bot1, b_bot1.reshape(1, -1),
        W_bot2, b_bot2.reshape(1, -1),
        wt0a, b_top0.reshape(1, -1),
        W_top1, b_top1.reshape(1, -1),
        W_top2, b_top2.reshape(1, -1),
        W_top3, b_top3.reshape(1, -1),
        W_out, b_out.reshape(1, -1))

# --- scband reference (transcript-rebuilt; emitter-appended) ---
"""Pipeline reference for scband-dlrmres-net-74758200754618 (READ-ONLY COPY).

The authoritative reference and input builder live on the scoring server;
editing this copy changes nothing except your own understanding.
"""

import jax, jax.numpy as jnp
import numpy as np

VOCAB = 1000000
EMBED = 128
BATCH = 4096
NUM_DENSE = 13
NUM_CAT = 26
BOT_DIMS = (256, 256, 256)
TOP_DIMS = (256, 256, 256, 256, 1)


def _dense_params(k, fan_in, fan_out):
    kw, kb = jax.random.split(k)
    limit = float(np.sqrt(6.0 / (fan_in + fan_out)))
    W = jax.random.uniform(kw, (fan_in, fan_out), minval=-limit, maxval=limit, dtype=jnp.float32)
    b = jax.random.normal(kb, (fan_out,), dtype=jnp.float32) / np.sqrt(fan_out)
    return W, b


def setup_inputs(seed: int = 0):
    key = jax.random.key(seed)
    ks = jax.random.split(key, 16)
    dense = jax.random.normal(ks[0], (BATCH, NUM_DENSE), dtype=jnp.float32)
    cat = jax.random.randint(ks[1], (BATCH, NUM_CAT), 0, VOCAB).astype(jnp.float32)
    x = jnp.concatenate([dense, cat], axis=1)
    W_bot0, b_bot0 = _dense_params(ks[2], NUM_DENSE, BOT_DIMS[0])
    W_bot1, b_bot1 = _dense_params(ks[3], BOT_DIMS[0], BOT_DIMS[1])
    W_bot2, b_bot2 = _dense_params(ks[4], BOT_DIMS[1], BOT_DIMS[2])
    embedding_table = jax.random.uniform(ks[5], (VOCAB, EMBED), dtype=jnp.float32) / np.sqrt(VOCAB)
    top_in = BOT_DIMS[-1] + NUM_CAT * EMBED
    W_top0, b_top0 = _dense_params(ks[6], top_in, TOP_DIMS[0])
    W_top1, b_top1 = _dense_params(ks[7], TOP_DIMS[0], TOP_DIMS[1])
    W_top2, b_top2 = _dense_params(ks[8], TOP_DIMS[1], TOP_DIMS[2])
    W_top3, b_top3 = _dense_params(ks[9], TOP_DIMS[2], TOP_DIMS[3])
    W_out, b_out = _dense_params(ks[10], TOP_DIMS[3], 1)
    return {
        "x": x,
        "W_bot0": W_bot0, "b_bot0": b_bot0,
        "W_bot1": W_bot1, "b_bot1": b_bot1,
        "W_bot2": W_bot2, "b_bot2": b_bot2,
        "embedding_table": embedding_table,
        "W_top0": W_top0, "b_top0": b_top0,
        "W_top1": W_top1, "b_top1": b_top1,
        "W_top2": W_top2, "b_top2": b_top2,
        "W_top3": W_top3, "b_top3": b_top3,
        "W_out": W_out, "b_out": b_out,
    }


def reference(x, W_bot0, b_bot0, W_bot1, b_bot1, W_bot2, b_bot2, embedding_table,
              W_top0, b_top0, W_top1, b_top1, W_top2, b_top2, W_top3, b_top3,
              W_out, b_out):
    dense_in = x[:, :NUM_DENSE]
    cat = jnp.asarray(x[:, NUM_DENSE:], dtype=jnp.int32)
    # bottom MLP with residual adds
    bot = jax.nn.relu(dense_in @ W_bot0 + b_bot0)
    bot = bot + jax.nn.relu(bot @ W_bot1 + b_bot1)
    bot = bot + jax.nn.relu(bot @ W_bot2 + b_bot2)
    # unified embedding lookup
    idx = jnp.reshape(cat, (-1,)) % VOCAB
    embed_features = jnp.take(embedding_table, idx, axis=0)
    embed_features = jnp.reshape(embed_features, (x.shape[0], NUM_CAT * EMBED))
    top = jnp.concatenate([bot, embed_features], axis=1)
    # top MLP with residual adds
    t = jax.nn.relu(top @ W_top0 + b_top0)
    t = t + jax.nn.relu(t @ W_top1 + b_top1)
    t = t + jax.nn.relu(t @ W_top2 + b_top2)
    t = t + jax.nn.relu(t @ W_top3 + b_top3)
    logits = t @ W_out + b_out
    return logits

if __name__ == "__main__":
    import jax
    _d = setup_inputs()
    print(jax.jit(kernel)(*tuple(_d.values())))

</pallas_src>

<mosaic_0001>
#map = affine_map<(d0, d1) -> (0, 0)>
#map1 = affine_map<(d0, d1) -> (0)>
#map2 = affine_map<(d0, d1) -> (0, 0, 0)>
module attributes {stable_mosaic.version = 14 : i64} {
  func.func @_gather_body(%arg0: i32, %arg1: i32, %arg2: memref<1000000x128xf32, #tpu.memory_space<hbm>>, %arg3: memref<106496xi32, #tpu.memory_space<hbm>>, %arg4: memref<13x4096x256xf32, #tpu.memory_space<hbm>>, %arg5: memref<3328xi32, #tpu.memory_space<vmem>>, %arg6: memref<128x128xf32, #tpu.memory_space<vmem>>, %arg7: memref<128x128xf32, #tpu.memory_space<vmem>>, %arg8: memref<128x128xf32, #tpu.memory_space<vmem>>, %arg9: memref<128x128xf32, #tpu.memory_space<vmem>>, %arg10: memref<128xi32, #tpu.memory_space<vmem>>, %arg11: memref<128xi32, #tpu.memory_space<vmem>>, %arg12: memref<128xi32, #tpu.memory_space<vmem>>, %arg13: memref<128xi32, #tpu.memory_space<vmem>>, %arg14: memref<!tpu.dma_semaphore, #tpu.memory_space<semaphore_mem>>, %arg15: memref<!tpu.dma_semaphore, #tpu.memory_space<semaphore_mem>>, %arg16: memref<!tpu.dma_semaphore, #tpu.memory_space<semaphore_mem>>, %arg17: memref<!tpu.dma_semaphore, #tpu.memory_space<semaphore_mem>>, %arg18: memref<!tpu.dma_semaphore, #tpu.memory_space<semaphore_mem>>, %arg19: memref<!tpu.dma_semaphore, #tpu.memory_space<semaphore_mem>>, %arg20: memref<!tpu.dma_semaphore, #tpu.memory_space<semaphore_mem>>, %arg21: memref<!tpu.dma_semaphore, #tpu.memory_space<semaphore_mem>>) attributes {dimension_semantics = [#tpu.dimension_semantics<core_parallel>, #tpu.dimension_semantics<subcore_parallel>], iteration_bounds = array<i64: 2, 16>, scalar_prefetch = 0 : i64, scratch_operands = 17 : i64, tpu.core_type = #tpu.core_type<sc_vector_subcore>, window_params = [{transform_indices = #map}, {transform_indices = #map1}, {transform_indices = #map2}]} {
    %mul3A = arith.constant 2 : i32
    %mul3A_0 = arith.muli %arg1, %mul3A : i32
    %add3A = arith.addi %mul3A_0, %arg0 : i32
    %mul3A_1 = arith.constant 3328 : i32
    %mul3A_2 = arith.muli %add3A, %mul3A_1 : i32
    "tpu.region"() ({
      %run_scoped3A = tpu.sem_alloc : memref<!tpu.dma_semaphore, #tpu.memory_space<semaphore_mem>>
      %dma_start3A_1772 = tpu.memref_slice %arg3[%mul3A_2] : memref<106496xi32, #tpu.memory_space<hbm>> -> memref<3328xi32, #tpu.memory_space<hbm>>
      %dma_start3A_1773 = tpu.memref_slice %arg3[%mul3A_2] : memref<106496xi32, #tpu.memory_space<hbm>> -> memref<3328xi32, #tpu.memory_space<hbm>>
      tpu.enqueue_dma source(%dma_start3A_1773 : memref<3328xi32, #tpu.memory_space<hbm>>) target(%arg5 : memref<3328xi32, #tpu.memory_space<vmem>>) target_semaphore(%run_scoped3A : memref<!tpu.dma_semaphore, #tpu.memory_space<semaphore_mem>>)
      %dma_wait3A_1774 = tpu.memref_slice %arg3[%mul3A_2] : memref<106496xi32, #tpu.memory_space<hbm>> -> memref<3328xi32, #tpu.memory_space<hbm>>
      %dma_wait3A_1775 = tpu.memref_slice %arg3[%mul3A_2] : memref<106496xi32, #tpu.memory_space<hbm>> -> memref<3328xi32, #tpu.memory_space<hbm>>
      tpu.wait_dma2 semaphore(%run_scoped3A : memref<!tpu.dma_semaphore, #tpu.memory_space<semaphore_mem>>) src(%dma_wait3A_1775 : memref<3328xi32, #tpu.memory_space<hbm>>) dst(%arg5 : memref<3328xi32, #tpu.memory_space<vmem>>)
      tpu.yield
    }) : () -> ()
    %iota3A = tpu.iota {dimensions = array<i32: 0>} : vector<16xi32>
    %mul3A_3 = arith.constant 26 : i32
    %mul3A_4 = vector.broadcast %mul3A_3 : i32 to vector<16xi32>
    %mul3A_5 = arith.muli %iota3A, %mul3A_4 : vector<16xi32>
    %mul3A_6 = arith.constant 128 : i32
    %mul3A_7 = arith.muli %add3A, %mul3A_6 : i32
    %add3A_8 = arith.constant 0 : i32
    %add3A_9 = vector.broadcast %add3A_8 : i32 to vector<16xi32>
    %add3A_10 = arith.addi %mul3A_5, %add3A_9 : vector<16xi32>
    %gather3A = tpu.vector_load_idx %arg5[%add3A_10] : memref<3328xi32, #tpu.memory_space<vmem>>[vector<16xi32>], vector<16xi32>,
    %swap3A = arith.constant 0 : index
    %swap3A_11 = tpu.vector_load %arg10[%swap3A] {strides = array<i32>} : memref<128xi32, #tpu.memory_space<vmem>>, vector<16xi32>,
    tpu.vector_store %arg10[%swap3A], %gather3A {strides = array<i32>} : memref<128xi32, #tpu.memory_space<vmem>>, vector<16xi32>,
    %add3A_12 = arith.constant 416 : i32
    %add3A_13 = vector.broadcast %add3A_12 : i32 to vector<16xi32>
    %add3A_14 = arith.addi %mul3A_5, %add3A_13 : vector<16xi32>
    %gather3A_15 = tpu.vector_load_idx %arg5[%add3A_14] : memref<3328xi32, #tpu.memory_space<vmem>>[vector<16xi32>], vector<16xi32>,
    %swap3A_16 = arith.constant 16 : index
    %swap3A_17 = tpu.vector_load %arg10[%swap3A_16] {strides = array<i32>} : memref<128xi32, #tpu.memory_space<vmem>>, vector<16xi32>,
    tpu.vector_store %arg10[%swap3A_16], %gather3A_15 {strides = array<i32>} : memref<128xi32, #tpu.memory_space<vmem>>, vector<16xi32>,
    %add3A_18 = arith.constant 832 : i32
    %add3A_19 = vector.broadcast %add3A_18 : i32 to vector<16xi32>
    %add3A_20 = arith.addi %mul3A_5, %add3A_19 : vector<16xi32>
    %gather3A_21 = tpu.vector_load_idx %arg5[%add3A_20] : memref<3328xi32, #tpu.memory_space<vmem>>[vector<16xi32>], vector<16xi32>,
    %swap3A_22 = arith.constant 32 : index
    %swap3A_23 = tpu.vector_load %arg10[%swap3A_22] {strides = array<i32>} : memref<128xi32, #tpu.memory_space<vmem>>, vector<16xi32>,
    tpu.vector_store %arg10[%swap3A_22], %gather3A_21 {strides = array<i32>} : memref<128xi32, #tpu.memory_space<vmem>>, vector<16xi32>,
    %add3A_24 = arith.constant 1248 : i32
    %add3A_25 = vector.broadcast %add3A_24 : i32 to vector<16xi32>
    %add3A_26 = arith.addi %mul3A_5, %add3A_25 : vector<16xi32>
    %gather3A_27 = tpu.vector_load_idx %arg5[%add3A_26] : memref<3328xi32, #tpu.memory_space<vmem>>[vector<16xi32>], vector<16xi32>,
    %swap3A_28 = arith.constant 48 : index
    %swap3A_29 = tpu.vector_load %arg10[%swap3A_28] {strides = array<i32>} : memref<128xi32, #tpu.memory_space<vmem>>, vector<16xi32>,
    tpu.vector_store %arg10[%swap3A_28], %gather3A_27 {strides = array<i32>} : memref<128xi32, #tpu.memory_space<vmem>>, vector<16xi32>,
    %add3A_30 = arith.constant 1664 : i32
    %add3A_31 = vector.broadcast %add3A_30 : i32 to vector<16xi32>
    %add3A_32 = arith.addi %mul3A_5, %add3A_31 : vector<16xi32>
    %gather3A_33 = tpu.vector_load_idx %arg5[%add3A_32] : memref<3328xi32, #tpu.memory_space<vmem>>[vector<16xi32>], vector<16xi32>,
    %swap3A_34 = arith.constant 64 : index
    %swap3A_35 = tpu.vector_load %arg10[%swap3A_34] {strides = array<i32>} : memref<128xi32, #tpu.memory_space<vmem>>, vector<16xi32>,
    tpu.vector_store %arg10[%swap3A_34], %gather3A_33 {strides = array<i32>} : memref<128xi32, #tpu.memory_space<vmem>>, vector<16xi32>,
    %add3A_36 = arith.constant 2080 : i32
    %add3A_37 = vector.broadcast %add3A_36 : i32 to vector<16xi32>
    %add3A_38 = arith.addi %mul3A_5, %add3A_37 : vector<16xi32>
    %gather3A_39 = tpu.vector_load_idx %arg5[%add3A_38] : memref<3328xi32, #tpu.memory_space<vmem>>[vector<16xi32>], vector<16xi32>,
    %swap3A_40 = arith.constant 80 : index
    %swap3A_41 = tpu.vector_load %arg10[%swap3A_40] {strides = array<i32>} : memref<128xi32, #tpu.memory_space<vmem>>, vector<16xi32>,
    tpu.vector_store %arg10[%swap3A_40], %gather3A_39 {strides = array<i32>} : memref<128xi32, #tpu.memory_space<vmem>>, vector<16xi32>,
    %add3A_42 = arith.constant 2496 : i32
    %add3A_43 = vector.broadcast %add3A_42 : i32 to vector<16xi32>
    %add3A_44 = arith.addi %mul3A_5, %add3A_43 : vector<16xi32>
    %gather3A_45 = tpu.vector_load_idx %arg5[%add3A_44] : memref<3328xi32, #tpu.memory_space<vmem>>[vector<16xi32>], vector<16xi32>,
    %swap3A_46 = arith.constant 96 : index
    %swap3A_47 = tpu.vector_load %arg10[%swap3A_46] {strides = array<i32>} : memref<128xi32, #tpu.memory_space<vmem>>, vector<16xi32>,
    tpu.vector_store %arg10[%swap3A_46], %gather3A_45 {strides = array<i32>} : memref<128xi32, #tpu.memory_space<vmem>>, vector<16xi32>,
    %add3A_48 = arith.constant 2912 : i32
    %add3A_49 = vector.broadcast %add3A_48 : i32 to vector<16xi32>
    %add3A_50 = arith.addi %mul3A_5, %add3A_49 : vector<16xi32>
    %gather3A_51 = tpu.vector_load_idx %arg5[%add3A_50] : memref<3328xi32, #tpu.memory_space<vmem>>[vector<16xi32>], vector<16xi32>,
    %swap3A_52 = arith.constant 112 : index
    %swap3A_53 = tpu.vector_load %arg10[%swap3A_52] {strides = array<i32>} : memref<128xi32, #tpu.memory_space<vmem>>, vector<16xi32>,
    tpu.vector_store %arg10[%swap3A_52], %gather3A_51 {strides = array<i32>} : memref<128xi32, #tpu.memory_space<vmem>>, vector<16xi32>,
    %dma_start3A = arith.constant 0 : i32
    %dma_start3A_54 = arith.constant 0 : i32
    %dma_start3A_55 = tpu.memref_slice %arg2[%dma_start3A, %dma_start3A_54] : memref<1000000x128xf32, #tpu.memory_space<hbm>> -> memref<1000000x128xf32, #tpu.memory_space<hbm>>
    tpu.enqueue_indirect_dma source(%dma_start3A_55 : memref<1000000x128xf32, #tpu.memory_space<hbm>>) target(%arg6 : memref<128x128xf32, #tpu.memory_space<vmem>>) offsets(%arg10 : memref<128xi32, #tpu.memory_space<vmem>>) semaphore(%arg14 : memref<!tpu.dma_semaphore, #tpu.memory_space<semaphore_mem>>)
    %add3A_56 = arith.constant 1 : i32
    %add3A_57 = vector.broadcast %add3A_56 : i32 to vector<16xi32>
    %add3A_58 = arith.addi %mul3A_5, %add3A_57 : vector<16xi32>
    %gather3A_59 = tpu.vector_load_idx %arg5[%add3A_58] : memref<3328xi32, #tpu.memory_space<vmem>>[vector<16xi32>], vector<16xi32>,
    %swap3A_60 = arith.constant 0 : index
    %swap3A_61 = tpu.vector_load %arg11[%swap3A_60] {strides = array<i32>} : memref<128xi32, #tpu.memory_space<vmem>>, vector<16xi32>,
    tpu.vector_store %arg11[%swap3A_60], %gather3A_59 {strides = array<i32>} : memref<128xi32, #tpu.memory_space<vmem>>, vector<16xi32>,
    %add3A_62 = arith.constant 417 : i32
    %add3A_63 = vector.broadcast %add3A_62 : i32 to vector<16xi32>
    %add3A_64 = arith.addi %mul3A_5, %add3A_63 : vector<16xi32>
    %gather3A_65 = tpu.vector_load_idx %arg5[%add3A_64] : memref<3328xi32, #tpu.memory_space<vmem>>[vector<16xi32>], vector<16xi32>,
    %swap3A_66 = arith.constant 16 : index
    %swap3A_67 = tpu.vector_load %arg11[%swap3A_66] {strides = array<i32>} : memref<128xi32, #tpu.memory_space<vmem>>, vector<16xi32>,
    tpu.vector_store %arg11[%swap3A_66], %gather3A_65 {strides = array<i32>} : memref<128xi32, #tpu.memory_space<vmem>>, vector<16xi32>,
    %add3A_68 = arith.constant 833 : i32
    %add3A_69 = vector.broadcast %add3A_68 : i32 to vector<16xi32>
    %add3A_70 = arith.addi %mul3A_5, %add3A_69 : vector<16xi32>
    %gather3A_71 = tpu.vector_load_idx %arg5[%add3A_70] : memref<3328xi32, #tpu.memory_space<vmem>>[vector<16xi32>], vector<16xi32>,
    %swap3A_72 = arith.constant 32 : index
    %swap3A_73 = tpu.vector_load %arg11[%swap3A_72] {strides = array<i32>} : memref<128xi32, #tpu.memory_space<vmem>>, vector<16xi32>,
    tpu.vector_store %arg11[%swap3A_72], %gather3A_71 {strides = array<i32>} : memref<128xi32, #tpu.memory_space<vmem>>, vector<16xi32>,
    %add3A_74 = arith.constant 1249 : i32
    %add3A_75 = vector.broadcast %add3A_74 : i32 to vector<16xi32>
    %add3A_76 = arith.addi %mul3A_5, %add3A_75 : vector<16xi32>
    %gather3A_77 = tpu.vector_load_idx %arg5[%add3A_76] : memref<3328xi32, #tpu.memory_space<vmem>>[vector<16xi32>], vector<16xi32>,
    %swap3A_78 = arith.constant 48 : index
    %swap3A_79 = tpu.vector_load %arg11[%swap3A_78] {strides = array<i32>} : memref<128xi32, #tpu.memory_space<vmem>>, vector<16xi32>,
    tpu.vector_store %arg11[%swap3A_78], %gather3A_77 {strides = array<i32>} : memref<128xi32, #tpu.memory_space<vmem>>, vector<16xi32>,
    %add3A_80 = arith.constant 1665 : i32
    %add3A_81 = vector.broadcast %add3A_80 : i32 to vector<16xi32>
    %add3A_82 = arith.addi %mul3A_5, %add3A_81 : vector<16xi32>
    %gather3A_83 = tpu.vector_load_idx %arg5[%add3A_82] : memref<3328xi32, #tpu.memory_space<vmem>>[vector<16xi32>], vector<16xi32>,
    %swap3A_84 = arith.constant 64 : index
    %swap3A_85 = tpu.vector_load %arg11[%swap3A_84] {strides = array<i32>} : memref<128xi32, #tpu.memory_space<vmem>>, vector<16xi32>,
    tpu.vector_store %arg11[%swap3A_84], %gather3A_83 {strides = array<i32>} : memref<128xi32, #tpu.memory_space<vmem>>, vector<16xi32>,
    %add3A_86 = arith.constant 2081 : i32
    %add3A_87 = vector.broadcast %add3A_86 : i32 to vector<16xi32>
    %add3A_88 = arith.addi %mul3A_5, %add3A_87 : vector<16xi32>
    %gather3A_89 = tpu.vector_load_idx %arg5[%add3A_88] : memref<3328xi32, #tpu.memory_space<vmem>>[vector<16xi32>], vector<16xi32>,
    %swap3A_90 = arith.constant 80 : index
    %swap3A_91 = tpu.vector_load %arg11[%swap3A_90] {strides = array<i32>} : memref<128xi32, #tpu.memory_space<vmem>>, vector<16xi32>,
    tpu.vector_store %arg11[%swap3A_90], %gather3A_89 {strides = array<i32>} : memref<128xi32, #tpu.memory_space<vmem>>, vector<16xi32>,
    %add3A_92 = arith.constant 2497 : i32
    %add3A_93 = vector.broadcast %add3A_92 : i32 to vector<16xi32>
    %add3A_94 = arith.addi %mul3A_5, %add3A_93 : vector<16xi32>
    %gather3A_95 = tpu.vector_load_idx %arg5[%add3A_94] : memref<3328xi32, #tpu.memory_space<vmem>>[vector<16xi32>], vector<16xi32>,
    %swap3A_96 = arith.constant 96 : index
    %swap3A_97 = tpu.vector_load %arg11[%swap3A_96] {strides = array<i32>} : memref<128xi32, #tpu.memory_space<vmem>>, vector<16xi32>,
    tpu.vector_store %arg11[%swap3A_96], %gather3A_95 {strides = array<i32>} : memref<128xi32, #tpu.memory_space<vmem>>, vector<16xi32>,
    %add3A_98 = arith.constant 2913 : i32
    %add3A_99 = vector.broadcast %add3A_98 : i32 to vector<16xi32>
    %add3A_100 = arith.addi %mul3A_5, %add3A_99 : vector<16xi32>
    %gather3A_101 = tpu.vector_load_idx %arg5[%add3A_100] : memref<3328xi32, #tpu.memory_space<vmem>>[vector<16xi32>], vector<16xi32>,
    %swap3A_102 = arith.constant 112 : index
    %swap3A_103 = tpu.vector_load %arg11[%swap3A_102] {strides = array<i32>} : memref<128xi32, #tpu.memory_space<vmem>>, vector<16xi32>,
    tpu.vector_store %arg11[%swap3A_102], %gather3A_101 {strides = array<i32>} : memref<128xi32, #tpu.memory_space<vmem>>, vector<16xi32>,
    %dma_start3A_104 = arith.constant 0 : i32
    %dma_start3A_105 = arith.constant 0 : i32
    %dma_start3A_106 = tpu.memref_slice %arg2[%dma_start3A_104, %dma_start3A_105] : memref<1000000x128xf32, #tpu.memory_space<hbm>> -> memref<1000000x128xf32, #tpu.memory_space<hbm>>
    tpu.enqueue_indirect_dma source(%dma_start3A_106 : memref<1000000x128xf32, #tpu.memory_space<hbm>>) target(%arg7 : memref<128x128xf32, #tpu.memory_space<vmem>>) offsets(%arg11 : memref<128xi32, #tpu.memory_space<vmem>>) semaphore(%arg15 : memref<!tpu.dma_semaphore, #tpu.memory_space<semaphore_mem>>)
    %add3A_107 = arith.constant 2 : i32
    %add3A_108 = vector.broadcast %add3A_107 : i32 to vector<16xi32>
    %add3A_109 = arith.addi %mul3A_5, %add3A_108 : vector<16xi32>
    %gather3A_110 = tpu.vector_load_idx %arg5[%add3A_109] : memref<3328xi32, #tpu.memory_space<vmem>>[vector<16xi32>], vector<16xi32>,
    %swap3A_111 = arith.constant 0 : index
    %swap3A_112 = tpu.vector_load %arg12[%swap3A_111] {strides = array<i32>} : memref<128xi32, #tpu.memory_space<vmem>>, vector<16xi32>,
    tpu.vector_store %arg12[%swap3A_111], %gather3A_110 {strides = array<i32>} : memref<128xi32, #tpu.memory_space<vmem>>, vector<16xi32>,
    %add3A_113 = arith.constant 418 : i32
    %add3A_114 = vector.broadcast %add3A_113 : i32 to vector<16xi32>
    %add3A_115 = arith.addi %mul3A_5, %add3A_114 : vector<16xi32>
    %gather3A_116 = tpu.vector_load_idx %arg5[%add3A_115] : memref<3328xi32, #tpu.memory_space<vmem>>[vector<16xi32>], vector<16xi32>,
    %swap3A_117 = arith.constant 16 : index
    %swap3A_118 = tpu.vector_load %arg12[%swap3A_117] {strides = array<i32>} : memref<128xi32, #tpu.memory_space<vmem>>, vector<16xi32>,
    tpu.vector_store %arg12[%swap3A_117], %gather3A_116 {strides = array<i32>} : memref<128xi32, #tpu.memory_space<vmem>>, vector<16xi32>,
    %add3A_119 = arith.constant 834 : i32
    %add3A_120 = vector.broadcast %add3A_119 : i32 to vector<16xi32>
    %add3A_121 = arith.addi %mul3A_5, %add3A_120 : vector<16xi32>
    %gather3A_122 = tpu.vector_load_idx %arg5[%add3A_121] : memref<3328xi32, #tpu.memory_space<vmem>>[vector<16xi32>], vector<16xi32>,
    %swap3A_123 = arith.constant 32 : index
    %swap3A_124 = tpu.vector_load %arg12[%swap3A_123] {strides = array<i32>} : memref<128xi32, #tpu.memory_space<vmem>>, vector<16xi32>,
    tpu.vector_store %arg12[%swap3A_123], %gather3A_122 {strides = array<i32>} : memref<128xi32, #tpu.memory_space<vmem>>, vector<16xi32>,
    %add3A_125 = arith.constant 1250 : i32
    %add3A_126 = vector.broadcast %add3A_125 : i32 to vector<16xi32>
    %add3A_127 = arith.addi %mul3A_5, %add3A_126 : vector<16xi32>
    %gather3A_128 = tpu.vector_load_idx %arg5[%add3A_127] : memref<3328xi32, #tpu.memory_space<vmem>>[vector<16xi32>], vector<16xi32>,
    %swap3A_129 = arith.constant 48 : index
    %swap3A_130 = tpu.vector_load %arg12[%swap3A_129] {strides = array<i32>} : memref<128xi32, #tpu.memory_space<vmem>>, vector<16xi32>,
    tpu.vector_store %arg12[%swap3A_129], %gather3A_128 {strides = array<i32>} : memref<128xi32, #tpu.memory_space<vmem>>, vector<16xi32>,
    %add3A_131 = arith.constant 1666 : i32
    %add3A_132 = vector.broadcast %add3A_131 : i32 to vector<16xi32>
    %add3A_133 = arith.addi %mul3A_5, %add3A_132 : vector<16xi32>
    %gather3A_134 = tpu.vector_load_idx %arg5[%add3A_133] : memref<3328xi32, #tpu.memory_space<vmem>>[vector<16xi32>], vector<16xi32>,
    %swap3A_135 = arith.constant 64 : index
    %swap3A_136 = tpu.vector_load %arg12[%swap3A_135] {strides = array<i32>} : memref<128xi32, #tpu.memory_space<vmem>>, vector<16xi32>,
    tpu.vector_store %arg12[%swap3A_135], %gather3A_134 {strides = array<i32>} : memref<128xi32, #tpu.memory_space<vmem>>, vector<16xi32>,
    %add3A_137 = arith.constant 2082 : i32
    %add3A_138 = vector.broadcast %add3A_137 : i32 to vector<16xi32>
    %add3A_139 = arith.addi %mul3A_5, %add3A_138 : vector<16xi32>
    %gather3A_140 = tpu.vector_load_idx %arg5[%add3A_139] : memref<3328xi32, #tpu.memory_space<vmem>>[vector<16xi32>], vector<16xi32>,
    %swap3A_141 = arith.constant 80 : index
    %swap3A_142 = tpu.vector_load %arg12[%swap3A_141] {strides = array<i32>} : memref<128xi32, #tpu.memory_space<vmem>>, vector<16xi32>,
    tpu.vector_store %arg12[%swap3A_141], %gather3A_140 {strides = array<i32>} : memref<128xi32, #tpu.memory_space<vmem>>, vector<16xi32>,
    %add3A_143 = arith.constant 2498 : i32
    %add3A_144 = vector.broadcast %add3A_143 : i32 to vector<16xi32>
    %add3A_145 = arith.addi %mul3A_5, %add3A_144 : vector<16xi32>
    %gather3A_146 = tpu.vector_load_idx %arg5[%add3A_145] : memref<3328xi32, #tpu.memory_space<vmem>>[vector<16xi32>], vector<16xi32>,
    %swap3A_147 = arith.constant 96 : index
    %swap3A_148 = tpu.vector_load %arg12[%swap3A_147] {strides = array<i32>} : memref<128xi32, #tpu.memory_space<vmem>>, vector<16xi32>,
    tpu.vector_store %arg12[%swap3A_147], %gather3A_146 {strides = array<i32>} : memref<128xi32, #tpu.memory_space<vmem>>, vector<16xi32>,
    %add3A_149 = arith.constant 2914 : i32
    %add3A_150 = vector.broadcast %add3A_149 : i32 to vector<16xi32>
    %add3A_151 = arith.addi %mul3A_5, %add3A_150 : vector<16xi32>
    %gather3A_152 = tpu.vector_load_idx %arg5[%add3A_151] : memref<3328xi32, #tpu.memory_space<vmem>>[vector<16xi32>], vector<16xi32>,
    %swap3A_153 = arith.constant 112 : index
    %swap3A_154 = tpu.vector_load %arg12[%swap3A_153] {strides = array<i32>} : memref<128xi32, #tpu.memory_space<vmem>>, vector<16xi32>,
    tpu.vector_store %arg12[%swap3A_153], %gather3A_152 {strides = array<i32>} : memref<128xi32, #tpu.memory_space<vmem>>, vector<16xi32>,
    %dma_start3A_155 = arith.constant 0 : i32
    %dma_start3A_156 = arith.constant 0 : i32
    %dma_start3A_157 = tpu.memref_slice %arg2[%dma_start3A_155, %dma_start3A_156] : memref<1000000x128xf32, #tpu.memory_space<hbm>> -> memref<1000000x128xf32, #tpu.memory_space<hbm>>
    tpu.enqueue_indirect_dma source(%dma_start3A_157 : memref<1000000x128xf32, #tpu.memory_space<hbm>>) target(%arg8 : memref<128x128xf32, #tpu.memory_space<vmem>>) offsets(%arg12 : memref<128xi32, #tpu.memory_space<vmem>>) semaphore(%arg16 : memref<!tpu.dma_semaphore, #tpu.memory_space<semaphore_mem>>)
    %add3A_158 = arith.constant 3 : i32
    %add3A_159 = vector.broadcast %add3A_158 : i32 to vector<16xi32>
    %add3A_160 = arith.addi %mul3A_5, %add3A_159 : vector<16xi32>
    %gather3A_161 = tpu.vector_load_idx %arg5[%add3A_160] : memref<3328xi32, #tpu.memory_space<vmem>>[vector<16xi32>], vector<16xi32>,
    %swap3A_162 = arith.constant 0 : index
    %swap3A_163 = tpu.vector_load %arg13[%swap3A_162] {strides = array<i32>} : memref<128xi32, #tpu.memory_space<vmem>>, vector<16xi32>,
    tpu.vector_store %arg13[%swap3A_162], %gather3A_161 {strides = array<i32>} : memref<128xi32, #tpu.memory_space<vmem>>, vector<16xi32>,
    %add3A_164 = arith.constant 419 : i32
    %add3A_165 = vector.broadcast %add3A_164 : i32 to vector<16xi32>
    %add3A_166 = arith.addi %mul3A_5, %add3A_165 : vector<16xi32>
    %gather3A_167 = tpu.vector_load_idx %arg5[%add3A_166] : memref<3328xi32, #tpu.memory_space<vmem>>[vector<16xi32>], vector<16xi32>,
    %swap3A_168 = arith.constant 16 : index
    %swap3A_169 = tpu.vector_load %arg13[%swap3A_168] {strides = array<i32>} : memref<128xi32, #tpu.memory_space<vmem>>, vector<16xi32>,
    tpu.vector_store %arg13[%swap3A_168], %gather3A_167 {strides = array<i32>} : memref<128xi32, #tpu.memory_space<vmem>>, vector<16xi32>,
    %add3A_170 = arith.constant 835 : i32
    %add3A_171 = vector.broadcast %add3A_170 : i32 to vector<16xi32>
    %add3A_172 = arith.addi %mul3A_5, %add3A_171 : vector<16xi32>
    %gather3A_173 = tpu.vector_load_idx %arg5[%add3A_172] : memref<3328xi32, #tpu.memory_space<vmem>>[vector<16xi32>], vector<16xi32>,
    %swap3A_174 = arith.constant 32 : index
    %swap3A_175 = tpu.vector_load %arg13[%swap3A_174] {strides = array<i32>} : memref<128xi32, #tpu.memory_space<vmem>>, vector<16xi32>,
    tpu.vector_store %arg13[%swap3A_174], %gather3A_173 {strides = array<i32>} : memref<128xi32, #tpu.memory_space<vmem>>, vector<16xi32>,
    %add3A_176 = arith.constant 1251 : i32
    %add3A_177 = vector.broadcast %add3A_176 : i32 to vector<16xi32>
    %add3A_178 = arith.addi %mul3A_5, %add3A_177 : vector<16xi32>
    %gather3A_179 = tpu.vector_load_idx %arg5[%add3A_178] : memref<3328xi32, #tpu.memory_space<vmem>>[vector<16xi32>], vector<16xi32>,
    %swap3A_180 = arith.constant 48 : index
    %swap3A_181 = tpu.vector_load %arg13[%swap3A_180] {strides = array<i32>} : memref<128xi32, #tpu.memory_space<vmem>>, vector<16xi32>,
    tpu.vector_store %arg13[%swap3A_180], %gather3A_179 {strides = array<i32>} : memref<128xi32, #tpu.memory_space<vmem>>, vector<16xi32>,
    %add3A_182 = arith.constant 1667 : i32
    %add3A_183 = vector.broadcast %add3A_182 : i32 to vector<16xi32>
    %add3A_184 = arith.addi %mul3A_5, %add3A_183 : vector<16xi32>
    %gather3A_185 = tpu.vector_load_idx %arg5[%add3A_184] : memref<3328xi32, #tpu.memory_space<vmem>>[vector<16xi32>], vector<16xi32>,
    %swap3A_186 = arith.constant 64 : index
    %swap3A_187 = tpu.vector_load %arg13[%swap3A_186] {strides = array<i32>} : memref<128xi32, #tpu.memory_space<vmem>>, vector<16xi32>,
    tpu.vector_store %arg13[%swap3A_186], %gather3A_185 {strides = array<i32>} : memref<128xi32, #tpu.memory_space<vmem>>, vector<16xi32>,
    %add3A_188 = arith.constant 2083 : i32
    %add3A_189 = vector.broadcast %add3A_188 : i32 to vector<16xi32>
    %add3A_190 = arith.addi %mul3A_5, %add3A_189 : vector<16xi32>
    %gather3A_191 = tpu.vector_load_idx %arg5[%add3A_190] : memref<3328xi32, #tpu.memory_space<vmem>>[vector<16xi32>], vector<16xi32>,
    %swap3A_192 = arith.constant 80 : index
    %swap3A_193 = tpu.vector_load %arg13[%swap3A_192] {strides = array<i32>} : memref<128xi32, #tpu.memory_space<vmem>>, vector<16xi32>,
    tpu.vector_store %arg13[%swap3A_192], %gather3A_191 {strides = array<i32>} : memref<128xi32, #tpu.memory_space<vmem>>, vector<16xi32>,
    %add3A_194 = arith.constant 2499 : i32
    %add3A_195 = vector.broadcast %add3A_194 : i32 to vector<16xi32>
    %add3A_196 = arith.addi %mul3A_5, %add3A_195 : vector<16xi32>
    %gather3A_197 = tpu.vector_load_idx %arg5[%add3A_196] : memref<3328xi32, #tpu.memory_space<vmem>>[vector<16xi32>], vector<16xi32>,
    %swap3A_198 = arith.constant 96 : index
    %swap3A_199 = tpu.vector_load %arg13[%swap3A_198] {strides = array<i32>} : memref<128xi32, #tpu.memory_space<vmem>>, vector<16xi32>,
    tpu.vector_store %arg13[%swap3A_198], %gather3A_197 {strides = array<i32>} : memref<128xi32, #tpu.memory_space<vmem>>, vector<16xi32>,
    %add3A_200 = arith.constant 2915 : i32
    %add3A_201 = vector.broadcast %add3A_200 : i32 to vector<16xi32>
    %add3A_202 = arith.addi %mul3A_5, %add3A_201 : vector<16xi32>
    %gather3A_203 = tpu.vector_load_idx %arg5[%add3A_202] : memref<3328xi32, #tpu.memory_space<vmem>>[vector<16xi32>], vector<16xi32>,
    %swap3A_204 = arith.constant 112 : index
    %swap3A_205 = tpu.vector_load %arg13[%swap3A_204] {strides = array<i32>} : memref<128xi32, #tpu.memory_space<vmem>>, vector<16xi32>,
    tpu.vector_store %arg13[%swap3A_204], %gather3A_203 {strides = array<i32>} : memref<128xi32, #tpu.memory_space<vmem>>, vector<16xi32>,
    %dma_start3A_206 = arith.constant 0 : i32
    %dma_start3A_207 = arith.constant 0 : i32
    %dma_start3A_208 = tpu.memref_slice %arg2[%dma_start3A_206, %dma_start3A_207] : memref<1000000x128xf32, #tpu.memory_space<hbm>> -> memref<1000000x128xf32, #tpu.memory_space<hbm>>
    tpu.enqueue_indirect_dma source(%dma_start3A_208 : memref<1000000x128xf32, #tpu.memory_space<hbm>>) target(%arg9 : memref<128x128xf32, #tpu.memory_space<vmem>>) offsets(%arg13 : memref<128xi32, #tpu.memory_space<vmem>>) semaphore(%arg17 : memref<!tpu.dma_semaphore, #tpu.memory_space<semaphore_mem>>)
    %dma_wait3A = arith.constant 0 : i32
    %dma_wait3A_209 = arith.constant 0 : i32
    %dma_wait3A_210 = tpu.memref_slice %arg2[%dma_wait3A, %dma_wait3A_209] : memref<1000000x128xf32, #tpu.memory_space<hbm>> -> memref<1000000x128xf32, #tpu.memory_space<hbm>>
    tpu.wait_indirect_dma semaphore(%arg14 : memref<!tpu.dma_semaphore, #tpu.memory_space<semaphore_mem>>) src(%dma_wait3A_210 : memref<1000000x128xf32, #tpu.memory_space<hbm>>) dst(%arg6 : memref<128x128xf32, #tpu.memory_space<vmem>>)
    %dma_start3A_211 = arith.constant 0 : i32
    %dma_start3A_212 = arith.constant 0 : i32
    %dma_start3A_213 = tpu.memref_slice %arg4[%dma_start3A_211, %mul3A_7, %dma_start3A_212] : memref<13x4096x256xf32, #tpu.memory_space<hbm>> -> memref<1x128x128xf32, #tpu.memory_space<hbm>>
    %dma_start3A_214 = tpu.memref_squeeze %dma_start3A_213 : memref<1x128x128xf32, #tpu.memory_space<hbm>> -> memref<128x128xf32, #tpu.memory_space<hbm>>
    %dma_start3A_215 = arith.constant 0 : i32
    %dma_start3A_216 = tpu.memref_slice %arg4[%dma_start3A_211, %mul3A_7, %dma_start3A_215] : memref<13x4096x256xf32, #tpu.memory_space<hbm>> -> memref<1x128x128xf32, #tpu.memory_space<hbm>>
    %dma_start3A_217 = tpu.memref_squeeze %dma_start3A_216 : memref<1x128x128xf32, #tpu.memory_space<hbm>> -> memref<128x128xf32, #tpu.memory_space<hbm>>
    tpu.enqueue_dma source(%arg6 : memref<128x128xf32, #tpu.memory_space<vmem>>) target(%dma_start3A_217 : memref<128x128xf32, #tpu.memory_space<hbm>>) target_semaphore(%arg18 : memref<!tpu.dma_semaphore, #tpu.memory_space<semaphore_mem>>)
    %dma_wait3A_218 = arith.constant 0 : i32
    %dma_wait3A_219 = arith.constant 0 : i32
    %dma_wait3A_220 = tpu.memref_slice %arg4[%dma_wait3A_218, %mul3A_7, %dma_wait3A_219] : memref<13x4096x256xf32, #tpu.memory_space<hbm>> -> memref<1x128x128xf32, #tpu.memory_space<hbm>>
    %dma_wait3A_221 = tpu.memref_squeeze %dma_wait3A_220 : memref<1x128x128xf32, #tpu.memory_space<hbm>> -> memref<128x128xf32, #tpu.memory_space<hbm>>
    %dma_wait3A_222 = arith.constant 0 : i32
    %dma_wait3A_223 = tpu.memref_slice %arg4[%dma_wait3A_218, %mul3A_7, %dma_wait3A_222] : memref<13x4096x256xf32, #tpu.memory_space<hbm>> -> memref<1x128x128xf32, #tpu.memory_space<hbm>>
    %dma_wait3A_224 = tpu.memref_squeeze %dma_wait3A_223 : memref<1x128x128xf32, #tpu.memory_space<hbm>> -> memref<128x128xf32, #tpu.memory_space<hbm>>
    tpu.wait_dma2 semaphore(%arg18 : memref<!tpu.dma_semaphore, #tpu.memory_space<semaphore_mem>>) src(%arg6 : memref<128x128xf32, #tpu.memory_space<vmem>>) dst(%dma_wait3A_224 : memref<128x128xf32, #tpu.memory_space<hbm>>)
    %add3A_225 = arith.constant 4 : i32
    %add3A_226 = vector.broadcast %add3A_225 : i32 to vector<16xi32>
    %add3A_227 = arith.addi %mul3A_5, %add3A_226 : vector<16xi32>
    %gather3A_228 = tpu.vector_load_idx %arg5[%add3A_227] : memref<3328xi32, #tpu.memory_space<vmem>>[vector<16xi32>], vector<16xi32>,
    %swap3A_229 = arith.constant 0 : index
    %swap3A_230 = tpu.vector_load %arg10[%swap3A_229] {strides = array<i32>} : memref<128xi32, #tpu.memory_space<vmem>>, vector<16xi32>,
    tpu.vector_store %arg10[%swap3A_229], %gather3A_228 {strides = array<i32>} : memref<128xi32, #tpu.memory_space<vmem>>, vector<16xi32>,
    %add3A_231 = arith.constant 420 : i32
    %add3A_232 = vector.broadcast %add3A_231 : i32 to vector<16xi32>
    %add3A_233 = arith.addi %mul3A_5, %add3A_232 : vector<16xi32>
    %gather3A_234 = tpu.vector_load_idx %arg5[%add3A_233] : memref<3328xi32, #tpu.memory_space<vmem>>[vector<16xi32>], vector<16xi32>,
    %swap3A_235 = arith.constant 16 : index
    %swap3A_236 = tpu.vector_load %arg10[%swap3A_235] {strides = array<i32>} : memref<128xi32, #tpu.memory_space<vmem>>, vector<16xi32>,
    tpu.vector_store %arg10[%swap3A_235], %gather3A_234 {strides = array<i32>} : memref<128xi32, #tpu.memory_space<vmem>>, vector<16xi32>,
    %add3A_237 = arith.constant 836 : i32
    %add3A_238 = vector.broadcast %add3A_237 : i32 to vector<16xi32>
    %add3A_239 = arith.addi %mul3A_5, %add3A_238 : vector<16xi32>
    %gather3A_240 = tpu.vector_load_idx %arg5[%add3A_239] : memref<3328xi32, #tpu.memory_space<vmem>>[vector<16xi32>], vector<16xi32>,
    %swap3A_241 = arith.constant 32 : index
    %swap3A_242 = tpu.vector_load %arg10[%swap3A_241] {strides = array<i32>} : memref<128xi32, #tpu.memory_space<vmem>>, vector<16xi32>,
    tpu.vector_store %arg10[%swap3A_241], %gather3A_240 {strides = array<i32>} : memref<128xi32, #tpu.memory_space<vmem>>, vector<16xi32>,
    %add3A_243 = arith.constant 1252 : i32
    %add3A_244 = vector.broadcast %add3A_243 : i32 to vector<16xi32>
    %add3A_245 = arith.addi %mul3A_5, %add3A_244 : vector<16xi32>
    %gather3A_246 = tpu.vector_load_idx %arg5[%add3A_245] : memref<3328xi32, #tpu.memory_space<vmem>>[vector<16xi32>], vector<16xi32>,
    %swap3A_247 = arith.constant 48 : index
    %swap3A_248 = tpu.vector_load %arg10[%swap3A_247] {strides = array<i32>} : memref<128xi32, #tpu.memory_space<vmem>>, vector<16xi32>,
    tpu.vector_store %arg10[%swap3A_247], %gather3A_246 {strides = array<i32>} : memref<128xi32, #tpu.memory_space<vmem>>, vector<16xi32>,
    %add3A_249 = arith.constant 1668 : i32
    %add3A_250 = vector.broadcast %add3A_249 : i32 to vector<16xi32>
    %add3A_251 = arith.addi %mul3A_5, %add3A_250 : vector<16xi32>
    %gather3A_252 = tpu.vector_load_idx %arg5[%add3A_251] : memref<3328xi32, #tpu.memory_space<vmem>>[vector<16xi32>], vector<16xi32>,
    %swap3A_253 = arith.constant 64 : index
    %swap3A_254 = tpu.vector_load %arg10[%swap3A_253] {strides = array<i32>} : memref<128xi32, #tpu.memory_space<vmem>>, vector<16xi32>,
    tpu.vector_store %arg10[%swap3A_253], %gather3A_252 {strides = array<i32>} : memref<128xi32, #tpu.memory_space<vmem>>, vector<16xi32>,
    %add3A_255 = arith.constant 2084 : i32
    %add3A_256 = vector.broadcast %add3A_255 : i32 to vector<16xi32>
    %add3A_257 = arith.addi %mul3A_5, %add3A_256 : vector<16xi32>
    %gather3A_258 = tpu.vector_load_idx %arg5[%add3A_257] : memref<3328xi32, #tpu.memory_space<vmem>>[vector<16xi32>], vector<16xi32>,
    %swap3A_259 = arith.constant 80 : index
    %swap3A_260 = tpu.vector_load %arg10[%swap3A_259] {strides = array<i32>} : memref<128xi32, #tpu.memory_space<vmem>>, vector<16xi32>,
    tpu.vector_store %arg10[%swap3A_259], %gather3A_258 {strides = array<i32>} : memref<128xi32, #tpu.memory_space<vmem>>, vector<16xi32>,
    %add3A_261 = arith.constant 2500 : i32
    %add3A_262 = vector.broadcast %add3A_261 : i32 to vector<16xi32>
    %add3A_263 = arith.addi %mul3A_5, %add3A_262 : vector<16xi32>
    %gather3A_264 = tpu.vector_load_idx %arg5[%add3A_263] : memref<3328xi32, #tpu.memory_space<vmem>>[vector<16xi32>], vector<16xi32>,
    %swap3A_265 = arith.constant 96 : index
    %swap3A_266 = tpu.vector_load %arg10[%swap3A_265] {strides = array<i32>} : memref<128xi32, #tpu.memory_space<vmem>>, vector<16xi32>,
    tpu.vector_store %arg10[%swap3A_265], %gather3A_264 {strides = array<i32>} : memref<128xi32, #tpu.memory_space<vmem>>, vector<16xi32>,
    %add3A_267 = arith.constant 2916 : i32
    %add3A_268 = vector.broadcast %add3A_267 : i32 to vector<16xi32>
    %add3A_269 = arith.addi %mul3A_5, %add3A_268 : vector<16xi32>
    %gather3A_270 = tpu.vector_load_idx %arg5[%add3A_269] : memref<3328xi32, #tpu.memory_space<vmem>>[vector<16xi32>], vector<16xi32>,
    %swap3A_271 = arith.constant 112 : index
    %swap3A_272 = tpu.vector_load %arg10[%swap3A_271] {strides = array<i32>} : memref<128xi32, #tpu.memory_space<vmem>>, vector<16xi32>,
    tpu.vector_store %arg10[%swap3A_271], %gather3A_270 {strides = array<i32>} : memref<128xi32, #tpu.memory_space<vmem>>, vector<16xi32>,
    %dma_start3A_273 = arith.constant 0 : i32
    %dma_start3A_274 = arith.constant 0 : i32
    %dma_start3A_275 = tpu.memref_slice %arg2[%dma_start3A_273, %dma_start3A_274] : memref<1000000x128xf32, #tpu.memory_space<hbm>> -> memref<1000000x128xf32, #tpu.memory_space<hbm>>
    tpu.enqueue_indirect_dma source(%dma_start3A_275 : memref<1000000x128xf32, #tpu.memory_space<hbm>>) target(%arg6 : memref<128x128xf32, #tpu.memory_space<vmem>>) offsets(%arg10 : memref<128xi32, #tpu.memory_space<vmem>>) semaphore(%arg14 : memref<!tpu.dma_semaphore, #tpu.memory_space<semaphore_mem>>)
    %dma_wait3A_276 = arith.constant 0 : i32
    %dma_wait3A_277 = arith.constant 0 : i32
    %dma_wait3A_278 = tpu.memref_slice %arg2[%dma_wait3A_276, %dma_wait3A_277] : memref<1000000x128xf32, #tpu.memory_space<hbm>> -> memref<1000000x128xf32, #tpu.memory_space<hbm>>
    tpu.wait_indirect_dma semaphore(%arg15 : memref<!tpu.dma_semaphore, #tpu.memory_space<semaphore_mem>>) src(%dma_wait3A_278 : memref<1000000x128xf32, #tpu.memory_space<hbm>>) dst(%arg7 : memref<128x128xf32, #tpu.memory_space<vmem>>)
    %dma_start3A_279 = arith.constant 0 : i32
    %dma_start3A_280 = arith.constant 128 : i32
    %dma_start3A_281 = tpu.memref_slice %arg4[%dma_start3A_279, %mul3A_7, %dma_start3A_280] : memref<13x4096x256xf32, #tpu.memory_space<hbm>> -> memref<1x128x128xf32, #tpu.memory_space<hbm>>
    %dma_start3A_282 = tpu.memref_squeeze %dma_start3A_281 : memref<1x128x128xf32, #tpu.memory_space<hbm>> -> memref<128x128xf32, #tpu.memory_space<hbm>>
    %dma_start3A_283 = arith.constant 128 : i32
    %dma_start3A_284 = tpu.memref_slice %arg4[%dma_start3A_279, %mul3A_7, %dma_start3A_283] : memref<13x4096x256xf32, #tpu.memory_space<hbm>> -> memref<1x128x128xf32, #tpu.memory_space<hbm>>
    %dma_start3A_285 = tpu.memref_squeeze %dma_start3A_284 : memref<1x128x128xf32, #tpu.memory_space<hbm>> -> memref<128x128xf32, #tpu.memory_space<hbm>>
    tpu.enqueue_dma source(%arg7 : memref<128x128xf32, #tpu.memory_space<vmem>>) target(%dma_start3A_285 : memref<128x128xf32, #tpu.memory_space<hbm>>) target_semaphore(%arg19 : memref<!tpu.dma_semaphore, #tpu.memory_space<semaphore_mem>>)
    %dma_wait3A_286 = arith.constant 0 : i32
    %dma_wait3A_287 = arith.constant 128 : i32
    %dma_wait3A_288 = tpu.memref_slice %arg4[%dma_wait3A_286, %mul3A_7, %dma_wait3A_287] : memref<13x4096x256xf32, #tpu.memory_space<hbm>> -> memref<1x128x128xf32, #tpu.memory_space<hbm>>
    %dma_wait3A_289 = tpu.memref_squeeze %dma_wait3A_288 : memref<1x128x128xf32, #tpu.memory_space<hbm>> -> memref<128x128xf32, #tpu.memory_space<hbm>>
    %dma_wait3A_290 = arith.constant 128 : i32
    %dma_wait3A_291 = tpu.memref_slice %arg4[%dma_wait3A_286, %mul3A_7, %dma_wait3A_290] : memref<13x4096x256xf32, #tpu.memory_space<hbm>> -> memref<1x128x128xf32, #tpu.memory_space<hbm>>
    %dma_wait3A_292 = tpu.memref_squeeze %dma_wait3A_291 : memref<1x128x128xf32, #tpu.memory_space<hbm>> -> memref<128x128xf32, #tpu.memory_space<hbm>>
    tpu.wait_dma2 semaphore(%arg19 : memref<!tpu.dma_semaphore, #tpu.memory_space<semaphore_mem>>) src(%arg7 : memref<128x128xf32, #tpu.memory_space<vmem>>) dst(%dma_wait3A_292 : memref<128x128xf32, #tpu.memory_space<hbm>>)
    %add3A_293 = arith.constant 5 : i32
    %add3A_294 = vector.broadcast %add3A_293 : i32 to vector<16xi32>
    %add3A_295 = arith.addi %mul3A_5, %add3A_294 : vector<16xi32>
    %gather3A_296 = tpu.vector_load_idx %arg5[%add3A_295] : memref<3328xi32, #tpu.memory_space<vmem>>[vector<16xi32>], vector<16xi32>,
    %swap3A_297 = arith.constant 0 : index
    %swap3A_298 = tpu.vector_load %arg11[%swap3A_297] {strides = array<i32>} : memref<128xi32, #tpu.memory_space<vmem>>, vector<16xi32>,
    tpu.vector_store %arg11[%swap3A_297], %gather3A_296 {strides = array<i32>} : memref<128xi32, #tpu.memory_space<vmem>>, vector<16xi32>,
    %add3A_299 = arith.constant 421 : i32
    %add3A_300 = vector.broadcast %add3A_299 : i32 to vector<16xi32>
    %add3A_301 = arith.addi %mul3A_5, %add3A_300 : vector<16xi32>
    %gather3A_302 = tpu.vector_load_idx %arg5[%add3A_301] : memref<3328xi32, #tpu.memory_space<vmem>>[vector<16xi32>], vector<16xi32>,
    %swap3A_303 = arith.constant 16 : index
    %swap3A_304 = tpu.vector_load %arg11[%swap3A_303] {strides = array<i32>} : memref<128xi32, #tpu.memory_space<vmem>>, vector<16xi32>,
    tpu.vector_store %arg11[%swap3A_303], %gather3A_302 {strides = array<i32>} : memref<128xi32, #tpu.memory_space<vmem>>, vector<16xi32>,
    %add3A_305 = arith.constant 837 : i32
    %add3A_306 = vector.broadcast %add3A_305 : i32 to vector<16xi32>
    %add3A_307 = arith.addi %mul3A_5, %add3A_306 : vector<16xi32>
    %gather3A_308 = tpu.vector_load_idx %arg5[%add3A_307] : memref<3328xi32, #tpu.memory_space<vmem>>[vector<16xi32>], vector<16xi32>,
    %swap3A_309 = arith.constant 32 : index
    %swap3A_310 = tpu.vector_load %arg11[%swap3A_309] {strides = array<i32>} : memref<128xi32, #tpu.memory_space<vmem>>, vector<16xi32>,
    tpu.vector_store %arg11[%swap3A_309], %gather3A_308 {strides = array<i32>} : memref<128xi32, #tpu.memory_space<vmem>>, vector<16xi32>,
    %add3A_311 = arith.constant 1253 : i32
    %add3A_312 = vector.broadcast %add3A_311 : i32 to vector<16xi32>
    %add3A_313 = arith.addi %mul3A_5, %add3A_312 : vector<16xi32>
    %gather3A_314 = tpu.vector_load_idx %arg5[%add3A_313] : memref<3328xi32, #tpu.memory_space<vmem>>[vector<16xi32>], vector<16xi32>,
    %swap3A_315 = arith.constant 48 : index
    %swap3A_316 = tpu.vector_load %arg11[%swap3A_315] {strides = array<i32>} : memref<128xi32, #tpu.memory_space<vmem>>, vector<16xi32>,
    tpu.vector_store %arg11[%swap3A_315], %gather3A_314 {strides = array<i32>} : memref<128xi32, #tpu.memory_space<vmem>>, vector<16xi32>,
    %add3A_317 = arith.constant 1669 : i32
    %add3A_318 = vector.broadcast %add3A_317 : i32 to vector<16xi32>
    %add3A_319 = arith.addi %mul3A_5, %add3A_318 : vector<16xi32>
    %gather3A_320 = tpu.vector_load_idx %arg5[%add3A_319] : memref<3328xi32, #tpu.memory_space<vmem>>[vector<16xi32>], vector<16xi32>,
    %swap3A_321 = arith.constant 64 : index
    %swap3A_322 = tpu.vector_load %arg11[%swap3A_321] {strides = array<i32>} : memref<128xi32, #tpu.memory_space<vmem>>, vector<16xi32>,
    tpu.vector_store %arg11[%swap3A_321], %gather3A_320 {strides = array<i32>} : memref<128xi32, #tpu.memory_space<vmem>>, vector<16xi32>,
    %add3A_323 = arith.constant 2085 : i32
    %add3A_324 = vector.broadcast %add3A_323 : i32 to vector<16xi32>
    %add3A_325 = arith.addi %mul3A_5, %add3A_324 : vector<16xi32>
    %gather3A_326 = tpu.vector_load_idx %arg5[%add3A_325] : memref<3328xi32, #tpu.memory_space<vmem>>[vector<16xi32>], vector<16xi32>,
    %swap3A_327 = arith.constant 80 : index
    %swap3A_328 = tpu.vector_load %arg11[%swap3A_327] {strides = array<i32>} : memref<128xi32, #tpu.memory_space<vmem>>, vector<16xi32>,
    tpu.vector_store %arg11[%swap3A_327], %gather3A_326 {strides = array<i32>} : memref<128xi32, #tpu.memory_space<vmem>>, vector<16xi32>,
    %add3A_329 = arith.constant 2501 : i32
    %add3A_330 = vector.broadcast %add3A_329 : i32 to vector<16xi32>
    %add3A_331 = arith.addi %mul3A_5, %add3A_330 : vector<16xi32>
    %gather3A_332 = tpu.vector_load_idx %arg5[%add3A_331] : memref<3328xi32, #tpu.memory_space<vmem>>[vector<16xi32>], vector<16xi32>,
    %swap3A_333 = arith.constant 96 : index
    %swap3A_334 = tpu.vector_load %arg11[%swap3A_333] {strides = array<i32>} : memref<128xi32, #tpu.memory_space<vmem>>, vector<16xi32>,
    tpu.vector_store %arg11[%swap3A_333], %gather3A_332 {strides = array<i32>} : memref<128xi32, #tpu.memory_space<vmem>>, vector<16xi32>,
    %add3A_335 = arith.constant 2917 : i32
    %add3A_336 = vector.broadcast %add3A_335 : i32 to vector<16xi32>
    %add3A_337 = arith.addi %mul3A_5, %add3A_336 : vector<16xi32>
    %gather3A_338 = tpu.vector_load_idx %arg5[%add3A_337] : memref<3328xi32, #tpu.memory_space<vmem>>[vector<16xi32>], vector<16xi32>,
    %swap3A_339 = arith.constant 112 : index
    %swap3A_340 = tpu.vector_load %arg11[%swap3A_339] {strides = array<i32>} : memref<128xi32, #tpu.memory_space<vmem>>, vector<16xi32>,
    tpu.vector_store %arg11[%swap3A_339], %gather3A_338 {strides = array<i32>} : memref<128xi32, #tpu.memory_space<vmem>>, vector<16xi32>,
    %dma_start3A_341 = arith.constant 0 : i32
    %dma_start3A_342 = arith.constant 0 : i32
    %dma_start3A_343 = tpu.memref_slice %arg2[%dma_start3A_341, %dma_start3A_342] : memref<1000000x128xf32, #tpu.memory_space<hbm>> -> memref<1000000x128xf32, #tpu.memory_space<hbm>>
    tpu.enqueue_indirect_dma source(%dma_start3A_343 : memref<1000000x128xf32, #tpu.memory_space<hbm>>) target(%arg7 : memref<128x128xf32, #tpu.memory_space<vmem>>) offsets(%arg11 : memref<128xi32, #tpu.memory_space<vmem>>) semaphore(%arg15 : memref<!tpu.dma_semaphore, #tpu.memory_space<semaphore_mem>>)
    %dma_wait3A_344 = arith.constant 0 : i32
    %dma_wait3A_345 = arith.constant 0 : i32
    %dma_wait3A_346 = tpu.memref_slice %arg2[%dma_wait3A_344, %dma_wait3A_345] : memref<1000000x128xf32, #tpu.memory_space<hbm>> -> memref<1000000x128xf32, #tpu.memory_space<hbm>>
    tpu.wait_indirect_dma semaphore(%arg16 : memref<!tpu.dma_semaphore, #tpu.memory_space<semaphore_mem>>) src(%dma_wait3A_346 : memref<1000000x128xf32, #tpu.memory_space<hbm>>) dst(%arg8 : memref<128x128xf32, #tpu.memory_space<vmem>>)
    %dma_start3A_347 = arith.constant 1 : i32
    %dma_start3A_348 = arith.constant 0 : i32
    %dma_start3A_349 = tpu.memref_slice %arg4[%dma_start3A_347, %mul3A_7, %dma_start3A_348] : memref<13x4096x256xf32, #tpu.memory_space<hbm>> -> memref<1x128x128xf32, #tpu.memory_space<hbm>>
    %dma_start3A_350 = tpu.memref_squeeze %dma_start3A_349 : memref<1x128x128xf32, #tpu.memory_space<hbm>> -> memref<128x128xf32, #tpu.memory_space<hbm>>
    %dma_start3A_351 = arith.constant 0 : i32
    %dma_start3A_352 = tpu.memref_slice %arg4[%dma_start3A_347, %mul3A_7, %dma_start3A_351] : memref<13x4096x256xf32, #tpu.memory_space<hbm>> -> memref<1x128x128xf32, #tpu.memory_space<hbm>>
    %dma_start3A_353 = tpu.memref_squeeze %dma_start3A_352 : memref<1x128x128xf32, #tpu.memory_space<hbm>> -> memref<128x128xf32, #tpu.memory_space<hbm>>
    tpu.enqueue_dma source(%arg8 : memref<128x128xf32, #tpu.memory_space<vmem>>) target(%dma_start3A_353 : memref<128x128xf32, #tpu.memory_space<hbm>>) target_semaphore(%arg20 : memref<!tpu.dma_semaphore, #tpu.memory_space<semaphore_mem>>)
    %dma_wait3A_354 = arith.constant 1 : i32
    %dma_wait3A_355 = arith.constant 0 : i32
    %dma_wait3A_356 = tpu.memref_slice %arg4[%dma_wait3A_354, %mul3A_7, %dma_wait3A_355] : memref<13x4096x256xf32, #tpu.memory_space<hbm>> -> memref<1x128x128xf32, #tpu.memory_space<hbm>>
    %dma_wait3A_357 = tpu.memref_squeeze %dma_wait3A_356 : memref<1x128x128xf32, #tpu.memory_space<hbm>> -> memref<128x128xf32, #tpu.memory_space<hbm>>
    %dma_wait3A_358 = arith.constant 0 : i32
    %dma_wait3A_359 = tpu.memref_slice %arg4[%dma_wait3A_354, %mul3A_7, %dma_wait3A_358] : memref<13x4096x256xf32, #tpu.memory_space<hbm>> -> memref<1x128x128xf32, #tpu.memory_space<hbm>>
    %dma_wait3A_360 = tpu.memref_squeeze %dma_wait3A_359 : memref<1x128x128xf32, #tpu.memory_space<hbm>> -> memref<128x128xf32, #tpu.memory_space<hbm>>
    tpu.wait_dma2 semaphore(%arg20 : memref<!tpu.dma_semaphore, #tpu.memory_space<semaphore_mem>>) src(%arg8 : memref<128x128xf32, #tpu.memory_space<vmem>>) dst(%dma_wait3A_360 : memref<128x128xf32, #tpu.memory_space<hbm>>)
    %add3A_361 = arith.constant 6 : i32
    %add3A_362 = vector.broadcast %add3A_361 : i32 to vector<16xi32>
    %add3A_363 = arith.addi %mul3A_5, %add3A_362 : vector<16xi32>
    %gather3A_364 = tpu.vector_load_idx %arg5[%add3A_363] : memref<3328xi32, #tpu.memory_space<vmem>>[vector<16xi32>], vector<16xi32>,
    %swap3A_365 = arith.constant 0 : index
    %swap3A_366 = tpu.vector_load %arg12[%swap3A_365] {strides = array<i32>} : memref<128xi32, #tpu.memory_space<vmem>>, vector<16xi32>,
    tpu.vector_store %arg12[%swap3A_365], %gather3A_364 {strides = array<i32>} : memref<128xi32, #tpu.memory_space<vmem>>, vector<16xi32>,
    %add3A_367 = arith.constant 422 : i32
    %add3A_368 = vector.broadcast %add3A_367 : i32 to vector<16xi32>
    %add3A_369 = arith.addi %mul3A_5, %add3A_368 : vector<16xi32>
    %gather3A_370 = tpu.vector_load_idx %arg5[%add3A_369] : memref<3328xi32, #tpu.memory_space<vmem>>[vector<16xi32>], vector<16xi32>,
    %swap3A_371 = arith.constant 16 : index
    %swap3A_372 = tpu.vector_load %arg12[%swap3A_371] {strides = array<i32>} : memref<128xi32, #tpu.memory_space<vmem>>, vector<16xi32>,
    tpu.vector_store %arg12[%swap3A_371], %gather3A_370 {strides = array<i32>} : memref<128xi32, #tpu.memory_space<vmem>>, vector<16xi32>,
    %add3A_373 = arith.constant 838 : i32
    %add3A_374 = vector.broadcast %add3A_373 : i32 to vector<16xi32>
    %add3A_375 = arith.addi %mul3A_5, %add3A_374 : vector<16xi32>
    %gather3A_376 = tpu.vector_load_idx %arg5[%add3A_375] : memref<3328xi32, #tpu.memory_space<vmem>>[vector<16xi32>], vector<16xi32>,
    %swap3A_377 = arith.constant 32 : index
    %swap3A_378 = tpu.vector_load %arg12[%swap3A_377] {strides = array<i32>} : memref<128xi32, #tpu.memory_space<vmem>>, vector<16xi32>,
    tpu.vector_store %arg12[%swap3A_377], %gather3A_376 {strides = array<i32>} : memref<128xi32, #tpu.memory_space<vmem>>, vector<16xi32>,
    %add3A_379 = arith.constant 1254 : i32
    %add3A_380 = vector.broadcast %add3A_379 : i32 to vector<16xi32>
    %add3A_381 = arith.addi %mul3A_5, %add3A_380 : vector<16xi32>
    %gather3A_382 = tpu.vector_load_idx %arg5[%add3A_381] : memref<3328xi32, #tpu.memory_space<vmem>>[vector<16xi32>], vector<16xi32>,
    %swap3A_383 = arith.constant 48 : index
    %swap3A_384 = tpu.vector_load %arg12[%swap3A_383] {strides = array<i32>} : memref<128xi32, #tpu.memory_space<vmem>>, vector<16xi32>,
    tpu.vector_store %arg12[%swap3A_383], %gather3A_382 {strides = array<i32>} : memref<128xi32, #tpu.memory_space<vmem>>, vector<16xi32>,
    %add3A_385 = arith.constant 1670 : i32
    %add3A_386 = vector.broadcast %add3A_385 : i32 to vector<16xi32>
    %add3A_387 = arith.addi %mul3A_5, %add3A_386 : vector<16xi32>
    %gather3A_388 = tpu.vector_load_idx %arg5[%add3A_387] : memref<3328xi32, #tpu.memory_space<vmem>>[vector<16xi32>], vector<16xi32>,
    %swap3A_389 = arith.constant 64 : index
    %swap3A_390 = tpu.vector_load %arg12[%swap3A_389] {strides = array<i32>} : memref<128xi32, #tpu.memory_space<vmem>>, vector<16xi32>,
    tpu.vector_store %arg12[%swap3A_389], %gather3A_388 {strides = array<i32>} : memref<128xi32, #tpu.memory_space<vmem>>, vector<16xi32>,
    %add3A_391 = arith.constant 2086 : i32
    %add3A_392 = vector.broadcast %add3A_391 : i32 to vector<16xi32>
    %add3A_393 = arith.addi %mul3A_5, %add3A_392 : vector<16xi32>
    %gather3A_394 = tpu.vector_load_idx %arg5[%add3A_393] : memref<3328xi32, #tpu.memory_space<vmem>>[vector<16xi32>], vector<16xi32>,
    %swap3A_395 = arith.constant 80 : index
    %swap3A_396 = tpu.vector_load %arg12[%swap3A_395] {strides = array<i32>} : memref<128xi32, #tpu.memory_space<vmem>>, vector<16xi32>,
    tpu.vector_store %arg12[%swap3A_395], %gather3A_394 {strides = array<i32>} : memref<128xi32, #tpu.memory_space<vmem>>, vector<16xi32>,
    %add3A_397 = arith.constant 2502 : i32
    %add3A_398 = vector.broadcast %add3A_397 : i32 to vector<16xi32>
    %add3A_399 = arith.addi %mul3A_5, %add3A_398 : vector<16xi32>
    %gather3A_400 = tpu.vector_load_idx %arg5[%add3A_399] : memref<3328xi32, #tpu.memory_space<vmem>>[vector<16xi32>], vector<16xi32>,
    %swap3A_401 = arith.constant 96 : index
    %swap3A_402 = tpu.vector_load %arg12[%swap3A_401] {strides = array<i32>} : memref<128xi32, #tpu.memory_space<vmem>>, vector<16xi32>,
    tpu.vector_store %arg12[%swap3A_401], %gather3A_400 {strides = array<i32>} : memref<128xi32, #tpu.memory_space<vmem>>, vector<16xi32>,
    %add3A_403 = arith.constant 2918 : i32
    %add3A_404 = vector.broadcast %add3A_403 : i32 to vector<16xi32>
    %add3A_405 = arith.addi %mul3A_5, %add3A_404 : vector<16xi32>
    %gather3A_406 = tpu.vector_load_idx %arg5[%add3A_405] : memref<3328xi32, #tpu.memory_space<vmem>>[vector<16xi32>], vector<16xi32>,
    %swap3A_407 = arith.constant 112 : index
    %swap3A_408 = tpu.vector_load %arg12[%swap3A_407] {strides = array<i32>} : memref<128xi32, #tpu.memory_space<vmem>>, vector<16xi32>,
    tpu.vector_store %arg12[%swap3A_407], %gather3A_406 {strides = array<i32>} : memref<128xi32, #tpu.memory_space<vmem>>, vector<16xi32>,
    %dma_start3A_409 = arith.constant 0 : i32
    %dma_start3A_410 = arith.constant 0 : i32
    %dma_start3A_411 = tpu.memref_slice %arg2[%dma_start3A_409, %dma_start3A_410] : memref<1000000x128xf32, #tpu.memory_space<hbm>> -> memref<1000000x128xf32, #tpu.memory_space<hbm>>
    tpu.enqueue_indirect_dma source(%dma_start3A_411 : memref<1000000x128xf32, #tpu.memory_space<hbm>>) target(%arg8 : memref<128x128xf32, #tpu.memory_space<vmem>>) offsets(%arg12 : memref<128xi32, #tpu.memory_space<vmem>>) semaphore(%arg16 : memref<!tpu.dma_semaphore, #tpu.memory_space<semaphore_mem>>)
    %dma_wait3A_412 = arith.constant 0 : i32
    %dma_wait3A_413 = arith.constant 0 : i32
    %dma_wait3A_414 = tpu.memref_slice %arg2[%dma_wait3A_412, %dma_wait3A_413] : memref<1000000x128xf32, #tpu.memory_space<hbm>> -> memref<1000000x128xf32, #tpu.memory_space<hbm>>
    tpu.wait_indirect_dma semaphore(%arg17 : memref<!tpu.dma_semaphore, #tpu.memory_space<semaphore_mem>>) src(%dma_wait3A_414 : memref<1000000x128xf32, #tpu.memory_space<hbm>>) dst(%arg9 : memref<128x128xf32, #tpu.memory_space<vmem>>)
    %dma_start3A_415 = arith.constant 1 : i32
    %dma_start3A_416 = arith.constant 128 : i32
    %dma_start3A_417 = tpu.memref_slice %arg4[%dma_start3A_415, %mul3A_7, %dma_start3A_416] : memref<13x4096x256xf32, #tpu.memory_space<hbm>> -> memref<1x128x128xf32, #tpu.memory_space<hbm>>
    %dma_start3A_418 = tpu.memref_squeeze %dma_start3A_417 : memref<1x128x128xf32, #tpu.memory_space<hbm>> -> memref<128x128xf32, #tpu.memory_space<hbm>>
    %dma_start3A_419 = arith.constant 128 : i32
    %dma_start3A_420 = tpu.memref_slice %arg4[%dma_start3A_415, %mul3A_7, %dma_start3A_419] : memref<13x4096x256xf32, #tpu.memory_space<hbm>> -> memref<1x128x128xf32, #tpu.memory_space<hbm>>
    %dma_start3A_421 = tpu.memref_squeeze %dma_start3A_420 : memref<1x128x128xf32, #tpu.memory_space<hbm>> -> memref<128x128xf32, #tpu.memory_space<hbm>>
    tpu.enqueue_dma source(%arg9 : memref<128x128xf32, #tpu.memory_space<vmem>>) target(%dma_start3A_421 : memref<128x128xf32, #tpu.memory_space<hbm>>) target_semaphore(%arg21 : memref<!tpu.dma_semaphore, #tpu.memory_space<semaphore_mem>>)
    %dma_wait3A_422 = arith.constant 1 : i32
    %dma_wait3A_423 = arith.constant 128 : i32
    %dma_wait3A_424 = tpu.memref_slice %arg4[%dma_wait3A_422, %mul3A_7, %dma_wait3A_423] : memref<13x4096x256xf32, #tpu.memory_space<hbm>> -> memref<1x128x128xf32, #tpu.memory_space<hbm>>
    %dma_wait3A_425 = tpu.memref_squeeze %dma_wait3A_424 : memref<1x128x128xf32, #tpu.memory_space<hbm>> -> memref<128x128xf32, #tpu.memory_space<hbm>>
    %dma_wait3A_426 = arith.constant 128 : i32
    %dma_wait3A_427 = tpu.memref_slice %arg4[%dma_wait3A_422, %mul3A_7, %dma_wait3A_426] : memref<13x4096x256xf32, #tpu.memory_space<hbm>> -> memref<1x128x128xf32, #tpu.memory_space<hbm>>
    %dma_wait3A_428 = tpu.memref_squeeze %dma_wait3A_427 : memref<1x128x128xf32, #tpu.memory_space<hbm>> -> memref<128x128xf32, #tpu.memory_space<hbm>>
    tpu.wait_dma2 semaphore(%arg21 : memref<!tpu.dma_semaphore, #tpu.memory_space<semaphore_mem>>) src(%arg9 : memref<128x128xf32, #tpu.memory_space<vmem>>) dst(%dma_wait3A_428 : memref<128x128xf32, #tpu.memory_space<hbm>>)
    %add3A_429 = arith.constant 7 : i32
    %add3A_430 = vector.broadcast %add3A_429 : i32 to vector<16xi32>
    %add3A_431 = arith.addi %mul3A_5, %add3A_430 : vector<16xi32>
    %gather3A_432 = tpu.vector_load_idx %arg5[%add3A_431] : memref<3328xi32, #tpu.memory_space<vmem>>[vector<16xi32>], vector<16xi32>,
    %swap3A_433 = arith.constant 0 : index
    %swap3A_434 = tpu.vector_load %arg13[%swap3A_433] {strides = array<i32>} : memref<128xi32, #tpu.memory_space<vmem>>, vector<16xi32>,
    tpu.vector_store %arg13[%swap3A_433], %gather3A_432 {strides = array<i32>} : memref<128xi32, #tpu.memory_space<vmem>>, vector<16xi32>,
    %add3A_435 = arith.constant 423 : i32
    %add3A_436 = vector.broadcast %add3A_435 : i32 to vector<16xi32>
    %add3A_437 = arith.addi %mul3A_5, %add3A_436 : vector<16xi32>
    %gather3A_438 = tpu.vector_load_idx %arg5[%add3A_437] : memref<3328xi32, #tpu.memory_space<vmem>>[vector<16xi32>], vector<16xi32>,
    %swap3A_439 = arith.constant 16 : index
    %swap3A_440 = tpu.vector_load %arg13[%swap3A_439] {strides = array<i32>} : memref<128xi32, #tpu.memory_space<vmem>>, vector<16xi32>,
    tpu.vector_store %arg13[%swap3A_439], %gather3A_438 {strides = array<i32>} : memref<128xi32, #tpu.memory_space<vmem>>, vector<16xi32>,
    %add3A_441 = arith.constant 839 : i32
    %add3A_442 = vector.broadcast %add3A_441 : i32 to vector<16xi32>
    %add3A_443 = arith.addi %mul3A_5, %add3A_442 : vector<16xi32>
    %gather3A_444 = tpu.vector_load_idx %arg5[%add3A_443] : memref<3328xi32, #tpu.memory_space<vmem>>[vector<16xi32>], vector<16xi32>,
    %swap3A_445 = arith.constant 32 : index
    %swap3A_446 = tpu.vector_load %arg13[%swap3A_445] {strides = array<i32>} : memref<128xi32, #tpu.memory_space<vmem>>, vector<16xi32>,
    tpu.vector_store %arg13[%swap3A_445], %gather3A_444 {strides = array<i32>} : memref<128xi32, #tpu.memory_space<vmem>>, vector<16xi32>,
    %add3A_447 = arith.constant 1255 : i32
    %add3A_448 = vector.broadcast %add3A_447 : i32 to vector<16xi32>
    %add3A_449 = arith.addi %mul3A_5, %add3A_448 : vector<16xi32>
    %gather3A_450 = tpu.vector_load_idx %arg5[%add3A_449] : memref<3328xi32, #tpu.memory_space<vmem>>[vector<16xi32>], vector<16xi32>,
    %swap3A_451 = arith.constant 48 : index
    %swap3A_452 = tpu.vector_load %arg13[%swap3A_451] {strides = array<i32>} : memref<128xi32, #tpu.memory_space<vmem>>, vector<16xi32>,
    tpu.vector_store %arg13[%swap3A_451], %gather3A_450 {strides = array<i32>} : memref<128xi32, #tpu.memory_space<vmem>>, vector<16xi32>,
    %add3A_453 = arith.constant 1671 : i32
    %add3A_454 = vector.broadcast %add3A_453 : i32 to vector<16xi32>
    %add3A_455 = arith.addi %mul3A_5, %add3A_454 : vector<16xi32>
    %gather3A_456 = tpu.vector_load_idx %arg5[%add3A_455] : memref<3328xi32, #tpu.memory_space<vmem>>[vector<16xi32>], vector<16xi32>,
    %swap3A_457 = arith.constant 64 : index
    %swap3A_458 = tpu.vector_load %arg13[%swap3A_457] {strides = array<i32>} : memref<128xi32, #tpu.memory_space<vmem>>, vector<16xi32>,
    tpu.vector_store %arg13[%swap3A_457], %gather3A_456 {strides = array<i32>} : memref<128xi32, #tpu.memory_space<vmem>>, vector<16xi32>,
    %add3A_459 = arith.constant 2087 : i32
    %add3A_460 = vector.broadcast %add3A_459 : i32 to vector<16xi32>
    %add3A_461 = arith.addi %mul3A_5, %add3A_460 : vector<16xi32>
    %gather3A_462 = tpu.vector_load_idx %arg5[%add3A_461] : memref<3328xi32, #tpu.memory_space<vmem>>[vector<16xi32>], vector<16xi32>,
    %swap3A_463 = arith.constant 80 : index
    %swap3A_464 = tpu.vector_load %arg13[%swap3A_463] {strides = array<i32>} : memref<128xi32, #tpu.memory_space<vmem>>, vector<16xi32>,
    tpu.vector_store %arg13[%swap3A_463], %gather3A_462 {strides = array<i32>} : memref<128xi32, #tpu.memory_space<vmem>>, vector<16xi32>,
    %add3A_465 = arith.constant 2503 : i32
    %add3A_466 = vector.broadcast %add3A_465 : i32 to vector<16xi32>
    %add3A_467 = arith.addi %mul3A_5, %add3A_466 : vector<16xi32>
    %gather3A_468 = tpu.vector_load_idx %arg5[%add3A_467] : memref<3328xi32, #tpu.memory_space<vmem>>[vector<16xi32>], vector<16xi32>,
    %swap3A_469 = arith.constant 96 : index
    %swap3A_470 = tpu.vector_load %arg13[%swap3A_469] {strides = array<i32>} : memref<128xi32, #tpu.memory_space<vmem>>, vector<16xi32>,
    tpu.vector_store %arg13[%swap3A_469], %gather3A_468 {strides = array<i32>} : memref<128xi32, #tpu.memory_space<vmem>>, vector<16xi32>,
    %add3A_471 = arith.constant 2919 : i32
    %add3A_472 = vector.broadcast %add3A_471 : i32 to vector<16xi32>
    %add3A_473 = arith.addi %mul3A_5, %add3A_472 : vector<16xi32>
    %gather3A_474 = tpu.vector_load_idx %arg5[%add3A_473] : memref<3328xi32, #tpu.memory_space<vmem>>[vector<16xi32>], vector<16xi32>,
    %swap3A_475 = arith.constant 112 : index
    %swap3A_476 = tpu.vector_load %arg13[%swap3A_475] {strides = array<i32>} : memref<128xi32, #tpu.memory_space<vmem>>, vector<16xi32>,
    tpu.vector_store %arg13[%swap3A_475], %gather3A_474 {strides = array<i32>} : memref<128xi32, #tpu.memory_space<vmem>>, vector<16xi32>,
    %dma_start3A_477 = arith.constant 0 : i32
    %dma_start3A_478 = arith.constant 0 : i32
    %dma_start3A_479 = tpu.memref_slice %arg2[%dma_start3A_477, %dma_start3A_478] : memref<1000000x128xf32, #tpu.memory_space<hbm>> -> memref<1000000x128xf32, #tpu.memory_space<hbm>>
    tpu.enqueue_indirect_dma source(%dma_start3A_479 : memref<1000000x128xf32, #tpu.memory_space<hbm>>) target(%arg9 : memref<128x128xf32, #tpu.memory_space<vmem>>) offsets(%arg13 : memref<128xi32, #tpu.memory_space<vmem>>) semaphore(%arg17 : memref<!tpu.dma_semaphore, #tpu.memory_space<semaphore_mem>>)
    %dma_wait3A_480 = arith.constant 0 : i32
    %dma_wait3A_481 = arith.constant 0 : i32
    %dma_wait3A_482 = tpu.memref_slice %arg2[%dma_wait3A_480, %dma_wait3A_481] : memref<1000000x128xf32, #tpu.memory_space<hbm>> -> memref<1000000x128xf32, #tpu.memory_space<hbm>>
    tpu.wait_indirect_dma semaphore(%arg14 : memref<!tpu.dma_semaphore, #tpu.memory_space<semaphore_mem>>) src(%dma_wait3A_482 : memref<1000000x128xf32, #tpu.memory_space<hbm>>) dst(%arg6 : memref<128x128xf32, #tpu.memory_space<vmem>>)
    %dma_start3A_483 = arith.constant 2 : i32
    %dma_start3A_484 = arith.constant 0 : i32
    %dma_start3A_485 = tpu.memref_slice %arg4[%dma_start3A_483, %mul3A_7, %dma_start3A_484] : memref<13x4096x256xf32, #tpu.memory_space<hbm>> -> memref<1x128x128xf32, #tpu.memory_space<hbm>>
    %dma_start3A_486 = tpu.memref_squeeze %dma_start3A_485 : memref<1x128x128xf32, #tpu.memory_space<hbm>> -> memref<128x128xf32, #tpu.memory_space<hbm>>
    %dma_start3A_487 = arith.constant 0 : i32
    %dma_start3A_488 = tpu.memref_slice %arg4[%dma_start3A_483, %mul3A_7, %dma_start3A_487] : memref<13x4096x256xf32, #tpu.memory_space<hbm>> -> memref<1x128x128xf32, #tpu.memory_space<hbm>>
    %dma_start3A_489 = tpu.memref_squeeze %dma_start3A_488 : memref<1x128x128xf32, #tpu.memory_space<hbm>> -> memref<128x128xf32, #tpu.memory_space<hbm>>
    tpu.enqueue_dma source(%arg6 : memref<128x128xf32, #tpu.memory_space<vmem>>) target(%dma_start3A_489 : memref<128x128xf32, #tpu.memory_space<hbm>>) target_semaphore(%arg18 : memref<!tpu.dma_semaphore, #tpu.memory_space<semaphore_mem>>)
    %dma_wait3A_490 = arith.constant 2 : i32
    %dma_wait3A_491 = arith.constant 0 : i32
    %dma_wait3A_492 = tpu.memref_slice %arg4[%dma_wait3A_490, %mul3A_7, %dma_wait3A_491] : memref<13x4096x256xf32, #tpu.memory_space<hbm>> -> memref<1x128x128xf32, #tpu.memory_space<hbm>>
    %dma_wait3A_493 = tpu.memref_squeeze %dma_wait3A_492 : memref<1x128x128xf32, #tpu.memory_space<hbm>> -> memref<128x128xf32, #tpu.memory_space<hbm>>
    %dma_wait3A_494 = arith.constant 0 : i32
    %dma_wait3A_495 = tpu.memref_slice %arg4[%dma_wait3A_490, %mul3A_7, %dma_wait3A_494] : memref<13x4096x256xf32, #tpu.memory_space<hbm>> -> memref<1x128x128xf32, #tpu.memory_space<hbm>>
    %dma_wait3A_496 = tpu.memref_squeeze %dma_wait3A_495 : memref<1x128x128xf32, #tpu.memory_space<hbm>> -> memref<128x128xf32, #tpu.memory_space<hbm>>
    tpu.wait_dma2 semaphore(%arg18 : memref<!tpu.dma_semaphore, #tpu.memory_space<semaphore_mem>>) src(%arg6 : memref<128x128xf32, #tpu.memory_space<vmem>>) dst(%dma_wait3A_496 : memref<128x128xf32, #tpu.memory_space<hbm>>)
    %add3A_497 = arith.constant 8 : i32
    %add3A_498 = vector.broadcast %add3A_497 : i32 to vector<16xi32>
    %add3A_499 = arith.addi %mul3A_5, %add3A_498 : vector<16xi32>
    %gather3A_500 = tpu.vector_load_idx %arg5[%add3A_499] : memref<3328xi32, #tpu.memory_space<vmem>>[vector<16xi32>], vector<16xi32>,
    %swap3A_501 = arith.constant 0 : index
    %swap3A_502 = tpu.vector_load %arg10[%swap3A_501] {strides = array<i32>} : memref<128xi32, #tpu.memory_space<vmem>>, vector<16xi32>,
    tpu.vector_store %arg10[%swap3A_501], %gather3A_500 {strides = array<i32>} : memref<128xi32, #tpu.memory_space<vmem>>, vector<16xi32>,
    %add3A_503 = arith.constant 424 : i32
    %add3A_504 = vector.broadcast %add3A_503 : i32 to vector<16xi32>
    %add3A_505 = arith.addi %mul3A_5, %add3A_504 : vector<16xi32>
    %gather3A_506 = tpu.vector_load_idx %arg5[%add3A_505] : memref<3328xi32, #tpu.memory_space<vmem>>[vector<16xi32>], vector<16xi32>,
    %swap3A_507 = arith.constant 16 : index
    %swap3A_508 = tpu.vector_load %arg10[%swap3A_507] {strides = array<i32>} : memref<128xi32, #tpu.memory_space<vmem>>, vector<16xi32>,
    tpu.vector_store %arg10[%swap3A_507], %gather3A_506 {strides = array<i32>} : memref<128xi32, #tpu.memory_space<vmem>>, vector<16xi32>,
    %add3A_509 = arith.constant 840 : i32
    %add3A_510 = vector.broadcast %add3A_509 : i32 to vector<16xi32>
    %add3A_511 = arith.addi %mul3A_5, %add3A_510 : vector<16xi32>
    %gather3A_512 = tpu.vector_load_idx %arg5[%add3A_511] : memref<3328xi32, #tpu.memory_space<vmem>>[vector<16xi32>], vector<16xi32>,
    %swap3A_513 = arith.constant 32 : index
    %swap3A_514 = tpu.vector_load %arg10[%swap3A_513] {strides = array<i32>} : memref<128xi32, #tpu.memory_space<vmem>>, vector<16xi32>,
    tpu.vector_store %arg10[%swap3A_513], %gather3A_512 {strides = array<i32>} : memref<128xi32, #tpu.memory_space<vmem>>, vector<16xi32>,
    %add3A_515 = arith.constant 1256 : i32
    %add3A_516 = vector.broadcast %add3A_515 : i32 to vector<16xi32>
    %add3A_517 = arith.addi %mul3A_5, %add3A_516 : vector<16xi32>
    %gather3A_518 = tpu.vector_load_idx %arg5[%add3A_517] : memref<3328xi32, #tpu.memory_space<vmem>>[vector<16xi32>], vector<16xi32>,
    %swap3A_519 = arith.constant 48 : index
    %swap3A_520 = tpu.vector_load %arg10[%swap3A_519] {strides = array<i32>} : memref<128xi32, #tpu.memory_space<vmem>>, vector<16xi32>,
    tpu.vector_store %arg10[%swap3A_519], %gather3A_518 {strides = array<i32>} : memref<128xi32, #tpu.memory_space<vmem>>, vector<16xi32>,
    %add3A_521 = arith.constant 1672 : i32
    %add3A_522 = vector.broadcast %add3A_521 : i32 to vector<16xi32>
    %add3A_523 = arith.addi %mul3A_5, %add3A_522 : vector<16xi32>
    %gather3A_524 = tpu.vector_load_idx %arg5[%add3A_523] : memref<3328xi32, #tpu.memory_space<vmem>>[vector<16xi32>], vector<16xi32>,
    %swap3A_525 = arith.constant 64 : index
    %swap3A_526 = tpu.vector_load %arg10[%swap3A_525] {strides = array<i32>} : memref<128xi32, #tpu.memory_space<vmem>>, vector<16xi32>,
    tpu.vector_store %arg10[%swap3A_525], %gather3A_524 {strides = array<i32>} : memref<128xi32, #tpu.memory_space<vmem>>, vector<16xi32>,
    %add3A_527 = arith.constant 2088 : i32
    %add3A_528 = vector.broadcast %add3A_527 : i32 to vector<16xi32>
    %add3A_529 = arith.addi %mul3A_5, %add3A_528 : vector<16xi32>
    %gather3A_530 = tpu.vector_load_idx %arg5[%add3A_529] : memref<3328xi32, #tpu.memory_space<vmem>>[vector<16xi32>], vector<16xi32>,
    %swap3A_531 = arith.constant 80 : index
    %swap3A_532 = tpu.vector_load %arg10[%swap3A_531] {strides = array<i32>} : memref<128xi32, #tpu.memory_space<vmem>>, vector<16xi32>,
    tpu.vector_store %arg10[%swap3A_531], %gather3A_530 {strides = array<i32>} : memref<128xi32, #tpu.memory_space<vmem>>, vector<16xi32>,
    %add3A_533 = arith.constant 2504 : i32
    %add3A_534 = vector.broadcast %add3A_533 : i32 to vector<16xi32>
    %add3A_535 = arith.addi %mul3A_5, %add3A_534 : vector<16xi32>
    %gather3A_536 = tpu.vector_load_idx %arg5[%add3A_535] : memref<3328xi32, #tpu.memory_space<vmem>>[vector<16xi32>], vector<16xi32>,
    %swap3A_537 = arith.constant 96 : index
    %swap3A_538 = tpu.vector_load %arg10[%swap3A_537] {strides = array<i32>} : memref<128xi32, #tpu.memory_space<vmem>>, vector<16xi32>,
    tpu.vector_store %arg10[%swap3A_537], %gather3A_536 {strides = array<i32>} : memref<128xi32, #tpu.memory_space<vmem>>, vector<16xi32>,
    %add3A_539 = arith.constant 2920 : i32
    %add3A_540 = vector.broadcast %add3A_539 : i32 to vector<16xi32>
    %add3A_541 = arith.addi %mul3A_5, %add3A_540 : vector<16xi32>
    %gather3A_542 = tpu.vector_load_idx %arg5[%add3A_541] : memref<3328xi32, #tpu.memory_space<vmem>>[vector<16xi32>], vector<16xi32>,
    %swap3A_543 = arith.constant 112 : index
    %swap3A_544 = tpu.vector_load %arg10[%swap3A_543] {strides = array<i32>} : memref<128xi32, #tpu.memory_space<vmem>>, vector<16xi32>,
    tpu.vector_store %arg10[%swap3A_543], %gather3A_542 {strides = array<i32>} : memref<128xi32, #tpu.memory_space<vmem>>, vector<16xi32>,
    %dma_start3A_545 = arith.constant 0 : i32
    %dma_start3A_546 = arith.constant 0 : i32
    %dma_start3A_547 = tpu.memref_slice %arg2[%dma_start3A_545, %dma_start3A_546] : memref<1000000x128xf32, #tpu.memory_space<hbm>> -> memref<1000000x128xf32, #tpu.memory_space<hbm>>
    tpu.enqueue_indirect_dma source(%dma_start3A_547 : memref<1000000x128xf32, #tpu.memory_space<hbm>>) target(%arg6 : memref<128x128xf32, #tpu.memory_space<vmem>>) offsets(%arg10 : memref<128xi32, #tpu.memory_space<vmem>>) semaphore(%arg14 : memref<!tpu.dma_semaphore, #tpu.memory_space<semaphore_mem>>)
    %dma_wait3A_548 = arith.constant 0 : i32
    %dma_wait3A_549 = arith.constant 0 : i32
    %dma_wait3A_550 = tpu.memref_slice %arg2[%dma_wait3A_548, %dma_wait3A_549] : memref<1000000x128xf32, #tpu.memory_space<hbm>> -> memref<1000000x128xf32, #tpu.memory_space<hbm>>
    tpu.wait_indirect_dma semaphore(%arg15 : memref<!tpu.dma_semaphore, #tpu.memory_space<semaphore_mem>>) src(%dma_wait3A_550 : memref<1000000x128xf32, #tpu.memory_space<hbm>>) dst(%arg7 : memref<128x128xf32, #tpu.memory_space<vmem>>)
    %dma_start3A_551 = arith.constant 2 : i32
    %dma_start3A_552 = arith.constant 128 : i32
    %dma_start3A_553 = tpu.memref_slice %arg4[%dma_start3A_551, %mul3A_7, %dma_start3A_552] : memref<13x4096x256xf32, #tpu.memory_space<hbm>> -> memref<1x128x128xf32, #tpu.memory_space<hbm>>
    %dma_start3A_554 = tpu.memref_squeeze %dma_start3A_553 : memref<1x128x128xf32, #tpu.memory_space<hbm>> -> memref<128x128xf32, #tpu.memory_space<hbm>>
    %dma_start3A_555 = arith.constant 128 : i32
    %dma_start3A_556 = tpu.memref_slice %arg4[%dma_start3A_551, %mul3A_7, %dma_start3A_555] : memref<13x4096x256xf32, #tpu.memory_space<hbm>> -> memref<1x128x128xf32, #tpu.memory_space<hbm>>
    %dma_start3A_557 = tpu.memref_squeeze %dma_start3A_556 : memref<1x128x128xf32, #tpu.memory_space<hbm>> -> memref<128x128xf32, #tpu.memory_space<hbm>>
    tpu.enqueue_dma source(%arg7 : memref<128x128xf32, #tpu.memory_space<vmem>>) target(%dma_start3A_557 : memref<128x128xf32, #tpu.memory_space<hbm>>) target_semaphore(%arg19 : memref<!tpu.dma_semaphore, #tpu.memory_space<semaphore_mem>>)
    %dma_wait3A_558 = arith.constant 2 : i32
    %dma_wait3A_559 = arith.constant 128 : i32
    %dma_wait3A_560 = tpu.memref_slice %arg4[%dma_wait3A_558, %mul3A_7, %dma_wait3A_559] : memref<13x4096x256xf32, #tpu.memory_space<hbm>> -> memref<1x128x128xf32, #tpu.memory_space<hbm>>
    %dma_wait3A_561 = tpu.memref_squeeze %dma_wait3A_560 : memref<1x128x128xf32, #tpu.memory_space<hbm>> -> memref<128x128xf32, #tpu.memory_space<hbm>>
    %dma_wait3A_562 = arith.constant 128 : i32
    %dma_wait3A_563 = tpu.memref_slice %arg4[%dma_wait3A_558, %mul3A_7, %dma_wait3A_562] : memref<13x4096x256xf32, #tpu.memory_space<hbm>> -> memref<1x128x128xf32, #tpu.memory_space<hbm>>
    %dma_wait3A_564 = tpu.memref_squeeze %dma_wait3A_563 : memref<1x128x128xf32, #tpu.memory_space<hbm>> -> memref<128x128xf32, #tpu.memory_space<hbm>>
    tpu.wait_dma2 semaphore(%arg19 : memref<!tpu.dma_semaphore, #tpu.memory_space<semaphore_mem>>) src(%arg7 : memref<128x128xf32, #tpu.memory_space<vmem>>) dst(%dma_wait3A_564 : memref<128x128xf32, #tpu.memory_space<hbm>>)
    %add3A_565 = arith.constant 9 : i32
    %add3A_566 = vector.broadcast %add3A_565 : i32 to vector<16xi32>
    %add3A_567 = arith.addi %mul3A_5, %add3A_566 : vector<16xi32>
    %gather3A_568 = tpu.vector_load_idx %arg5[%add3A_567] : memref<3328xi32, #tpu.memory_space<vmem>>[vector<16xi32>], vector<16xi32>,
    %swap3A_569 = arith.constant 0 : index
    %swap3A_570 = tpu.vector_load %arg11[%swap3A_569] {strides = array<i32>} : memref<128xi32, #tpu.memory_space<vmem>>, vector<16xi32>,
    tpu.vector_store %arg11[%swap3A_569], %gather3A_568 {strides = array<i32>} : memref<128xi32, #tpu.memory_space<vmem>>, vector<16xi32>,
    %add3A_571 = arith.constant 425 : i32
    %add3A_572 = vector.broadcast %add3A_571 : i32 to vector<16xi32>
    %add3A_573 = arith.addi %mul3A_5, %add3A_572 : vector<16xi32>
    %gather3A_574 = tpu.vector_load_idx %arg5[%add3A_573] : memref<3328xi32, #tpu.memory_space<vmem>>[vector<16xi32>], vector<16xi32>,
    %swap3A_575 = arith.constant 16 : index
    %swap3A_576 = tpu.vector_load %arg11[%swap3A_575] {strides = array<i32>} : memref<128xi32, #tpu.memory_space<vmem>>, vector<16xi32>,
    tpu.vector_store %arg11[%swap3A_575], %gather3A_574 {strides = array<i32>} : memref<128xi32, #tpu.memory_space<vmem>>, vector<16xi32>,
    %add3A_577 = arith.constant 841 : i32
    %add3A_578 = vector.broadcast %add3A_577 : i32 to vector<16xi32>
    %add3A_579 = arith.addi %mul3A_5, %add3A_578 : vector<16xi32>
    %gather3A_580 = tpu.vector_load_idx %arg5[%add3A_579] : memref<3328xi32, #tpu.memory_space<vmem>>[vector<16xi32>], vector<16xi32>,
    %swap3A_581 = arith.constant 32 : index
    %swap3A_582 = tpu.vector_load %arg11[%swap3A_581] {strides = array<i32>} : memref<128xi32, #tpu.memory_space<vmem>>, vector<16xi32>,
    tpu.vector_store %arg11[%swap3A_581], %gather3A_580 {strides = array<i32>} : memref<128xi32, #tpu.memory_space<vmem>>, vector<16xi32>,
    %add3A_583 = arith.constant 1257 : i32
    %add3A_584 = vector.broadcast %add3A_583 : i32 to vector<16xi32>
    %add3A_585 = arith.addi %mul3A_5, %add3A_584 : vector<16xi32>
    %gather3A_586 = tpu.vector_load_idx %arg5[%add3A_585] : memref<3328xi32, #tpu.memory_space<vmem>>[vector<16xi32>], vector<16xi32>,
    %swap3A_587 = arith.constant 48 : index
    %swap3A_588 = tpu.vector_load %arg11[%swap3A_587] {strides = array<i32>} : memref<128xi32, #tpu.memory_space<vmem>>, vector<16xi32>,
    tpu.vector_store %arg11[%swap3A_587], %gather3A_586 {strides = array<i32>} : memref<128xi32, #tpu.memory_space<vmem>>, vector<16xi32>,
    %add3A_589 = arith.constant 1673 : i32
    %add3A_590 = vector.broadcast %add3A_589 : i32 to vector<16xi32>
    %add3A_591 = arith.addi %mul3A_5, %add3A_590 : vector<16xi32>
    %gather3A_592 = tpu.vector_load_idx %arg5[%add3A_591] : memref<3328xi32, #tpu.memory_space<vmem>>[vector<16xi32>], vector<16xi32>,
    %swap3A_593 = arith.constant 64 : index
    %swap3A_594 = tpu.vector_load %arg11[%swap3A_593] {strides = array<i32>} : memref<128xi32, #tpu.memory_space<vmem>>, vector<16xi32>,
    tpu.vector_store %arg11[%swap3A_593], %gather3A_592 {strides = array<i32>} : memref<128xi32, #tpu.memory_space<vmem>>, vector<16xi32>,
    %add3A_595 = arith.constant 2089 : i32
    %add3A_596 = vector.broadcast %add3A_595 : i32 to vector<16xi32>
    %add3A_597 = arith.addi %mul3A_5, %add3A_596 : vector<16xi32>
    %gather3A_598 = tpu.vector_load_idx %arg5[%add3A_597] : memref<3328xi32, #tpu.memory_space<vmem>>[vector<16xi32>], vector<16xi32>,
    %swap3A_599 = arith.constant 80 : index
    %swap3A_600 = tpu.vector_load %arg11[%swap3A_599] {strides = array<i32>} : memref<128xi32, #tpu.memory_space<vmem>>, vector<16xi32>,
    tpu.vector_store %arg11[%swap3A_599], %gather3A_598 {strides = array<i32>} : memref<128xi32, #tpu.memory_space<vmem>>, vector<16xi32>,
    %add3A_601 = arith.constant 2505 : i32
    %add3A_602 = vector.broadcast %add3A_601 : i32 to vector<16xi32>
    %add3A_603 = arith.addi %mul3A_5, %add3A_602 : vector<16xi32>
    %gather3A_604 = tpu.vector_load_idx %arg5[%add3A_603] : memref<3328xi32, #tpu.memory_space<vmem>>[vector<16xi32>], vector<16xi32>,
    %swap3A_605 = arith.constant 96 : index
    %swap3A_606 = tpu.vector_load %arg11[%swap3A_605] {strides = array<i32>} : memref<128xi32, #tpu.memory_space<vmem>>, vector<16xi32>,
    tpu.vector_store %arg11[%swap3A_605], %gather3A_604 {strides = array<i32>} : memref<128xi32, #tpu.memory_space<vmem>>, vector<16xi32>,
    %add3A_607 = arith.constant 2921 : i32
    %add3A_608 = vector.broadcast %add3A_607 : i32 to vector<16xi32>
    %add3A_609 = arith.addi %mul3A_5, %add3A_608 : vector<16xi32>
    %gather3A_610 = tpu.vector_load_idx %arg5[%add3A_609] : memref<3328xi32, #tpu.memory_space<vmem>>[vector<16xi32>], vector<16xi32>,
    %swap3A_611 = arith.constant 112 : index
    %swap3A_612 = tpu.vector_load %arg11[%swap3A_611] {strides = array<i32>} : memref<128xi32, #tpu.memory_space<vmem>>, vector<16xi32>,
    tpu.vector_store %arg11[%swap3A_611], %gather3A_610 {strides = array<i32>} : memref<128xi32, #tpu.memory_space<vmem>>, vector<16xi32>,
    %dma_start3A_613 = arith.constant 0 : i32
    %dma_start3A_614 = arith.constant 0 : i32
    %dma_start3A_615 = tpu.memref_slice %arg2[%dma_start3A_613, %dma_start3A_614] : memref<1000000x128xf32, #tpu.memory_space<hbm>> -> memref<1000000x128xf32, #tpu.memory_space<hbm>>
    tpu.enqueue_indirect_dma source(%dma_start3A_615 : memref<1000000x128xf32, #tpu.memory_space<hbm>>) target(%arg7 : memref<128x128xf32, #tpu.memory_space<vmem>>) offsets(%arg11 : memref<128xi32, #tpu.memory_space<vmem>>) semaphore(%arg15 : memref<!tpu.dma_semaphore, #tpu.memory_space<semaphore_mem>>)
    %dma_wait3A_616 = arith.constant 0 : i32
    %dma_wait3A_617 = arith.constant 0 : i32
    %dma_wait3A_618 = tpu.memref_slice %arg2[%dma_wait3A_616, %dma_wait3A_617] : memref<1000000x128xf32, #tpu.memory_space<hbm>> -> memref<1000000x128xf32, #tpu.memory_space<hbm>>
    tpu.wait_indirect_dma semaphore(%arg16 : memref<!tpu.dma_semaphore, #tpu.memory_space<semaphore_mem>>) src(%dma_wait3A_618 : memref<1000000x128xf32, #tpu.memory_space<hbm>>) dst(%arg8 : memref<128x128xf32, #tpu.memory_space<vmem>>)
    %dma_start3A_619 = arith.constant 3 : i32
    %dma_start3A_620 = arith.constant 0 : i32
    %dma_start3A_621 = tpu.memref_slice %arg4[%dma_start3A_619, %mul3A_7, %dma_start3A_620] : memref<13x4096x256xf32, #tpu.memory_space<hbm>> -> memref<1x128x128xf32, #tpu.memory_space<hbm>>
    %dma_start3A_622 = tpu.memref_squeeze %dma_start3A_621 : memref<1x128x128xf32, #tpu.memory_space<hbm>> -> memref<128x128xf32, #tpu.memory_space<hbm>>
    %dma_start3A_623 = arith.constant 0 : i32
    %dma_start3A_624 = tpu.memref_slice %arg4[%dma_start3A_619, %mul3A_7, %dma_start3A_623] : memref<13x4096x256xf32, #tpu.memory_space<hbm>> -> memref<1x128x128xf32, #tpu.memory_space<hbm>>
    %dma_start3A_625 = tpu.memref_squeeze %dma_start3A_624 : memref<1x128x128xf32, #tpu.memory_space<hbm>> -> memref<128x128xf32, #tpu.memory_space<hbm>>
    tpu.enqueue_dma source(%arg8 : memref<128x128xf32, #tpu.memory_space<vmem>>) target(%dma_start3A_625 : memref<128x128xf32, #tpu.memory_space<hbm>>) target_semaphore(%arg20 : memref<!tpu.dma_semaphore, #tpu.memory_space<semaphore_mem>>)
    %dma_wait3A_626 = arith.constant 3 : i32
    %dma_wait3A_627 = arith.constant 0 : i32
    %dma_wait3A_628 = tpu.memref_slice %arg4[%dma_wait3A_626, %mul3A_7, %dma_wait3A_627] : memref<13x4096x256xf32, #tpu.memory_space<hbm>> -> memref<1x128x128xf32, #tpu.memory_space<hbm>>
    %dma_wait3A_629 = tpu.memref_squeeze %dma_wait3A_628 : memref<1x128x128xf32, #tpu.memory_space<hbm>> -> memref<128x128xf32, #tpu.memory_space<hbm>>
    %dma_wait3A_630 = arith.constant 0 : i32
    %dma_wait3A_631 = tpu.memref_slice %arg4[%dma_wait3A_626, %mul3A_7, %dma_wait3A_630] : memref<13x4096x256xf32, #tpu.memory_space<hbm>> -> memref<1x128x128xf32, #tpu.memory_space<hbm>>
    %dma_wait3A_632 = tpu.memref_squeeze %dma_wait3A_631 : memref<1x128x128xf32, #tpu.memory_space<hbm>> -> memref<128x128xf32, #tpu.memory_space<hbm>>
    tpu.wait_dma2 semaphore(%arg20 : memref<!tpu.dma_semaphore, #tpu.memory_space<semaphore_mem>>) src(%arg8 : memref<128x128xf32, #tpu.memory_space<vmem>>) dst(%dma_wait3A_632 : memref<128x128xf32, #tpu.memory_space<hbm>>)
    %add3A_633 = arith.constant 10 : i32
    %add3A_634 = vector.broadcast %add3A_633 : i32 to vector<16xi32>
    %add3A_635 = arith.addi %mul3A_5, %add3A_634 : vector<16xi32>
    %gather3A_636 = tpu.vector_load_idx %arg5[%add3A_635] : memref<3328xi32, #tpu.memory_space<vmem>>[vector<16xi32>], vector<16xi32>,
    %swap3A_637 = arith.constant 0 : index
    %swap3A_638 = tpu.vector_load %arg12[%swap3A_637] {strides = array<i32>} : memref<128xi32, #tpu.memory_space<vmem>>, vector<16xi32>,
    tpu.vector_store %arg12[%swap3A_637], %gather3A_636 {strides = array<i32>} : memref<128xi32, #tpu.memory_space<vmem>>, vector<16xi32>,
    %add3A_639 = arith.constant 426 : i32
    %add3A_640 = vector.broadcast %add3A_639 : i32 to vector<16xi32>
    %add3A_641 = arith.addi %mul3A_5, %add3A_640 : vector<16xi32>
    %gather3A_642 = tpu.vector_load_idx %arg5[%add3A_641] : memref<3328xi32, #tpu.memory_space<vmem>>[vector<16xi32>], vector<16xi32>,
    %swap3A_643 = arith.constant 16 : index
    %swap3A_644 = tpu.vector_load %arg12[%swap3A_643] {strides = array<i32>} : memref<128xi32, #tpu.memory_space<vmem>>, vector<16xi32>,
    tpu.vector_store %arg12[%swap3A_643], %gather3A_642 {strides = array<i32>} : memref<128xi32, #tpu.memory_space<vmem>>, vector<16xi32>,
    %add3A_645 = arith.constant 842 : i32
    %add3A_646 = vector.broadcast %add3A_645 : i32 to vector<16xi32>
    %add3A_647 = arith.addi %mul3A_5, %add3A_646 : vector<16xi32>
    %gather3A_648 = tpu.vector_load_idx %arg5[%add3A_647] : memref<3328xi32, #tpu.memory_space<vmem>>[vector<16xi32>], vector<16xi32>,
    %swap3A_649 = arith.constant 32 : index
    %swap3A_650 = tpu.vector_load %arg12[%swap3A_649] {strides = array<i32>} : memref<128xi32, #tpu.memory_space<vmem>>, vector<16xi32>,
    tpu.vector_store %arg12[%swap3A_649], %gather3A_648 {strides = array<i32>} : memref<128xi32, #tpu.memory_space<vmem>>, vector<16xi32>,
    %add3A_651 = arith.constant 1258 : i32
    %add3A_652 = vector.broadcast %add3A_651 : i32 to vector<16xi32>
    %add3A_653 = arith.addi %mul3A_5, %add3A_652 : vector<16xi32>
    %gather3A_654 = tpu.vector_load_idx %arg5[%add3A_653] : memref<3328xi32, #tpu.memory_space<vmem>>[vector<16xi32>], vector<16xi32>,
    %swap3A_655 = arith.constant 48 : index
    %swap3A_656 = tpu.vector_load %arg12[%swap3A_655] {strides = array<i32>} : memref<128xi32, #tpu.memory_space<vmem>>, vector<16xi32>,
    tpu.vector_store %arg12[%swap3A_655], %gather3A_654 {strides = array<i32>} : memref<128xi32, #tpu.memory_space<vmem>>, vector<16xi32>,
    %add3A_657 = arith.constant 1674 : i32
    %add3A_658 = vector.broadcast %add3A_657 : i32 to vector<16xi32>
    %add3A_659 = arith.addi %mul3A_5, %add3A_658 : vector<16xi32>
    %gather3A_660 = tpu.vector_load_idx %arg5[%add3A_659] : memref<3328xi32, #tpu.memory_space<vmem>>[vector<16xi32>], vector<16xi32>,
    %swap3A_661 = arith.constant 64 : index
    %swap3A_662 = tpu.vector_load %arg12[%swap3A_661] {strides = array<i32>} : memref<128xi32, #tpu.memory_space<vmem>>, vector<16xi32>,
    tpu.vector_store %arg12[%swap3A_661], %gather3A_660 {strides = array<i32>} : memref<128xi32, #tpu.memory_space<vmem>>, vector<16xi32>,
    %add3A_663 = arith.constant 2090 : i32
    %add3A_664 = vector.broadcast %add3A_663 : i32 to vector<16xi32>
    %add3A_665 = arith.addi %mul3A_5, %add3A_664 : vector<16xi32>
    %gather3A_666 = tpu.vector_load_idx %arg5[%add3A_665] : memref<3328xi32, #tpu.memory_space<vmem>>[vector<16xi32>], vector<16xi32>,
    %swap3A_667 = arith.constant 80 : index
    %swap3A_668 = tpu.vector_load %arg12[%swap3A_667] {strides = array<i32>} : memref<128xi32, #tpu.memory_space<vmem>>, vector<16xi32>,
    tpu.vector_store %arg12[%swap3A_667], %gather3A_666 {strides = array<i32>} : memref<128xi32, #tpu.memory_space<vmem>>, vector<16xi32>,
    %add3A_669 = arith.constant 2506 : i32
    %add3A_670 = vector.broadcast %add3A_669 : i32 to vector<16xi32>
    %add3A_671 = arith.addi %mul3A_5, %add3A_670 : vector<16xi32>
    %gather3A_672 = tpu.vector_load_idx %arg5[%add3A_671] : memref<3328xi32, #tpu.memory_space<vmem>>[vector<16xi32>], vector<16xi32>,
    %swap3A_673 = arith.constant 96 : index
    %swap3A_674 = tpu.vector_load %arg12[%swap3A_673] {strides = array<i32>} : memref<128xi32, #tpu.memory_space<vmem>>, vector<16xi32>,
    tpu.vector_store %arg12[%swap3A_673], %gather3A_672 {strides = array<i32>} : memref<128xi32, #tpu.memory_space<vmem>>, vector<16xi32>,
    %add3A_675 = arith.constant 2922 : i32
    %add3A_676 = vector.broadcast %add3A_675 : i32 to vector<16xi32>
    %add3A_677 = arith.addi %mul3A_5, %add3A_676 : vector<16xi32>
    %gather3A_678 = tpu.vector_load_idx %arg5[%add3A_677] : memref<3328xi32, #tpu.memory_space<vmem>>[vector<16xi32>], vector<16xi32>,
    %swap3A_679 = arith.constant 112 : index
    %swap3A_680 = tpu.vector_load %arg12[%swap3A_679] {strides = array<i32>} : memref<128xi32, #tpu.memory_space<vmem>>, vector<16xi32>,
    tpu.vector_store %arg12[%swap3A_679], %gather3A_678 {strides = array<i32>} : memref<128xi32, #tpu.memory_space<vmem>>, vector<16xi32>,
    %dma_start3A_681 = arith.constant 0 : i32
    %dma_start3A_682 = arith.constant 0 : i32
    %dma_start3A_683 = tpu.memref_slice %arg2[%dma_start3A_681, %dma_start3A_682] : memref<1000000x128xf32, #tpu.memory_space<hbm>> -> memref<1000000x128xf32, #tpu.memory_space<hbm>>
    tpu.enqueue_indirect_dma source(%dma_start3A_683 : memref<1000000x128xf32, #tpu.memory_space<hbm>>) target(%arg8 : memref<128x128xf32, #tpu.memory_space<vmem>>) offsets(%arg12 : memref<128xi32, #tpu.memory_space<vmem>>) semaphore(%arg16 : memref<!tpu.dma_semaphore, #tpu.memory_space<semaphore_mem>>)
    %dma_wait3A_684 = arith.constant 0 : i32
    %dma_wait3A_685 = arith.constant 0 : i32
    %dma_wait3A_686 = tpu.memref_slice %arg2[%dma_wait3A_684, %dma_wait3A_685] : memref<1000000x128xf32, #tpu.memory_space<hbm>> -> memref<1000000x128xf32, #tpu.memory_space<hbm>>
    tpu.wait_indirect_dma semaphore(%arg17 : memref<!tpu.dma_semaphore, #tpu.memory_space<semaphore_mem>>) src(%dma_wait3A_686 : memref<1000000x128xf32, #tpu.memory_space<hbm>>) dst(%arg9 : memref<128x128xf32, #tpu.memory_space<vmem>>)
    %dma_start3A_687 = arith.constant 3 : i32
    %dma_start3A_688 = arith.constant 128 : i32
    %dma_start3A_689 = tpu.memref_slice %arg4[%dma_start3A_687, %mul3A_7, %dma_start3A_688] : memref<13x4096x256xf32, #tpu.memory_space<hbm>> -> memref<1x128x128xf32, #tpu.memory_space<hbm>>
    %dma_start3A_690 = tpu.memref_squeeze %dma_start3A_689 : memref<1x128x128xf32, #tpu.memory_space<hbm>> -> memref<128x128xf32, #tpu.memory_space<hbm>>
    %dma_start3A_691 = arith.constant 128 : i32
    %dma_start3A_692 = tpu.memref_slice %arg4[%dma_start3A_687, %mul3A_7, %dma_start3A_691] : memref<13x4096x256xf32, #tpu.memory_space<hbm>> -> memref<1x128x128xf32, #tpu.memory_space<hbm>>
    %dma_start3A_693 = tpu.memref_squeeze %dma_start3A_692 : memref<1x128x128xf32, #tpu.memory_space<hbm>> -> memref<128x128xf32, #tpu.memory_space<hbm>>
    tpu.enqueue_dma source(%arg9 : memref<128x128xf32, #tpu.memory_space<vmem>>) target(%dma_start3A_693 : memref<128x128xf32, #tpu.memory_space<hbm>>) target_semaphore(%arg21 : memref<!tpu.dma_semaphore, #tpu.memory_space<semaphore_mem>>)
    %dma_wait3A_694 = arith.constant 3 : i32
    %dma_wait3A_695 = arith.constant 128 : i32
    %dma_wait3A_696 = tpu.memref_slice %arg4[%dma_wait3A_694, %mul3A_7, %dma_wait3A_695] : memref<13x4096x256xf32, #tpu.memory_space<hbm>> -> memref<1x128x128xf32, #tpu.memory_space<hbm>>
    %dma_wait3A_697 = tpu.memref_squeeze %dma_wait3A_696 : memref<1x128x128xf32, #tpu.memory_space<hbm>> -> memref<128x128xf32, #tpu.memory_space<hbm>>
    %dma_wait3A_698 = arith.constant 128 : i32
    %dma_wait3A_699 = tpu.memref_slice %arg4[%dma_wait3A_694, %mul3A_7, %dma_wait3A_698] : memref<13x4096x256xf32, #tpu.memory_space<hbm>> -> memref<1x128x128xf32, #tpu.memory_space<hbm>>
    %dma_wait3A_700 = tpu.memref_squeeze %dma_wait3A_699 : memref<1x128x128xf32, #tpu.memory_space<hbm>> -> memref<128x128xf32, #tpu.memory_space<hbm>>
    tpu.wait_dma2 semaphore(%arg21 : memref<!tpu.dma_semaphore, #tpu.memory_space<semaphore_mem>>) src(%arg9 : memref<128x128xf32, #tpu.memory_space<vmem>>) dst(%dma_wait3A_700 : memref<128x128xf32, #tpu.memory_space<hbm>>)
    %add3A_701 = arith.constant 11 : i32
    %add3A_702 = vector.broadcast %add3A_701 : i32 to vector<16xi32>
    %add3A_703 = arith.addi %mul3A_5, %add3A_702 : vector<16xi32>
    %gather3A_704 = tpu.vector_load_idx %arg5[%add3A_703] : memref<3328xi32, #tpu.memory_space<vmem>>[vector<16xi32>], vector<16xi32>,
    %swap3A_705 = arith.constant 0 : index
    %swap3A_706 = tpu.vector_load %arg13[%swap3A_705] {strides = array<i32>} : memref<128xi32, #tpu.memory_space<vmem>>, vector<16xi32>,
    tpu.vector_store %arg13[%swap3A_705], %gather3A_704 {strides = array<i32>} : memref<128xi32, #tpu.memory_space<vmem>>, vector<16xi32>,
    %add3A_707 = arith.constant 427 : i32
    %add3A_708 = vector.broadcast %add3A_707 : i32 to vector<16xi32>
    %add3A_709 = arith.addi %mul3A_5, %add3A_708 : vector<16xi32>
    %gather3A_710 = tpu.vector_load_idx %arg5[%add3A_709] : memref<3328xi32, #tpu.memory_space<vmem>>[vector<16xi32>], vector<16xi32>,
    %swap3A_711 = arith.constant 16 : index
    %swap3A_712 = tpu.vector_load %arg13[%swap3A_711] {strides = array<i32>} : memref<128xi32, #tpu.memory_space<vmem>>, vector<16xi32>,
    tpu.vector_store %arg13[%swap3A_711], %gather3A_710 {strides = array<i32>} : memref<128xi32, #tpu.memory_space<vmem>>, vector<16xi32>,
    %add3A_713 = arith.constant 843 : i32
    %add3A_714 = vector.broadcast %add3A_713 : i32 to vector<16xi32>
    %add3A_715 = arith.addi %mul3A_5, %add3A_714 : vector<16xi32>
    %gather3A_716 = tpu.vector_load_idx %arg5[%add3A_715] : memref<3328xi32, #tpu.memory_space<vmem>>[vector<16xi32>], vector<16xi32>,
    %swap3A_717 = arith.constant 32 : index
    %swap3A_718 = tpu.vector_load %arg13[%swap3A_717] {strides = array<i32>} : memref<128xi32, #tpu.memory_space<vmem>>, vector<16xi32>,
    tpu.vector_store %arg13[%swap3A_717], %gather3A_716 {strides = array<i32>} : memref<128xi32, #tpu.memory_space<vmem>>, vector<16xi32>,
    %add3A_719 = arith.constant 1259 : i32
    %add3A_720 = vector.broadcast %add3A_719 : i32 to vector<16xi32>
    %add3A_721 = arith.addi %mul3A_5, %add3A_720 : vector<16xi32>
    %gather3A_722 = tpu.vector_load_idx %arg5[%add3A_721] : memref<3328xi32, #tpu.memory_space<vmem>>[vector<16xi32>], vector<16xi32>,
    %swap3A_723 = arith.constant 48 : index
    %swap3A_724 = tpu.vector_load %arg13[%swap3A_723] {strides = array<i32>} : memref<128xi32, #tpu.memory_space<vmem>>, vector<16xi32>,
    tpu.vector_store %arg13[%swap3A_723], %gather3A_722 {strides = array<i32>} : memref<128xi32, #tpu.memory_space<vmem>>, vector<16xi32>,
    %add3A_725 = arith.constant 1675 : i32
    %add3A_726 = vector.broadcast %add3A_725 : i32 to vector<16xi32>
    %add3A_727 = arith.addi %mul3A_5, %add3A_726 : vector<16xi32>
    %gather3A_728 = tpu.vector_load_idx %arg5[%add3A_727] : memref<3328xi32, #tpu.memory_space<vmem>>[vector<16xi32>], vector<16xi32>,
    %swap3A_729 = arith.constant 64 : index
    %swap3A_730 = tpu.vector_load %arg13[%swap3A_729] {strides = array<i32>} : memref<128xi32, #tpu.memory_space<vmem>>, vector<16xi32>,
    tpu.vector_store %arg13[%swap3A_729], %gather3A_728 {strides = array<i32>} : memref<128xi32, #tpu.memory_space<vmem>>, vector<16xi32>,
    %add3A_731 = arith.constant 2091 : i32
    %add3A_732 = vector.broadcast %add3A_731 : i32 to vector<16xi32>
    %add3A_733 = arith.addi %mul3A_5, %add3A_732 : vector<16xi32>
    %gather3A_734 = tpu.vector_load_idx %arg5[%add3A_733] : memref<3328xi32, #tpu.memory_space<vmem>>[vector<16xi32>], vector<16xi32>,
    %swap3A_735 = arith.constant 80 : index
    %swap3A_736 = tpu.vector_load %arg13[%swap3A_735] {strides = array<i32>} : memref<128xi32, #tpu.memory_space<vmem>>, vector<16xi32>,
    tpu.vector_store %arg13[%swap3A_735], %gather3A_734 {strides = array<i32>} : memref<128xi32, #tpu.memory_space<vmem>>, vector<16xi32>,
    %add3A_737 = arith.constant 2507 : i32
    %add3A_738 = vector.broadcast %add3A_737 : i32 to vector<16xi32>
    %add3A_739 = arith.addi %mul3A_5, %add3A_738 : vector<16xi32>
    %gather3A_740 = tpu.vector_load_idx %arg5[%add3A_739] : memref<3328xi32, #tpu.memory_space<vmem>>[vector<16xi32>], vector<16xi32>,
    %swap3A_741 = arith.constant 96 : index
    %swap3A_742 = tpu.vector_load %arg13[%swap3A_741] {strides = array<i32>} : memref<128xi32, #tpu.memory_space<vmem>>, vector<16xi32>,
    tpu.vector_store %arg13[%swap3A_741], %gather3A_740 {strides = array<i32>} : memref<128xi32, #tpu.memory_space<vmem>>, vector<16xi32>,
    %add3A_743 = arith.constant 2923 : i32
    %add3A_744 = vector.broadcast %add3A_743 : i32 to vector<16xi32>
    %add3A_745 = arith.addi %mul3A_5, %add3A_744 : vector<16xi32>
    %gather3A_746 = tpu.vector_load_idx %arg5[%add3A_745] : memref<3328xi32, #tpu.memory_space<vmem>>[vector<16xi32>], vector<16xi32>,
    %swap3A_747 = arith.constant 112 : index
    %swap3A_748 = tpu.vector_load %arg13[%swap3A_747] {strides = array<i32>} : memref<128xi32, #tpu.memory_space<vmem>>, vector<16xi32>,
    tpu.vector_store %arg13[%swap3A_747], %gather3A_746 {strides = array<i32>} : memref<128xi32, #tpu.memory_space<vmem>>, vector<16xi32>,
    %dma_start3A_749 = arith.constant 0 : i32
    %dma_start3A_750 = arith.constant 0 : i32
    %dma_start3A_751 = tpu.memref_slice %arg2[%dma_start3A_749, %dma_start3A_750] : memref<1000000x128xf32, #tpu.memory_space<hbm>> -> memref<1000000x128xf32, #tpu.memory_space<hbm>>
    tpu.enqueue_indirect_dma source(%dma_start3A_751 : memref<1000000x128xf32, #tpu.memory_space<hbm>>) target(%arg9 : memref<128x128xf32, #tpu.memory_space<vmem>>) offsets(%arg13 : memref<128xi32, #tpu.memory_space<vmem>>) semaphore(%arg17 : memref<!tpu.dma_semaphore, #tpu.memory_space<semaphore_mem>>)
    %dma_wait3A_752 = arith.constant 0 : i32
    %dma_wait3A_753 = arith.constant 0 : i32
    %dma_wait3A_754 = tpu.memref_slice %arg2[%dma_wait3A_752, %dma_wait3A_753] : memref<1000000x128xf32, #tpu.memory_space<hbm>> -> memref<1000000x128xf32, #tpu.memory_space<hbm>>
    tpu.wait_indirect_dma semaphore(%arg14 : memref<!tpu.dma_semaphore, #tpu.memory_space<semaphore_mem>>) src(%dma_wait3A_754 : memref<1000000x128xf32, #tpu.memory_space<hbm>>) dst(%arg6 : memref<128x128xf32, #tpu.memory_space<vmem>>)
    %dma_start3A_755 = arith.constant 4 : i32
    %dma_start3A_756 = arith.constant 0 : i32
    %dma_start3A_757 = tpu.memref_slice %arg4[%dma_start3A_755, %mul3A_7, %dma_start3A_756] : memref<13x4096x256xf32, #tpu.memory_space<hbm>> -> memref<1x128x128xf32, #tpu.memory_space<hbm>>
    %dma_start3A_758 = tpu.memref_squeeze %dma_start3A_757 : memref<1x128x128xf32, #tpu.memory_space<hbm>> -> memref<128x128xf32, #tpu.memory_space<hbm>>
    %dma_start3A_759 = arith.constant 0 : i32
    %dma_start3A_760 = tpu.memref_slice %arg4[%dma_start3A_755, %mul3A_7, %dma_start3A_759] : memref<13x4096x256xf32, #tpu.memory_space<hbm>> -> memref<1x128x128xf32, #tpu.memory_space<hbm>>
    %dma_start3A_761 = tpu.memref_squeeze %dma_start3A_760 : memref<1x128x128xf32, #tpu.memory_space<hbm>> -> memref<128x128xf32, #tpu.memory_space<hbm>>
    tpu.enqueue_dma source(%arg6 : memref<128x128xf32, #tpu.memory_space<vmem>>) target(%dma_start3A_761 : memref<128x128xf32, #tpu.memory_space<hbm>>) target_semaphore(%arg18 : memref<!tpu.dma_semaphore, #tpu.memory_space<semaphore_mem>>)
    %dma_wait3A_762 = arith.constant 4 : i32
    %dma_wait3A_763 = arith.constant 0 : i32
    %dma_wait3A_764 = tpu.memref_slice %arg4[%dma_wait3A_762, %mul3A_7, %dma_wait3A_763] : memref<13x4096x256xf32, #tpu.memory_space<hbm>> -> memref<1x128x128xf32, #tpu.memory_space<hbm>>
    %dma_wait3A_765 = tpu.memref_squeeze %dma_wait3A_764 : memref<1x128x128xf32, #tpu.memory_space<hbm>> -> memref<128x128xf32, #tpu.memory_space<hbm>>
    %dma_wait3A_766 = arith.constant 0 : i32
    %dma_wait3A_767 = tpu.memref_slice %arg4[%dma_wait3A_762, %mul3A_7, %dma_wait3A_766] : memref<13x4096x256xf32, #tpu.memory_space<hbm>> -> memref<1x128x128xf32, #tpu.memory_space<hbm>>
    %dma_wait3A_768 = tpu.memref_squeeze %dma_wait3A_767 : memref<1x128x128xf32, #tpu.memory_space<hbm>> -> memref<128x128xf32, #tpu.memory_space<hbm>>
    tpu.wait_dma2 semaphore(%arg18 : memref<!tpu.dma_semaphore, #tpu.memory_space<semaphore_mem>>) src(%arg6 : memref<128x128xf32, #tpu.memory_space<vmem>>) dst(%dma_wait3A_768 : memref<128x128xf32, #tpu.memory_space<hbm>>)
    %add3A_769 = arith.constant 12 : i32
    %add3A_770 = vector.broadcast %add3A_769 : i32 to vector<16xi32>
    %add3A_771 = arith.addi %mul3A_5, %add3A_770 : vector<16xi32>
    %gather3A_772 = tpu.vector_load_idx %arg5[%add3A_771] : memref<3328xi32, #tpu.memory_space<vmem>>[vector<16xi32>], vector<16xi32>,
    %swap3A_773 = arith.constant 0 : index
    %swap3A_774 = tpu.vector_load %arg10[%swap3A_773] {strides = array<i32>} : memref<128xi32, #tpu.memory_space<vmem>>, vector<16xi32>,
    tpu.vector_store %arg10[%swap3A_773], %gather3A_772 {strides = array<i32>} : memref<128xi32, #tpu.memory_space<vmem>>, vector<16xi32>,
    %add3A_775 = arith.constant 428 : i32
    %add3A_776 = vector.broadcast %add3A_775 : i32 to vector<16xi32>
    %add3A_777 = arith.addi %mul3A_5, %add3A_776 : vector<16xi32>
    %gather3A_778 = tpu.vector_load_idx %arg5[%add3A_777] : memref<3328xi32, #tpu.memory_space<vmem>>[vector<16xi32>], vector<16xi32>,
    %swap3A_779 = arith.constant 16 : index
    %swap3A_780 = tpu.vector_load %arg10[%swap3A_779] {strides = array<i32>} : memref<128xi32, #tpu.memory_space<vmem>>, vector<16xi32>,
    tpu.vector_store %arg10[%swap3A_779], %gather3A_778 {strides = array<i32>} : memref<128xi32, #tpu.memory_space<vmem>>, vector<16xi32>,
    %add3A_781 = arith.constant 844 : i32
    %add3A_782 = vector.broadcast %add3A_781 : i32 to vector<16xi32>
    %add3A_783 = arith.addi %mul3A_5, %add3A_782 : vector<16xi32>
    %gather3A_784 = tpu.vector_load_idx %arg5[%add3A_783] : memref<3328xi32, #tpu.memory_space<vmem>>[vector<16xi32>], vector<16xi32>,
    %swap3A_785 = arith.constant 32 : index
    %swap3A_786 = tpu.vector_load %arg10[%swap3A_785] {strides = array<i32>} : memref<128xi32, #tpu.memory_space<vmem>>, vector<16xi32>,
    tpu.vector_store %arg10[%swap3A_785], %gather3A_784 {strides = array<i32>} : memref<128xi32, #tpu.memory_space<vmem>>, vector<16xi32>,
    %add3A_787 = arith.constant 1260 : i32
    %add3A_788 = vector.broadcast %add3A_787 : i32 to vector<16xi32>
    %add3A_789 = arith.addi %mul3A_5, %add3A_788 : vector<16xi32>
    %gather3A_790 = tpu.vector_load_idx %arg5[%add3A_789] : memref<3328xi32, #tpu.memory_space<vmem>>[vector<16xi32>], vector<16xi32>,
    %swap3A_791 = arith.constant 48 : index
    %swap3A_792 = tpu.vector_load %arg10[%swap3A_791] {strides = array<i32>} : memref<128xi32, #tpu.memory_space<vmem>>, vector<16xi32>,
    tpu.vector_store %arg10[%swap3A_791], %gather3A_790 {strides = array<i32>} : memref<128xi32, #tpu.memory_space<vmem>>, vector<16xi32>,
    %add3A_793 = arith.constant 1676 : i32
    %add3A_794 = vector.broadcast %add3A_793 : i32 to vector<16xi32>
    %add3A_795 = arith.addi %mul3A_5, %add3A_794 : vector<16xi32>
    %gather3A_796 = tpu.vector_load_idx %arg5[%add3A_795] : memref<3328xi32, #tpu.memory_space<vmem>>[vector<16xi32>], vector<16xi32>,
    %swap3A_797 = arith.constant 64 : index
    %swap3A_798 = tpu.vector_load %arg10[%swap3A_797] {strides = array<i32>} : memref<128xi32, #tpu.memory_space<vmem>>, vector<16xi32>,
    tpu.vector_store %arg10[%swap3A_797], %gather3A_796 {strides = array<i32>} : memref<128xi32, #tpu.memory_space<vmem>>, vector<16xi32>,
    %add3A_799 = arith.constant 2092 : i32
    %add3A_800 = vector.broadcast %add3A_799 : i32 to vector<16xi32>
    %add3A_801 = arith.addi %mul3A_5, %add3A_800 : vector<16xi32>
    %gather3A_802 = tpu.vector_load_idx %arg5[%add3A_801] : memref<3328xi32, #tpu.memory_space<vmem>>[vector<16xi32>], vector<16xi32>,
    %swap3A_803 = arith.constant 80 : index
    %swap3A_804 = tpu.vector_load %arg10[%swap3A_803] {strides = array<i32>} : memref<128xi32, #tpu.memory_space<vmem>>, vector<16xi32>,
    tpu.vector_store %arg10[%swap3A_803], %gather3A_802 {strides = array<i32>} : memref<128xi32, #tpu.memory_space<vmem>>, vector<16xi32>,
    %add3A_805 = arith.constant 2508 : i32
    %add3A_806 = vector.broadcast %add3A_805 : i32 to vector<16xi32>
    %add3A_807 = arith.addi %mul3A_5, %add3A_806 : vector<16xi32>
    %gather3A_808 = tpu.vector_load_idx %arg5[%add3A_807] : memref<3328xi32, #tpu.memory_space<vmem>>[vector<16xi32>], vector<16xi32>,
    %swap3A_809 = arith.constant 96 : index
    %swap3A_810 = tpu.vector_load %arg10[%swap3A_809] {strides = array<i32>} : memref<128xi32, #tpu.memory_space<vmem>>, vector<16xi32>,
    tpu.vector_store %arg10[%swap3A_809], %gather3A_808 {strides = array<i32>} : memref<128xi32, #tpu.memory_space<vmem>>, vector<16xi32>,
    %add3A_811 = arith.constant 2924 : i32
    %add3A_812 = vector.broadcast %add3A_811 : i32 to vector<16xi32>
    %add3A_813 = arith.addi %mul3A_5, %add3A_812 : vector<16xi32>
    %gather3A_814 = tpu.vector_load_idx %arg5[%add3A_813] : memref<3328xi32, #tpu.memory_space<vmem>>[vector<16xi32>], vector<16xi32>,
    %swap3A_815 = arith.constant 112 : index
    %swap3A_816 = tpu.vector_load %arg10[%swap3A_815] {strides = array<i32>} : memref<128xi32, #tpu.memory_space<vmem>>, vector<16xi32>,
    tpu.vector_store %arg10[%swap3A_815], %gather3A_814 {strides = array<i32>} : memref<128xi32, #tpu.memory_space<vmem>>, vector<16xi32>,
    %dma_start3A_817 = arith.constant 0 : i32
    %dma_start3A_818 = arith.constant 0 : i32
    %dma_start3A_819 = tpu.memref_slice %arg2[%dma_start3A_817, %dma_start3A_818] : memref<1000000x128xf32, #tpu.memory_space<hbm>> -> memref<1000000x128xf32, #tpu.memory_space<hbm>>
    tpu.enqueue_indirect_dma source(%dma_start3A_819 : memref<1000000x128xf32, #tpu.memory_space<hbm>>) target(%arg6 : memref<128x128xf32, #tpu.memory_space<vmem>>) offsets(%arg10 : memref<128xi32, #tpu.memory_space<vmem>>) semaphore(%arg14 : memref<!tpu.dma_semaphore, #tpu.memory_space<semaphore_mem>>)
    %dma_wait3A_820 = arith.constant 0 : i32
    %dma_wait3A_821 = arith.constant 0 : i32
    %dma_wait3A_822 = tpu.memref_slice %arg2[%dma_wait3A_820, %dma_wait3A_821] : memref<1000000x128xf32, #tpu.memory_space<hbm>> -> memref<1000000x128xf32, #tpu.memory_space<hbm>>
    tpu.wait_indirect_dma semaphore(%arg15 : memref<!tpu.dma_semaphore, #tpu.memory_space<semaphore_mem>>) src(%dma_wait3A_822 : memref<1000000x128xf32, #tpu.memory_space<hbm>>) dst(%arg7 : memref<128x128xf32, #tpu.memory_space<vmem>>)
    %dma_start3A_823 = arith.constant 4 : i32
    %dma_start3A_824 = arith.constant 128 : i32
    %dma_start3A_825 = tpu.memref_slice %arg4[%dma_start3A_823, %mul3A_7, %dma_start3A_824] : memref<13x4096x256xf32, #tpu.memory_space<hbm>> -> memref<1x128x128xf32, #tpu.memory_space<hbm>>
    %dma_start3A_826 = tpu.memref_squeeze %dma_start3A_825 : memref<1x128x128xf32, #tpu.memory_space<hbm>> -> memref<128x128xf32, #tpu.memory_space<hbm>>
    %dma_start3A_827 = arith.constant 128 : i32
    %dma_start3A_828 = tpu.memref_slice %arg4[%dma_start3A_823, %mul3A_7, %dma_start3A_827] : memref<13x4096x256xf32, #tpu.memory_space<hbm>> -> memref<1x128x128xf32, #tpu.memory_space<hbm>>
    %dma_start3A_829 = tpu.memref_squeeze %dma_start3A_828 : memref<1x128x128xf32, #tpu.memory_space<hbm>> -> memref<128x128xf32, #tpu.memory_space<hbm>>
    tpu.enqueue_dma source(%arg7 : memref<128x128xf32, #tpu.memory_space<vmem>>) target(%dma_start3A_829 : memref<128x128xf32, #tpu.memory_space<hbm>>) target_semaphore(%arg19 : memref<!tpu.dma_semaphore, #tpu.memory_space<semaphore_mem>>)
    %dma_wait3A_830 = arith.constant 4 : i32
    %dma_wait3A_831 = arith.constant 128 : i32
    %dma_wait3A_832 = tpu.memref_slice %arg4[%dma_wait3A_830, %mul3A_7, %dma_wait3A_831] : memref<13x4096x256xf32, #tpu.memory_space<hbm>> -> memref<1x128x128xf32, #tpu.memory_space<hbm>>
    %dma_wait3A_833 = tpu.memref_squeeze %dma_wait3A_832 : memref<1x128x128xf32, #tpu.memory_space<hbm>> -> memref<128x128xf32, #tpu.memory_space<hbm>>
    %dma_wait3A_834 = arith.constant 128 : i32
    %dma_wait3A_835 = tpu.memref_slice %arg4[%dma_wait3A_830, %mul3A_7, %dma_wait3A_834] : memref<13x4096x256xf32, #tpu.memory_space<hbm>> -> memref<1x128x128xf32, #tpu.memory_space<hbm>>
    %dma_wait3A_836 = tpu.memref_squeeze %dma_wait3A_835 : memref<1x128x128xf32, #tpu.memory_space<hbm>> -> memref<128x128xf32, #tpu.memory_space<hbm>>
    tpu.wait_dma2 semaphore(%arg19 : memref<!tpu.dma_semaphore, #tpu.memory_space<semaphore_mem>>) src(%arg7 : memref<128x128xf32, #tpu.memory_space<vmem>>) dst(%dma_wait3A_836 : memref<128x128xf32, #tpu.memory_space<hbm>>)
    %add3A_837 = arith.constant 13 : i32
    %add3A_838 = vector.broadcast %add3A_837 : i32 to vector<16xi32>
    %add3A_839 = arith.addi %mul3A_5, %add3A_838 : vector<16xi32>
    %gather3A_840 = tpu.vector_load_idx %arg5[%add3A_839] : memref<3328xi32, #tpu.memory_space<vmem>>[vector<16xi32>], vector<16xi32>,
    %swap3A_841 = arith.constant 0 : index
    %swap3A_842 = tpu.vector_load %arg11[%swap3A_841] {strides = array<i32>} : memref<128xi32, #tpu.memory_space<vmem>>, vector<16xi32>,
    tpu.vector_store %arg11[%swap3A_841], %gather3A_840 {strides = array<i32>} : memref<128xi32, #tpu.memory_space<vmem>>, vector<16xi32>,
    %add3A_843 = arith.constant 429 : i32
    %add3A_844 = vector.broadcast %add3A_843 : i32 to vector<16xi32>
    %add3A_845 = arith.addi %mul3A_5, %add3A_844 : vector<16xi32>
    %gather3A_846 = tpu.vector_load_idx %arg5[%add3A_845] : memref<3328xi32, #tpu.memory_space<vmem>>[vector<16xi32>], vector<16xi32>,
    %swap3A_847 = arith.constant 16 : index
    %swap3A_848 = tpu.vector_load %arg11[%swap3A_847] {strides = array<i32>} : memref<128xi32, #tpu.memory_space<vmem>>, vector<16xi32>,
    tpu.vector_store %arg11[%swap3A_847], %gather3A_846 {strides = array<i32>} : memref<128xi32, #tpu.memory_space<vmem>>, vector<16xi32>,
    %add3A_849 = arith.constant 845 : i32
    %add3A_850 = vector.broadcast %add3A_849 : i32 to vector<16xi32>
    %add3A_851 = arith.addi %mul3A_5, %add3A_850 : vector<16xi32>
    %gather3A_852 = tpu.vector_load_idx %arg5[%add3A_851] : memref<3328xi32, #tpu.memory_space<vmem>>[vector<16xi32>], vector<16xi32>,
    %swap3A_853 = arith.constant 32 : index
    %swap3A_854 = tpu.vector_load %arg11[%swap3A_853] {strides = array<i32>} : memref<128xi32, #tpu.memory_space<vmem>>, vector<16xi32>,
    tpu.vector_store %arg11[%swap3A_853], %gather3A_852 {strides = array<i32>} : memref<128xi32, #tpu.memory_space<vmem>>, vector<16xi32>,
    %add3A_855 = arith.constant 1261 : i32
    %add3A_856 = vector.broadcast %add3A_855 : i32 to vector<16xi32>
    %add3A_857 = arith.addi %mul3A_5, %add3A_856 : vector<16xi32>
    %gather3A_858 = tpu.vector_load_idx %arg5[%add3A_857] : memref<3328xi32, #tpu.memory_space<vmem>>[vector<16xi32>], vector<16xi32>,
    %swap3A_859 = arith.constant 48 : index
    %swap3A_860 = tpu.vector_load %arg11[%swap3A_859] {strides = array<i32>} : memref<128xi32, #tpu.memory_space<vmem>>, vector<16xi32>,
    tpu.vector_store %arg11[%swap3A_859], %gather3A_858 {strides = array<i32>} : memref<128xi32, #tpu.memory_space<vmem>>, vector<16xi32>,
    %add3A_861 = arith.constant 1677 : i32
    %add3A_862 = vector.broadcast %add3A_861 : i32 to vector<16xi32>
    %add3A_863 = arith.addi %mul3A_5, %add3A_862 : vector<16xi32>
    %gather3A_864 = tpu.vector_load_idx %arg5[%add3A_863] : memref<3328xi32, #tpu.memory_space<vmem>>[vector<16xi32>], vector<16xi32>,
    %swap3A_865 = arith.constant 64 : index
    %swap3A_866 = tpu.vector_load %arg11[%swap3A_865] {strides = array<i32>} : memref<128xi32, #tpu.memory_space<vmem>>, vector<16xi32>,
    tpu.vector_store %arg11[%swap3A_865], %gather3A_864 {strides = array<i32>} : memref<128xi32, #tpu.memory_space<vmem>>, vector<16xi32>,
    %add3A_867 = arith.constant 2093 : i32
    %add3A_868 = vector.broadcast %add3A_867 : i32 to vector<16xi32>
    %add3A_869 = arith.addi %mul3A_5, %add3A_868 : vector<16xi32>
    %gather3A_870 = tpu.vector_load_idx %arg5[%add3A_869] : memref<3328xi32, #tpu.memory_space<vmem>>[vector<16xi32>], vector<16xi32>,
    %swap3A_871 = arith.constant 80 : index
    %swap3A_872 = tpu.vector_load %arg11[%swap3A_871] {strides = array<i32>} : memref<128xi32, #tpu.memory_space<vmem>>, vector<16xi32>,
    tpu.vector_store %arg11[%swap3A_871], %gather3A_870 {strides = array<i32>} : memref<128xi32, #tpu.memory_space<vmem>>, vector<16xi32>,
    %add3A_873 = arith.constant 2509 : i32
    %add3A_874 = vector.broadcast %add3A_873 : i32 to vector<16xi32>
    %add3A_875 = arith.addi %mul3A_5, %add3A_874 : vector<16xi32>
    %gather3A_876 = tpu.vector_load_idx %arg5[%add3A_875] : memref<3328xi32, #tpu.memory_space<vmem>>[vector<16xi32>], vector<16xi32>,
    %swap3A_877 = arith.constant 96 : index
    %swap3A_878 = tpu.vector_load %arg11[%swap3A_877] {strides = array<i32>} : memref<128xi32, #tpu.memory_space<vmem>>, vector<16xi32>,
    tpu.vector_store %arg11[%swap3A_877], %gather3A_876 {strides = array<i32>} : memref<128xi32, #tpu.memory_space<vmem>>, vector<16xi32>,
    %add3A_879 = arith.constant 2925 : i32
    %add3A_880 = vector.broadcast %add3A_879 : i32 to vector<16xi32>
    %add3A_881 = arith.addi %mul3A_5, %add3A_880 : vector<16xi32>
    %gather3A_882 = tpu.vector_load_idx %arg5[%add3A_881] : memref<3328xi32, #tpu.memory_space<vmem>>[vector<16xi32>], vector<16xi32>,
    %swap3A_883 = arith.constant 112 : index
    %swap3A_884 = tpu.vector_load %arg11[%swap3A_883] {strides = array<i32>} : memref<128xi32, #tpu.memory_space<vmem>>, vector<16xi32>,
    tpu.vector_store %arg11[%swap3A_883], %gather3A_882 {strides = array<i32>} : memref<128xi32, #tpu.memory_space<vmem>>, vector<16xi32>,
    %dma_start3A_885 = arith.constant 0 : i32
    %dma_start3A_886 = arith.constant 0 : i32
    %dma_start3A_887 = tpu.memref_slice %arg2[%dma_start3A_885, %dma_start3A_886] : memref<1000000x128xf32, #tpu.memory_space<hbm>> -> memref<1000000x128xf32, #tpu.memory_space<hbm>>
    tpu.enqueue_indirect_dma source(%dma_start3A_887 : memref<1000000x128xf32, #tpu.memory_space<hbm>>) target(%arg7 : memref<128x128xf32, #tpu.memory_space<vmem>>) offsets(%arg11 : memref<128xi32, #tpu.memory_space<vmem>>) semaphore(%arg15 : memref<!tpu.dma_semaphore, #tpu.memory_space<semaphore_mem>>)
    %dma_wait3A_888 = arith.constant 0 : i32
    %dma_wait3A_889 = arith.constant 0 : i32
    %dma_wait3A_890 = tpu.memref_slice %arg2[%dma_wait3A_888, %dma_wait3A_889] : memref<1000000x128xf32, #tpu.memory_space<hbm>> -> memref<1000000x128xf32, #tpu.memory_space<hbm>>
    tpu.wait_indirect_dma semaphore(%arg16 : memref<!tpu.dma_semaphore, #tpu.memory_space<semaphore_mem>>) src(%dma_wait3A_890 : memref<1000000x128xf32, #tpu.memory_space<hbm>>) dst(%arg8 : memref<128x128xf32, #tpu.memory_space<vmem>>)
    %dma_start3A_891 = arith.constant 5 : i32
    %dma_start3A_892 = arith.constant 0 : i32
    %dma_start3A_893 = tpu.memref_slice %arg4[%dma_start3A_891, %mul3A_7, %dma_start3A_892] : memref<13x4096x256xf32, #tpu.memory_space<hbm>> -> memref<1x128x128xf32, #tpu.memory_space<hbm>>
    %dma_start3A_894 = tpu.memref_squeeze %dma_start3A_893 : memref<1x128x128xf32, #tpu.memory_space<hbm>> -> memref<128x128xf32, #tpu.memory_space<hbm>>
    %dma_start3A_895 = arith.constant 0 : i32
    %dma_start3A_896 = tpu.memref_slice %arg4[%dma_start3A_891, %mul3A_7, %dma_start3A_895] : memref<13x4096x256xf32, #tpu.memory_space<hbm>> -> memref<1x128x128xf32, #tpu.memory_space<hbm>>
    %dma_start3A_897 = tpu.memref_squeeze %dma_start3A_896 : memref<1x128x128xf32, #tpu.memory_space<hbm>> -> memref<128x128xf32, #tpu.memory_space<hbm>>
    tpu.enqueue_dma source(%arg8 : memref<128x128xf32, #tpu.memory_space<vmem>>) target(%dma_start3A_897 : memref<128x128xf32, #tpu.memory_space<hbm>>) target_semaphore(%arg20 : memref<!tpu.dma_semaphore, #tpu.memory_space<semaphore_mem>>)
    %dma_wait3A_898 = arith.constant 5 : i32
    %dma_wait3A_899 = arith.constant 0 : i32
    %dma_wait3A_900 = tpu.memref_slice %arg4[%dma_wait3A_898, %mul3A_7, %dma_wait3A_899] : memref<13x4096x256xf32, #tpu.memory_space<hbm>> -> memref<1x128x128xf32, #tpu.memory_space<hbm>>
    %dma_wait3A_901 = tpu.memref_squeeze %dma_wait3A_900 : memref<1x128x128xf32, #tpu.memory_space<hbm>> -> memref<128x128xf32, #tpu.memory_space<hbm>>
    %dma_wait3A_902 = arith.constant 0 : i32
    %dma_wait3A_903 = tpu.memref_slice %arg4[%dma_wait3A_898, %mul3A_7, %dma_wait3A_902] : memref<13x4096x256xf32, #tpu.memory_space<hbm>> -> memref<1x128x128xf32, #tpu.memory_space<hbm>>
    %dma_wait3A_904 = tpu.memref_squeeze %dma_wait3A_903 : memref<1x128x128xf32, #tpu.memory_space<hbm>> -> memref<128x128xf32, #tpu.memory_space<hbm>>
    tpu.wait_dma2 semaphore(%arg20 : memref<!tpu.dma_semaphore, #tpu.memory_space<semaphore_mem>>) src(%arg8 : memref<128x128xf32, #tpu.memory_space<vmem>>) dst(%dma_wait3A_904 : memref<128x128xf32, #tpu.memory_space<hbm>>)
    %add3A_905 = arith.constant 14 : i32
    %add3A_906 = vector.broadcast %add3A_905 : i32 to vector<16xi32>
    %add3A_907 = arith.addi %mul3A_5, %add3A_906 : vector<16xi32>
    %gather3A_908 = tpu.vector_load_idx %arg5[%add3A_907] : memref<3328xi32, #tpu.memory_space<vmem>>[vector<16xi32>], vector<16xi32>,
    %swap3A_909 = arith.constant 0 : index
    %swap3A_910 = tpu.vector_load %arg12[%swap3A_909] {strides = array<i32>} : memref<128xi32, #tpu.memory_space<vmem>>, vector<16xi32>,
    tpu.vector_store %arg12[%swap3A_909], %gather3A_908 {strides = array<i32>} : memref<128xi32, #tpu.memory_space<vmem>>, vector<16xi32>,
    %add3A_911 = arith.constant 430 : i32
    %add3A_912 = vector.broadcast %add3A_911 : i32 to vector<16xi32>
    %add3A_913 = arith.addi %mul3A_5, %add3A_912 : vector<16xi32>
    %gather3A_914 = tpu.vector_load_idx %arg5[%add3A_913] : memref<3328xi32, #tpu.memory_space<vmem>>[vector<16xi32>], vector<16xi32>,
    %swap3A_915 = arith.constant 16 : index
    %swap3A_916 = tpu.vector_load %arg12[%swap3A_915] {strides = array<i32>} : memref<128xi32, #tpu.memory_space<vmem>>, vector<16xi32>,
    tpu.vector_store %arg12[%swap3A_915], %gather3A_914 {strides = array<i32>} : memref<128xi32, #tpu.memory_space<vmem>>, vector<16xi32>,
    %add3A_917 = arith.constant 846 : i32
    %add3A_918 = vector.broadcast %add3A_917 : i32 to vector<16xi32>
    %add3A_919 = arith.addi %mul3A_5, %add3A_918 : vector<16xi32>
    %gather3A_920 = tpu.vector_load_idx %arg5[%add3A_919] : memref<3328xi32, #tpu.memory_space<vmem>>[vector<16xi32>], vector<16xi32>,
    %swap3A_921 = arith.constant 32 : index
    %swap3A_922 = tpu.vector_load %arg12[%swap3A_921] {strides = array<i32>} : memref<128xi32, #tpu.memory_space<vmem>>, vector<16xi32>,
    tpu.vector_store %arg12[%swap3A_921], %gather3A_920 {strides = array<i32>} : memref<128xi32, #tpu.memory_space<vmem>>, vector<16xi32>,
    %add3A_923 = arith.constant 1262 : i32
    %add3A_924 = vector.broadcast %add3A_923 : i32 to vector<16xi32>
    %add3A_925 = arith.addi %mul3A_5, %add3A_924 : vector<16xi32>
    %gather3A_926 = tpu.vector_load_idx %arg5[%add3A_925] : memref<3328xi32, #tpu.memory_space<vmem>>[vector<16xi32>], vector<16xi32>,
    %swap3A_927 = arith.constant 48 : index
    %swap3A_928 = tpu.vector_load %arg12[%swap3A_927] {strides = array<i32>} : memref<128xi32, #tpu.memory_space<vmem>>, vector<16xi32>,
    tpu.vector_store %arg12[%swap3A_927], %gather3A_926 {strides = array<i32>} : memref<128xi32, #tpu.memory_space<vmem>>, vector<16xi32>,
    %add3A_929 = arith.constant 1678 : i32
    %add3A_930 = vector.broadcast %add3A_929 : i32 to vector<16xi32>
    %add3A_931 = arith.addi %mul3A_5, %add3A_930 : vector<16xi32>
    %gather3A_932 = tpu.vector_load_idx %arg5[%add3A_931] : memref<3328xi32, #tpu.memory_space<vmem>>[vector<16xi32>], vector<16xi32>,
    %swap3A_933 = arith.constant 64 : index
    %swap3A_934 = tpu.vector_load %arg12[%swap3A_933] {strides = array<i32>} : memref<128xi32, #tpu.memory_space<vmem>>, vector<16xi32>,
    tpu.vector_store %arg12[%swap3A_933], %gather3A_932 {strides = array<i32>} : memref<128xi32, #tpu.memory_space<vmem>>, vector<16xi32>,
    %add3A_935 = arith.constant 2094 : i32
    %add3A_936 = vector.broadcast %add3A_935 : i32 to vector<16xi32>
    %add3A_937 = arith.addi %mul3A_5, %add3A_936 : vector<16xi32>
    %gather3A_938 = tpu.vector_load_idx %arg5[%add3A_937] : memref<3328xi32, #tpu.memory_space<vmem>>[vector<16xi32>], vector<16xi32>,
    %swap3A_939 = arith.constant 80 : index
    %swap3A_940 = tpu.vector_load %arg12[%swap3A_939] {strides = array<i32>} : memref<128xi32, #tpu.memory_space<vmem>>, vector<16xi32>,
    tpu.vector_store %arg12[%swap3A_939], %gather3A_938 {strides = array<i32>} : memref<128xi32, #tpu.memory_space<vmem>>, vector<16xi32>,
    %add3A_941 = arith.constant 2510 : i32
    %add3A_942 = vector.broadcast %add3A_941 : i32 to vector<16xi32>
    %add3A_943 = arith.addi %mul3A_5, %add3A_942 : vector<16xi32>
    %gather3A_944 = tpu.vector_load_idx %arg5[%add3A_943] : memref<3328xi32, #tpu.memory_space<vmem>>[vector<16xi32>], vector<16xi32>,
    %swap3A_945 = arith.constant 96 : index
    %swap3A_946 = tpu.vector_load %arg12[%swap3A_945] {strides = array<i32>} : memref<128xi32, #tpu.memory_space<vmem>>, vector<16xi32>,
    tpu.vector_store %arg12[%swap3A_945], %gather3A_944 {strides = array<i32>} : memref<128xi32, #tpu.memory_space<vmem>>, vector<16xi32>,
    %add3A_947 = arith.constant 2926 : i32
    %add3A_948 = vector.broadcast %add3A_947 : i32 to vector<16xi32>
    %add3A_949 = arith.addi %mul3A_5, %add3A_948 : vector<16xi32>
    %gather3A_950 = tpu.vector_load_idx %arg5[%add3A_949] : memref<3328xi32, #tpu.memory_space<vmem>>[vector<16xi32>], vector<16xi32>,
    %swap3A_951 = arith.constant 112 : index
    %swap3A_952 = tpu.vector_load %arg12[%swap3A_951] {strides = array<i32>} : memref<128xi32, #tpu.memory_space<vmem>>, vector<16xi32>,
    tpu.vector_store %arg12[%swap3A_951], %gather3A_950 {strides = array<i32>} : memref<128xi32, #tpu.memory_space<vmem>>, vector<16xi32>,
    %dma_start3A_953 = arith.constant 0 : i32
    %dma_start3A_954 = arith.constant 0 : i32
    %dma_start3A_955 = tpu.memref_slice %arg2[%dma_start3A_953, %dma_start3A_954] : memref<1000000x128xf32, #tpu.memory_space<hbm>> -> memref<1000000x128xf32, #tpu.memory_space<hbm>>
    tpu.enqueue_indirect_dma source(%dma_start3A_955 : memref<1000000x128xf32, #tpu.memory_space<hbm>>) target(%arg8 : memref<128x128xf32, #tpu.memory_space<vmem>>) offsets(%arg12 : memref<128xi32, #tpu.memory_space<vmem>>) semaphore(%arg16 : memref<!tpu.dma_semaphore, #tpu.memory_space<semaphore_mem>>)
    %dma_wait3A_956 = arith.constant 0 : i32
    %dma_wait3A_957 = arith.constant 0 : i32
    %dma_wait3A_958 = tpu.memref_slice %arg2[%dma_wait3A_956, %dma_wait3A_957] : memref<1000000x128xf32, #tpu.memory_space<hbm>> -> memref<1000000x128xf32, #tpu.memory_space<hbm>>
    tpu.wait_indirect_dma semaphore(%arg17 : memref<!tpu.dma_semaphore, #tpu.memory_space<semaphore_mem>>) src(%dma_wait3A_958 : memref<1000000x128xf32, #tpu.memory_space<hbm>>) dst(%arg9 : memref<128x128xf32, #tpu.memory_space<vmem>>)
    %dma_start3A_959 = arith.constant 5 : i32
    %dma_start3A_960 = arith.constant 128 : i32
    %dma_start3A_961 = tpu.memref_slice %arg4[%dma_start3A_959, %mul3A_7, %dma_start3A_960] : memref<13x4096x256xf32, #tpu.memory_space<hbm>> -> memref<1x128x128xf32, #tpu.memory_space<hbm>>
    %dma_start3A_962 = tpu.memref_squeeze %dma_start3A_961 : memref<1x128x128xf32, #tpu.memory_space<hbm>> -> memref<128x128xf32, #tpu.memory_space<hbm>>
    %dma_start3A_963 = arith.constant 128 : i32
    %dma_start3A_964 = tpu.memref_slice %arg4[%dma_start3A_959, %mul3A_7, %dma_start3A_963] : memref<13x4096x256xf32, #tpu.memory_space<hbm>> -> memref<1x128x128xf32, #tpu.memory_space<hbm>>
    %dma_start3A_965 = tpu.memref_squeeze %dma_start3A_964 : memref<1x128x128xf32, #tpu.memory_space<hbm>> -> memref<128x128xf32, #tpu.memory_space<hbm>>
    tpu.enqueue_dma source(%arg9 : memref<128x128xf32, #tpu.memory_space<vmem>>) target(%dma_start3A_965 : memref<128x128xf32, #tpu.memory_space<hbm>>) target_semaphore(%arg21 : memref<!tpu.dma_semaphore, #tpu.memory_space<semaphore_mem>>)
    %dma_wait3A_966 = arith.constant 5 : i32
    %dma_wait3A_967 = arith.constant 128 : i32
    %dma_wait3A_968 = tpu.memref_slice %arg4[%dma_wait3A_966, %mul3A_7, %dma_wait3A_967] : memref<13x4096x256xf32, #tpu.memory_space<hbm>> -> memref<1x128x128xf32, #tpu.memory_space<hbm>>
    %dma_wait3A_969 = tpu.memref_squeeze %dma_wait3A_968 : memref<1x128x128xf32, #tpu.memory_space<hbm>> -> memref<128x128xf32, #tpu.memory_space<hbm>>
    %dma_wait3A_970 = arith.constant 128 : i32
    %dma_wait3A_971 = tpu.memref_slice %arg4[%dma_wait3A_966, %mul3A_7, %dma_wait3A_970] : memref<13x4096x256xf32, #tpu.memory_space<hbm>> -> memref<1x128x128xf32, #tpu.memory_space<hbm>>
    %dma_wait3A_972 = tpu.memref_squeeze %dma_wait3A_971 : memref<1x128x128xf32, #tpu.memory_space<hbm>> -> memref<128x128xf32, #tpu.memory_space<hbm>>
    tpu.wait_dma2 semaphore(%arg21 : memref<!tpu.dma_semaphore, #tpu.memory_space<semaphore_mem>>) src(%arg9 : memref<128x128xf32, #tpu.memory_space<vmem>>) dst(%dma_wait3A_972 : memref<128x128xf32, #tpu.memory_space<hbm>>)
    %add3A_973 = arith.constant 15 : i32
    %add3A_974 = vector.broadcast %add3A_973 : i32 to vector<16xi32>
    %add3A_975 = arith.addi %mul3A_5, %add3A_974 : vector<16xi32>
    %gather3A_976 = tpu.vector_load_idx %arg5[%add3A_975] : memref<3328xi32, #tpu.memory_space<vmem>>[vector<16xi32>], vector<16xi32>,
    %swap3A_977 = arith.constant 0 : index
    %swap3A_978 = tpu.vector_load %arg13[%swap3A_977] {strides = array<i32>} : memref<128xi32, #tpu.memory_space<vmem>>, vector<16xi32>,
    tpu.vector_store %arg13[%swap3A_977], %gather3A_976 {strides = array<i32>} : memref<128xi32, #tpu.memory_space<vmem>>, vector<16xi32>,
    %add3A_979 = arith.constant 431 : i32
    %add3A_980 = vector.broadcast %add3A_979 : i32 to vector<16xi32>
    %add3A_981 = arith.addi %mul3A_5, %add3A_980 : vector<16xi32>
    %gather3A_982 = tpu.vector_load_idx %arg5[%add3A_981] : memref<3328xi32, #tpu.memory_space<vmem>>[vector<16xi32>], vector<16xi32>,
    %swap3A_983 = arith.constant 16 : index
    %swap3A_984 = tpu.vector_load %arg13[%swap3A_983] {strides = array<i32>} : memref<128xi32, #tpu.memory_space<vmem>>, vector<16xi32>,
    tpu.vector_store %arg13[%swap3A_983], %gather3A_982 {strides = array<i32>} : memref<128xi32, #tpu.memory_space<vmem>>, vector<16xi32>,
    %add3A_985 = arith.constant 847 : i32
    %add3A_986 = vector.broadcast %add3A_985 : i32 to vector<16xi32>
    %add3A_987 = arith.addi %mul3A_5, %add3A_986 : vector<16xi32>
    %gather3A_988 = tpu.vector_load_idx %arg5[%add3A_987] : memref<3328xi32, #tpu.memory_space<vmem>>[vector<16xi32>], vector<16xi32>,
    %swap3A_989 = arith.constant 32 : index
    %swap3A_990 = tpu.vector_load %arg13[%swap3A_989] {strides = array<i32>} : memref<128xi32, #tpu.memory_space<vmem>>, vector<16xi32>,
    tpu.vector_store %arg13[%swap3A_989], %gather3A_988 {strides = array<i32>} : memref<128xi32, #tpu.memory_space<vmem>>, vector<16xi32>,
    %add3A_991 = arith.constant 1263 : i32
    %add3A_992 = vector.broadcast %add3A_991 : i32 to vector<16xi32>
    %add3A_993 = arith.addi %mul3A_5, %add3A_992 : vector<16xi32>
    %gather3A_994 = tpu.vector_load_idx %arg5[%add3A_993] : memref<3328xi32, #tpu.memory_space<vmem>>[vector<16xi32>], vector<16xi32>,
    %swap3A_995 = arith.constant 48 : index
    %swap3A_996 = tpu.vector_load %arg13[%swap3A_995] {strides = array<i32>} : memref<128xi32, #tpu.memory_space<vmem>>, vector<16xi32>,
    tpu.vector_store %arg13[%swap3A_995], %gather3A_994 {strides = array<i32>} : memref<128xi32, #tpu.memory_space<vmem>>, vector<16xi32>,
    %add3A_997 = arith.constant 1679 : i32
    %add3A_998 = vector.broadcast %add3A_997 : i32 to vector<16xi32>
    %add3A_999 = arith.addi %mul3A_5, %add3A_998 : vector<16xi32>
    %gather3A_1000 = tpu.vector_load_idx %arg5[%add3A_999] : memref<3328xi32, #tpu.memory_space<vmem>>[vector<16xi32>], vector<16xi32>,
    %swap3A_1001 = arith.constant 64 : index
    %swap3A_1002 = tpu.vector_load %arg13[%swap3A_1001] {strides = array<i32>} : memref<128xi32, #tpu.memory_space<vmem>>, vector<16xi32>,
    tpu.vector_store %arg13[%swap3A_1001], %gather3A_1000 {strides = array<i32>} : memref<128xi32, #tpu.memory_space<vmem>>, vector<16xi32>,
    %add3A_1003 = arith.constant 2095 : i32
    %add3A_1004 = vector.broadcast %add3A_1003 : i32 to vector<16xi32>
    %add3A_1005 = arith.addi %mul3A_5, %add3A_1004 : vector<16xi32>
    %gather3A_1006 = tpu.vector_load_idx %arg5[%add3A_1005] : memref<3328xi32, #tpu.memory_space<vmem>>[vector<16xi32>], vector<16xi32>,
    %swap3A_1007 = arith.constant 80 : index
    %swap3A_1008 = tpu.vector_load %arg13[%swap3A_1007] {strides = array<i32>} : memref<128xi32, #tpu.memory_space<vmem>>, vector<16xi32>,
    tpu.vector_store %arg13[%swap3A_1007], %gather3A_1006 {strides = array<i32>} : memref<128xi32, #tpu.memory_space<vmem>>, vector<16xi32>,
    %add3A_1009 = arith.constant 2511 : i32
    %add3A_1010 = vector.broadcast %add3A_1009 : i32 to vector<16xi32>
    %add3A_1011 = arith.addi %mul3A_5, %add3A_1010 : vector<16xi32>
    %gather3A_1012 = tpu.vector_load_idx %arg5[%add3A_1011] : memref<3328xi32, #tpu.memory_space<vmem>>[vector<16xi32>], vector<16xi32>,
    %swap3A_1013 = arith.constant 96 : index
    %swap3A_1014 = tpu.vector_load %arg13[%swap3A_1013] {strides = array<i32>} : memref<128xi32, #tpu.memory_space<vmem>>, vector<16xi32>,
    tpu.vector_store %arg13[%swap3A_1013], %gather3A_1012 {strides = array<i32>} : memref<128xi32, #tpu.memory_space<vmem>>, vector<16xi32>,
    %add3A_1015 = arith.constant 2927 : i32
    %add3A_1016 = vector.broadcast %add3A_1015 : i32 to vector<16xi32>
    %add3A_1017 = arith.addi %mul3A_5, %add3A_1016 : vector<16xi32>
    %gather3A_1018 = tpu.vector_load_idx %arg5[%add3A_1017] : memref<3328xi32, #tpu.memory_space<vmem>>[vector<16xi32>], vector<16xi32>,
    %swap3A_1019 = arith.constant 112 : index
    %swap3A_1020 = tpu.vector_load %arg13[%swap3A_1019] {strides = array<i32>} : memref<128xi32, #tpu.memory_space<vmem>>, vector<16xi32>,
    tpu.vector_store %arg13[%swap3A_1019], %gather3A_1018 {strides = array<i32>} : memref<128xi32, #tpu.memory_space<vmem>>, vector<16xi32>,
    %dma_start3A_1021 = arith.constant 0 : i32
    %dma_start3A_1022 = arith.constant 0 : i32
    %dma_start3A_1023 = tpu.memref_slice %arg2[%dma_start3A_1021, %dma_start3A_1022] : memref<1000000x128xf32, #tpu.memory_space<hbm>> -> memref<1000000x128xf32, #tpu.memory_space<hbm>>
    tpu.enqueue_indirect_dma source(%dma_start3A_1023 : memref<1000000x128xf32, #tpu.memory_space<hbm>>) target(%arg9 : memref<128x128xf32, #tpu.memory_space<vmem>>) offsets(%arg13 : memref<128xi32, #tpu.memory_space<vmem>>) semaphore(%arg17 : memref<!tpu.dma_semaphore, #tpu.memory_space<semaphore_mem>>)
    %dma_wait3A_1024 = arith.constant 0 : i32
    %dma_wait3A_1025 = arith.constant 0 : i32
    %dma_wait3A_1026 = tpu.memref_slice %arg2[%dma_wait3A_1024, %dma_wait3A_1025] : memref<1000000x128xf32, #tpu.memory_space<hbm>> -> memref<1000000x128xf32, #tpu.memory_space<hbm>>
    tpu.wait_indirect_dma semaphore(%arg14 : memref<!tpu.dma_semaphore, #tpu.memory_space<semaphore_mem>>) src(%dma_wait3A_1026 : memref<1000000x128xf32, #tpu.memory_space<hbm>>) dst(%arg6 : memref<128x128xf32, #tpu.memory_space<vmem>>)
    %dma_start3A_1027 = arith.constant 6 : i32
    %dma_start3A_1028 = arith.constant 0 : i32
    %dma_start3A_1029 = tpu.memref_slice %arg4[%dma_start3A_1027, %mul3A_7, %dma_start3A_1028] : memref<13x4096x256xf32, #tpu.memory_space<hbm>> -> memref<1x128x128xf32, #tpu.memory_space<hbm>>
    %dma_start3A_1030 = tpu.memref_squeeze %dma_start3A_1029 : memref<1x128x128xf32, #tpu.memory_space<hbm>> -> memref<128x128xf32, #tpu.memory_space<hbm>>
    %dma_start3A_1031 = arith.constant 0 : i32
    %dma_start3A_1032 = tpu.memref_slice %arg4[%dma_start3A_1027, %mul3A_7, %dma_start3A_1031] : memref<13x4096x256xf32, #tpu.memory_space<hbm>> -> memref<1x128x128xf32, #tpu.memory_space<hbm>>
    %dma_start3A_1033 = tpu.memref_squeeze %dma_start3A_1032 : memref<1x128x128xf32, #tpu.memory_space<hbm>> -> memref<128x128xf32, #tpu.memory_space<hbm>>
    tpu.enqueue_dma source(%arg6 : memref<128x128xf32, #tpu.memory_space<vmem>>) target(%dma_start3A_1033 : memref<128x128xf32, #tpu.memory_space<hbm>>) target_semaphore(%arg18 : memref<!tpu.dma_semaphore, #tpu.memory_space<semaphore_mem>>)
    %dma_wait3A_1034 = arith.constant 6 : i32
    %dma_wait3A_1035 = arith.constant 0 : i32
    %dma_wait3A_1036 = tpu.memref_slice %arg4[%dma_wait3A_1034, %mul3A_7, %dma_wait3A_1035] : memref<13x4096x256xf32, #tpu.memory_space<hbm>> -> memref<1x128x128xf32, #tpu.memory_space<hbm>>
    %dma_wait3A_1037 = tpu.memref_squeeze %dma_wait3A_1036 : memref<1x128x128xf32, #tpu.memory_space<hbm>> -> memref<128x128xf32, #tpu.memory_space<hbm>>
    %dma_wait3A_1038 = arith.constant 0 : i32
    %dma_wait3A_1039 = tpu.memref_slice %arg4[%dma_wait3A_1034, %mul3A_7, %dma_wait3A_1038] : memref<13x4096x256xf32, #tpu.memory_space<hbm>> -> memref<1x128x128xf32, #tpu.memory_space<hbm>>
    %dma_wait3A_1040 = tpu.memref_squeeze %dma_wait3A_1039 : memref<1x128x128xf32, #tpu.memory_space<hbm>> -> memref<128x128xf32, #tpu.memory_space<hbm>>
    tpu.wait_dma2 semaphore(%arg18 : memref<!tpu.dma_semaphore, #tpu.memory_space<semaphore_mem>>) src(%arg6 : memref<128x128xf32, #tpu.memory_space<vmem>>) dst(%dma_wait3A_1040 : memref<128x128xf32, #tpu.memory_space<hbm>>)
    %add3A_1041 = arith.constant 16 : i32
    %add3A_1042 = vector.broadcast %add3A_1041 : i32 to vector<16xi32>
    %add3A_1043 = arith.addi %mul3A_5, %add3A_1042 : vector<16xi32>
    %gather3A_1044 = tpu.vector_load_idx %arg5[%add3A_1043] : memref<3328xi32, #tpu.memory_space<vmem>>[vector<16xi32>], vector<16xi32>,
    %swap3A_1045 = arith.constant 0 : index
    %swap3A_1046 = tpu.vector_load %arg10[%swap3A_1045] {strides = array<i32>} : memref<128xi32, #tpu.memory_space<vmem>>, vector<16xi32>,
    tpu.vector_store %arg10[%swap3A_1045], %gather3A_1044 {strides = array<i32>} : memref<128xi32, #tpu.memory_space<vmem>>, vector<16xi32>,
    %add3A_1047 = arith.constant 432 : i32
    %add3A_1048 = vector.broadcast %add3A_1047 : i32 to vector<16xi32>
    %add3A_1049 = arith.addi %mul3A_5, %add3A_1048 : vector<16xi32>
    %gather3A_1050 = tpu.vector_load_idx %arg5[%add3A_1049] : memref<3328xi32, #tpu.memory_space<vmem>>[vector<16xi32>], vector<16xi32>,
    %swap3A_1051 = arith.constant 16 : index
    %swap3A_1052 = tpu.vector_load %arg10[%swap3A_1051] {strides = array<i32>} : memref<128xi32, #tpu.memory_space<vmem>>, vector<16xi32>,
    tpu.vector_store %arg10[%swap3A_1051], %gather3A_1050 {strides = array<i32>} : memref<128xi32, #tpu.memory_space<vmem>>, vector<16xi32>,
    %add3A_1053 = arith.constant 848 : i32
    %add3A_1054 = vector.broadcast %add3A_1053 : i32 to vector<16xi32>
    %add3A_1055 = arith.addi %mul3A_5, %add3A_1054 : vector<16xi32>
    %gather3A_1056 = tpu.vector_load_idx %arg5[%add3A_1055] : memref<3328xi32, #tpu.memory_space<vmem>>[vector<16xi32>], vector<16xi32>,
    %swap3A_1057 = arith.constant 32 : index
    %swap3A_1058 = tpu.vector_load %arg10[%swap3A_1057] {strides = array<i32>} : memref<128xi32, #tpu.memory_space<vmem>>, vector<16xi32>,
    tpu.vector_store %arg10[%swap3A_1057], %gather3A_1056 {strides = array<i32>} : memref<128xi32, #tpu.memory_space<vmem>>, vector<16xi32>,
    %add3A_1059 = arith.constant 1264 : i32
    %add3A_1060 = vector.broadcast %add3A_1059 : i32 to vector<16xi32>
    %add3A_1061 = arith.addi %mul3A_5, %add3A_1060 : vector<16xi32>
    %gather3A_1062 = tpu.vector_load_idx %arg5[%add3A_1061] : memref<3328xi32, #tpu.memory_space<vmem>>[vector<16xi32>], vector<16xi32>,
    %swap3A_1063 = arith.constant 48 : index
    %swap3A_1064 = tpu.vector_load %arg10[%swap3A_1063] {strides = array<i32>} : memref<128xi32, #tpu.memory_space<vmem>>, vector<16xi32>,
    tpu.vector_store %arg10[%swap3A_1063], %gather3A_1062 {strides = array<i32>} : memref<128xi32, #tpu.memory_space<vmem>>, vector<16xi32>,
    %add3A_1065 = arith.constant 1680 : i32
    %add3A_1066 = vector.broadcast %add3A_1065 : i32 to vector<16xi32>
    %add3A_1067 = arith.addi %mul3A_5, %add3A_1066 : vector<16xi32>
    %gather3A_1068 = tpu.vector_load_idx %arg5[%add3A_1067] : memref<3328xi32, #tpu.memory_space<vmem>>[vector<16xi32>], vector<16xi32>,
    %swap3A_1069 = arith.constant 64 : index
    %swap3A_1070 = tpu.vector_load %arg10[%swap3A_1069] {strides = array<i32>} : memref<128xi32, #tpu.memory_space<vmem>>, vector<16xi32>,
    tpu.vector_store %arg10[%swap3A_1069], %gather3A_1068 {strides = array<i32>} : memref<128xi32, #tpu.memory_space<vmem>>, vector<16xi32>,
    %add3A_1071 = arith.constant 2096 : i32
    %add3A_1072 = vector.broadcast %add3A_1071 : i32 to vector<16xi32>
    %add3A_1073 = arith.addi %mul3A_5, %add3A_1072 : vector<16xi32>
    %gather3A_1074 = tpu.vector_load_idx %arg5[%add3A_1073] : memref<3328xi32, #tpu.memory_space<vmem>>[vector<16xi32>], vector<16xi32>,
    %swap3A_1075 = arith.constant 80 : index
    %swap3A_1076 = tpu.vector_load %arg10[%swap3A_1075] {strides = array<i32>} : memref<128xi32, #tpu.memory_space<vmem>>, vector<16xi32>,
    tpu.vector_store %arg10[%swap3A_1075], %gather3A_1074 {strides = array<i32>} : memref<128xi32, #tpu.memory_space<vmem>>, vector<16xi32>,
    %add3A_1077 = arith.constant 2512 : i32
    %add3A_1078 = vector.broadcast %add3A_1077 : i32 to vector<16xi32>
    %add3A_1079 = arith.addi %mul3A_5, %add3A_1078 : vector<16xi32>
    %gather3A_1080 = tpu.vector_load_idx %arg5[%add3A_1079] : memref<3328xi32, #tpu.memory_space<vmem>>[vector<16xi32>], vector<16xi32>,
    %swap3A_1081 = arith.constant 96 : index
    %swap3A_1082 = tpu.vector_load %arg10[%swap3A_1081] {strides = array<i32>} : memref<128xi32, #tpu.memory_space<vmem>>, vector<16xi32>,
    tpu.vector_store %arg10[%swap3A_1081], %gather3A_1080 {strides = array<i32>} : memref<128xi32, #tpu.memory_space<vmem>>, vector<16xi32>,
    %add3A_1083 = arith.constant 2928 : i32
    %add3A_1084 = vector.broadcast %add3A_1083 : i32 to vector<16xi32>
    %add3A_1085 = arith.addi %mul3A_5, %add3A_1084 : vector<16xi32>
    %gather3A_1086 = tpu.vector_load_idx %arg5[%add3A_1085] : memref<3328xi32, #tpu.memory_space<vmem>>[vector<16xi32>], vector<16xi32>,
    %swap3A_1087 = arith.constant 112 : index
    %swap3A_1088 = tpu.vector_load %arg10[%swap3A_1087] {strides = array<i32>} : memref<128xi32, #tpu.memory_space<vmem>>, vector<16xi32>,
    tpu.vector_store %arg10[%swap3A_1087], %gather3A_1086 {strides = array<i32>} : memref<128xi32, #tpu.memory_space<vmem>>, vector<16xi32>,
    %dma_start3A_1089 = arith.constant 0 : i32
    %dma_start3A_1090 = arith.constant 0 : i32
    %dma_start3A_1091 = tpu.memref_slice %arg2[%dma_start3A_1089, %dma_start3A_1090] : memref<1000000x128xf32, #tpu.memory_space<hbm>> -> memref<1000000x128xf32, #tpu.memory_space<hbm>>
    tpu.enqueue_indirect_dma source(%dma_start3A_1091 : memref<1000000x128xf32, #tpu.memory_space<hbm>>) target(%arg6 : memref<128x128xf32, #tpu.memory_space<vmem>>) offsets(%arg10 : memref<128xi32, #tpu.memory_space<vmem>>) semaphore(%arg14 : memref<!tpu.dma_semaphore, #tpu.memory_space<semaphore_mem>>)
    %dma_wait3A_1092 = arith.constant 0 : i32
    %dma_wait3A_1093 = arith.constant 0 : i32
    %dma_wait3A_1094 = tpu.memref_slice %arg2[%dma_wait3A_1092, %dma_wait3A_1093] : memref<1000000x128xf32, #tpu.memory_space<hbm>> -> memref<1000000x128xf32, #tpu.memory_space<hbm>>
    tpu.wait_indirect_dma semaphore(%arg15 : memref<!tpu.dma_semaphore, #tpu.memory_space<semaphore_mem>>) src(%dma_wait3A_1094 : memref<1000000x128xf32, #tpu.memory_space<hbm>>) dst(%arg7 : memref<128x128xf32, #tpu.memory_space<vmem>>)
    %dma_start3A_1095 = arith.constant 6 : i32
    %dma_start3A_1096 = arith.constant 128 : i32
    %dma_start3A_1097 = tpu.memref_slice %arg4[%dma_start3A_1095, %mul3A_7, %dma_start3A_1096] : memref<13x4096x256xf32, #tpu.memory_space<hbm>> -> memref<1x128x128xf32, #tpu.memory_space<hbm>>
    %dma_start3A_1098 = tpu.memref_squeeze %dma_start3A_1097 : memref<1x128x128xf32, #tpu.memory_space<hbm>> -> memref<128x128xf32, #tpu.memory_space<hbm>>
    %dma_start3A_1099 = arith.constant 128 : i32
    %dma_start3A_1100 = tpu.memref_slice %arg4[%dma_start3A_1095, %mul3A_7, %dma_start3A_1099] : memref<13x4096x256xf32, #tpu.memory_space<hbm>> -> memref<1x128x128xf32, #tpu.memory_space<hbm>>
    %dma_start3A_1101 = tpu.memref_squeeze %dma_start3A_1100 : memref<1x128x128xf32, #tpu.memory_space<hbm>> -> memref<128x128xf32, #tpu.memory_space<hbm>>
    tpu.enqueue_dma source(%arg7 : memref<128x128xf32, #tpu.memory_space<vmem>>) target(%dma_start3A_1101 : memref<128x128xf32, #tpu.memory_space<hbm>>) target_semaphore(%arg19 : memref<!tpu.dma_semaphore, #tpu.memory_space<semaphore_mem>>)
    %dma_wait3A_1102 = arith.constant 6 : i32
    %dma_wait3A_1103 = arith.constant 128 : i32
    %dma_wait3A_1104 = tpu.memref_slice %arg4[%dma_wait3A_1102, %mul3A_7, %dma_wait3A_1103] : memref<13x4096x256xf32, #tpu.memory_space<hbm>> -> memref<1x128x128xf32, #tpu.memory_space<hbm>>
    %dma_wait3A_1105 = tpu.memref_squeeze %dma_wait3A_1104 : memref<1x128x128xf32, #tpu.memory_space<hbm>> -> memref<128x128xf32, #tpu.memory_space<hbm>>
    %dma_wait3A_1106 = arith.constant 128 : i32
    %dma_wait3A_1107 = tpu.memref_slice %arg4[%dma_wait3A_1102, %mul3A_7, %dma_wait3A_1106] : memref<13x4096x256xf32, #tpu.memory_space<hbm>> -> memref<1x128x128xf32, #tpu.memory_space<hbm>>
    %dma_wait3A_1108 = tpu.memref_squeeze %dma_wait3A_1107 : memref<1x128x128xf32, #tpu.memory_space<hbm>> -> memref<128x128xf32, #tpu.memory_space<hbm>>
    tpu.wait_dma2 semaphore(%arg19 : memref<!tpu.dma_semaphore, #tpu.memory_space<semaphore_mem>>) src(%arg7 : memref<128x128xf32, #tpu.memory_space<vmem>>) dst(%dma_wait3A_1108 : memref<128x128xf32, #tpu.memory_space<hbm>>)
    %add3A_1109 = arith.constant 17 : i32
    %add3A_1110 = vector.broadcast %add3A_1109 : i32 to vector<16xi32>
    %add3A_1111 = arith.addi %mul3A_5, %add3A_1110 : vector<16xi32>
    %gather3A_1112 = tpu.vector_load_idx %arg5[%add3A_1111] : memref<3328xi32, #tpu.memory_space<vmem>>[vector<16xi32>], vector<16xi32>,
    %swap3A_1113 = arith.constant 0 : index
    %swap3A_1114 = tpu.vector_load %arg11[%swap3A_1113] {strides = array<i32>} : memref<128xi32, #tpu.memory_space<vmem>>, vector<16xi32>,
    tpu.vector_store %arg11[%swap3A_1113], %gather3A_1112 {strides = array<i32>} : memref<128xi32, #tpu.memory_space<vmem>>, vector<16xi32>,
    %add3A_1115 = arith.constant 433 : i32
    %add3A_1116 = vector.broadcast %add3A_1115 : i32 to vector<16xi32>
    %add3A_1117 = arith.addi %mul3A_5, %add3A_1116 : vector<16xi32>
    %gather3A_1118 = tpu.vector_load_idx %arg5[%add3A_1117] : memref<3328xi32, #tpu.memory_space<vmem>>[vector<16xi32>], vector<16xi32>,
    %swap3A_1119 = arith.constant 16 : index
    %swap3A_1120 = tpu.vector_load %arg11[%swap3A_1119] {strides = array<i32>} : memref<128xi32, #tpu.memory_space<vmem>>, vector<16xi32>,
    tpu.vector_store %arg11[%swap3A_1119], %gather3A_1118 {strides = array<i32>} : memref<128xi32, #tpu.memory_space<vmem>>, vector<16xi32>,
    %add3A_1121 = arith.constant 849 : i32
    %add3A_1122 = vector.broadcast %add3A_1121 : i32 to vector<16xi32>
    %add3A_1123 = arith.addi %mul3A_5, %add3A_1122 : vector<16xi32>
    %gather3A_1124 = tpu.vector_load_idx %arg5[%add3A_1123] : memref<3328xi32, #tpu.memory_space<vmem>>[vector<16xi32>], vector<16xi32>,
    %swap3A_1125 = arith.constant 32 : index
    %swap3A_1126 = tpu.vector_load %arg11[%swap3A_1125] {strides = array<i32>} : memref<128xi32, #tpu.memory_space<vmem>>, vector<16xi32>,
    tpu.vector_store %arg11[%swap3A_1125], %gather3A_1124 {strides = array<i32>} : memref<128xi32, #tpu.memory_space<vmem>>, vector<16xi32>,
    %add3A_1127 = arith.constant 1265 : i32
    %add3A_1128 = vector.broadcast %add3A_1127 : i32 to vector<16xi32>
    %add3A_1129 = arith.addi %mul3A_5, %add3A_1128 : vector<16xi32>
    %gather3A_1130 = tpu.vector_load_idx %arg5[%add3A_1129] : memref<3328xi32, #tpu.memory_space<vmem>>[vector<16xi32>], vector<16xi32>,
    %swap3A_1131 = arith.constant 48 : index
    %swap3A_1132 = tpu.vector_load %arg11[%swap3A_1131] {strides = array<i32>} : memref<128xi32, #tpu.memory_space<vmem>>, vector<16xi32>,
    tpu.vector_store %arg11[%swap3A_1131], %gather3A_1130 {strides = array<i32>} : memref<128xi32, #tpu.memory_space<vmem>>, vector<16xi32>,
    %add3A_1133 = arith.constant 1681 : i32
    %add3A_1134 = vector.broadcast %add3A_1133 : i32 to vector<16xi32>
    %add3A_1135 = arith.addi %mul3A_5, %add3A_1134 : vector<16xi32>
    %gather3A_1136 = tpu.vector_load_idx %arg5[%add3A_1135] : memref<3328xi32, #tpu.memory_space<vmem>>[vector<16xi32>], vector<16xi32>,
    %swap3A_1137 = arith.constant 64 : index
    %swap3A_1138 = tpu.vector_load %arg11[%swap3A_1137] {strides = array<i32>} : memref<128xi32, #tpu.memory_space<vmem>>, vector<16xi32>,
    tpu.vector_store %arg11[%swap3A_1137], %gather3A_1136 {strides = array<i32>} : memref<128xi32, #tpu.memory_space<vmem>>, vector<16xi32>,
    %add3A_1139 = arith.constant 2097 : i32
    %add3A_1140 = vector.broadcast %add3A_1139 : i32 to vector<16xi32>
    %add3A_1141 = arith.addi %mul3A_5, %add3A_1140 : vector<16xi32>
    %gather3A_1142 = tpu.vector_load_idx %arg5[%add3A_1141] : memref<3328xi32, #tpu.memory_space<vmem>>[vector<16xi32>], vector<16xi32>,
    %swap3A_1143 = arith.constant 80 : index
    %swap3A_1144 = tpu.vector_load %arg11[%swap3A_1143] {strides = array<i32>} : memref<128xi32, #tpu.memory_space<vmem>>, vector<16xi32>,
    tpu.vector_store %arg11[%swap3A_1143], %gather3A_1142 {strides = array<i32>} : memref<128xi32, #tpu.memory_space<vmem>>, vector<16xi32>,
    %add3A_1145 = arith.constant 2513 : i32
    %add3A_1146 = vector.broadcast %add3A_1145 : i32 to vector<16xi32>
    %add3A_1147 = arith.addi %mul3A_5, %add3A_1146 : vector<16xi32>
    %gather3A_1148 = tpu.vector_load_idx %arg5[%add3A_1147] : memref<3328xi32, #tpu.memory_space<vmem>>[vector<16xi32>], vector<16xi32>,
    %swap3A_1149 = arith.constant 96 : index
    %swap3A_1150 = tpu.vector_load %arg11[%swap3A_1149] {strides = array<i32>} : memref<128xi32, #tpu.memory_space<vmem>>, vector<16xi32>,
    tpu.vector_store %arg11[%swap3A_1149], %gather3A_1148 {strides = array<i32>} : memref<128xi32, #tpu.memory_space<vmem>>, vector<16xi32>,
    %add3A_1151 = arith.constant 2929 : i32
    %add3A_1152 = vector.broadcast %add3A_1151 : i32 to vector<16xi32>
    %add3A_1153 = arith.addi %mul3A_5, %add3A_1152 : vector<16xi32>
    %gather3A_1154 = tpu.vector_load_idx %arg5[%add3A_1153] : memref<3328xi32, #tpu.memory_space<vmem>>[vector<16xi32>], vector<16xi32>,
    %swap3A_1155 = arith.constant 112 : index
    %swap3A_1156 = tpu.vector_load %arg11[%swap3A_1155] {strides = array<i32>} : memref<128xi32, #tpu.memory_space<vmem>>, vector<16xi32>,
    tpu.vector_store %arg11[%swap3A_1155], %gather3A_1154 {strides = array<i32>} : memref<128xi32, #tpu.memory_space<vmem>>, vector<16xi32>,
    %dma_start3A_1157 = arith.constant 0 : i32
    %dma_start3A_1158 = arith.constant 0 : i32
    %dma_start3A_1159 = tpu.memref_slice %arg2[%dma_start3A_1157, %dma_start3A_1158] : memref<1000000x128xf32, #tpu.memory_space<hbm>> -> memref<1000000x128xf32, #tpu.memory_space<hbm>>
    tpu.enqueue_indirect_dma source(%dma_start3A_1159 : memref<1000000x128xf32, #tpu.memory_space<hbm>>) target(%arg7 : memref<128x128xf32, #tpu.memory_space<vmem>>) offsets(%arg11 : memref<128xi32, #tpu.memory_space<vmem>>) semaphore(%arg15 : memref<!tpu.dma_semaphore, #tpu.memory_space<semaphore_mem>>)
    %dma_wait3A_1160 = arith.constant 0 : i32
    %dma_wait3A_1161 = arith.constant 0 : i32
    %dma_wait3A_1162 = tpu.memref_slice %arg2[%dma_wait3A_1160, %dma_wait3A_1161] : memref<1000000x128xf32, #tpu.memory_space<hbm>> -> memref<1000000x128xf32, #tpu.memory_space<hbm>>
    tpu.wait_indirect_dma semaphore(%arg16 : memref<!tpu.dma_semaphore, #tpu.memory_space<semaphore_mem>>) src(%dma_wait3A_1162 : memref<1000000x128xf32, #tpu.memory_space<hbm>>) dst(%arg8 : memref<128x128xf32, #tpu.memory_space<vmem>>)
    %dma_start3A_1163 = arith.constant 7 : i32
    %dma_start3A_1164 = arith.constant 0 : i32
    %dma_start3A_1165 = tpu.memref_slice %arg4[%dma_start3A_1163, %mul3A_7, %dma_start3A_1164] : memref<13x4096x256xf32, #tpu.memory_space<hbm>> -> memref<1x128x128xf32, #tpu.memory_space<hbm>>
    %dma_start3A_1166 = tpu.memref_squeeze %dma_start3A_1165 : memref<1x128x128xf32, #tpu.memory_space<hbm>> -> memref<128x128xf32, #tpu.memory_space<hbm>>
    %dma_start3A_1167 = arith.constant 0 : i32
    %dma_start3A_1168 = tpu.memref_slice %arg4[%dma_start3A_1163, %mul3A_7, %dma_start3A_1167] : memref<13x4096x256xf32, #tpu.memory_space<hbm>> -> memref<1x128x128xf32, #tpu.memory_space<hbm>>
    %dma_start3A_1169 = tpu.memref_squeeze %dma_start3A_1168 : memref<1x128x128xf32, #tpu.memory_space<hbm>> -> memref<128x128xf32, #tpu.memory_space<hbm>>
    tpu.enqueue_dma source(%arg8 : memref<128x128xf32, #tpu.memory_space<vmem>>) target(%dma_start3A_1169 : memref<128x128xf32, #tpu.memory_space<hbm>>) target_semaphore(%arg20 : memref<!tpu.dma_semaphore, #tpu.memory_space<semaphore_mem>>)
    %dma_wait3A_1170 = arith.constant 7 : i32
    %dma_wait3A_1171 = arith.constant 0 : i32
    %dma_wait3A_1172 = tpu.memref_slice %arg4[%dma_wait3A_1170, %mul3A_7, %dma_wait3A_1171] : memref<13x4096x256xf32, #tpu.memory_space<hbm>> -> memref<1x128x128xf32, #tpu.memory_space<hbm>>
    %dma_wait3A_1173 = tpu.memref_squeeze %dma_wait3A_1172 : memref<1x128x128xf32, #tpu.memory_space<hbm>> -> memref<128x128xf32, #tpu.memory_space<hbm>>
    %dma_wait3A_1174 = arith.constant 0 : i32
    %dma_wait3A_1175 = tpu.memref_slice %arg4[%dma_wait3A_1170, %mul3A_7, %dma_wait3A_1174] : memref<13x4096x256xf32, #tpu.memory_space<hbm>> -> memref<1x128x128xf32, #tpu.memory_space<hbm>>
    %dma_wait3A_1176 = tpu.memref_squeeze %dma_wait3A_1175 : memref<1x128x128xf32, #tpu.memory_space<hbm>> -> memref<128x128xf32, #tpu.memory_space<hbm>>
    tpu.wait_dma2 semaphore(%arg20 : memref<!tpu.dma_semaphore, #tpu.memory_space<semaphore_mem>>) src(%arg8 : memref<128x128xf32, #tpu.memory_space<vmem>>) dst(%dma_wait3A_1176 : memref<128x128xf32, #tpu.memory_space<hbm>>)
    %add3A_1177 = arith.constant 18 : i32
    %add3A_1178 = vector.broadcast %add3A_1177 : i32 to vector<16xi32>
    %add3A_1179 = arith.addi %mul3A_5, %add3A_1178 : vector<16xi32>
    %gather3A_1180 = tpu.vector_load_idx %arg5[%add3A_1179] : memref<3328xi32, #tpu.memory_space<vmem>>[vector<16xi32>], vector<16xi32>,
    %swap3A_1181 = arith.constant 0 : index
    %swap3A_1182 = tpu.vector_load %arg12[%swap3A_1181] {strides = array<i32>} : memref<128xi32, #tpu.memory_space<vmem>>, vector<16xi32>,
    tpu.vector_store %arg12[%swap3A_1181], %gather3A_1180 {strides = array<i32>} : memref<128xi32, #tpu.memory_space<vmem>>, vector<16xi32>,
    %add3A_1183 = arith.constant 434 : i32
    %add3A_1184 = vector.broadcast %add3A_1183 : i32 to vector<16xi32>
    %add3A_1185 = arith.addi %mul3A_5, %add3A_1184 : vector<16xi32>
    %gather3A_1186 = tpu.vector_load_idx %arg5[%add3A_1185] : memref<3328xi32, #tpu.memory_space<vmem>>[vector<16xi32>], vector<16xi32>,
    %swap3A_1187 = arith.constant 16 : index
    %swap3A_1188 = tpu.vector_load %arg12[%swap3A_1187] {strides = array<i32>} : memref<128xi32, #tpu.memory_space<vmem>>, vector<16xi32>,
    tpu.vector_store %arg12[%swap3A_1187], %gather3A_1186 {strides = array<i32>} : memref<128xi32, #tpu.memory_space<vmem>>, vector<16xi32>,
    %add3A_1189 = arith.constant 850 : i32
    %add3A_1190 = vector.broadcast %add3A_1189 : i32 to vector<16xi32>
    %add3A_1191 = arith.addi %mul3A_5, %add3A_1190 : vector<16xi32>
    %gather3A_1192 = tpu.vector_load_idx %arg5[%add3A_1191] : memref<3328xi32, #tpu.memory_space<vmem>>[vector<16xi32>], vector<16xi32>,
    %swap3A_1193 = arith.constant 32 : index
    %swap3A_1194 = tpu.vector_load %arg12[%swap3A_1193] {strides = array<i32>} : memref<128xi32, #tpu.memory_space<vmem>>, vector<16xi32>,
    tpu.vector_store %arg12[%swap3A_1193], %gather3A_1192 {strides = array<i32>} : memref<128xi32, #tpu.memory_space<vmem>>, vector<16xi32>,
    %add3A_1195 = arith.constant 1266 : i32
    %add3A_1196 = vector.broadcast %add3A_1195 : i32 to vector<16xi32>
    %add3A_1197 = arith.addi %mul3A_5, %add3A_1196 : vector<16xi32>
    %gather3A_1198 = tpu.vector_load_idx %arg5[%add3A_1197] : memref<3328xi32, #tpu.memory_space<vmem>>[vector<16xi32>], vector<16xi32>,
    %swap3A_1199 = arith.constant 48 : index
    %swap3A_1200 = tpu.vector_load %arg12[%swap3A_1199] {strides = array<i32>} : memref<128xi32, #tpu.memory_space<vmem>>, vector<16xi32>,
    tpu.vector_store %arg12[%swap3A_1199], %gather3A_1198 {strides = array<i32>} : memref<128xi32, #tpu.memory_space<vmem>>, vector<16xi32>,
    %add3A_1201 = arith.constant 1682 : i32
    %add3A_1202 = vector.broadcast %add3A_1201 : i32 to vector<16xi32>
    %add3A_1203 = arith.addi %mul3A_5, %add3A_1202 : vector<16xi32>
    %gather3A_1204 = tpu.vector_load_idx %arg5[%add3A_1203] : memref<3328xi32, #tpu.memory_space<vmem>>[vector<16xi32>], vector<16xi32>,
    %swap3A_1205 = arith.constant 64 : index
    %swap3A_1206 = tpu.vector_load %arg12[%swap3A_1205] {strides = array<i32>} : memref<128xi32, #tpu.memory_space<vmem>>, vector<16xi32>,
    tpu.vector_store %arg12[%swap3A_1205], %gather3A_1204 {strides = array<i32>} : memref<128xi32, #tpu.memory_space<vmem>>, vector<16xi32>,
    %add3A_1207 = arith.constant 2098 : i32
    %add3A_1208 = vector.broadcast %add3A_1207 : i32 to vector<16xi32>
    %add3A_1209 = arith.addi %mul3A_5, %add3A_1208 : vector<16xi32>
    %gather3A_1210 = tpu.vector_load_idx %arg5[%add3A_1209] : memref<3328xi32, #tpu.memory_space<vmem>>[vector<16xi32>], vector<16xi32>,
    %swap3A_1211 = arith.constant 80 : index
    %swap3A_1212 = tpu.vector_load %arg12[%swap3A_1211] {strides = array<i32>} : memref<128xi32, #tpu.memory_space<vmem>>, vector<16xi32>,
    tpu.vector_store %arg12[%swap3A_1211], %gather3A_1210 {strides = array<i32>} : memref<128xi32, #tpu.memory_space<vmem>>, vector<16xi32>,
    %add3A_1213 = arith.constant 2514 : i32
    %add3A_1214 = vector.broadcast %add3A_1213 : i32 to vector<16xi32>
    %add3A_1215 = arith.addi %mul3A_5, %add3A_1214 : vector<16xi32>
    %gather3A_1216 = tpu.vector_load_idx %arg5[%add3A_1215] : memref<3328xi32, #tpu.memory_space<vmem>>[vector<16xi32>], vector<16xi32>,
    %swap3A_1217 = arith.constant 96 : index
    %swap3A_1218 = tpu.vector_load %arg12[%swap3A_1217] {strides = array<i32>} : memref<128xi32, #tpu.memory_space<vmem>>, vector<16xi32>,
    tpu.vector_store %arg12[%swap3A_1217], %gather3A_1216 {strides = array<i32>} : memref<128xi32, #tpu.memory_space<vmem>>, vector<16xi32>,
    %add3A_1219 = arith.constant 2930 : i32
    %add3A_1220 = vector.broadcast %add3A_1219 : i32 to vector<16xi32>
    %add3A_1221 = arith.addi %mul3A_5, %add3A_1220 : vector<16xi32>
    %gather3A_1222 = tpu.vector_load_idx %arg5[%add3A_1221] : memref<3328xi32, #tpu.memory_space<vmem>>[vector<16xi32>], vector<16xi32>,
    %swap3A_1223 = arith.constant 112 : index
    %swap3A_1224 = tpu.vector_load %arg12[%swap3A_1223] {strides = array<i32>} : memref<128xi32, #tpu.memory_space<vmem>>, vector<16xi32>,
    tpu.vector_store %arg12[%swap3A_1223], %gather3A_1222 {strides = array<i32>} : memref<128xi32, #tpu.memory_space<vmem>>, vector<16xi32>,
    %dma_start3A_1225 = arith.constant 0 : i32
    %dma_start3A_1226 = arith.constant 0 : i32
    %dma_start3A_1227 = tpu.memref_slice %arg2[%dma_start3A_1225, %dma_start3A_1226] : memref<1000000x128xf32, #tpu.memory_space<hbm>> -> memref<1000000x128xf32, #tpu.memory_space<hbm>>
    tpu.enqueue_indirect_dma source(%dma_start3A_1227 : memref<1000000x128xf32, #tpu.memory_space<hbm>>) target(%arg8 : memref<128x128xf32, #tpu.memory_space<vmem>>) offsets(%arg12 : memref<128xi32, #tpu.memory_space<vmem>>) semaphore(%arg16 : memref<!tpu.dma_semaphore, #tpu.memory_space<semaphore_mem>>)
    %dma_wait3A_1228 = arith.constant 0 : i32
    %dma_wait3A_1229 = arith.constant 0 : i32
    %dma_wait3A_1230 = tpu.memref_slice %arg2[%dma_wait3A_1228, %dma_wait3A_1229] : memref<1000000x128xf32, #tpu.memory_space<hbm>> -> memref<1000000x128xf32, #tpu.memory_space<hbm>>
    tpu.wait_indirect_dma semaphore(%arg17 : memref<!tpu.dma_semaphore, #tpu.memory_space<semaphore_mem>>) src(%dma_wait3A_1230 : memref<1000000x128xf32, #tpu.memory_space<hbm>>) dst(%arg9 : memref<128x128xf32, #tpu.memory_space<vmem>>)
    %dma_start3A_1231 = arith.constant 7 : i32
    %dma_start3A_1232 = arith.constant 128 : i32
    %dma_start3A_1233 = tpu.memref_slice %arg4[%dma_start3A_1231, %mul3A_7, %dma_start3A_1232] : memref<13x4096x256xf32, #tpu.memory_space<hbm>> -> memref<1x128x128xf32, #tpu.memory_space<hbm>>
    %dma_start3A_1234 = tpu.memref_squeeze %dma_start3A_1233 : memref<1x128x128xf32, #tpu.memory_space<hbm>> -> memref<128x128xf32, #tpu.memory_space<hbm>>
    %dma_start3A_1235 = arith.constant 128 : i32
    %dma_start3A_1236 = tpu.memref_slice %arg4[%dma_start3A_1231, %mul3A_7, %dma_start3A_1235] : memref<13x4096x256xf32, #tpu.memory_space<hbm>> -> memref<1x128x128xf32, #tpu.memory_space<hbm>>
    %dma_start3A_1237 = tpu.memref_squeeze %dma_start3A_1236 : memref<1x128x128xf32, #tpu.memory_space<hbm>> -> memref<128x128xf32, #tpu.memory_space<hbm>>
    tpu.enqueue_dma source(%arg9 : memref<128x128xf32, #tpu.memory_space<vmem>>) target(%dma_start3A_1237 : memref<128x128xf32, #tpu.memory_space<hbm>>) target_semaphore(%arg21 : memref<!tpu.dma_semaphore, #tpu.memory_space<semaphore_mem>>)
    %dma_wait3A_1238 = arith.constant 7 : i32
    %dma_wait3A_1239 = arith.constant 128 : i32
    %dma_wait3A_1240 = tpu.memref_slice %arg4[%dma_wait3A_1238, %mul3A_7, %dma_wait3A_1239] : memref<13x4096x256xf32, #tpu.memory_space<hbm>> -> memref<1x128x128xf32, #tpu.memory_space<hbm>>
    %dma_wait3A_1241 = tpu.memref_squeeze %dma_wait3A_1240 : memref<1x128x128xf32, #tpu.memory_space<hbm>> -> memref<128x128xf32, #tpu.memory_space<hbm>>
    %dma_wait3A_1242 = arith.constant 128 : i32
    %dma_wait3A_1243 = tpu.memref_slice %arg4[%dma_wait3A_1238, %mul3A_7, %dma_wait3A_1242] : memref<13x4096x256xf32, #tpu.memory_space<hbm>> -> memref<1x128x128xf32, #tpu.memory_space<hbm>>
    %dma_wait3A_1244 = tpu.memref_squeeze %dma_wait3A_1243 : memref<1x128x128xf32, #tpu.memory_space<hbm>> -> memref<128x128xf32, #tpu.memory_space<hbm>>
    tpu.wait_dma2 semaphore(%arg21 : memref<!tpu.dma_semaphore, #tpu.memory_space<semaphore_mem>>) src(%arg9 : memref<128x128xf32, #tpu.memory_space<vmem>>) dst(%dma_wait3A_1244 : memref<128x128xf32, #tpu.memory_space<hbm>>)
    %add3A_1245 = arith.constant 19 : i32
    %add3A_1246 = vector.broadcast %add3A_1245 : i32 to vector<16xi32>
    %add3A_1247 = arith.addi %mul3A_5, %add3A_1246 : vector<16xi32>
    %gather3A_1248 = tpu.vector_load_idx %arg5[%add3A_1247] : memref<3328xi32, #tpu.memory_space<vmem>>[vector<16xi32>], vector<16xi32>,
    %swap3A_1249 = arith.constant 0 : index
    %swap3A_1250 = tpu.vector_load %arg13[%swap3A_1249] {strides = array<i32>} : memref<128xi32, #tpu.memory_space<vmem>>, vector<16xi32>,
    tpu.vector_store %arg13[%swap3A_1249], %gather3A_1248 {strides = array<i32>} : memref<128xi32, #tpu.memory_space<vmem>>, vector<16xi32>,
    %add3A_1251 = arith.constant 435 : i32
    %add3A_1252 = vector.broadcast %add3A_1251 : i32 to vector<16xi32>
    %add3A_1253 = arith.addi %mul3A_5, %add3A_1252 : vector<16xi32>
    %gather3A_1254 = tpu.vector_load_idx %arg5[%add3A_1253] : memref<3328xi32, #tpu.memory_space<vmem>>[vector<16xi32>], vector<16xi32>,
    %swap3A_1255 = arith.constant 16 : index
    %swap3A_1256 = tpu.vector_load %arg13[%swap3A_1255] {strides = array<i32>} : memref<128xi32, #tpu.memory_space<vmem>>, vector<16xi32>,
    tpu.vector_store %arg13[%swap3A_1255], %gather3A_1254 {strides = array<i32>} : memref<128xi32, #tpu.memory_space<vmem>>, vector<16xi32>,
    %add3A_1257 = arith.constant 851 : i32
    %add3A_1258 = vector.broadcast %add3A_1257 : i32 to vector<16xi32>
    %add3A_1259 = arith.addi %mul3A_5, %add3A_1258 : vector<16xi32>
    %gather3A_1260 = tpu.vector_load_idx %arg5[%add3A_1259] : memref<3328xi32, #tpu.memory_space<vmem>>[vector<16xi32>], vector<16xi32>,
    %swap3A_1261 = arith.constant 32 : index
    %swap3A_1262 = tpu.vector_load %arg13[%swap3A_1261] {strides = array<i32>} : memref<128xi32, #tpu.memory_space<vmem>>, vector<16xi32>,
    tpu.vector_store %arg13[%swap3A_1261], %gather3A_1260 {strides = array<i32>} : memref<128xi32, #tpu.memory_space<vmem>>, vector<16xi32>,
    %add3A_1263 = arith.constant 1267 : i32
    %add3A_1264 = vector.broadcast %add3A_1263 : i32 to vector<16xi32>
    %add3A_1265 = arith.addi %mul3A_5, %add3A_1264 : vector<16xi32>
    %gather3A_1266 = tpu.vector_load_idx %arg5[%add3A_1265] : memref<3328xi32, #tpu.memory_space<vmem>>[vector<16xi32>], vector<16xi32>,
    %swap3A_1267 = arith.constant 48 : index
    %swap3A_1268 = tpu.vector_load %arg13[%swap3A_1267] {strides = array<i32>} : memref<128xi32, #tpu.memory_space<vmem>>, vector<16xi32>,
    tpu.vector_store %arg13[%swap3A_1267], %gather3A_1266 {strides = array<i32>} : memref<128xi32, #tpu.memory_space<vmem>>, vector<16xi32>,
    %add3A_1269 = arith.constant 1683 : i32
    %add3A_1270 = vector.broadcast %add3A_1269 : i32 to vector<16xi32>
    %add3A_1271 = arith.addi %mul3A_5, %add3A_1270 : vector<16xi32>
    %gather3A_1272 = tpu.vector_load_idx %arg5[%add3A_1271] : memref<3328xi32, #tpu.memory_space<vmem>>[vector<16xi32>], vector<16xi32>,
    %swap3A_1273 = arith.constant 64 : index
    %swap3A_1274 = tpu.vector_load %arg13[%swap3A_1273] {strides = array<i32>} : memref<128xi32, #tpu.memory_space<vmem>>, vector<16xi32>,
    tpu.vector_store %arg13[%swap3A_1273], %gather3A_1272 {strides = array<i32>} : memref<128xi32, #tpu.memory_space<vmem>>, vector<16xi32>,
    %add3A_1275 = arith.constant 2099 : i32
    %add3A_1276 = vector.broadcast %add3A_1275 : i32 to vector<16xi32>
    %add3A_1277 = arith.addi %mul3A_5, %add3A_1276 : vector<16xi32>
    %gather3A_1278 = tpu.vector_load_idx %arg5[%add3A_1277] : memref<3328xi32, #tpu.memory_space<vmem>>[vector<16xi32>], vector<16xi32>,
    %swap3A_1279 = arith.constant 80 : index
    %swap3A_1280 = tpu.vector_load %arg13[%swap3A_1279] {strides = array<i32>} : memref<128xi32, #tpu.memory_space<vmem>>, vector<16xi32>,
    tpu.vector_store %arg13[%swap3A_1279], %gather3A_1278 {strides = array<i32>} : memref<128xi32, #tpu.memory_space<vmem>>, vector<16xi32>,
    %add3A_1281 = arith.constant 2515 : i32
    %add3A_1282 = vector.broadcast %add3A_1281 : i32 to vector<16xi32>
    %add3A_1283 = arith.addi %mul3A_5, %add3A_1282 : vector<16xi32>
    %gather3A_1284 = tpu.vector_load_idx %arg5[%add3A_1283] : memref<3328xi32, #tpu.memory_space<vmem>>[vector<16xi32>], vector<16xi32>,
    %swap3A_1285 = arith.constant 96 : index
    %swap3A_1286 = tpu.vector_load %arg13[%swap3A_1285] {strides = array<i32>} : memref<128xi32, #tpu.memory_space<vmem>>, vector<16xi32>,
    tpu.vector_store %arg13[%swap3A_1285], %gather3A_1284 {strides = array<i32>} : memref<128xi32, #tpu.memory_space<vmem>>, vector<16xi32>,
    %add3A_1287 = arith.constant 2931 : i32
    %add3A_1288 = vector.broadcast %add3A_1287 : i32 to vector<16xi32>
    %add3A_1289 = arith.addi %mul3A_5, %add3A_1288 : vector<16xi32>
    %gather3A_1290 = tpu.vector_load_idx %arg5[%add3A_1289] : memref<3328xi32, #tpu.memory_space<vmem>>[vector<16xi32>], vector<16xi32>,
    %swap3A_1291 = arith.constant 112 : index
    %swap3A_1292 = tpu.vector_load %arg13[%swap3A_1291] {strides = array<i32>} : memref<128xi32, #tpu.memory_space<vmem>>, vector<16xi32>,
    tpu.vector_store %arg13[%swap3A_1291], %gather3A_1290 {strides = array<i32>} : memref<128xi32, #tpu.memory_space<vmem>>, vector<16xi32>,
    %dma_start3A_1293 = arith.constant 0 : i32
    %dma_start3A_1294 = arith.constant 0 : i32
    %dma_start3A_1295 = tpu.memref_slice %arg2[%dma_start3A_1293, %dma_start3A_1294] : memref<1000000x128xf32, #tpu.memory_space<hbm>> -> memref<1000000x128xf32, #tpu.memory_space<hbm>>
    tpu.enqueue_indirect_dma source(%dma_start3A_1295 : memref<1000000x128xf32, #tpu.memory_space<hbm>>) target(%arg9 : memref<128x128xf32, #tpu.memory_space<vmem>>) offsets(%arg13 : memref<128xi32, #tpu.memory_space<vmem>>) semaphore(%arg17 : memref<!tpu.dma_semaphore, #tpu.memory_space<semaphore_mem>>)
    %dma_wait3A_1296 = arith.constant 0 : i32
    %dma_wait3A_1297 = arith.constant 0 : i32
    %dma_wait3A_1298 = tpu.memref_slice %arg2[%dma_wait3A_1296, %dma_wait3A_1297] : memref<1000000x128xf32, #tpu.memory_space<hbm>> -> memref<1000000x128xf32, #tpu.memory_space<hbm>>
    tpu.wait_indirect_dma semaphore(%arg14 : memref<!tpu.dma_semaphore, #tpu.memory_space<semaphore_mem>>) src(%dma_wait3A_1298 : memref<1000000x128xf32, #tpu.memory_space<hbm>>) dst(%arg6 : memref<128x128xf32, #tpu.memory_space<vmem>>)
    %dma_start3A_1299 = arith.constant 8 : i32
    %dma_start3A_1300 = arith.constant 0 : i32
    %dma_start3A_1301 = tpu.memref_slice %arg4[%dma_start3A_1299, %mul3A_7, %dma_start3A_1300] : memref<13x4096x256xf32, #tpu.memory_space<hbm>> -> memref<1x128x128xf32, #tpu.memory_space<hbm>>
    %dma_start3A_1302 = tpu.memref_squeeze %dma_start3A_1301 : memref<1x128x128xf32, #tpu.memory_space<hbm>> -> memref<128x128xf32, #tpu.memory_space<hbm>>
    %dma_start3A_1303 = arith.constant 0 : i32
    %dma_start3A_1304 = tpu.memref_slice %arg4[%dma_start3A_1299, %mul3A_7, %dma_start3A_1303] : memref<13x4096x256xf32, #tpu.memory_space<hbm>> -> memref<1x128x128xf32, #tpu.memory_space<hbm>>
    %dma_start3A_1305 = tpu.memref_squeeze %dma_start3A_1304 : memref<1x128x128xf32, #tpu.memory_space<hbm>> -> memref<128x128xf32, #tpu.memory_space<hbm>>
    tpu.enqueue_dma source(%arg6 : memref<128x128xf32, #tpu.memory_space<vmem>>) target(%dma_start3A_1305 : memref<128x128xf32, #tpu.memory_space<hbm>>) target_semaphore(%arg18 : memref<!tpu.dma_semaphore, #tpu.memory_space<semaphore_mem>>)
    %dma_wait3A_1306 = arith.constant 8 : i32
    %dma_wait3A_1307 = arith.constant 0 : i32
    %dma_wait3A_1308 = tpu.memref_slice %arg4[%dma_wait3A_1306, %mul3A_7, %dma_wait3A_1307] : memref<13x4096x256xf32, #tpu.memory_space<hbm>> -> memref<1x128x128xf32, #tpu.memory_space<hbm>>
    %dma_wait3A_1309 = tpu.memref_squeeze %dma_wait3A_1308 : memref<1x128x128xf32, #tpu.memory_space<hbm>> -> memref<128x128xf32, #tpu.memory_space<hbm>>
    %dma_wait3A_1310 = arith.constant 0 : i32
    %dma_wait3A_1311 = tpu.memref_slice %arg4[%dma_wait3A_1306, %mul3A_7, %dma_wait3A_1310] : memref<13x4096x256xf32, #tpu.memory_space<hbm>> -> memref<1x128x128xf32, #tpu.memory_space<hbm>>
    %dma_wait3A_1312 = tpu.memref_squeeze %dma_wait3A_1311 : memref<1x128x128xf32, #tpu.memory_space<hbm>> -> memref<128x128xf32, #tpu.memory_space<hbm>>
    tpu.wait_dma2 semaphore(%arg18 : memref<!tpu.dma_semaphore, #tpu.memory_space<semaphore_mem>>) src(%arg6 : memref<128x128xf32, #tpu.memory_space<vmem>>) dst(%dma_wait3A_1312 : memref<128x128xf32, #tpu.memory_space<hbm>>)
    %add3A_1313 = arith.constant 20 : i32
    %add3A_1314 = vector.broadcast %add3A_1313 : i32 to vector<16xi32>
    %add3A_1315 = arith.addi %mul3A_5, %add3A_1314 : vector<16xi32>
    %gather3A_1316 = tpu.vector_load_idx %arg5[%add3A_1315] : memref<3328xi32, #tpu.memory_space<vmem>>[vector<16xi32>], vector<16xi32>,
    %swap3A_1317 = arith.constant 0 : index
    %swap3A_1318 = tpu.vector_load %arg10[%swap3A_1317] {strides = array<i32>} : memref<128xi32, #tpu.memory_space<vmem>>, vector<16xi32>,
    tpu.vector_store %arg10[%swap3A_1317], %gather3A_1316 {strides = array<i32>} : memref<128xi32, #tpu.memory_space<vmem>>, vector<16xi32>,
    %add3A_1319 = arith.constant 436 : i32
    %add3A_1320 = vector.broadcast %add3A_1319 : i32 to vector<16xi32>
    %add3A_1321 = arith.addi %mul3A_5, %add3A_1320 : vector<16xi32>
    %gather3A_1322 = tpu.vector_load_idx %arg5[%add3A_1321] : memref<3328xi32, #tpu.memory_space<vmem>>[vector<16xi32>], vector<16xi32>,
    %swap3A_1323 = arith.constant 16 : index
    %swap3A_1324 = tpu.vector_load %arg10[%swap3A_1323] {strides = array<i32>} : memref<128xi32, #tpu.memory_space<vmem>>, vector<16xi32>,
    tpu.vector_store %arg10[%swap3A_1323], %gather3A_1322 {strides = array<i32>} : memref<128xi32, #tpu.memory_space<vmem>>, vector<16xi32>,
    %add3A_1325 = arith.constant 852 : i32
    %add3A_1326 = vector.broadcast %add3A_1325 : i32 to vector<16xi32>
    %add3A_1327 = arith.addi %mul3A_5, %add3A_1326 : vector<16xi32>
    %gather3A_1328 = tpu.vector_load_idx %arg5[%add3A_1327] : memref<3328xi32, #tpu.memory_space<vmem>>[vector<16xi32>], vector<16xi32>,
    %swap3A_1329 = arith.constant 32 : index
    %swap3A_1330 = tpu.vector_load %arg10[%swap3A_1329] {strides = array<i32>} : memref<128xi32, #tpu.memory_space<vmem>>, vector<16xi32>,
    tpu.vector_store %arg10[%swap3A_1329], %gather3A_1328 {strides = array<i32>} : memref<128xi32, #tpu.memory_space<vmem>>, vector<16xi32>,
    %add3A_1331 = arith.constant 1268 : i32
    %add3A_1332 = vector.broadcast %add3A_1331 : i32 to vector<16xi32>
    %add3A_1333 = arith.addi %mul3A_5, %add3A_1332 : vector<16xi32>
    %gather3A_1334 = tpu.vector_load_idx %arg5[%add3A_1333] : memref<3328xi32, #tpu.memory_space<vmem>>[vector<16xi32>], vector<16xi32>,
    %swap3A_1335 = arith.constant 48 : index
    %swap3A_1336 = tpu.vector_load %arg10[%swap3A_1335] {strides = array<i32>} : memref<128xi32, #tpu.memory_space<vmem>>, vector<16xi32>,
    tpu.vector_store %arg10[%swap3A_1335], %gather3A_1334 {strides = array<i32>} : memref<128xi32, #tpu.memory_space<vmem>>, vector<16xi32>,
    %add3A_1337 = arith.constant 1684 : i32
    %add3A_1338 = vector.broadcast %add3A_1337 : i32 to vector<16xi32>
    %add3A_1339 = arith.addi %mul3A_5, %add3A_1338 : vector<16xi32>
    %gather3A_1340 = tpu.vector_load_idx %arg5[%add3A_1339] : memref<3328xi32, #tpu.memory_space<vmem>>[vector<16xi32>], vector<16xi32>,
    %swap3A_1341 = arith.constant 64 : index
    %swap3A_1342 = tpu.vector_load %arg10[%swap3A_1341] {strides = array<i32>} : memref<128xi32, #tpu.memory_space<vmem>>, vector<16xi32>,
    tpu.vector_store %arg10[%swap3A_1341], %gather3A_1340 {strides = array<i32>} : memref<128xi32, #tpu.memory_space<vmem>>, vector<16xi32>,
    %add3A_1343 = arith.constant 2100 : i32
    %add3A_1344 = vector.broadcast %add3A_1343 : i32 to vector<16xi32>
    %add3A_1345 = arith.addi %mul3A_5, %add3A_1344 : vector<16xi32>
    %gather3A_1346 = tpu.vector_load_idx %arg5[%add3A_1345] : memref<3328xi32, #tpu.memory_space<vmem>>[vector<16xi32>], vector<16xi32>,
    %swap3A_1347 = arith.constant 80 : index
    %swap3A_1348 = tpu.vector_load %arg10[%swap3A_1347] {strides = array<i32>} : memref<128xi32, #tpu.memory_space<vmem>>, vector<16xi32>,
    tpu.vector_store %arg10[%swap3A_1347], %gather3A_1346 {strides = array<i32>} : memref<128xi32, #tpu.memory_space<vmem>>, vector<16xi32>,
    %add3A_1349 = arith.constant 2516 : i32
    %add3A_1350 = vector.broadcast %add3A_1349 : i32 to vector<16xi32>
    %add3A_1351 = arith.addi %mul3A_5, %add3A_1350 : vector<16xi32>
    %gather3A_1352 = tpu.vector_load_idx %arg5[%add3A_1351] : memref<3328xi32, #tpu.memory_space<vmem>>[vector<16xi32>], vector<16xi32>,
    %swap3A_1353 = arith.constant 96 : index
    %swap3A_1354 = tpu.vector_load %arg10[%swap3A_1353] {strides = array<i32>} : memref<128xi32, #tpu.memory_space<vmem>>, vector<16xi32>,
    tpu.vector_store %arg10[%swap3A_1353], %gather3A_1352 {strides = array<i32>} : memref<128xi32, #tpu.memory_space<vmem>>, vector<16xi32>,
    %add3A_1355 = arith.constant 2932 : i32
    %add3A_1356 = vector.broadcast %add3A_1355 : i32 to vector<16xi32>
    %add3A_1357 = arith.addi %mul3A_5, %add3A_1356 : vector<16xi32>
    %gather3A_1358 = tpu.vector_load_idx %arg5[%add3A_1357] : memref<3328xi32, #tpu.memory_space<vmem>>[vector<16xi32>], vector<16xi32>,
    %swap3A_1359 = arith.constant 112 : index
    %swap3A_1360 = tpu.vector_load %arg10[%swap3A_1359] {strides = array<i32>} : memref<128xi32, #tpu.memory_space<vmem>>, vector<16xi32>,
    tpu.vector_store %arg10[%swap3A_1359], %gather3A_1358 {strides = array<i32>} : memref<128xi32, #tpu.memory_space<vmem>>, vector<16xi32>,
    %dma_start3A_1361 = arith.constant 0 : i32
    %dma_start3A_1362 = arith.constant 0 : i32
    %dma_start3A_1363 = tpu.memref_slice %arg2[%dma_start3A_1361, %dma_start3A_1362] : memref<1000000x128xf32, #tpu.memory_space<hbm>> -> memref<1000000x128xf32, #tpu.memory_space<hbm>>
    tpu.enqueue_indirect_dma source(%dma_start3A_1363 : memref<1000000x128xf32, #tpu.memory_space<hbm>>) target(%arg6 : memref<128x128xf32, #tpu.memory_space<vmem>>) offsets(%arg10 : memref<128xi32, #tpu.memory_space<vmem>>) semaphore(%arg14 : memref<!tpu.dma_semaphore, #tpu.memory_space<semaphore_mem>>)
    %dma_wait3A_1364 = arith.constant 0 : i32
    %dma_wait3A_1365 = arith.constant 0 : i32
    %dma_wait3A_1366 = tpu.memref_slice %arg2[%dma_wait3A_1364, %dma_wait3A_1365] : memref<1000000x128xf32, #tpu.memory_space<hbm>> -> memref<1000000x128xf32, #tpu.memory_space<hbm>>
    tpu.wait_indirect_dma semaphore(%arg15 : memref<!tpu.dma_semaphore, #tpu.memory_space<semaphore_mem>>) src(%dma_wait3A_1366 : memref<1000000x128xf32, #tpu.memory_space<hbm>>) dst(%arg7 : memref<128x128xf32, #tpu.memory_space<vmem>>)
    %dma_start3A_1367 = arith.constant 8 : i32
    %dma_start3A_1368 = arith.constant 128 : i32
    %dma_start3A_1369 = tpu.memref_slice %arg4[%dma_start3A_1367, %mul3A_7, %dma_start3A_1368] : memref<13x4096x256xf32, #tpu.memory_space<hbm>> -> memref<1x128x128xf32, #tpu.memory_space<hbm>>
    %dma_start3A_1370 = tpu.memref_squeeze %dma_start3A_1369 : memref<1x128x128xf32, #tpu.memory_space<hbm>> -> memref<128x128xf32, #tpu.memory_space<hbm>>
    %dma_start3A_1371 = arith.constant 128 : i32
    %dma_start3A_1372 = tpu.memref_slice %arg4[%dma_start3A_1367, %mul3A_7, %dma_start3A_1371] : memref<13x4096x256xf32, #tpu.memory_space<hbm>> -> memref<1x128x128xf32, #tpu.memory_space<hbm>>
    %dma_start3A_1373 = tpu.memref_squeeze %dma_start3A_1372 : memref<1x128x128xf32, #tpu.memory_space<hbm>> -> memref<128x128xf32, #tpu.memory_space<hbm>>
    tpu.enqueue_dma source(%arg7 : memref<128x128xf32, #tpu.memory_space<vmem>>) target(%dma_start3A_1373 : memref<128x128xf32, #tpu.memory_space<hbm>>) target_semaphore(%arg19 : memref<!tpu.dma_semaphore, #tpu.memory_space<semaphore_mem>>)
    %dma_wait3A_1374 = arith.constant 8 : i32
    %dma_wait3A_1375 = arith.constant 128 : i32
    %dma_wait3A_1376 = tpu.memref_slice %arg4[%dma_wait3A_1374, %mul3A_7, %dma_wait3A_1375] : memref<13x4096x256xf32, #tpu.memory_space<hbm>> -> memref<1x128x128xf32, #tpu.memory_space<hbm>>
    %dma_wait3A_1377 = tpu.memref_squeeze %dma_wait3A_1376 : memref<1x128x128xf32, #tpu.memory_space<hbm>> -> memref<128x128xf32, #tpu.memory_space<hbm>>
    %dma_wait3A_1378 = arith.constant 128 : i32
    %dma_wait3A_1379 = tpu.memref_slice %arg4[%dma_wait3A_1374, %mul3A_7, %dma_wait3A_1378] : memref<13x4096x256xf32, #tpu.memory_space<hbm>> -> memref<1x128x128xf32, #tpu.memory_space<hbm>>
    %dma_wait3A_1380 = tpu.memref_squeeze %dma_wait3A_1379 : memref<1x128x128xf32, #tpu.memory_space<hbm>> -> memref<128x128xf32, #tpu.memory_space<hbm>>
    tpu.wait_dma2 semaphore(%arg19 : memref<!tpu.dma_semaphore, #tpu.memory_space<semaphore_mem>>) src(%arg7 : memref<128x128xf32, #tpu.memory_space<vmem>>) dst(%dma_wait3A_1380 : memref<128x128xf32, #tpu.memory_space<hbm>>)
    %add3A_1381 = arith.constant 21 : i32
    %add3A_1382 = vector.broadcast %add3A_1381 : i32 to vector<16xi32>
    %add3A_1383 = arith.addi %mul3A_5, %add3A_1382 : vector<16xi32>
    %gather3A_1384 = tpu.vector_load_idx %arg5[%add3A_1383] : memref<3328xi32, #tpu.memory_space<vmem>>[vector<16xi32>], vector<16xi32>,
    %swap3A_1385 = arith.constant 0 : index
    %swap3A_1386 = tpu.vector_load %arg11[%swap3A_1385] {strides = array<i32>} : memref<128xi32, #tpu.memory_space<vmem>>, vector<16xi32>,
    tpu.vector_store %arg11[%swap3A_1385], %gather3A_1384 {strides = array<i32>} : memref<128xi32, #tpu.memory_space<vmem>>, vector<16xi32>,
    %add3A_1387 = arith.constant 437 : i32
    %add3A_1388 = vector.broadcast %add3A_1387 : i32 to vector<16xi32>
    %add3A_1389 = arith.addi %mul3A_5, %add3A_1388 : vector<16xi32>
    %gather3A_1390 = tpu.vector_load_idx %arg5[%add3A_1389] : memref<3328xi32, #tpu.memory_space<vmem>>[vector<16xi32>], vector<16xi32>,
    %swap3A_1391 = arith.constant 16 : index
    %swap3A_1392 = tpu.vector_load %arg11[%swap3A_1391] {strides = array<i32>} : memref<128xi32, #tpu.memory_space<vmem>>, vector<16xi32>,
    tpu.vector_store %arg11[%swap3A_1391], %gather3A_1390 {strides = array<i32>} : memref<128xi32, #tpu.memory_space<vmem>>, vector<16xi32>,
    %add3A_1393 = arith.constant 853 : i32
    %add3A_1394 = vector.broadcast %add3A_1393 : i32 to vector<16xi32>
    %add3A_1395 = arith.addi %mul3A_5, %add3A_1394 : vector<16xi32>
    %gather3A_1396 = tpu.vector_load_idx %arg5[%add3A_1395] : memref<3328xi32, #tpu.memory_space<vmem>>[vector<16xi32>], vector<16xi32>,
    %swap3A_1397 = arith.constant 32 : index
    %swap3A_1398 = tpu.vector_load %arg11[%swap3A_1397] {strides = array<i32>} : memref<128xi32, #tpu.memory_space<vmem>>, vector<16xi32>,
    tpu.vector_store %arg11[%swap3A_1397], %gather3A_1396 {strides = array<i32>} : memref<128xi32, #tpu.memory_space<vmem>>, vector<16xi32>,
    %add3A_1399 = arith.constant 1269 : i32
    %add3A_1400 = vector.broadcast %add3A_1399 : i32 to vector<16xi32>
    %add3A_1401 = arith.addi %mul3A_5, %add3A_1400 : vector<16xi32>
    %gather3A_1402 = tpu.vector_load_idx %arg5[%add3A_1401] : memref<3328xi32, #tpu.memory_space<vmem>>[vector<16xi32>], vector<16xi32>,
    %swap3A_1403 = arith.constant 48 : index
    %swap3A_1404 = tpu.vector_load %arg11[%swap3A_1403] {strides = array<i32>} : memref<128xi32, #tpu.memory_space<vmem>>, vector<16xi32>,
    tpu.vector_store %arg11[%swap3A_1403], %gather3A_1402 {strides = array<i32>} : memref<128xi32, #tpu.memory_space<vmem>>, vector<16xi32>,
    %add3A_1405 = arith.constant 1685 : i32
    %add3A_1406 = vector.broadcast %add3A_1405 : i32 to vector<16xi32>
    %add3A_1407 = arith.addi %mul3A_5, %add3A_1406 : vector<16xi32>
    %gather3A_1408 = tpu.vector_load_idx %arg5[%add3A_1407] : memref<3328xi32, #tpu.memory_space<vmem>>[vector<16xi32>], vector<16xi32>,
    %swap3A_1409 = arith.constant 64 : index
    %swap3A_1410 = tpu.vector_load %arg11[%swap3A_1409] {strides = array<i32>} : memref<128xi32, #tpu.memory_space<vmem>>, vector<16xi32>,
    tpu.vector_store %arg11[%swap3A_1409], %gather3A_1408 {strides = array<i32>} : memref<128xi32, #tpu.memory_space<vmem>>, vector<16xi32>,
    %add3A_1411 = arith.constant 2101 : i32
    %add3A_1412 = vector.broadcast %add3A_1411 : i32 to vector<16xi32>
    %add3A_1413 = arith.addi %mul3A_5, %add3A_1412 : vector<16xi32>
    %gather3A_1414 = tpu.vector_load_idx %arg5[%add3A_1413] : memref<3328xi32, #tpu.memory_space<vmem>>[vector<16xi32>], vector<16xi32>,
    %swap3A_1415 = arith.constant 80 : index
    %swap3A_1416 = tpu.vector_load %arg11[%swap3A_1415] {strides = array<i32>} : memref<128xi32, #tpu.memory_space<vmem>>, vector<16xi32>,
    tpu.vector_store %arg11[%swap3A_1415], %gather3A_1414 {strides = array<i32>} : memref<128xi32, #tpu.memory_space<vmem>>, vector<16xi32>,
    %add3A_1417 = arith.constant 2517 : i32
    %add3A_1418 = vector.broadcast %add3A_1417 : i32 to vector<16xi32>
    %add3A_1419 = arith.addi %mul3A_5, %add3A_1418 : vector<16xi32>
    %gather3A_1420 = tpu.vector_load_idx %arg5[%add3A_1419] : memref<3328xi32, #tpu.memory_space<vmem>>[vector<16xi32>], vector<16xi32>,
    %swap3A_1421 = arith.constant 96 : index
    %swap3A_1422 = tpu.vector_load %arg11[%swap3A_1421] {strides = array<i32>} : memref<128xi32, #tpu.memory_space<vmem>>, vector<16xi32>,
    tpu.vector_store %arg11[%swap3A_1421], %gather3A_1420 {strides = array<i32>} : memref<128xi32, #tpu.memory_space<vmem>>, vector<16xi32>,
    %add3A_1423 = arith.constant 2933 : i32
    %add3A_1424 = vector.broadcast %add3A_1423 : i32 to vector<16xi32>
    %add3A_1425 = arith.addi %mul3A_5, %add3A_1424 : vector<16xi32>
    %gather3A_1426 = tpu.vector_load_idx %arg5[%add3A_1425] : memref<3328xi32, #tpu.memory_space<vmem>>[vector<16xi32>], vector<16xi32>,
    %swap3A_1427 = arith.constant 112 : index
    %swap3A_1428 = tpu.vector_load %arg11[%swap3A_1427] {strides = array<i32>} : memref<128xi32, #tpu.memory_space<vmem>>, vector<16xi32>,
    tpu.vector_store %arg11[%swap3A_1427], %gather3A_1426 {strides = array<i32>} : memref<128xi32, #tpu.memory_space<vmem>>, vector<16xi32>,
    %dma_start3A_1429 = arith.constant 0 : i32
    %dma_start3A_1430 = arith.constant 0 : i32
    %dma_start3A_1431 = tpu.memref_slice %arg2[%dma_start3A_1429, %dma_start3A_1430] : memref<1000000x128xf32, #tpu.memory_space<hbm>> -> memref<1000000x128xf32, #tpu.memory_space<hbm>>
    tpu.enqueue_indirect_dma source(%dma_start3A_1431 : memref<1000000x128xf32, #tpu.memory_space<hbm>>) target(%arg7 : memref<128x128xf32, #tpu.memory_space<vmem>>) offsets(%arg11 : memref<128xi32, #tpu.memory_space<vmem>>) semaphore(%arg15 : memref<!tpu.dma_semaphore, #tpu.memory_space<semaphore_mem>>)
    %dma_wait3A_1432 = arith.constant 0 : i32
    %dma_wait3A_1433 = arith.constant 0 : i32
    %dma_wait3A_1434 = tpu.memref_slice %arg2[%dma_wait3A_1432, %dma_wait3A_1433] : memref<1000000x128xf32, #tpu.memory_space<hbm>> -> memref<1000000x128xf32, #tpu.memory_space<hbm>>
    tpu.wait_indirect_dma semaphore(%arg16 : memref<!tpu.dma_semaphore, #tpu.memory_space<semaphore_mem>>) src(%dma_wait3A_1434 : memref<1000000x128xf32, #tpu.memory_space<hbm>>) dst(%arg8 : memref<128x128xf32, #tpu.memory_space<vmem>>)
    %dma_start3A_1435 = arith.constant 9 : i32
    %dma_start3A_1436 = arith.constant 0 : i32
    %dma_start3A_1437 = tpu.memref_slice %arg4[%dma_start3A_1435, %mul3A_7, %dma_start3A_1436] : memref<13x4096x256xf32, #tpu.memory_space<hbm>> -> memref<1x128x128xf32, #tpu.memory_space<hbm>>
    %dma_start3A_1438 = tpu.memref_squeeze %dma_start3A_1437 : memref<1x128x128xf32, #tpu.memory_space<hbm>> -> memref<128x128xf32, #tpu.memory_space<hbm>>
    %dma_start3A_1439 = arith.constant 0 : i32
    %dma_start3A_1440 = tpu.memref_slice %arg4[%dma_start3A_1435, %mul3A_7, %dma_start3A_1439] : memref<13x4096x256xf32, #tpu.memory_space<hbm>> -> memref<1x128x128xf32, #tpu.memory_space<hbm>>
    %dma_start3A_1441 = tpu.memref_squeeze %dma_start3A_1440 : memref<1x128x128xf32, #tpu.memory_space<hbm>> -> memref<128x128xf32, #tpu.memory_space<hbm>>
    tpu.enqueue_dma source(%arg8 : memref<128x128xf32, #tpu.memory_space<vmem>>) target(%dma_start3A_1441 : memref<128x128xf32, #tpu.memory_space<hbm>>) target_semaphore(%arg20 : memref<!tpu.dma_semaphore, #tpu.memory_space<semaphore_mem>>)
    %dma_wait3A_1442 = arith.constant 9 : i32
    %dma_wait3A_1443 = arith.constant 0 : i32
    %dma_wait3A_1444 = tpu.memref_slice %arg4[%dma_wait3A_1442, %mul3A_7, %dma_wait3A_1443] : memref<13x4096x256xf32, #tpu.memory_space<hbm>> -> memref<1x128x128xf32, #tpu.memory_space<hbm>>
    %dma_wait3A_1445 = tpu.memref_squeeze %dma_wait3A_1444 : memref<1x128x128xf32, #tpu.memory_space<hbm>> -> memref<128x128xf32, #tpu.memory_space<hbm>>
    %dma_wait3A_1446 = arith.constant 0 : i32
    %dma_wait3A_1447 = tpu.memref_slice %arg4[%dma_wait3A_1442, %mul3A_7, %dma_wait3A_1446] : memref<13x4096x256xf32, #tpu.memory_space<hbm>> -> memref<1x128x128xf32, #tpu.memory_space<hbm>>
    %dma_wait3A_1448 = tpu.memref_squeeze %dma_wait3A_1447 : memref<1x128x128xf32, #tpu.memory_space<hbm>> -> memref<128x128xf32, #tpu.memory_space<hbm>>
    tpu.wait_dma2 semaphore(%arg20 : memref<!tpu.dma_semaphore, #tpu.memory_space<semaphore_mem>>) src(%arg8 : memref<128x128xf32, #tpu.memory_space<vmem>>) dst(%dma_wait3A_1448 : memref<128x128xf32, #tpu.memory_space<hbm>>)
    %add3A_1449 = arith.constant 22 : i32
    %add3A_1450 = vector.broadcast %add3A_1449 : i32 to vector<16xi32>
    %add3A_1451 = arith.addi %mul3A_5, %add3A_1450 : vector<16xi32>
    %gather3A_1452 = tpu.vector_load_idx %arg5[%add3A_1451] : memref<3328xi32, #tpu.memory_space<vmem>>[vector<16xi32>], vector<16xi32>,
    %swap3A_1453 = arith.constant 0 : index
    %swap3A_1454 = tpu.vector_load %arg12[%swap3A_1453] {strides = array<i32>} : memref<128xi32, #tpu.memory_space<vmem>>, vector<16xi32>,
    tpu.vector_store %arg12[%swap3A_1453], %gather3A_1452 {strides = array<i32>} : memref<128xi32, #tpu.memory_space<vmem>>, vector<16xi32>,
    %add3A_1455 = arith.constant 438 : i32
    %add3A_1456 = vector.broadcast %add3A_1455 : i32 to vector<16xi32>
    %add3A_1457 = arith.addi %mul3A_5, %add3A_1456 : vector<16xi32>
    %gather3A_1458 = tpu.vector_load_idx %arg5[%add3A_1457] : memref<3328xi32, #tpu.memory_space<vmem>>[vector<16xi32>], vector<16xi32>,
    %swap3A_1459 = arith.constant 16 : index
    %swap3A_1460 = tpu.vector_load %arg12[%swap3A_1459] {strides = array<i32>} : memref<128xi32, #tpu.memory_space<vmem>>, vector<16xi32>,
    tpu.vector_store %arg12[%swap3A_1459], %gather3A_1458 {strides = array<i32>} : memref<128xi32, #tpu.memory_space<vmem>>, vector<16xi32>,
    %add3A_1461 = arith.constant 854 : i32
    %add3A_1462 = vector.broadcast %add3A_1461 : i32 to vector<16xi32>
    %add3A_1463 = arith.addi %mul3A_5, %add3A_1462 : vector<16xi32>
    %gather3A_1464 = tpu.vector_load_idx %arg5[%add3A_1463] : memref<3328xi32, #tpu.memory_space<vmem>>[vector<16xi32>], vector<16xi32>,
    %swap3A_1465 = arith.constant 32 : index
    %swap3A_1466 = tpu.vector_load %arg12[%swap3A_1465] {strides = array<i32>} : memref<128xi32, #tpu.memory_space<vmem>>, vector<16xi32>,
    tpu.vector_store %arg12[%swap3A_1465], %gather3A_1464 {strides = array<i32>} : memref<128xi32, #tpu.memory_space<vmem>>, vector<16xi32>,
    %add3A_1467 = arith.constant 1270 : i32
    %add3A_1468 = vector.broadcast %add3A_1467 : i32 to vector<16xi32>
    %add3A_1469 = arith.addi %mul3A_5, %add3A_1468 : vector<16xi32>
    %gather3A_1470 = tpu.vector_load_idx %arg5[%add3A_1469] : memref<3328xi32, #tpu.memory_space<vmem>>[vector<16xi32>], vector<16xi32>,
    %swap3A_1471 = arith.constant 48 : index
    %swap3A_1472 = tpu.vector_load %arg12[%swap3A_1471] {strides = array<i32>} : memref<128xi32, #tpu.memory_space<vmem>>, vector<16xi32>,
    tpu.vector_store %arg12[%swap3A_1471], %gather3A_1470 {strides = array<i32>} : memref<128xi32, #tpu.memory_space<vmem>>, vector<16xi32>,
    %add3A_1473 = arith.constant 1686 : i32
    %add3A_1474 = vector.broadcast %add3A_1473 : i32 to vector<16xi32>
    %add3A_1475 = arith.addi %mul3A_5, %add3A_1474 : vector<16xi32>
    %gather3A_1476 = tpu.vector_load_idx %arg5[%add3A_1475] : memref<3328xi32, #tpu.memory_space<vmem>>[vector<16xi32>], vector<16xi32>,
    %swap3A_1477 = arith.constant 64 : index
    %swap3A_1478 = tpu.vector_load %arg12[%swap3A_1477] {strides = array<i32>} : memref<128xi32, #tpu.memory_space<vmem>>, vector<16xi32>,
    tpu.vector_store %arg12[%swap3A_1477], %gather3A_1476 {strides = array<i32>} : memref<128xi32, #tpu.memory_space<vmem>>, vector<16xi32>,
    %add3A_1479 = arith.constant 2102 : i32
    %add3A_1480 = vector.broadcast %add3A_1479 : i32 to vector<16xi32>
    %add3A_1481 = arith.addi %mul3A_5, %add3A_1480 : vector<16xi32>
    %gather3A_1482 = tpu.vector_load_idx %arg5[%add3A_1481] : memref<3328xi32, #tpu.memory_space<vmem>>[vector<16xi32>], vector<16xi32>,
    %swap3A_1483 = arith.constant 80 : index
    %swap3A_1484 = tpu.vector_load %arg12[%swap3A_1483] {strides = array<i32>} : memref<128xi32, #tpu.memory_space<vmem>>, vector<16xi32>,
    tpu.vector_store %arg12[%swap3A_1483], %gather3A_1482 {strides = array<i32>} : memref<128xi32, #tpu.memory_space<vmem>>, vector<16xi32>,
    %add3A_1485 = arith.constant 2518 : i32
    %add3A_1486 = vector.broadcast %add3A_1485 : i32 to vector<16xi32>
    %add3A_1487 = arith.addi %mul3A_5, %add3A_1486 : vector<16xi32>
    %gather3A_1488 = tpu.vector_load_idx %arg5[%add3A_1487] : memref<3328xi32, #tpu.memory_space<vmem>>[vector<16xi32>], vector<16xi32>,
    %swap3A_1489 = arith.constant 96 : index
    %swap3A_1490 = tpu.vector_load %arg12[%swap3A_1489] {strides = array<i32>} : memref<128xi32, #tpu.memory_space<vmem>>, vector<16xi32>,
    tpu.vector_store %arg12[%swap3A_1489], %gather3A_1488 {strides = array<i32>} : memref<128xi32, #tpu.memory_space<vmem>>, vector<16xi32>,
    %add3A_1491 = arith.constant 2934 : i32
    %add3A_1492 = vector.broadcast %add3A_1491 : i32 to vector<16xi32>
    %add3A_1493 = arith.addi %mul3A_5, %add3A_1492 : vector<16xi32>
    %gather3A_1494 = tpu.vector_load_idx %arg5[%add3A_1493] : memref<3328xi32, #tpu.memory_space<vmem>>[vector<16xi32>], vector<16xi32>,
    %swap3A_1495 = arith.constant 112 : index
    %swap3A_1496 = tpu.vector_load %arg12[%swap3A_1495] {strides = array<i32>} : memref<128xi32, #tpu.memory_space<vmem>>, vector<16xi32>,
    tpu.vector_store %arg12[%swap3A_1495], %gather3A_1494 {strides = array<i32>} : memref<128xi32, #tpu.memory_space<vmem>>, vector<16xi32>,
    %dma_start3A_1497 = arith.constant 0 : i32
    %dma_start3A_1498 = arith.constant 0 : i32
    %dma_start3A_1499 = tpu.memref_slice %arg2[%dma_start3A_1497, %dma_start3A_1498] : memref<1000000x128xf32, #tpu.memory_space<hbm>> -> memref<1000000x128xf32, #tpu.memory_space<hbm>>
    tpu.enqueue_indirect_dma source(%dma_start3A_1499 : memref<1000000x128xf32, #tpu.memory_space<hbm>>) target(%arg8 : memref<128x128xf32, #tpu.memory_space<vmem>>) offsets(%arg12 : memref<128xi32, #tpu.memory_space<vmem>>) semaphore(%arg16 : memref<!tpu.dma_semaphore, #tpu.memory_space<semaphore_mem>>)
    %dma_wait3A_1500 = arith.constant 0 : i32
    %dma_wait3A_1501 = arith.constant 0 : i32
    %dma_wait3A_1502 = tpu.memref_slice %arg2[%dma_wait3A_1500, %dma_wait3A_1501] : memref<1000000x128xf32, #tpu.memory_space<hbm>> -> memref<1000000x128xf32, #tpu.memory_space<hbm>>
    tpu.wait_indirect_dma semaphore(%arg17 : memref<!tpu.dma_semaphore, #tpu.memory_space<semaphore_mem>>) src(%dma_wait3A_1502 : memref<1000000x128xf32, #tpu.memory_space<hbm>>) dst(%arg9 : memref<128x128xf32, #tpu.memory_space<vmem>>)
    %dma_start3A_1503 = arith.constant 9 : i32
    %dma_start3A_1504 = arith.constant 128 : i32
    %dma_start3A_1505 = tpu.memref_slice %arg4[%dma_start3A_1503, %mul3A_7, %dma_start3A_1504] : memref<13x4096x256xf32, #tpu.memory_space<hbm>> -> memref<1x128x128xf32, #tpu.memory_space<hbm>>
    %dma_start3A_1506 = tpu.memref_squeeze %dma_start3A_1505 : memref<1x128x128xf32, #tpu.memory_space<hbm>> -> memref<128x128xf32, #tpu.memory_space<hbm>>
    %dma_start3A_1507 = arith.constant 128 : i32
    %dma_start3A_1508 = tpu.memref_slice %arg4[%dma_start3A_1503, %mul3A_7, %dma_start3A_1507] : memref<13x4096x256xf32, #tpu.memory_space<hbm>> -> memref<1x128x128xf32, #tpu.memory_space<hbm>>
    %dma_start3A_1509 = tpu.memref_squeeze %dma_start3A_1508 : memref<1x128x128xf32, #tpu.memory_space<hbm>> -> memref<128x128xf32, #tpu.memory_space<hbm>>
    tpu.enqueue_dma source(%arg9 : memref<128x128xf32, #tpu.memory_space<vmem>>) target(%dma_start3A_1509 : memref<128x128xf32, #tpu.memory_space<hbm>>) target_semaphore(%arg21 : memref<!tpu.dma_semaphore, #tpu.memory_space<semaphore_mem>>)
    %dma_wait3A_1510 = arith.constant 9 : i32
    %dma_wait3A_1511 = arith.constant 128 : i32
    %dma_wait3A_1512 = tpu.memref_slice %arg4[%dma_wait3A_1510, %mul3A_7, %dma_wait3A_1511] : memref<13x4096x256xf32, #tpu.memory_space<hbm>> -> memref<1x128x128xf32, #tpu.memory_space<hbm>>
    %dma_wait3A_1513 = tpu.memref_squeeze %dma_wait3A_1512 : memref<1x128x128xf32, #tpu.memory_space<hbm>> -> memref<128x128xf32, #tpu.memory_space<hbm>>
    %dma_wait3A_1514 = arith.constant 128 : i32
    %dma_wait3A_1515 = tpu.memref_slice %arg4[%dma_wait3A_1510, %mul3A_7, %dma_wait3A_1514] : memref<13x4096x256xf32, #tpu.memory_space<hbm>> -> memref<1x128x128xf32, #tpu.memory_space<hbm>>
    %dma_wait3A_1516 = tpu.memref_squeeze %dma_wait3A_1515 : memref<1x128x128xf32, #tpu.memory_space<hbm>> -> memref<128x128xf32, #tpu.memory_space<hbm>>
    tpu.wait_dma2 semaphore(%arg21 : memref<!tpu.dma_semaphore, #tpu.memory_space<semaphore_mem>>) src(%arg9 : memref<128x128xf32, #tpu.memory_space<vmem>>) dst(%dma_wait3A_1516 : memref<128x128xf32, #tpu.memory_space<hbm>>)
    %add3A_1517 = arith.constant 23 : i32
    %add3A_1518 = vector.broadcast %add3A_1517 : i32 to vector<16xi32>
    %add3A_1519 = arith.addi %mul3A_5, %add3A_1518 : vector<16xi32>
    %gather3A_1520 = tpu.vector_load_idx %arg5[%add3A_1519] : memref<3328xi32, #tpu.memory_space<vmem>>[vector<16xi32>], vector<16xi32>,
    %swap3A_1521 = arith.constant 0 : index
    %swap3A_1522 = tpu.vector_load %arg13[%swap3A_1521] {strides = array<i32>} : memref<128xi32, #tpu.memory_space<vmem>>, vector<16xi32>,
    tpu.vector_store %arg13[%swap3A_1521], %gather3A_1520 {strides = array<i32>} : memref<128xi32, #tpu.memory_space<vmem>>, vector<16xi32>,
    %add3A_1523 = arith.constant 439 : i32
    %add3A_1524 = vector.broadcast %add3A_1523 : i32 to vector<16xi32>
    %add3A_1525 = arith.addi %mul3A_5, %add3A_1524 : vector<16xi32>
    %gather3A_1526 = tpu.vector_load_idx %arg5[%add3A_1525] : memref<3328xi32, #tpu.memory_space<vmem>>[vector<16xi32>], vector<16xi32>,
    %swap3A_1527 = arith.constant 16 : index
    %swap3A_1528 = tpu.vector_load %arg13[%swap3A_1527] {strides = array<i32>} : memref<128xi32, #tpu.memory_space<vmem>>, vector<16xi32>,
    tpu.vector_store %arg13[%swap3A_1527], %gather3A_1526 {strides = array<i32>} : memref<128xi32, #tpu.memory_space<vmem>>, vector<16xi32>,
    %add3A_1529 = arith.constant 855 : i32
    %add3A_1530 = vector.broadcast %add3A_1529 : i32 to vector<16xi32>
    %add3A_1531 = arith.addi %mul3A_5, %add3A_1530 : vector<16xi32>
    %gather3A_1532 = tpu.vector_load_idx %arg5[%add3A_1531] : memref<3328xi32, #tpu.memory_space<vmem>>[vector<16xi32>], vector<16xi32>,
    %swap3A_1533 = arith.constant 32 : index
    %swap3A_1534 = tpu.vector_load %arg13[%swap3A_1533] {strides = array<i32>} : memref<128xi32, #tpu.memory_space<vmem>>, vector<16xi32>,
    tpu.vector_store %arg13[%swap3A_1533], %gather3A_1532 {strides = array<i32>} : memref<128xi32, #tpu.memory_space<vmem>>, vector<16xi32>,
    %add3A_1535 = arith.constant 1271 : i32
    %add3A_1536 = vector.broadcast %add3A_1535 : i32 to vector<16xi32>
    %add3A_1537 = arith.addi %mul3A_5, %add3A_1536 : vector<16xi32>
    %gather3A_1538 = tpu.vector_load_idx %arg5[%add3A_1537] : memref<3328xi32, #tpu.memory_space<vmem>>[vector<16xi32>], vector<16xi32>,
    %swap3A_1539 = arith.constant 48 : index
    %swap3A_1540 = tpu.vector_load %arg13[%swap3A_1539] {strides = array<i32>} : memref<128xi32, #tpu.memory_space<vmem>>, vector<16xi32>,
    tpu.vector_store %arg13[%swap3A_1539], %gather3A_1538 {strides = array<i32>} : memref<128xi32, #tpu.memory_space<vmem>>, vector<16xi32>,
    %add3A_1541 = arith.constant 1687 : i32
    %add3A_1542 = vector.broadcast %add3A_1541 : i32 to vector<16xi32>
    %add3A_1543 = arith.addi %mul3A_5, %add3A_1542 : vector<16xi32>
    %gather3A_1544 = tpu.vector_load_idx %arg5[%add3A_1543] : memref<3328xi32, #tpu.memory_space<vmem>>[vector<16xi32>], vector<16xi32>,
    %swap3A_1545 = arith.constant 64 : index
    %swap3A_1546 = tpu.vector_load %arg13[%swap3A_1545] {strides = array<i32>} : memref<128xi32, #tpu.memory_space<vmem>>, vector<16xi32>,
    tpu.vector_store %arg13[%swap3A_1545], %gather3A_1544 {strides = array<i32>} : memref<128xi32, #tpu.memory_space<vmem>>, vector<16xi32>,
    %add3A_1547 = arith.constant 2103 : i32
    %add3A_1548 = vector.broadcast %add3A_1547 : i32 to vector<16xi32>
    %add3A_1549 = arith.addi %mul3A_5, %add3A_1548 : vector<16xi32>
    %gather3A_1550 = tpu.vector_load_idx %arg5[%add3A_1549] : memref<3328xi32, #tpu.memory_space<vmem>>[vector<16xi32>], vector<16xi32>,
    %swap3A_1551 = arith.constant 80 : index
    %swap3A_1552 = tpu.vector_load %arg13[%swap3A_1551] {strides = array<i32>} : memref<128xi32, #tpu.memory_space<vmem>>, vector<16xi32>,
    tpu.vector_store %arg13[%swap3A_1551], %gather3A_1550 {strides = array<i32>} : memref<128xi32, #tpu.memory_space<vmem>>, vector<16xi32>,
    %add3A_1553 = arith.constant 2519 : i32
    %add3A_1554 = vector.broadcast %add3A_1553 : i32 to vector<16xi32>
    %add3A_1555 = arith.addi %mul3A_5, %add3A_1554 : vector<16xi32>
    %gather3A_1556 = tpu.vector_load_idx %arg5[%add3A_1555] : memref<3328xi32, #tpu.memory_space<vmem>>[vector<16xi32>], vector<16xi32>,
    %swap3A_1557 = arith.constant 96 : index
    %swap3A_1558 = tpu.vector_load %arg13[%swap3A_1557] {strides = array<i32>} : memref<128xi32, #tpu.memory_space<vmem>>, vector<16xi32>,
    tpu.vector_store %arg13[%swap3A_1557], %gather3A_1556 {strides = array<i32>} : memref<128xi32, #tpu.memory_space<vmem>>, vector<16xi32>,
    %add3A_1559 = arith.constant 2935 : i32
    %add3A_1560 = vector.broadcast %add3A_1559 : i32 to vector<16xi32>
    %add3A_1561 = arith.addi %mul3A_5, %add3A_1560 : vector<16xi32>
    %gather3A_1562 = tpu.vector_load_idx %arg5[%add3A_1561] : memref<3328xi32, #tpu.memory_space<vmem>>[vector<16xi32>], vector<16xi32>,
    %swap3A_1563 = arith.constant 112 : index
    %swap3A_1564 = tpu.vector_load %arg13[%swap3A_1563] {strides = array<i32>} : memref<128xi32, #tpu.memory_space<vmem>>, vector<16xi32>,
    tpu.vector_store %arg13[%swap3A_1563], %gather3A_1562 {strides = array<i32>} : memref<128xi32, #tpu.memory_space<vmem>>, vector<16xi32>,
    %dma_start3A_1565 = arith.constant 0 : i32
    %dma_start3A_1566 = arith.constant 0 : i32
    %dma_start3A_1567 = tpu.memref_slice %arg2[%dma_start3A_1565, %dma_start3A_1566] : memref<1000000x128xf32, #tpu.memory_space<hbm>> -> memref<1000000x128xf32, #tpu.memory_space<hbm>>
    tpu.enqueue_indirect_dma source(%dma_start3A_1567 : memref<1000000x128xf32, #tpu.memory_space<hbm>>) target(%arg9 : memref<128x128xf32, #tpu.memory_space<vmem>>) offsets(%arg13 : memref<128xi32, #tpu.memory_space<vmem>>) semaphore(%arg17 : memref<!tpu.dma_semaphore, #tpu.memory_space<semaphore_mem>>)
    %dma_wait3A_1568 = arith.constant 0 : i32
    %dma_wait3A_1569 = arith.constant 0 : i32
    %dma_wait3A_1570 = tpu.memref_slice %arg2[%dma_wait3A_1568, %dma_wait3A_1569] : memref<1000000x128xf32, #tpu.memory_space<hbm>> -> memref<1000000x128xf32, #tpu.memory_space<hbm>>
    tpu.wait_indirect_dma semaphore(%arg14 : memref<!tpu.dma_semaphore, #tpu.memory_space<semaphore_mem>>) src(%dma_wait3A_1570 : memref<1000000x128xf32, #tpu.memory_space<hbm>>) dst(%arg6 : memref<128x128xf32, #tpu.memory_space<vmem>>)
    %dma_start3A_1571 = arith.constant 10 : i32
    %dma_start3A_1572 = arith.constant 0 : i32
    %dma_start3A_1573 = tpu.memref_slice %arg4[%dma_start3A_1571, %mul3A_7, %dma_start3A_1572] : memref<13x4096x256xf32, #tpu.memory_space<hbm>> -> memref<1x128x128xf32, #tpu.memory_space<hbm>>
    %dma_start3A_1574 = tpu.memref_squeeze %dma_start3A_1573 : memref<1x128x128xf32, #tpu.memory_space<hbm>> -> memref<128x128xf32, #tpu.memory_space<hbm>>
    %dma_start3A_1575 = arith.constant 0 : i32
    %dma_start3A_1576 = tpu.memref_slice %arg4[%dma_start3A_1571, %mul3A_7, %dma_start3A_1575] : memref<13x4096x256xf32, #tpu.memory_space<hbm>> -> memref<1x128x128xf32, #tpu.memory_space<hbm>>
    %dma_start3A_1577 = tpu.memref_squeeze %dma_start3A_1576 : memref<1x128x128xf32, #tpu.memory_space<hbm>> -> memref<128x128xf32, #tpu.memory_space<hbm>>
    tpu.enqueue_dma source(%arg6 : memref<128x128xf32, #tpu.memory_space<vmem>>) target(%dma_start3A_1577 : memref<128x128xf32, #tpu.memory_space<hbm>>) target_semaphore(%arg18 : memref<!tpu.dma_semaphore, #tpu.memory_space<semaphore_mem>>)
    %dma_wait3A_1578 = arith.constant 10 : i32
    %dma_wait3A_1579 = arith.constant 0 : i32
    %dma_wait3A_1580 = tpu.memref_slice %arg4[%dma_wait3A_1578, %mul3A_7, %dma_wait3A_1579] : memref<13x4096x256xf32, #tpu.memory_space<hbm>> -> memref<1x128x128xf32, #tpu.memory_space<hbm>>
    %dma_wait3A_1581 = tpu.memref_squeeze %dma_wait3A_1580 : memref<1x128x128xf32, #tpu.memory_space<hbm>> -> memref<128x128xf32, #tpu.memory_space<hbm>>
    %dma_wait3A_1582 = arith.constant 0 : i32
    %dma_wait3A_1583 = tpu.memref_slice %arg4[%dma_wait3A_1578, %mul3A_7, %dma_wait3A_1582] : memref<13x4096x256xf32, #tpu.memory_space<hbm>> -> memref<1x128x128xf32, #tpu.memory_space<hbm>>
    %dma_wait3A_1584 = tpu.memref_squeeze %dma_wait3A_1583 : memref<1x128x128xf32, #tpu.memory_space<hbm>> -> memref<128x128xf32, #tpu.memory_space<hbm>>
    tpu.wait_dma2 semaphore(%arg18 : memref<!tpu.dma_semaphore, #tpu.memory_space<semaphore_mem>>) src(%arg6 : memref<128x128xf32, #tpu.memory_space<vmem>>) dst(%dma_wait3A_1584 : memref<128x128xf32, #tpu.memory_space<hbm>>)
    %add3A_1585 = arith.constant 24 : i32
    %add3A_1586 = vector.broadcast %add3A_1585 : i32 to vector<16xi32>
    %add3A_1587 = arith.addi %mul3A_5, %add3A_1586 : vector<16xi32>
    %gather3A_1588 = tpu.vector_load_idx %arg5[%add3A_1587] : memref<3328xi32, #tpu.memory_space<vmem>>[vector<16xi32>], vector<16xi32>,
    %swap3A_1589 = arith.constant 0 : index
    %swap3A_1590 = tpu.vector_load %arg10[%swap3A_1589] {strides = array<i32>} : memref<128xi32, #tpu.memory_space<vmem>>, vector<16xi32>,
    tpu.vector_store %arg10[%swap3A_1589], %gather3A_1588 {strides = array<i32>} : memref<128xi32, #tpu.memory_space<vmem>>, vector<16xi32>,
    %add3A_1591 = arith.constant 440 : i32
    %add3A_1592 = vector.broadcast %add3A_1591 : i32 to vector<16xi32>
    %add3A_1593 = arith.addi %mul3A_5, %add3A_1592 : vector<16xi32>
    %gather3A_1594 = tpu.vector_load_idx %arg5[%add3A_1593] : memref<3328xi32, #tpu.memory_space<vmem>>[vector<16xi32>], vector<16xi32>,
    %swap3A_1595 = arith.constant 16 : index
    %swap3A_1596 = tpu.vector_load %arg10[%swap3A_1595] {strides = array<i32>} : memref<128xi32, #tpu.memory_space<vmem>>, vector<16xi32>,
    tpu.vector_store %arg10[%swap3A_1595], %gather3A_1594 {strides = array<i32>} : memref<128xi32, #tpu.memory_space<vmem>>, vector<16xi32>,
    %add3A_1597 = arith.constant 856 : i32
    %add3A_1598 = vector.broadcast %add3A_1597 : i32 to vector<16xi32>
    %add3A_1599 = arith.addi %mul3A_5, %add3A_1598 : vector<16xi32>
    %gather3A_1600 = tpu.vector_load_idx %arg5[%add3A_1599] : memref<3328xi32, #tpu.memory_space<vmem>>[vector<16xi32>], vector<16xi32>,
    %swap3A_1601 = arith.constant 32 : index
    %swap3A_1602 = tpu.vector_load %arg10[%swap3A_1601] {strides = array<i32>} : memref<128xi32, #tpu.memory_space<vmem>>, vector<16xi32>,
    tpu.vector_store %arg10[%swap3A_1601], %gather3A_1600 {strides = array<i32>} : memref<128xi32, #tpu.memory_space<vmem>>, vector<16xi32>,
    %add3A_1603 = arith.constant 1272 : i32
    %add3A_1604 = vector.broadcast %add3A_1603 : i32 to vector<16xi32>
    %add3A_1605 = arith.addi %mul3A_5, %add3A_1604 : vector<16xi32>
    %gather3A_1606 = tpu.vector_load_idx %arg5[%add3A_1605] : memref<3328xi32, #tpu.memory_space<vmem>>[vector<16xi32>], vector<16xi32>,
    %swap3A_1607 = arith.constant 48 : index
    %swap3A_1608 = tpu.vector_load %arg10[%swap3A_1607] {strides = array<i32>} : memref<128xi32, #tpu.memory_space<vmem>>, vector<16xi32>,
    tpu.vector_store %arg10[%swap3A_1607], %gather3A_1606 {strides = array<i32>} : memref<128xi32, #tpu.memory_space<vmem>>, vector<16xi32>,
    %add3A_1609 = arith.constant 1688 : i32
    %add3A_1610 = vector.broadcast %add3A_1609 : i32 to vector<16xi32>
    %add3A_1611 = arith.addi %mul3A_5, %add3A_1610 : vector<16xi32>
    %gather3A_1612 = tpu.vector_load_idx %arg5[%add3A_1611] : memref<3328xi32, #tpu.memory_space<vmem>>[vector<16xi32>], vector<16xi32>,
    %swap3A_1613 = arith.constant 64 : index
    %swap3A_1614 = tpu.vector_load %arg10[%swap3A_1613] {strides = array<i32>} : memref<128xi32, #tpu.memory_space<vmem>>, vector<16xi32>,
    tpu.vector_store %arg10[%swap3A_1613], %gather3A_1612 {strides = array<i32>} : memref<128xi32, #tpu.memory_space<vmem>>, vector<16xi32>,
    %add3A_1615 = arith.constant 2104 : i32
    %add3A_1616 = vector.broadcast %add3A_1615 : i32 to vector<16xi32>
    %add3A_1617 = arith.addi %mul3A_5, %add3A_1616 : vector<16xi32>
    %gather3A_1618 = tpu.vector_load_idx %arg5[%add3A_1617] : memref<3328xi32, #tpu.memory_space<vmem>>[vector<16xi32>], vector<16xi32>,
    %swap3A_1619 = arith.constant 80 : index
    %swap3A_1620 = tpu.vector_load %arg10[%swap3A_1619] {strides = array<i32>} : memref<128xi32, #tpu.memory_space<vmem>>, vector<16xi32>,
    tpu.vector_store %arg10[%swap3A_1619], %gather3A_1618 {strides = array<i32>} : memref<128xi32, #tpu.memory_space<vmem>>, vector<16xi32>,
    %add3A_1621 = arith.constant 2520 : i32
    %add3A_1622 = vector.broadcast %add3A_1621 : i32 to vector<16xi32>
    %add3A_1623 = arith.addi %mul3A_5, %add3A_1622 : vector<16xi32>
    %gather3A_1624 = tpu.vector_load_idx %arg5[%add3A_1623] : memref<3328xi32, #tpu.memory_space<vmem>>[vector<16xi32>], vector<16xi32>,
    %swap3A_1625 = arith.constant 96 : index
    %swap3A_1626 = tpu.vector_load %arg10[%swap3A_1625] {strides = array<i32>} : memref<128xi32, #tpu.memory_space<vmem>>, vector<16xi32>,
    tpu.vector_store %arg10[%swap3A_1625], %gather3A_1624 {strides = array<i32>} : memref<128xi32, #tpu.memory_space<vmem>>, vector<16xi32>,
    %add3A_1627 = arith.constant 2936 : i32
    %add3A_1628 = vector.broadcast %add3A_1627 : i32 to vector<16xi32>
    %add3A_1629 = arith.addi %mul3A_5, %add3A_1628 : vector<16xi32>
    %gather3A_1630 = tpu.vector_load_idx %arg5[%add3A_1629] : memref<3328xi32, #tpu.memory_space<vmem>>[vector<16xi32>], vector<16xi32>,
    %swap3A_1631 = arith.constant 112 : index
    %swap3A_1632 = tpu.vector_load %arg10[%swap3A_1631] {strides = array<i32>} : memref<128xi32, #tpu.memory_space<vmem>>, vector<16xi32>,
    tpu.vector_store %arg10[%swap3A_1631], %gather3A_1630 {strides = array<i32>} : memref<128xi32, #tpu.memory_space<vmem>>, vector<16xi32>,
    %dma_start3A_1633 = arith.constant 0 : i32
    %dma_start3A_1634 = arith.constant 0 : i32
    %dma_start3A_1635 = tpu.memref_slice %arg2[%dma_start3A_1633, %dma_start3A_1634] : memref<1000000x128xf32, #tpu.memory_space<hbm>> -> memref<1000000x128xf32, #tpu.memory_space<hbm>>
    tpu.enqueue_indirect_dma source(%dma_start3A_1635 : memref<1000000x128xf32, #tpu.memory_space<hbm>>) target(%arg6 : memref<128x128xf32, #tpu.memory_space<vmem>>) offsets(%arg10 : memref<128xi32, #tpu.memory_space<vmem>>) semaphore(%arg14 : memref<!tpu.dma_semaphore, #tpu.memory_space<semaphore_mem>>)
    %dma_wait3A_1636 = arith.constant 0 : i32
    %dma_wait3A_1637 = arith.constant 0 : i32
    %dma_wait3A_1638 = tpu.memref_slice %arg2[%dma_wait3A_1636, %dma_wait3A_1637] : memref<1000000x128xf32, #tpu.memory_space<hbm>> -> memref<1000000x128xf32, #tpu.memory_space<hbm>>
    tpu.wait_indirect_dma semaphore(%arg15 : memref<!tpu.dma_semaphore, #tpu.memory_space<semaphore_mem>>) src(%dma_wait3A_1638 : memref<1000000x128xf32, #tpu.memory_space<hbm>>) dst(%arg7 : memref<128x128xf32, #tpu.memory_space<vmem>>)
    %dma_start3A_1639 = arith.constant 10 : i32
    %dma_start3A_1640 = arith.constant 128 : i32
    %dma_start3A_1641 = tpu.memref_slice %arg4[%dma_start3A_1639, %mul3A_7, %dma_start3A_1640] : memref<13x4096x256xf32, #tpu.memory_space<hbm>> -> memref<1x128x128xf32, #tpu.memory_space<hbm>>
    %dma_start3A_1642 = tpu.memref_squeeze %dma_start3A_1641 : memref<1x128x128xf32, #tpu.memory_space<hbm>> -> memref<128x128xf32, #tpu.memory_space<hbm>>
    %dma_start3A_1643 = arith.constant 128 : i32
    %dma_start3A_1644 = tpu.memref_slice %arg4[%dma_start3A_1639, %mul3A_7, %dma_start3A_1643] : memref<13x4096x256xf32, #tpu.memory_space<hbm>> -> memref<1x128x128xf32, #tpu.memory_space<hbm>>
    %dma_start3A_1645 = tpu.memref_squeeze %dma_start3A_1644 : memref<1x128x128xf32, #tpu.memory_space<hbm>> -> memref<128x128xf32, #tpu.memory_space<hbm>>
    tpu.enqueue_dma source(%arg7 : memref<128x128xf32, #tpu.memory_space<vmem>>) target(%dma_start3A_1645 : memref<128x128xf32, #tpu.memory_space<hbm>>) target_semaphore(%arg19 : memref<!tpu.dma_semaphore, #tpu.memory_space<semaphore_mem>>)
    %dma_wait3A_1646 = arith.constant 10 : i32
    %dma_wait3A_1647 = arith.constant 128 : i32
    %dma_wait3A_1648 = tpu.memref_slice %arg4[%dma_wait3A_1646, %mul3A_7, %dma_wait3A_1647] : memref<13x4096x256xf32, #tpu.memory_space<hbm>> -> memref<1x128x128xf32, #tpu.memory_space<hbm>>
    %dma_wait3A_1649 = tpu.memref_squeeze %dma_wait3A_1648 : memref<1x128x128xf32, #tpu.memory_space<hbm>> -> memref<128x128xf32, #tpu.memory_space<hbm>>
    %dma_wait3A_1650 = arith.constant 128 : i32
    %dma_wait3A_1651 = tpu.memref_slice %arg4[%dma_wait3A_1646, %mul3A_7, %dma_wait3A_1650] : memref<13x4096x256xf32, #tpu.memory_space<hbm>> -> memref<1x128x128xf32, #tpu.memory_space<hbm>>
    %dma_wait3A_1652 = tpu.memref_squeeze %dma_wait3A_1651 : memref<1x128x128xf32, #tpu.memory_space<hbm>> -> memref<128x128xf32, #tpu.memory_space<hbm>>
    tpu.wait_dma2 semaphore(%arg19 : memref<!tpu.dma_semaphore, #tpu.memory_space<semaphore_mem>>) src(%arg7 : memref<128x128xf32, #tpu.memory_space<vmem>>) dst(%dma_wait3A_1652 : memref<128x128xf32, #tpu.memory_space<hbm>>)
    %add3A_1653 = arith.constant 25 : i32
    %add3A_1654 = vector.broadcast %add3A_1653 : i32 to vector<16xi32>
    %add3A_1655 = arith.addi %mul3A_5, %add3A_1654 : vector<16xi32>
    %gather3A_1656 = tpu.vector_load_idx %arg5[%add3A_1655] : memref<3328xi32, #tpu.memory_space<vmem>>[vector<16xi32>], vector<16xi32>,
    %swap3A_1657 = arith.constant 0 : index
    %swap3A_1658 = tpu.vector_load %arg11[%swap3A_1657] {strides = array<i32>} : memref<128xi32, #tpu.memory_space<vmem>>, vector<16xi32>,
    tpu.vector_store %arg11[%swap3A_1657], %gather3A_1656 {strides = array<i32>} : memref<128xi32, #tpu.memory_space<vmem>>, vector<16xi32>,
    %add3A_1659 = arith.constant 441 : i32
    %add3A_1660 = vector.broadcast %add3A_1659 : i32 to vector<16xi32>
    %add3A_1661 = arith.addi %mul3A_5, %add3A_1660 : vector<16xi32>
    %gather3A_1662 = tpu.vector_load_idx %arg5[%add3A_1661] : memref<3328xi32, #tpu.memory_space<vmem>>[vector<16xi32>], vector<16xi32>,
    %swap3A_1663 = arith.constant 16 : index
    %swap3A_1664 = tpu.vector_load %arg11[%swap3A_1663] {strides = array<i32>} : memref<128xi32, #tpu.memory_space<vmem>>, vector<16xi32>,
    tpu.vector_store %arg11[%swap3A_1663], %gather3A_1662 {strides = array<i32>} : memref<128xi32, #tpu.memory_space<vmem>>, vector<16xi32>,
    %add3A_1665 = arith.constant 857 : i32
    %add3A_1666 = vector.broadcast %add3A_1665 : i32 to vector<16xi32>
    %add3A_1667 = arith.addi %mul3A_5, %add3A_1666 : vector<16xi32>
    %gather3A_1668 = tpu.vector_load_idx %arg5[%add3A_1667] : memref<3328xi32, #tpu.memory_space<vmem>>[vector<16xi32>], vector<16xi32>,
    %swap3A_1669 = arith.constant 32 : index
    %swap3A_1670 = tpu.vector_load %arg11[%swap3A_1669] {strides = array<i32>} : memref<128xi32, #tpu.memory_space<vmem>>, vector<16xi32>,
    tpu.vector_store %arg11[%swap3A_1669], %gather3A_1668 {strides = array<i32>} : memref<128xi32, #tpu.memory_space<vmem>>, vector<16xi32>,
    %add3A_1671 = arith.constant 1273 : i32
    %add3A_1672 = vector.broadcast %add3A_1671 : i32 to vector<16xi32>
    %add3A_1673 = arith.addi %mul3A_5, %add3A_1672 : vector<16xi32>
    %gather3A_1674 = tpu.vector_load_idx %arg5[%add3A_1673] : memref<3328xi32, #tpu.memory_space<vmem>>[vector<16xi32>], vector<16xi32>,
    %swap3A_1675 = arith.constant 48 : index
    %swap3A_1676 = tpu.vector_load %arg11[%swap3A_1675] {strides = array<i32>} : memref<128xi32, #tpu.memory_space<vmem>>, vector<16xi32>,
    tpu.vector_store %arg11[%swap3A_1675], %gather3A_1674 {strides = array<i32>} : memref<128xi32, #tpu.memory_space<vmem>>, vector<16xi32>,
    %add3A_1677 = arith.constant 1689 : i32
    %add3A_1678 = vector.broadcast %add3A_1677 : i32 to vector<16xi32>
    %add3A_1679 = arith.addi %mul3A_5, %add3A_1678 : vector<16xi32>
    %gather3A_1680 = tpu.vector_load_idx %arg5[%add3A_1679] : memref<3328xi32, #tpu.memory_space<vmem>>[vector<16xi32>], vector<16xi32>,
    %swap3A_1681 = arith.constant 64 : index
    %swap3A_1682 = tpu.vector_load %arg11[%swap3A_1681] {strides = array<i32>} : memref<128xi32, #tpu.memory_space<vmem>>, vector<16xi32>,
    tpu.vector_store %arg11[%swap3A_1681], %gather3A_1680 {strides = array<i32>} : memref<128xi32, #tpu.memory_space<vmem>>, vector<16xi32>,
    %add3A_1683 = arith.constant 2105 : i32
    %add3A_1684 = vector.broadcast %add3A_1683 : i32 to vector<16xi32>
    %add3A_1685 = arith.addi %mul3A_5, %add3A_1684 : vector<16xi32>
    %gather3A_1686 = tpu.vector_load_idx %arg5[%add3A_1685] : memref<3328xi32, #tpu.memory_space<vmem>>[vector<16xi32>], vector<16xi32>,
    %swap3A_1687 = arith.constant 80 : index
    %swap3A_1688 = tpu.vector_load %arg11[%swap3A_1687] {strides = array<i32>} : memref<128xi32, #tpu.memory_space<vmem>>, vector<16xi32>,
    tpu.vector_store %arg11[%swap3A_1687], %gather3A_1686 {strides = array<i32>} : memref<128xi32, #tpu.memory_space<vmem>>, vector<16xi32>,
    %add3A_1689 = arith.constant 2521 : i32
    %add3A_1690 = vector.broadcast %add3A_1689 : i32 to vector<16xi32>
    %add3A_1691 = arith.addi %mul3A_5, %add3A_1690 : vector<16xi32>
    %gather3A_1692 = tpu.vector_load_idx %arg5[%add3A_1691] : memref<3328xi32, #tpu.memory_space<vmem>>[vector<16xi32>], vector<16xi32>,
    %swap3A_1693 = arith.constant 96 : index
    %swap3A_1694 = tpu.vector_load %arg11[%swap3A_1693] {strides = array<i32>} : memref<128xi32, #tpu.memory_space<vmem>>, vector<16xi32>,
    tpu.vector_store %arg11[%swap3A_1693], %gather3A_1692 {strides = array<i32>} : memref<128xi32, #tpu.memory_space<vmem>>, vector<16xi32>,
    %add3A_1695 = arith.constant 2937 : i32
    %add3A_1696 = vector.broadcast %add3A_1695 : i32 to vector<16xi32>
    %add3A_1697 = arith.addi %mul3A_5, %add3A_1696 : vector<16xi32>
    %gather3A_1698 = tpu.vector_load_idx %arg5[%add3A_1697] : memref<3328xi32, #tpu.memory_space<vmem>>[vector<16xi32>], vector<16xi32>,
    %swap3A_1699 = arith.constant 112 : index
    %swap3A_1700 = tpu.vector_load %arg11[%swap3A_1699] {strides = array<i32>} : memref<128xi32, #tpu.memory_space<vmem>>, vector<16xi32>,
    tpu.vector_store %arg11[%swap3A_1699], %gather3A_1698 {strides = array<i32>} : memref<128xi32, #tpu.memory_space<vmem>>, vector<16xi32>,
    %dma_start3A_1701 = arith.constant 0 : i32
    %dma_start3A_1702 = arith.constant 0 : i32
    %dma_start3A_1703 = tpu.memref_slice %arg2[%dma_start3A_1701, %dma_start3A_1702] : memref<1000000x128xf32, #tpu.memory_space<hbm>> -> memref<1000000x128xf32, #tpu.memory_space<hbm>>
    tpu.enqueue_indirect_dma source(%dma_start3A_1703 : memref<1000000x128xf32, #tpu.memory_space<hbm>>) target(%arg7 : memref<128x128xf32, #tpu.memory_space<vmem>>) offsets(%arg11 : memref<128xi32, #tpu.memory_space<vmem>>) semaphore(%arg15 : memref<!tpu.dma_semaphore, #tpu.memory_space<semaphore_mem>>)
    %dma_wait3A_1704 = arith.constant 0 : i32
    %dma_wait3A_1705 = arith.constant 0 : i32
    %dma_wait3A_1706 = tpu.memref_slice %arg2[%dma_wait3A_1704, %dma_wait3A_1705] : memref<1000000x128xf32, #tpu.memory_space<hbm>> -> memref<1000000x128xf32, #tpu.memory_space<hbm>>
    tpu.wait_indirect_dma semaphore(%arg16 : memref<!tpu.dma_semaphore, #tpu.memory_space<semaphore_mem>>) src(%dma_wait3A_1706 : memref<1000000x128xf32, #tpu.memory_space<hbm>>) dst(%arg8 : memref<128x128xf32, #tpu.memory_space<vmem>>)
    %dma_start3A_1707 = arith.constant 11 : i32
    %dma_start3A_1708 = arith.constant 0 : i32
    %dma_start3A_1709 = tpu.memref_slice %arg4[%dma_start3A_1707, %mul3A_7, %dma_start3A_1708] : memref<13x4096x256xf32, #tpu.memory_space<hbm>> -> memref<1x128x128xf32, #tpu.memory_space<hbm>>
    %dma_start3A_1710 = tpu.memref_squeeze %dma_start3A_1709 : memref<1x128x128xf32, #tpu.memory_space<hbm>> -> memref<128x128xf32, #tpu.memory_space<hbm>>
    %dma_start3A_1711 = arith.constant 0 : i32
    %dma_start3A_1712 = tpu.memref_slice %arg4[%dma_start3A_1707, %mul3A_7, %dma_start3A_1711] : memref<13x4096x256xf32, #tpu.memory_space<hbm>> -> memref<1x128x128xf32, #tpu.memory_space<hbm>>
    %dma_start3A_1713 = tpu.memref_squeeze %dma_start3A_1712 : memref<1x128x128xf32, #tpu.memory_space<hbm>> -> memref<128x128xf32, #tpu.memory_space<hbm>>
    tpu.enqueue_dma source(%arg8 : memref<128x128xf32, #tpu.memory_space<vmem>>) target(%dma_start3A_1713 : memref<128x128xf32, #tpu.memory_space<hbm>>) target_semaphore(%arg20 : memref<!tpu.dma_semaphore, #tpu.memory_space<semaphore_mem>>)
    %dma_wait3A_1714 = arith.constant 0 : i32
    %dma_wait3A_1715 = arith.constant 0 : i32
    %dma_wait3A_1716 = tpu.memref_slice %arg2[%dma_wait3A_1714, %dma_wait3A_1715] : memref<1000000x128xf32, #tpu.memory_space<hbm>> -> memref<1000000x128xf32, #tpu.memory_space<hbm>>
    tpu.wait_indirect_dma semaphore(%arg17 : memref<!tpu.dma_semaphore, #tpu.memory_space<semaphore_mem>>) src(%dma_wait3A_1716 : memref<1000000x128xf32, #tpu.memory_space<hbm>>) dst(%arg9 : memref<128x128xf32, #tpu.memory_space<vmem>>)
    %dma_start3A_1717 = arith.constant 11 : i32
    %dma_start3A_1718 = arith.constant 128 : i32
    %dma_start3A_1719 = tpu.memref_slice %arg4[%dma_start3A_1717, %mul3A_7, %dma_start3A_1718] : memref<13x4096x256xf32, #tpu.memory_space<hbm>> -> memref<1x128x128xf32, #tpu.memory_space<hbm>>
    %dma_start3A_1720 = tpu.memref_squeeze %dma_start3A_1719 : memref<1x128x128xf32, #tpu.memory_space<hbm>> -> memref<128x128xf32, #tpu.memory_space<hbm>>
    %dma_start3A_1721 = arith.constant 128 : i32
    %dma_start3A_1722 = tpu.memref_slice %arg4[%dma_start3A_1717, %mul3A_7, %dma_start3A_1721] : memref<13x4096x256xf32, #tpu.memory_space<hbm>> -> memref<1x128x128xf32, #tpu.memory_space<hbm>>
    %dma_start3A_1723 = tpu.memref_squeeze %dma_start3A_1722 : memref<1x128x128xf32, #tpu.memory_space<hbm>> -> memref<128x128xf32, #tpu.memory_space<hbm>>
    tpu.enqueue_dma source(%arg9 : memref<128x128xf32, #tpu.memory_space<vmem>>) target(%dma_start3A_1723 : memref<128x128xf32, #tpu.memory_space<hbm>>) target_semaphore(%arg21 : memref<!tpu.dma_semaphore, #tpu.memory_space<semaphore_mem>>)
    %dma_wait3A_1724 = arith.constant 0 : i32
    %dma_wait3A_1725 = arith.constant 0 : i32
    %dma_wait3A_1726 = tpu.memref_slice %arg2[%dma_wait3A_1724, %dma_wait3A_1725] : memref<1000000x128xf32, #tpu.memory_space<hbm>> -> memref<1000000x128xf32, #tpu.memory_space<hbm>>
    tpu.wait_indirect_dma semaphore(%arg14 : memref<!tpu.dma_semaphore, #tpu.memory_space<semaphore_mem>>) src(%dma_wait3A_1726 : memref<1000000x128xf32, #tpu.memory_space<hbm>>) dst(%arg6 : memref<128x128xf32, #tpu.memory_space<vmem>>)
    %dma_start3A_1727 = arith.constant 12 : i32
    %dma_start3A_1728 = arith.constant 0 : i32
    %dma_start3A_1729 = tpu.memref_slice %arg4[%dma_start3A_1727, %mul3A_7, %dma_start3A_1728] : memref<13x4096x256xf32, #tpu.memory_space<hbm>> -> memref<1x128x128xf32, #tpu.memory_space<hbm>>
    %dma_start3A_1730 = tpu.memref_squeeze %dma_start3A_1729 : memref<1x128x128xf32, #tpu.memory_space<hbm>> -> memref<128x128xf32, #tpu.memory_space<hbm>>
    %dma_start3A_1731 = arith.constant 0 : i32
    %dma_start3A_1732 = tpu.memref_slice %arg4[%dma_start3A_1727, %mul3A_7, %dma_start3A_1731] : memref<13x4096x256xf32, #tpu.memory_space<hbm>> -> memref<1x128x128xf32, #tpu.memory_space<hbm>>
    %dma_start3A_1733 = tpu.memref_squeeze %dma_start3A_1732 : memref<1x128x128xf32, #tpu.memory_space<hbm>> -> memref<128x128xf32, #tpu.memory_space<hbm>>
    tpu.enqueue_dma source(%arg6 : memref<128x128xf32, #tpu.memory_space<vmem>>) target(%dma_start3A_1733 : memref<128x128xf32, #tpu.memory_space<hbm>>) target_semaphore(%arg18 : memref<!tpu.dma_semaphore, #tpu.memory_space<semaphore_mem>>)
    %dma_wait3A_1734 = arith.constant 0 : i32
    %dma_wait3A_1735 = arith.constant 0 : i32
    %dma_wait3A_1736 = tpu.memref_slice %arg2[%dma_wait3A_1734, %dma_wait3A_1735] : memref<1000000x128xf32, #tpu.memory_space<hbm>> -> memref<1000000x128xf32, #tpu.memory_space<hbm>>
    tpu.wait_indirect_dma semaphore(%arg15 : memref<!tpu.dma_semaphore, #tpu.memory_space<semaphore_mem>>) src(%dma_wait3A_1736 : memref<1000000x128xf32, #tpu.memory_space<hbm>>) dst(%arg7 : memref<128x128xf32, #tpu.memory_space<vmem>>)
    %dma_start3A_1737 = arith.constant 12 : i32
    %dma_start3A_1738 = arith.constant 128 : i32
    %dma_start3A_1739 = tpu.memref_slice %arg4[%dma_start3A_1737, %mul3A_7, %dma_start3A_1738] : memref<13x4096x256xf32, #tpu.memory_space<hbm>> -> memref<1x128x128xf32, #tpu.memory_space<hbm>>
    %dma_start3A_1740 = tpu.memref_squeeze %dma_start3A_1739 : memref<1x128x128xf32, #tpu.memory_space<hbm>> -> memref<128x128xf32, #tpu.memory_space<hbm>>
    %dma_start3A_1741 = arith.constant 128 : i32
    %dma_start3A_1742 = tpu.memref_slice %arg4[%dma_start3A_1737, %mul3A_7, %dma_start3A_1741] : memref<13x4096x256xf32, #tpu.memory_space<hbm>> -> memref<1x128x128xf32, #tpu.memory_space<hbm>>
    %dma_start3A_1743 = tpu.memref_squeeze %dma_start3A_1742 : memref<1x128x128xf32, #tpu.memory_space<hbm>> -> memref<128x128xf32, #tpu.memory_space<hbm>>
    tpu.enqueue_dma source(%arg7 : memref<128x128xf32, #tpu.memory_space<vmem>>) target(%dma_start3A_1743 : memref<128x128xf32, #tpu.memory_space<hbm>>) target_semaphore(%arg19 : memref<!tpu.dma_semaphore, #tpu.memory_space<semaphore_mem>>)
    %dma_wait3A_1744 = arith.constant 11 : i32
    %dma_wait3A_1745 = arith.constant 0 : i32
    %dma_wait3A_1746 = tpu.memref_slice %arg4[%dma_wait3A_1744, %mul3A_7, %dma_wait3A_1745] : memref<13x4096x256xf32, #tpu.memory_space<hbm>> -> memref<1x128x128xf32, #tpu.memory_space<hbm>>
    %dma_wait3A_1747 = tpu.memref_squeeze %dma_wait3A_1746 : memref<1x128x128xf32, #tpu.memory_space<hbm>> -> memref<128x128xf32, #tpu.memory_space<hbm>>
    %dma_wait3A_1748 = arith.constant 0 : i32
    %dma_wait3A_1749 = tpu.memref_slice %arg4[%dma_wait3A_1744, %mul3A_7, %dma_wait3A_1748] : memref<13x4096x256xf32, #tpu.memory_space<hbm>> -> memref<1x128x128xf32, #tpu.memory_space<hbm>>
    %dma_wait3A_1750 = tpu.memref_squeeze %dma_wait3A_1749 : memref<1x128x128xf32, #tpu.memory_space<hbm>> -> memref<128x128xf32, #tpu.memory_space<hbm>>
    tpu.wait_dma2 semaphore(%arg20 : memref<!tpu.dma_semaphore, #tpu.memory_space<semaphore_mem>>) src(%arg8 : memref<128x128xf32, #tpu.memory_space<vmem>>) dst(%dma_wait3A_1750 : memref<128x128xf32, #tpu.memory_space<hbm>>)
    %dma_wait3A_1751 = arith.constant 11 : i32
    %dma_wait3A_1752 = arith.constant 128 : i32
    %dma_wait3A_1753 = tpu.memref_slice %arg4[%dma_wait3A_1751, %mul3A_7, %dma_wait3A_1752] : memref<13x4096x256xf32, #tpu.memory_space<hbm>> -> memref<1x128x128xf32, #tpu.memory_space<hbm>>
    %dma_wait3A_1754 = tpu.memref_squeeze %dma_wait3A_1753 : memref<1x128x128xf32, #tpu.memory_space<hbm>> -> memref<128x128xf32, #tpu.memory_space<hbm>>
    %dma_wait3A_1755 = arith.constant 128 : i32
    %dma_wait3A_1756 = tpu.memref_slice %arg4[%dma_wait3A_1751, %mul3A_7, %dma_wait3A_1755] : memref<13x4096x256xf32, #tpu.memory_space<hbm>> -> memref<1x128x128xf32, #tpu.memory_space<hbm>>
    %dma_wait3A_1757 = tpu.memref_squeeze %dma_wait3A_1756 : memref<1x128x128xf32, #tpu.memory_space<hbm>> -> memref<128x128xf32, #tpu.memory_space<hbm>>
    tpu.wait_dma2 semaphore(%arg21 : memref<!tpu.dma_semaphore, #tpu.memory_space<semaphore_mem>>) src(%arg9 : memref<128x128xf32, #tpu.memory_space<vmem>>) dst(%dma_wait3A_1757 : memref<128x128xf32, #tpu.memory_space<hbm>>)
    %dma_wait3A_1758 = arith.constant 12 : i32
    %dma_wait3A_1759 = arith.constant 0 : i32
    %dma_wait3A_1760 = tpu.memref_slice %arg4[%dma_wait3A_1758, %mul3A_7, %dma_wait3A_1759] : memref<13x4096x256xf32, #tpu.memory_space<hbm>> -> memref<1x128x128xf32, #tpu.memory_space<hbm>>
    %dma_wait3A_1761 = tpu.memref_squeeze %dma_wait3A_1760 : memref<1x128x128xf32, #tpu.memory_space<hbm>> -> memref<128x128xf32, #tpu.memory_space<hbm>>
    %dma_wait3A_1762 = arith.constant 0 : i32
    %dma_wait3A_1763 = tpu.memref_slice %arg4[%dma_wait3A_1758, %mul3A_7, %dma_wait3A_1762] : memref<13x4096x256xf32, #tpu.memory_space<hbm>> -> memref<1x128x128xf32, #tpu.memory_space<hbm>>
    %dma_wait3A_1764 = tpu.memref_squeeze %dma_wait3A_1763 : memref<1x128x128xf32, #tpu.memory_space<hbm>> -> memref<128x128xf32, #tpu.memory_space<hbm>>
    tpu.wait_dma2 semaphore(%arg18 : memref<!tpu.dma_semaphore, #tpu.memory_space<semaphore_mem>>) src(%arg6 : memref<128x128xf32, #tpu.memory_space<vmem>>) dst(%dma_wait3A_1764 : memref<128x128xf32, #tpu.memory_space<hbm>>)
    %dma_wait3A_1765 = arith.constant 12 : i32
    %dma_wait3A_1766 = arith.constant 128 : i32
    %dma_wait3A_1767 = tpu.memref_slice %arg4[%dma_wait3A_1765, %mul3A_7, %dma_wait3A_1766] : memref<13x4096x256xf32, #tpu.memory_space<hbm>> -> memref<1x128x128xf32, #tpu.memory_space<hbm>>
    %dma_wait3A_1768 = tpu.memref_squeeze %dma_wait3A_1767 : memref<1x128x128xf32, #tpu.memory_space<hbm>> -> memref<128x128xf32, #tpu.memory_space<hbm>>
    %dma_wait3A_1769 = arith.constant 128 : i32
    %dma_wait3A_1770 = tpu.memref_slice %arg4[%dma_wait3A_1765, %mul3A_7, %dma_wait3A_1769] : memref<13x4096x256xf32, #tpu.memory_space<hbm>> -> memref<1x128x128xf32, #tpu.memory_space<hbm>>
    %dma_wait3A_1771 = tpu.memref_squeeze %dma_wait3A_1770 : memref<1x128x128xf32, #tpu.memory_space<hbm>> -> memref<128x128xf32, #tpu.memory_space<hbm>>
    tpu.wait_dma2 semaphore(%arg19 : memref<!tpu.dma_semaphore, #tpu.memory_space<semaphore_mem>>) src(%arg7 : memref<128x128xf32, #tpu.memory_space<vmem>>) dst(%dma_wait3A_1771 : memref<128x128xf32, #tpu.memory_space<hbm>>)
    return
  }
}

module attributes {stable_mosaic.version = 14 : i64} {
  func.func @_mlp_body(%arg0: i32, %arg1: memref<4096x39xf32, #tpu.memory_space<vmem>>, %arg2: memref<1x4096x256xf32, #tpu.memory_space<vmem>>, %arg3: memref<256x256xf32, #tpu.memory_space<vmem>>, %arg4: memref<13x256xf32, #tpu.memory_space<vmem>>, %arg5: memref<1x256xf32, #tpu.memory_space<vmem>>, %arg6: memref<256x256xf32, #tpu.memory_space<vmem>>, %arg7: memref<1x256xf32, #tpu.memory_space<vmem>>, %arg8: memref<256x256xf32, #tpu.memory_space<vmem>>, %arg9: memref<1x256xf32, #tpu.memory_space<vmem>>, %arg10: memref<256x256xf32, #tpu.memory_space<vmem>>, %arg11: memref<1x256xf32, #tpu.memory_space<vmem>>, %arg12: memref<256x256xf32, #tpu.memory_space<vmem>>, %arg13: memref<1x256xf32, #tpu.memory_space<vmem>>, %arg14: memref<256x256xf32, #tpu.memory_space<vmem>>, %arg15: memref<1x256xf32, #tpu.memory_space<vmem>>, %arg16: memref<256x256xf32, #tpu.memory_space<vmem>>, %arg17: memref<1x256xf32, #tpu.memory_space<vmem>>, %arg18: memref<256x1xf32, #tpu.memory_space<vmem>>, %arg19: memref<1x1xf32, #tpu.memory_space<vmem>>, %arg20: memref<4096x1xf32, #tpu.memory_space<vmem>>, %arg21: memref<4096x256xf32, #tpu.memory_space<vmem>>) attributes {dimension_semantics = [#tpu.dimension_semantics<arbitrary>], iteration_bounds = array<i64: 13>, scalar_prefetch = 0 : i64, scratch_operands = 1 : i64, tpu.core_type = #tpu.core_type<tc>, window_params = [{pipeline_mode = #tpu.pipeline_mode<synchronous>, transform_indices = @transform_0, window_bounds = array<i64: 4096, 39>}, {transform_indices = @transform_1, window_bounds = array<i64: 1, 4096, 256>}, {transform_indices = @transform_2, window_bounds = array<i64: 256, 256>}, {pipeline_mode = #tpu.pipeline_mode<synchronous>, transform_indices = @transform_3, window_bounds = array<i64: 13, 256>}, {pipeline_mode = #tpu.pipeline_mode<synchronous>, transform_indices = @transform_4, window_bounds = array<i64: 1, 256>}, {pipeline_mode = #tpu.pipeline_mode<synchronous>, transform_indices = @transform_5, window_bounds = array<i64: 256, 256>}, {pipeline_mode = #tpu.pipeline_mode<synchronous>, transform_indices = @transform_6, window_bounds = array<i64: 1, 256>}, {pipeline_mode = #tpu.pipeline_mode<synchronous>, transform_indices = @transform_7, window_bounds = array<i64: 256, 256>}, {pipeline_mode = #tpu.pipeline_mode<synchronous>, transform_indices = @transform_8, window_bounds = array<i64: 1, 256>}, {pipeline_mode = #tpu.pipeline_mode<synchronous>, transform_indices = @transform_9, window_bounds = array<i64: 256, 256>}, {pipeline_mode = #tpu.pipeline_mode<synchronous>, transform_indices = @transform_10, window_bounds = array<i64: 1, 256>}, {pipeline_mode = #tpu.pipeline_mode<synchronous>, transform_indices = @transform_11, window_bounds = array<i64: 256, 256>}, {pipeline_mode = #tpu.pipeline_mode<synchronous>, transform_indices = @transform_12, window_bounds = array<i64: 1, 256>}, {pipeline_mode = #tpu.pipeline_mode<synchronous>, transform_indices = @transform_13, window_bounds = array<i64: 256, 256>}, {pipeline_mode = #tpu.pipeline_mode<synchronous>, transform_indices = @transform_14, window_bounds = array<i64: 1, 256>}, {pipeline_mode = #tpu.pipeline_mode<synchronous>, transform_indices = @transform_15, window_bounds = array<i64: 256, 256>}, {pipeline_mode = #tpu.pipeline_mode<synchronous>, transform_indices = @transform_16, window_bounds = array<i64: 1, 256>}, {pipeline_mode = #tpu.pipeline_mode<synchronous>, transform_indices = @transform_17, window_bounds = array<i64: 256, 1>}, {pipeline_mode = #tpu.pipeline_mode<synchronous>, transform_indices = @transform_18, window_bounds = array<i64: 1, 1>}, {pipeline_mode = #tpu.pipeline_mode<synchronous>, transform_indices = @transform_19, window_bounds = array<i64: 4096, 1>}]} {
    %eq3A = arith.constant 0 : i32
    %eq3A_0 = arith.cmpi eq, %arg0, %eq3A : i32
    %convert_element_type3A = arith.extui %eq3A_0 : i1 to i32
    %cond3A = arith.constant 0 : i32
    %cond3A_1 = arith.cmpi ne, %convert_element_type3A, %cond3A : i32
    scf.if %cond3A_1 {
      %get3A_20 = arith.constant 0 : index
      %get3A_21 = arith.constant 0 : index
      %get3A_22 = vector.load %arg1[%get3A_20, %get3A_21] : memref<4096x39xf32, #tpu.memory_space<vmem>>, vector<4096x13xf32>
      %get3A_23 = arith.constant 0 : index
      %get3A_24 = arith.constant 0 : index
      %get3A_25 = vector.load %arg4[%get3A_23, %get3A_24] : memref<13x256xf32, #tpu.memory_space<vmem>>, vector<13x256xf32>
      %dot_general3A_26 = arith.constant dense<0.000000e+00> : vector<4096x256xf32>
      %dot_general3A_27 = tpu.matmul %get3A_22, %get3A_25, %dot_general3A_26 {dimension_numbers = #tpu.dot_dimension_numbers<[1], [0], [0], [1], [0, 0, 1, 1], [], []>, transpose_lhs_hint = false} : vector<4096x13xf32>, vector<13x256xf32>, vector<4096x256xf32> -> vector<4096x256xf32>
      %get3A_28 = arith.constant 0 : index
      %get3A_29 = arith.constant 0 : index
      %get3A_30 = vector.load %arg5[%get3A_28, %get3A_29] : memref<1x256xf32, #tpu.memory_space<vmem>>, vector<1x256xf32>
      %add3A_31 = vector.broadcast %get3A_30 : vector<1x256xf32> to vector<4096x256xf32>
      %add3A_32 = arith.addf %dot_general3A_27, %add3A_31 : vector<4096x256xf32>
      %max3A = arith.constant 0.000000e+00 : f32
      %max3A_33 = vector.broadcast %max3A : f32 to vector<4096x256xf32>
      %max3A_34 = arith.maximumf %add3A_32, %max3A_33 : vector<4096x256xf32>
      %get3A_35 = arith.constant 0 : index
      %get3A_36 = arith.constant 0 : index
      %get3A_37 = vector.load %arg6[%get3A_35, %get3A_36] : memref<256x256xf32, #tpu.memory_space<vmem>>, vector<256x256xf32>
      %dot_general3A_38 = arith.constant dense<0.000000e+00> : vector<4096x256xf32>
      %dot_general3A_39 = tpu.matmul %max3A_34, %get3A_37, %dot_general3A_38 {dimension_numbers = #tpu.dot_dimension_numbers<[1], [0], [0], [1], [0, 0, 1, 1], [], []>, transpose_lhs_hint = false} : vector<4096x256xf32>, vector<256x256xf32>, vector<4096x256xf32> -> vector<4096x256xf32>
      %get3A_40 = arith.constant 0 : index
      %get3A_41 = arith.constant 0 : index
      %get3A_42 = vector.load %arg7[%get3A_40, %get3A_41] : memref<1x256xf32, #tpu.memory_space<vmem>>, vector<1x256xf32>
      %add3A_43 = vector.broadcast %get3A_42 : vector<1x256xf32> to vector<4096x256xf32>
      %add3A_44 = arith.addf %dot_general3A_39, %add3A_43 : vector<4096x256xf32>
      %max3A_45 = arith.constant 0.000000e+00 : f32
      %max3A_46 = vector.broadcast %max3A_45 : f32 to vector<4096x256xf32>
      %max3A_47 = arith.maximumf %add3A_44, %max3A_46 : vector<4096x256xf32>
      %add3A_48 = arith.addf %max3A_34, %max3A_47 : vector<4096x256xf32>
      %get3A_49 = arith.constant 0 : index
      %get3A_50 = arith.constant 0 : index
      %get3A_51 = vector.load %arg8[%get3A_49, %get3A_50] : memref<256x256xf32, #tpu.memory_space<vmem>>, vector<256x256xf32>
      %dot_general3A_52 = arith.constant dense<0.000000e+00> : vector<4096x256xf32>
      %dot_general3A_53 = tpu.matmul %add3A_48, %get3A_51, %dot_general3A_52 {dimension_numbers = #tpu.dot_dimension_numbers<[1], [0], [0], [1], [0, 0, 1, 1], [], []>, transpose_lhs_hint = false} : vector<4096x256xf32>, vector<256x256xf32>, vector<4096x256xf32> -> vector<4096x256xf32>
      %get3A_54 = arith.constant 0 : index
      %get3A_55 = arith.constant 0 : index
      %get3A_56 = vector.load %arg9[%get3A_54, %get3A_55] : memref<1x256xf32, #tpu.memory_space<vmem>>, vector<1x256xf32>
      %add3A_57 = vector.broadcast %get3A_56 : vector<1x256xf32> to vector<4096x256xf32>
      %add3A_58 = arith.addf %dot_general3A_53, %add3A_57 : vector<4096x256xf32>
      %max3A_59 = arith.constant 0.000000e+00 : f32
      %max3A_60 = vector.broadcast %max3A_59 : f32 to vector<4096x256xf32>
      %max3A_61 = arith.maximumf %add3A_58, %max3A_60 : vector<4096x256xf32>
      %add3A_62 = arith.addf %add3A_48, %max3A_61 : vector<4096x256xf32>
      %get3A_63 = arith.constant 0 : index
      %get3A_64 = arith.constant 0 : index
      %get3A_65 = vector.load %arg10[%get3A_63, %get3A_64] : memref<256x256xf32, #tpu.memory_space<vmem>>, vector<256x256xf32>
      %dot_general3A_66 = arith.constant dense<0.000000e+00> : vector<4096x256xf32>
      %dot_general3A_67 = tpu.matmul %add3A_62, %get3A_65, %dot_general3A_66 {dimension_numbers = #tpu.dot_dimension_numbers<[1], [0], [0], [1], [0, 0, 1, 1], [], []>, transpose_lhs_hint = false} : vector<4096x256xf32>, vector<256x256xf32>, vector<4096x256xf32> -> vector<4096x256xf32>
      %get3A_68 = arith.constant 0 : index
      %get3A_69 = arith.constant 0 : index
      %get3A_70 = vector.load %arg11[%get3A_68, %get3A_69] : memref<1x256xf32, #tpu.memory_space<vmem>>, vector<1x256xf32>
      %add3A_71 = vector.broadcast %get3A_70 : vector<1x256xf32> to vector<4096x256xf32>
      %add3A_72 = arith.addf %dot_general3A_67, %add3A_71 : vector<4096x256xf32>
      %swap3A_73 = arith.constant 0 : index
      %swap3A_74 = arith.constant 0 : index
      %swap3A_75 = vector.load %arg21[%swap3A_73, %swap3A_74] : memref<4096x256xf32, #tpu.memory_space<vmem>>, vector<4096x256xf32>
      tpu.vector_store %arg21[%swap3A_73, %swap3A_74], %add3A_72 {strides = array<i32>} : memref<4096x256xf32, #tpu.memory_space<vmem>>, vector<4096x256xf32>,
    } else {
    }
    %get3A = arith.constant 0 : index
    %get3A_2 = arith.constant 0 : index
    %get3A_3 = vector.load %arg21[%get3A, %get3A_2] : memref<4096x256xf32, #tpu.memory_space<vmem>>, vector<4096x256xf32>
    %get3A_4 = arith.constant 0 : index
    %get3A_5 = arith.constant 0 : index
    %get3A_6 = arith.constant 0 : index
    %get3A_7 = vector.load %arg2[%get3A_4, %get3A_5, %get3A_6] : memref<1x4096x256xf32, #tpu.memory_space<vmem>>, vector<1x4096x256xf32>
    %get3A_8 = vector.shape_cast %get3A_7 : vector<1x4096x256xf32> to vector<4096x256xf32>
    %get3A_9 = arith.constant 0 : index
    %get3A_10 = arith.constant 0 : index
    %get3A_11 = vector.load %arg3[%get3A_9, %get3A_10] : memref<256x256xf32, #tpu.memory_space<vmem>>, vector<256x256xf32>
    %dot_general3A = arith.constant dense<0.000000e+00> : vector<4096x256xf32>
    %dot_general3A_12 = tpu.matmul %get3A_8, %get3A_11, %dot_general3A {dimension_numbers = #tpu.dot_dimension_numbers<[1], [0], [0], [1], [0, 0, 1, 1], [], []>, transpose_lhs_hint = false} : vector<4096x256xf32>, vector<256x256xf32>, vector<4096x256xf32> -> vector<4096x256xf32>
    %add3A = arith.addf %get3A_3, %dot_general3A_12 : vector<4096x256xf32>
    %swap3A = arith.constant 0 : index
    %swap3A_13 = arith.constant 0 : index
    %swap3A_14 = vector.load %arg21[%swap3A, %swap3A_13] : memref<4096x256xf32, #tpu.memory_space<vmem>>, vector<4096x256xf32>
    tpu.vector_store %arg21[%swap3A, %swap3A_13], %add3A {strides = array<i32>} : memref<4096x256xf32, #tpu.memory_space<vmem>>, vector<4096x256xf32>,
    %eq3A_15 = arith.constant 12 : i32
    %eq3A_16 = arith.cmpi eq, %arg0, %eq3A_15 : i32
    %convert_element_type3A_17 = arith.extui %eq3A_16 : i1 to i32
    %cond3A_18 = arith.constant 0 : i32
    %cond3A_19 = arith.cmpi ne, %convert_element_type3A_17, %cond3A_18 : i32
    scf.if %cond3A_19 {
      %get3A_20 = arith.constant 0 : index
      %get3A_21 = arith.constant 0 : index
      %get3A_22 = vector.load %arg21[%get3A_20, %get3A_21] : memref<4096x256xf32, #tpu.memory_space<vmem>>, vector<4096x256xf32>
      %max3A = arith.constant 0.000000e+00 : f32
      %max3A_23 = vector.broadcast %max3A : f32 to vector<4096x256xf32>
      %max3A_24 = arith.maximumf %get3A_22, %max3A_23 : vector<4096x256xf32>
      %get3A_25 = arith.constant 0 : index
      %get3A_26 = arith.constant 0 : index
      %get3A_27 = vector.load %arg12[%get3A_25, %get3A_26] : memref<256x256xf32, #tpu.memory_space<vmem>>, vector<256x256xf32>
      %dot_general3A_28 = arith.constant dense<0.000000e+00> : vector<4096x256xf32>
      %dot_general3A_29 = tpu.matmul %max3A_24, %get3A_27, %dot_general3A_28 {dimension_numbers = #tpu.dot_dimension_numbers<[1], [0], [0], [1], [0, 0, 1, 1], [], []>, transpose_lhs_hint = false} : vector<4096x256xf32>, vector<256x256xf32>, vector<4096x256xf32> -> vector<4096x256xf32>
      %get3A_30 = arith.constant 0 : index
      %get3A_31 = arith.constant 0 : index
      %get3A_32 = vector.load %arg13[%get3A_30, %get3A_31] : memref<1x256xf32, #tpu.memory_space<vmem>>, vector<1x256xf32>
      %add3A_33 = vector.broadcast %get3A_32 : vector<1x256xf32> to vector<4096x256xf32>
      %add3A_34 = arith.addf %dot_general3A_29, %add3A_33 : vector<4096x256xf32>
      %max3A_35 = arith.constant 0.000000e+00 : f32
      %max3A_36 = vector.broadcast %max3A_35 : f32 to vector<4096x256xf32>
      %max3A_37 = arith.maximumf %add3A_34, %max3A_36 : vector<4096x256xf32>
      %add3A_38 = arith.addf %max3A_24, %max3A_37 : vector<4096x256xf32>
      %get3A_39 = arith.constant 0 : index
      %get3A_40 = arith.constant 0 : index
      %get3A_41 = vector.load %arg14[%get3A_39, %get3A_40] : memref<256x256xf32, #tpu.memory_space<vmem>>, vector<256x256xf32>
      %dot_general3A_42 = arith.constant dense<0.000000e+00> : vector<4096x256xf32>
      %dot_general3A_43 = tpu.matmul %add3A_38, %get3A_41, %dot_general3A_42 {dimension_numbers = #tpu.dot_dimension_numbers<[1], [0], [0], [1], [0, 0, 1, 1], [], []>, transpose_lhs_hint = false} : vector<4096x256xf32>, vector<256x256xf32>, vector<4096x256xf32> -> vector<4096x256xf32>
      %get3A_44 = arith.constant 0 : index
      %get3A_45 = arith.constant 0 : index
      %get3A_46 = vector.load %arg15[%get3A_44, %get3A_45] : memref<1x256xf32, #tpu.memory_space<vmem>>, vector<1x256xf32>
      %add3A_47 = vector.broadcast %get3A_46 : vector<1x256xf32> to vector<4096x256xf32>
      %add3A_48 = arith.addf %dot_general3A_43, %add3A_47 : vector<4096x256xf32>
      %max3A_49 = arith.constant 0.000000e+00 : f32
      %max3A_50 = vector.broadcast %max3A_49 : f32 to vector<4096x256xf32>
      %max3A_51 = arith.maximumf %add3A_48, %max3A_50 : vector<4096x256xf32>
      %add3A_52 = arith.addf %add3A_38, %max3A_51 : vector<4096x256xf32>
      %get3A_53 = arith.constant 0 : index
      %get3A_54 = arith.constant 0 : index
      %get3A_55 = vector.load %arg16[%get3A_53, %get3A_54] : memref<256x256xf32, #tpu.memory_space<vmem>>, vector<256x256xf32>
      %dot_general3A_56 = arith.constant dense<0.000000e+00> : vector<4096x256xf32>
      %dot_general3A_57 = tpu.matmul %add3A_52, %get3A_55, %dot_general3A_56 {dimension_numbers = #tpu.dot_dimension_numbers<[1], [0], [0], [1], [0, 0, 1, 1], [], []>, transpose_lhs_hint = false} : vector<4096x256xf32>, vector<256x256xf32>, vector<4096x256xf32> -> vector<4096x256xf32>
      %get3A_58 = arith.constant 0 : index
      %get3A_59 = arith.constant 0 : index
      %get3A_60 = vector.load %arg17[%get3A_58, %get3A_59] : memref<1x256xf32, #tpu.memory_space<vmem>>, vector<1x256xf32>
      %add3A_61 = vector.broadcast %get3A_60 : vector<1x256xf32> to vector<4096x256xf32>
      %add3A_62 = arith.addf %dot_general3A_57, %add3A_61 : vector<4096x256xf32>
      %max3A_63 = arith.constant 0.000000e+00 : f32
      %max3A_64 = vector.broadcast %max3A_63 : f32 to vector<4096x256xf32>
      %max3A_65 = arith.maximumf %add3A_62, %max3A_64 : vector<4096x256xf32>
      %add3A_66 = arith.addf %add3A_52, %max3A_65 : vector<4096x256xf32>
      %get3A_67 = arith.constant 0 : index
      %get3A_68 = arith.constant 0 : index
      %get3A_69 = vector.load %arg18[%get3A_67, %get3A_68] : memref<256x1xf32, #tpu.memory_space<vmem>>, vector<256x1xf32>
      %dot_general3A_70 = arith.constant dense<0.000000e+00> : vector<4096x1xf32>
      %dot_general3A_71 = tpu.matmul %add3A_66, %get3A_69, %dot_general3A_70 {dimension_numbers = #tpu.dot_dimension_numbers<[1], [0], [0], [1], [0, 0, 1, 1], [], []>, transpose_lhs_hint = false} : vector<4096x256xf32>, vector<256x1xf32>, vector<4096x1xf32> -> vector<4096x1xf32>
      %get3A_72 = arith.constant 0 : index
      %get3A_73 = arith.constant 0 : index
      %get3A_74 = vector.load %arg19[%get3A_72, %get3A_73] : memref<1x1xf32, #tpu.memory_space<vmem>>, vector<1x1xf32>
      %add3A_75 = vector.broadcast %get3A_74 : vector<1x1xf32> to vector<4096x1xf32>
      %add3A_76 = arith.addf %dot_general3A_71, %add3A_75 : vector<4096x1xf32>
      %swap3A_77 = arith.constant 0 : index
      %swap3A_78 = arith.constant 0 : index
      %swap3A_79 = vector.load %arg20[%swap3A_77, %swap3A_78] : memref<4096x1xf32, #tpu.memory_space<vmem>>, vector<4096x1xf32>
      tpu.vector_store %arg20[%swap3A_77, %swap3A_78], %add3A_76 {strides = array<i32>} : memref<4096x1xf32, #tpu.memory_space<vmem>>, vector<4096x1xf32>,
    } else {
    }
    return
  }
  func.func @transform_0(%arg0: i32) -> (i32, i32) {
    %c0_i32 = arith.constant 0 : i32
    %c0_i32_0 = arith.constant 0 : i32
    %c0_i32_1 = arith.constant 0 : i32
    return %c0_i32, %c0_i32_0 : i32, i32
  }
  func.func @transform_1(%arg0: i32) -> (i32, i32, i32) {
    %c0_i32 = arith.constant 0 : i32
    %c0_i32_0 = arith.constant 0 : i32
    %c0_i32_1 = arith.constant 0 : i32
    return %arg0, %c0_i32, %c0_i32_0 : i32, i32, i32
  }
  func.func @transform_2(%arg0: i32) -> (i32, i32) {
    %c0_i32 = arith.constant 0 : i32
    %c0_i32_0 = arith.constant 0 : i32
    return %arg0, %c0_i32 : i32, i32
  }
  func.func @transform_3(%arg0: i32) -> (i32, i32) {
    %c0_i32 = arith.constant 0 : i32
    %c0_i32_0 = arith.constant 0 : i32
    %c0_i32_1 = arith.constant 0 : i32
    return %c0_i32, %c0_i32_0 : i32, i32
  }
  func.func @transform_4(%arg0: i32) -> (i32, i32) {
    %c0_i32 = arith.constant 0 : i32
    %c0_i32_0 = arith.constant 0 : i32
    %c0_i32_1 = arith.constant 0 : i32
    return %c0_i32, %c0_i32_0 : i32, i32
  }
  func.func @transform_5(%arg0: i32) -> (i32, i32) {
    %c0_i32 = arith.constant 0 : i32
    %c0_i32_0 = arith.constant 0 : i32
    %c0_i32_1 = arith.constant 0 : i32
    return %c0_i32, %c0_i32_0 : i32, i32
  }
  func.func @transform_6(%arg0: i32) -> (i32, i32) {
    %c0_i32 = arith.constant 0 : i32
    %c0_i32_0 = arith.constant 0 : i32
    %c0_i32_1 = arith.constant 0 : i32
    return %c0_i32, %c0_i32_0 : i32, i32
  }
  func.func @transform_7(%arg0: i32) -> (i32, i32) {
    %c0_i32 = arith.constant 0 : i32
    %c0_i32_0 = arith.constant 0 : i32
    %c0_i32_1 = arith.constant 0 : i32
    return %c0_i32, %c0_i32_0 : i32, i32
  }
  func.func @transform_8(%arg0: i32) -> (i32, i32) {
    %c0_i32 = arith.constant 0 : i32
    %c0_i32_0 = arith.constant 0 : i32
    %c0_i32_1 = arith.constant 0 : i32
    return %c0_i32, %c0_i32_0 : i32, i32
  }
  func.func @transform_9(%arg0: i32) -> (i32, i32) {
    %c0_i32 = arith.constant 0 : i32
    %c0_i32_0 = arith.constant 0 : i32
    %c0_i32_1 = arith.constant 0 : i32
    return %c0_i32, %c0_i32_0 : i32, i32
  }
  func.func @transform_10(%arg0: i32) -> (i32, i32) {
    %c0_i32 = arith.constant 0 : i32
    %c0_i32_0 = arith.constant 0 : i32
    %c0_i32_1 = arith.constant 0 : i32
    return %c0_i32, %c0_i32_0 : i32, i32
  }
  func.func @transform_11(%arg0: i32) -> (i32, i32) {
    %c0_i32 = arith.constant 0 : i32
    %c0_i32_0 = arith.constant 0 : i32
    %c0_i32_1 = arith.constant 0 : i32
    return %c0_i32, %c0_i32_0 : i32, i32
  }
  func.func @transform_12(%arg0: i32) -> (i32, i32) {
    %c0_i32 = arith.constant 0 : i32
    %c0_i32_0 = arith.constant 0 : i32
    %c0_i32_1 = arith.constant 0 : i32
    return %c0_i32, %c0_i32_0 : i32, i32
  }
  func.func @transform_13(%arg0: i32) -> (i32, i32) {
    %c0_i32 = arith.constant 0 : i32
    %c0_i32_0 = arith.constant 0 : i32
    %c0_i32_1 = arith.constant 0 : i32
    return %c0_i32, %c0_i32_0 : i32, i32
  }
  func.func @transform_14(%arg0: i32) -> (i32, i32) {
    %c0_i32 = arith.constant 0 : i32
    %c0_i32_0 = arith.constant 0 : i32
    %c0_i32_1 = arith.constant 0 : i32
    return %c0_i32, %c0_i32_0 : i32, i32
  }
  func.func @transform_15(%arg0: i32) -> (i32, i32) {
    %c0_i32 = arith.constant 0 : i32
    %c0_i32_0 = arith.constant 0 : i32
    %c0_i32_1 = arith.constant 0 : i32
    return %c0_i32, %c0_i32_0 : i32, i32
  }
  func.func @transform_16(%arg0: i32) -> (i32, i32) {
    %c0_i32 = arith.constant 0 : i32
    %c0_i32_0 = arith.constant 0 : i32
    %c0_i32_1 = arith.constant 0 : i32
    return %c0_i32, %c0_i32_0 : i32, i32
  }
  func.func @transform_17(%arg0: i32) -> (i32, i32) {
    %c0_i32 = arith.constant 0 : i32
    %c0_i32_0 = arith.constant 0 : i32
    %c0_i32_1 = arith.constant 0 : i32
    return %c0_i32, %c0_i32_0 : i32, i32
  }
  func.func @transform_18(%arg0: i32) -> (i32, i32) {
    %c0_i32 = arith.constant 0 : i32
    %c0_i32_0 = arith.constant 0 : i32
    %c0_i32_1 = arith.constant 0 : i32
    return %c0_i32, %c0_i32_0 : i32, i32
  }
  func.func @transform_19(%arg0: i32) -> (i32, i32) {
    %c0_i32 = arith.constant 0 : i32
    %c0_i32_0 = arith.constant 0 : i32
    %c0_i32_1 = arith.constant 0 : i32
    return %c0_i32, %c0_i32_0 : i32, i32
  }
}

</mosaic_0001>

<sc_bundles>
// kernel: kernel.4.cloned.1.call-start
scs
__scs_entry_jumppad:
0x0: {  	(pc) =	sbr.rel $0x88, $3  }
0x1: {  	(tag) =	ssettag $0x0;
	lr =	simm.s32 $0x1  }
0x2: {  	[smem:$0x3F8F] =	sst lr;
	_ =	strace $0xD0000000  }
0x3: {  	_ = 	snop  }
0x4: {  	_ = 	snop  }
0x5: {  	_ = 	snop  }
0x6: {  	_ = 	snop  }
0x7: {  	_ = 	snop  }
__scs_overlays_trampoline_lowered:
0x8: {  	[smem:$0x3F9E] =	sst s0  }
0x9: {  	[smem:$0x3F9F] =	sst s1  }
0xa: {  	[smem:$0x3FA0] =	sst s2  }
0xb: {  	[smem:$0x3FA1] =	sst s3  }
0xc: {  	[smem:$0x3FA2] =	sst s4  }
0xd: {  	[smem:$0x3FA3] =	sst s5  }
0xe: {  	[smem:$0x3FA4] =	sst s6  }
0xf: {  	[smem:$0x3FA5] =	sst s7  }
0x10: {  	[smem:$0x3FA6] =	sst s8  }
0x11: {  	[smem:$0x3FA7] =	sst s9;
	s0 =	simm.s32 @!p0 $0x0  }
0x12: {  	s1 =	sld [smem:$0x3F8D];
	s0 =	simm.s32 @p0 $0x1  }
0x13: {  	[smem:$0x3FA8] =	sst s0;
	s0 =	simm.s32 @!p1 $0x0  }
0x14: {  	s2 =	sld [smem:$0x3F8C];
	s0 =	simm.s32 @p1 $0x1  }
0x15: {  	[smem:$0x3FA9] =	sst s0;
	s0 =	simm.s32 @!p2 $0x0  }
0x16: {  	s3 =	sld [smem:$0x3FDB];
	s0 =	simm.s32 @p2 $0x1  }
0x17: {  	s4 =	simm.s32 $0x1BF5;
	[smem:$0x3FAB] =	sst s0  }
0x18: {  	s0 =	sld [smem:$0x3F8E];
	_ =	swait.ge [sflag:s4], $0x0  }
0x19: {  	s7 =	sld [smem:$0x3F8F]  }
0x1a: {  	s8 =	sadd.s32 $0xFFFFE003, lr  }
0x1b: {  	s9 =	sadd.s32 $0xFFFFFEF7, lr;
	s5 =	simm.s32 $0xFFFFFFFF;
	p2 =	slt.u32 s8, $0xFFFFF086  }
0x1c: {  	p1 =	slt.u32 s9, $0xF7A;
	s5 =	simm.s32 @!p2 $0x0  }
0x1d: {  	s5 =	simm.s32 @p1 $0x1;
	p0 =	seq.s32 s7, s2  }
0x1e: {  	s7 =	smul.u32 @!p0 $0xF7A, s2;
	p2 =	seq.s32 @!p0 s5, $0x0  }
0x1f: {  	s9 =	smul.u32 $0xF7A, s1;
	s8 =	simm.s32 @!p0 $0x1BF5;
	p2 =	por !p2, p0  }
0x20: {  	[sflag:s8] =	ssyncset.s32 @!p0 $0xFFFFF086;
	s6 =	sadd.s32 @!p0 s3, s7;
	s7 =	simm.s32 @!p0 $0x108  }
0x21: {  	s3 =	sadd.s32 s3, s9;
	s6 =	sadd.s32 @!p0 $0x88, s6;
	s7 =	simm.s32 @p2 $0x1082  }
0x22: {  	[simem:s7], [sflag:s8] =	dma.local @!p0 [hbm:s6], $0xF7A  }
0x23: {  	s9 =	sor.u32 $0xD0000000, s2;
	s6 =	simm.s32 $0x108;
	_ =	swait.ge @!p0 [sflag:s8], $0x0  }
0x24: {  	s3 =	sadd.s32 $0x88, s3;
	s6 =	simm.s32 @!p1 $0x1082;
	[sflag:s4] =	ssyncset.s32 $0xFFFFF086  }
0x25: {  	[simem:s6], [sflag:s4] =	dma.local [hbm:s3], $0xF7A  }
0x26: {  	[smem:$0x3F8F] =	sst s1;
	(tag) =	ssettag s2;
	_ =	strace s9  }
0x27: {  	s1 =	sld [smem:$0x3F9F]  }
0x28: {  	s2 =	sld [smem:$0x3FA0]  }
0x29: {  	s4 =	sld [smem:$0x3FA2]  }
0x2a: {  	p0 =	seq.s32 s5, $0x0;
	s5 =	sld [smem:$0x3FA3]  }
0x2b: {  	s6 =	sld [smem:$0x3FA4]  }
0x2c: {  	s7 =	sld [smem:$0x3FA5]  }
0x2d: {  	s3 =	simm.s32 $0x108;
	s8 =	sld [smem:$0x3FA6]  }
0x2e: {  	s3 =	simm.s32 @!p0 $0x1082;
	s9 =	sld [smem:$0x3FA7]  }
0x2f: {  	lr =	sadd.s32 s0, s3;
	s0 =	sld [smem:$0x3F9E]  }
0x30: {  	s3 =	sld [smem:$0x3FA1]  }
0x31: {  	[smem:$0x3FAA] =	sst s10  }
0x32: {  	s10 =	sld [smem:$0x3FA8];
	_ =	sdelay $0x3  }
0x33: {  	p0 =	seq.s32 s10, $0x1;
	s10 =	sld [smem:$0x3FAA];
	_ =	sdelay $0x3  }
0x34: {  	[smem:$0x3FAA] =	sst s10  }
0x35: {  	s10 =	sld [smem:$0x3FA9];
	_ =	sdelay $0x3  }
0x36: {  	p1 =	seq.s32 s10, $0x1;
	s10 =	sld [smem:$0x3FAA];
	_ =	sdelay $0x3  }
0x37: {  	[smem:$0x3FAA] =	sst s10  }
0x38: {  	s10 =	sld [smem:$0x3FAB]  }
0x39: {  	_ = 	snop;
	(pc) =	sbr.ind lr, $3  }
0x3a: {  	_ = 	snop  }
0x3b: {  	_ = 	snop  }
0x3c: {  	p2 =	seq.s32 s10, $0x1;
	s10 =	sld [smem:$0x3FAA]  }
0x3d: {  	_ =	shalt  }
0x3e: {  	_ =	shalt  }
0x3f: {  	_ =	shalt  }
0x40: {  	_ =	shalt  }
0x41: {  	_ =	shalt  }
0x42: {  	_ =	shalt  }
0x43: {  	_ =	shalt  }
0x44: {  	_ =	shalt  }
0x45: {  	_ =	shalt  }
0x46: {  	_ =	shalt  }
0x47: {  	_ =	shalt  }
0x48: {  	_ =	shalt  }
0x49: {  	_ =	shalt  }
0x4a: {  	_ =	shalt  }
0x4b: {  	_ =	shalt  }
0x4c: {  	_ =	shalt  }
0x4d: {  	_ =	shalt  }
0x4e: {  	_ =	shalt  }
0x4f: {  	_ =	shalt  }
0x50: {  	_ =	shalt  }
0x51: {  	_ =	shalt  }
0x52: {  	_ =	shalt  }
0x53: {  	_ =	shalt  }
0x54: {  	_ =	shalt  }
0x55: {  	_ =	shalt  }
0x56: {  	_ =	shalt  }
0x57: {  	_ =	shalt  }
0x58: {  	_ =	shalt  }
0x59: {  	_ =	shalt  }
0x5a: {  	_ =	shalt  }
0x5b: {  	_ =	shalt  }
0x5c: {  	_ =	shalt  }
0x5d: {  	_ =	shalt  }
0x5e: {  	_ =	shalt  }
0x5f: {  	_ =	shalt  }
0x60: {  	_ =	shalt  }
0x61: {  	_ =	shalt  }
0x62: {  	_ =	shalt  }
0x63: {  	_ =	shalt  }
0x64: {  	_ =	shalt  }
0x65: {  	_ =	shalt  }
0x66: {  	_ =	shalt  }
0x67: {  	_ =	shalt  }
0x68: {  	_ =	shalt  }
0x69: {  	_ =	shalt  }
0x6a: {  	_ =	shalt  }
0x6b: {  	_ =	shalt  }
0x6c: {  	_ =	shalt  }
0x6d: {  	_ =	shalt  }
0x6e: {  	_ =	shalt  }
0x6f: {  	_ =	shalt  }
0x70: {  	_ =	shalt  }
0x71: {  	_ =	shalt  }
0x72: {  	_ =	shalt  }
0x73: {  	_ =	shalt  }
0x74: {  	_ =	shalt  }
0x75: {  	_ =	shalt  }
0x76: {  	_ =	shalt  }
0x77: {  	_ =	shalt  }
0x78: {  	_ =	shalt  }
0x79: {  	_ =	shalt  }
0x7a: {  	_ =	shalt  }
0x7b: {  	_ =	shalt  }
0x7c: {  	_ =	shalt  }
0x7d: {  	_ =	shalt  }
0x7e: {  	_ =	shalt  }
0x7f: {  	_ =	shalt  }
0x80: {  	_ =	shalt  }
0x81: {  	_ =	shalt  }
0x82: {  	_ =	shalt  }
0x83: {  	_ =	shalt  }
0x84: {  	_ =	shalt  }
0x85: {  	_ =	shalt  }
0x86: {  	_ =	shalt  }
0x87: {  	_ =	shalt  }
.Lfunc_end0:
.L_simem_size_0:
called_computation_lowered:
.L_overlay_start_0:
0x88: {  	s2 =	sld [smem:$0x3FD9]  }
0x89: {  	s3 =	sld [smem:$0x3FFE];
	_ =	sdelay $0x1  }
0x8a: {  	s1 =	srdreg.scid  }
0x8b: {  	s0 =	sand.u32 $0x1, s1  }
0x8c: {  	s17 =	sshll.u32 s0, $0xA;
	s2 =	sadd.s32 s3, s2  }
0x8d: {  	s2 =	sadd.s32 s2, s17  }
0x8e: {  	[smem:$0x3FB6] =	sst s2  }
0x8f: {  	_ = 	snop  }
0x90: {  	s2 =	sld [smem:$0x3FC2];
	(tm) =	ssettm $0x1  }
0x91: {  	s18 =	sld [smem:$0x3FFB];
	_ =	sdelay $0x3  }
0x92: {  	_ =	strace s18  }
0x93: {  	s3 =	sld [smem:$0x3FFC];
	_ =	sdelay $0x3  }
0x94: {  	_ =	strace s3  }
0x95: {  	s3 =	sld [smem:$0x3FFD];
	_ =	sdelay $0x3  }
0x96: {  	_ =	strace s3  }
0x97: {  	_ =	strace $0x8FFFFFFF  }
0x98: {  	s19 =	sld [smem:$0x3FDB];
	_ =	sdelay $0x1  }
0x99: {  	s4 =	simm.s32 $_scs_section_size  }
0x9a: {  	s5 =	simm.s32 $_size__tile_overlayer_lowered;
	s6 =	simm.s32 $_tile_overlayer_lowered  }
0x9b: {  	s22 =	simm.s32 $0x1BFF;
	s21 =	sshll.u32 s6, $0x1;
	s3 =	sadd.s32 s4, s19  }
0x9c: {  	s7 =	simm.s32 $0x0;
	s20 =	sshll.u32 s5, $0x1;
	s5 =	sadd.s32 s21, s3  }
0x9d: {  	[timem:s7], [sflag:s22] =	dma.local [hbm:s5], s20  }
0x9e: {  	_ =	swait.ge [sflag:s22], s20  }
0x9f: {  	s4 =	ssub.s32 $0x0, s20;
	[sflag:s22] =	ssyncset.done $0x0  }
0xa0: {  	[sflag:s22] =	ssyncadd.s32 s4;
	_ =	sdelay $0x1  }
0xa1: {  	s23 =	simm.s32 $0x1B8B  }
0xa2: {  	_ =	swait.ge [sflag:s23], $0x1  }
0xa3: {  	[sflag:s23] =	ssyncset.done $0x0  }
0xa4: {  	s25 =	simm.s32 $0x1B8E;
	s24 =	sld [smem:$0x3FFE];
	[sflag:s23] =	ssyncadd.s32 $0xFFFFFFFF  }
0xa5: {  	s26 =	simm.s32 $execute0_lowered;
	[smem:$0x3FD2] =	sst s25  }
0xa6: {  	s5 =	sshll.u32 s26, $0x1;
	_ =	strace $0x80000046;
	[dreg:$0x1] =	wrdreg $0xFFFFFFFF  }
0xa7: {  	s28 =	simm.s32 $_size_execute0_lowered;
	s3 =	sadd.s32 s3, s5;
	[dreg:$0x0] =	wrdreg $0x0  }
0xa8: {  	s5 =	sshll.u32 s28, $0x1;
	[dreg:$0x2] =	wrdreg s3  }
0xa9: {  	[dreg:$0x3] =	wrdreg s5  }
0xaa: {  	[dreg:$0x4] =	wrdreg $0xC0  }
0xab: {  	_ =	task [dreg:s7], $0x5FFFF  }
0xac: {  	[dreg:$0x1] =	wrdreg $0xFFFFFFFF  }
0xad: {  	[dreg:$0x0] =	wrdreg $0x60  }
0xae: {  	[dreg:$0x2] =	wrdreg s2  }
0xaf: {  	[dreg:$0x3] =	wrdreg s24  }
0xb0: {  	[dreg:$0x4] =	wrdreg $0x9  }
0xb1: {  	_ =	task.clear_ibuf [dreg:s7], $0x5FFFF;
	_ =	strace $0x90000046  }
0xb2: {  	s29 =	simm.s32 $0x9;
	_ =	strace $0x80000048  }
0xb3: {  	_ =	swait.ge [sflag:s29], $0x1  }
0xb4: {  	[sflag:s29] =	ssyncadd.s32 $0xFFFFFFFF  }
0xb5: {  	_ =	strace $0x90000048  }
0xb6: {  	_ =	sfence  }
0xb7: {  	s30 =	sld [smem:$0x0];
	_ =	sdelay $0x2  }
0xb8: {  	s31 =	sshll.u32 s1, $0xD;
	s1 =	sshrl.u32 s1, $0x2  }
0xb9: {  	s3 =	sand.u32 $0x4000, s31;
	s1 =	sadd.s32 s1, s30  }
0xba: {  	s0 =	sor.u32 s3, s0;
	s1 =	sshll.u32 s1, $0x11  }
0xbb: {  	s0 =	sor.u32 s1, s0  }
0xbc: {  	s0 =	sadd.s32 $0x8F2B, s0  }
0xbd: {  	[sflag:s0] =	ssyncadd.remote.s32 $0x1  }
0xbe: {  	_ =	sfence.sel $0xFFFF  }
0xbf: {  	[dreg:$0x0] =	wrdreg $0xFFFFFFFF;
	(pc) =	sbr.abs _section_cstart, $3  }
0xc0: {  	[dreg:$0x1] =	wrdreg $0xFFFFFFFF  }
0xc1: {  	_ =	task.clear_ibuf [dreg:s7], $0x2FFFF;
	_ =	strace $0x9FFFFFFF  }
0xc2: {  	(tm) =	ssettm $0x7FFFFFFF  }
0xc3: {  	_ =	shalt  }
tec
execute0_lowered:
.L_overlay_start_1:
0x0: {  	(tag) =	ssettag $0x1  }
0x1: {  	s1 =	srdreg.scid;
	s0 =	stileid.u32  }
0x2: {  	s4 =	sand.u32 $0x1, s1;
	s9 =	sshll.u32 s0, $0x1  }
0x3: {  	s1 =	sor.u32 s4, s9  }
0x4: {  	s5 =	rddreg [dreg:$0x1];
	s6 =	smul.u32 $0x1A0, s1;
	s1 =	sshll.u32 s1, $0xC  }
0x5: {  	s2 =	rddreg [dreg:$0x0];
	s3 =	simm.s32 $0x0;
	s1 =	sadd.s32 s1, s5  }
0x6: {  	[smem:$0x7FF] =	sst s3;
	s11 =	sadd.s32 $0x5800, s1  }
0x7: {  	_ =	strace $0x80000047;
	s12 =	sadd.s32 $0x5880, s1;
	[dreg:$0x4] =	wrdreg s11  }
0x8: {  	s13 =	sadd.s32 $0x25800, s1;
	[dreg:$0x5] =	wrdreg s12  }
0x9: {  	v0 =	vlaneseq.u32;
	s14 =	sadd.s32 $0x25880, s1;
	[dreg:$0x6] =	wrdreg s13  }
0xa: {  	v0 =	vmul.u32 $0x1A, v0;
	s15 =	sadd.s32 $0x45800, s1;
	[dreg:$0x7] =	wrdreg s14  }
0xb: {  	s16 =	sadd.s32 $0x45880, s1;
	[dreg:$0x8] =	wrdreg s15  }
0xc: {  	v1 =	vadd.s32 $0x1A0, v0;
	v3 =	vadd.s32 $0x4E0, v0;
	v4 =	vadd.s32 $0x680, v0;
	s17 =	sadd.s32 $0x65800, s1;
	[dreg:$0x9] =	wrdreg s16  }
0xd: {  	v5 =	vadd.s32 $0x820, v0;
	v6 =	vadd.s32 $0x9C0, v0;
	v7 =	vadd.s32 $0xB60, v0;
	s18 =	sadd.s32 $0x65880, s1;
	[dreg:$0xa] =	wrdreg s17  }
0xe: {  	s28 =	simm.s32 $0x6;
	v8 =	vor.u32 $0x1, v0;
	v9 =	vadd.s32 $0x1A1, v0;
	v10 =	vadd.s32 $0x341, v0;
	s19 =	sadd.s32 $0x85800, s1;
	[dreg:$0xb] =	wrdreg s18  }
0xf: {  	s29 =	simm.s32 $0x3;
	v11 =	vadd.s32 $0x4E1, v0;
	v12 =	vadd.s32 $0x681, v0;
	v13 =	vadd.s32 $0x821, v0;
	s20 =	sadd.s32 $0x85880, s1;
	[dreg:$0xc] =	wrdreg s19  }
0x10: {  	s30 =	simm.s32 $0x7;
	v14 =	vadd.s32 $0x9C1, v0;
	v15 =	vadd.s32 $0xB61, v0;
	v16 =	vadd.s32 $0x2, v0;
	s21 =	sadd.s32 $0xA5800, s1;
	[dreg:$0xd] =	wrdreg s20  }
0x11: {  	s31 =	simm.s32 $0x4;
	v17 =	vadd.s32 $0x1A2, v0;
	v18 =	vadd.s32 $0x342, v0;
	v19 =	vadd.s32 $0x4E2, v0;
	s22 =	sadd.s32 $0xA5880, s1;
	[dreg:$0xe] =	wrdreg s21  }
0x12: {  	s8 =	ssub.s32 $0x2, s4;
	v20 =	vadd.s32 $0x682, v0;
	v21 =	vadd.s32 $0x822, v0;
	v22 =	vadd.s32 $0x9C2, v0;
	s23 =	sadd.s32 $0xC5800, s1;
	[dreg:$0xf] =	wrdreg s22  }
0x13: {  	v23 =	vadd.s32 $0xB62, v0;
	v24 =	vadd.s32 $0x3, v0;
	v25 =	vadd.s32 $0x1A3, v0;
	s6 =	sadd.s32 s6, s5;
	s24 =	sadd.s32 $0xC5880, s1;
	[dreg:$0x10] =	wrdreg s23  }
0x14: {  	v26 =	vadd.s32 $0x343, v0;
	v27 =	vadd.s32 $0x4E3, v0;
	v28 =	vadd.s32 $0x683, v0;
	s7 =	sadd.s32 $0x105800, s1;
	s25 =	sadd.s32 $0xE5800, s1;
	[dreg:$0x11] =	wrdreg s24  }
0x15: {  	v29 =	vadd.s32 $0x823, v0;
	v30 =	vadd.s32 $0x9C3, v0;
	v31 =	vadd.s32 $0xB63, v0;
	s9 =	sadd.s32 $0x105880, s1;
	s26 =	sadd.s32 $0xE5880, s1;
	[dreg:$0x12] =	wrdreg s25  }
0x16: {  	v32 =	vadd.s32 $0x4, v0;
	v33 =	vadd.s32 $0x1A4, v0;
	v34 =	vadd.s32 $0x344, v0;
	s4 =	sadd.s32 $0x125880, s1;
	s5 =	sadd.s32 $0x145800, s1;
	[dreg:$0x13] =	wrdreg s26  }
0x17: {  	v35 =	vadd.s32 $0x4E4, v0;
	v36 =	vadd.s32 $0x684, v0;
	v37 =	vadd.s32 $0x824, v0;
	s10 =	sadd.s32 $0x2400, s6;
	s6 =	sadd.s32 $0x145880, s1;
	[dreg:$0x14] =	wrdreg s7  }
0x18: {  	v38 =	vadd.s32 $0x9C4, v0;
	v39 =	vadd.s32 $0xB64, v0;
	v40 =	vadd.s32 $0x5, v0;
	s11 =	sshrl.u32 s8, $0x1;
	s7 =	sadd.s32 $0x165800, s1;
	[dreg:$0x15] =	wrdreg s9  }
0x19: {  	v41 =	vadd.s32 $0x1A5, v0;
	v42 =	vadd.s32 $0x345, v0;
	v43 =	vadd.s32 $0x4E5, v0;
	s9 =	sadd.s32 $0x185800, s1;
	s12 =	simm.s32 $0x9;
	s13 =	simm.s32 $0x80  }
0x1a: {  	v44 =	vadd.s32 $0x685, v0;
	v45 =	vadd.s32 $0x825, v0;
	v46 =	vadd.s32 $0x9C5, v0;
	s14 =	simm.s32 $0x10D00;
	s15 =	simm.s32 $0xD00;
	s16 =	simm.s32 $0x10D80  }
0x1b: {  	v47 =	vadd.s32 $0xB65, v0;
	v48 =	vadd.s32 $0x6, v0;
	v49 =	vadd.s32 $0x1A6, v0;
	s17 =	simm.s32 $0x4D00;
	s18 =	simm.s32 $0x10E00;
	s19 =	simm.s32 $0x8D00  }
0x1c: {  	v50 =	vadd.s32 $0x346, v0;
	v51 =	vadd.s32 $0x4E6, v0;
	v52 =	vadd.s32 $0x686, v0;
	s20 =	simm.s32 $0x10E80;
	s21 =	simm.s32 $0xCD00;
	s22 =	simm.s32 $0x1  }
0x1d: {  	v53 =	vadd.s32 $0x826, v0;
	v54 =	vadd.s32 $0x9C6, v0;
	v55 =	vadd.s32 $0xB66, v0;
	s23 =	simm.s32 $0x400;
	s24 =	simm.s32 $0x800;
	s25 =	simm.s32 $0x5  }
0x1e: {  	v56 =	vadd.s32 $0x7, v0;
	v57 =	vadd.s32 $0x1A7, v0;
	v58 =	vadd.s32 $0x347, v0;
	s26 =	simm.s32 $0x2;
	[dreg:$0x3] =	wrdreg s10;
	s10 =	sadd.s32 $0x125800, s1  }
0x1f: {  	v59 =	vadd.s32 $0x4E7, v0;
	v60 =	vadd.s32 $0x687, v0;
	[tilespmem:$0x1FFE0] =	vst v1;
	v1 =	vadd.s32 $0x340, v0;
	s11 =	ssub.s32 s8, s11;
	s8 =	sadd.s32 $0x165880, s1;
	[dreg:$0x16] =	wrdreg s10  }
0x20: {  	v61 =	vadd.s32 $0x827, v0;
	v62 =	vadd.s32 $0x9C7, v0;
	v63 =	vadd.s32 $0xB67, v0;
	[tilespmem:$0x1FFF0] =	vst v1;
	s10 =	sadd.s32 $0x185880, s1;
	s11 =	smax.u32 s11, $0x1;
	s1 =	simm.s32 $0x8  }
.LBB2_1:
0x21: {  	s0 =	rddreg [dreg:$0x3]  }
0x22: {  	[tilespmem:s3], [sflag:$0x9] =	stream.linear.gather [hbm4b:s0+s3], $0xD00, $0x38;
	[tilespmem:$0x10F00] =	vst v63  }
0x23: {  	_ =	swait.ge [sflag:s12], $0xD00  }
0x24: {  	[sflag:s12] =	ssyncset.done $0x0  }
0x25: {  	[sflag:s12] =	ssyncadd.s32 $0xFFFFF300  }
0x26: {  	v1 =	vld.idx.msk [tilespmem:v0+s3+$0x0], $0xffff;
	_ =	sdelay $0x4  }
0x27: {  	[tilespmem:$0x10D00] =	vst v1;
	v1 =	vld [tilespmem:$0x1FFE0];
	_ =	sdelay $0x7  }
0x28: {  	v1 =	vld.idx.msk [tilespmem:v1+s3+$0x0], $0xffff;
	_ =	sdelay $0x4  }
0x29: {  	[tilespmem:$0x10D10] =	vst v1;
	v1 =	vld [tilespmem:$0x1FFF0];
	_ =	sdelay $0x7  }
0x2a: {  	v1 =	vld.idx.msk [tilespmem:v1+s3+$0x0], $0xffff;
	_ =	sdelay $0x4  }
0x2b: {  	[tilespmem:$0x10D20] =	vst v1  }
0x2c: {  	v1 =	vld.idx.msk [tilespmem:v3+s3+$0x0], $0xffff;
	_ =	sdelay $0x4  }
0x2d: {  	[tilespmem:$0x10D30] =	vst v1  }
0x2e: {  	v1 =	vld.idx.msk [tilespmem:v4+s3+$0x0], $0xffff;
	_ =	sdelay $0x4  }
0x2f: {  	[tilespmem:$0x10D40] =	vst v1  }
0x30: {  	v1 =	vld.idx.msk [tilespmem:v5+s3+$0x0], $0xffff;
	_ =	sdelay $0x4  }
0x31: {  	[tilespmem:$0x10D50] =	vst v1  }
0x32: {  	v1 =	vld.idx.msk [tilespmem:v6+s3+$0x0], $0xffff;
	_ =	sdelay $0x4  }
0x33: {  	[tilespmem:$0x10D60] =	vst v1  }
0x34: {  	v1 =	vld.idx.msk [tilespmem:v7+s3+$0x0], $0xffff;
	_ =	sdelay $0x4  }
0x35: {  	[tilespmem:$0x10D70] =	vst v1  }
0x36: {  	[tilespmem:s15], [sflag:$0x1] =	stream.indirect.gather [hbm4b:s2+s13], $0x80, s14, s13, $0xb8;
	[tilespmem:$0x10F00] =	vst v63  }
0x37: {  	v1 =	vld.idx.msk [tilespmem:v8+s3+$0x0], $0xffff;
	_ =	sdelay $0x4  }
0x38: {  	[tilespmem:$0x10D80] =	vst v1  }
0x39: {  	v1 =	vld.idx.msk [tilespmem:v9+s3+$0x0], $0xffff;
	_ =	sdelay $0x4  }
0x3a: {  	[tilespmem:$0x10D90] =	vst v1  }
0x3b: {  	v1 =	vld.idx.msk [tilespmem:v10+s3+$0x0], $0xffff;
	_ =	sdelay $0x4  }
0x3c: {  	[tilespmem:$0x10DA0] =	vst v1  }
0x3d: {  	v1 =	vld.idx.msk [tilespmem:v11+s3+$0x0], $0xffff;
	_ =	sdelay $0x4  }
0x3e: {  	[tilespmem:$0x10DB0] =	vst v1  }
0x3f: {  	v1 =	vld.idx.msk [tilespmem:v12+s3+$0x0], $0xffff;
	_ =	sdelay $0x4  }
0x40: {  	[tilespmem:$0x10DC0] =	vst v1  }
0x41: {  	v1 =	vld.idx.msk [tilespmem:v13+s3+$0x0], $0xffff;
	_ =	sdelay $0x4  }
0x42: {  	[tilespmem:$0x10DD0] =	vst v1  }
0x43: {  	v1 =	vld.idx.msk [tilespmem:v14+s3+$0x0], $0xffff;
	_ =	sdelay $0x4  }
0x44: {  	[tilespmem:$0x10DE0] =	vst v1  }
0x45: {  	v1 =	vld.idx.msk [tilespmem:v15+s3+$0x0], $0xffff;
	_ =	sdelay $0x4  }
0x46: {  	[tilespmem:$0x10DF0] =	vst v1  }
0x47: {  	[tilespmem:s17], [sflag:$0x2] =	stream.indirect.gather [hbm4b:s2+s13], $0x80, s16, s13, $0xb8;
	[tilespmem:$0x10F00] =	vst v63  }
0x48: {  	v1 =	vld.idx.msk [tilespmem:v16+s3+$0x0], $0xffff;
	_ =	sdelay $0x4  }
0x49: {  	[tilespmem:$0x10E00] =	vst v1  }
0x4a: {  	v1 =	vld.idx.msk [tilespmem:v17+s3+$0x0], $0xffff;
	_ =	sdelay $0x4  }
0x4b: {  	[tilespmem:$0x10E10] =	vst v1  }
0x4c: {  	v1 =	vld.idx.msk [tilespmem:v18+s3+$0x0], $0xffff;
	_ =	sdelay $0x4  }
0x4d: {  	[tilespmem:$0x10E20] =	vst v1  }
0x4e: {  	v1 =	vld.idx.msk [tilespmem:v19+s3+$0x0], $0xffff;
	_ =	sdelay $0x4  }
0x4f: {  	[tilespmem:$0x10E30] =	vst v1  }
0x50: {  	v1 =	vld.idx.msk [tilespmem:v20+s3+$0x0], $0xffff;
	_ =	sdelay $0x4  }
0x51: {  	[tilespmem:$0x10E40] =	vst v1  }
0x52: {  	v1 =	vld.idx.msk [tilespmem:v21+s3+$0x0], $0xffff;
	_ =	sdelay $0x4  }
0x53: {  	[tilespmem:$0x10E50] =	vst v1  }
0x54: {  	v1 =	vld.idx.msk [tilespmem:v22+s3+$0x0], $0xffff;
	_ =	sdelay $0x4  }
0x55: {  	[tilespmem:$0x10E60] =	vst v1  }
0x56: {  	v1 =	vld.idx.msk [tilespmem:v23+s3+$0x0], $0xffff;
	_ =	sdelay $0x4  }
0x57: {  	[tilespmem:$0x10E70] =	vst v1  }
0x58: {  	[tilespmem:s19], [sflag:$0x3] =	stream.indirect.gather [hbm4b:s2+s13], $0x80, s18, s13, $0xb8;
	[tilespmem:$0x10F00] =	vst v63  }
0x59: {  	v1 =	vld.idx.msk [tilespmem:v24+s3+$0x0], $0xffff;
	_ =	sdelay $0x4  }
0x5a: {  	[tilespmem:$0x10E80] =	vst v1  }
0x5b: {  	v1 =	vld.idx.msk [tilespmem:v25+s3+$0x0], $0xffff;
	_ =	sdelay $0x4  }
0x5c: {  	[tilespmem:$0x10E90] =	vst v1  }
0x5d: {  	v1 =	vld.idx.msk [tilespmem:v26+s3+$0x0], $0xffff;
	_ =	sdelay $0x4  }
0x5e: {  	[tilespmem:$0x10EA0] =	vst v1  }
0x5f: {  	v1 =	vld.idx.msk [tilespmem:v27+s3+$0x0], $0xffff;
	_ =	sdelay $0x4  }
0x60: {  	[tilespmem:$0x10EB0] =	vst v1  }
0x61: {  	v1 =	vld.idx.msk [tilespmem:v28+s3+$0x0], $0xffff;
	_ =	sdelay $0x4  }
0x62: {  	[tilespmem:$0x10EC0] =	vst v1  }
0x63: {  	v1 =	vld.idx.msk [tilespmem:v29+s3+$0x0], $0xffff;
	_ =	sdelay $0x4  }
0x64: {  	[tilespmem:$0x10ED0] =	vst v1  }
0x65: {  	v1 =	vld.idx.msk [tilespmem:v30+s3+$0x0], $0xffff;
	_ =	sdelay $0x4  }
0x66: {  	[tilespmem:$0x10EE0] =	vst v1  }
0x67: {  	v1 =	vld.idx.msk [tilespmem:v31+s3+$0x0], $0xffff;
	_ =	sdelay $0x4  }
0x68: {  	[tilespmem:$0x10EF0] =	vst v1  }
0x69: {  	[tilespmem:s21], [sflag:$0x4] =	stream.indirect.gather [hbm4b:s2+s13], $0x80, s20, s13, $0xb8;
	[tilespmem:$0x10F00] =	vst v63  }
0x6a: {  	_ =	swait.ge [sflag:s22], $0x4000  }
0x6b: {  	[sflag:s22] =	ssyncset.done $0x0  }
0x6c: {  	s0 =	rddreg [dreg:$0x4];
	[sflag:s22] =	ssyncadd.s32 $0xFFFFC000  }
0x6d: {  	[hbm4b:s0+s23] =	stream.strided.scatter [tilespmem:s15], [sflag:$0x5], $0x4000, s24, s23, $0x38;
	[tilespmem:$0x10F00] =	vst v63  }
0x6e: {  	_ =	swait.ge [sflag:s25], $0x4000  }
0x6f: {  	[sflag:s25] =	ssyncset.done $0x0  }
0x70: {  	[sflag:s25] =	ssyncadd.s32 $0xFFFFC000  }
0x71: {  	v1 =	vld.idx.msk [tilespmem:v32+s3+$0x0], $0xffff;
	_ =	sdelay $0x4  }
0x72: {  	[tilespmem:$0x10D00] =	vst v1  }
0x73: {  	v1 =	vld.idx.msk [tilespmem:v33+s3+$0x0], $0xffff;
	_ =	sdelay $0x4  }
0x74: {  	[tilespmem:$0x10D10] =	vst v1  }
0x75: {  	v1 =	vld.idx.msk [tilespmem:v34+s3+$0x0], $0xffff;
	_ =	sdelay $0x4  }
0x76: {  	[tilespmem:$0x10D20] =	vst v1  }
0x77: {  	v1 =	vld.idx.msk [tilespmem:v35+s3+$0x0], $0xffff;
	_ =	sdelay $0x4  }
0x78: {  	[tilespmem:$0x10D30] =	vst v1  }
0x79: {  	v1 =	vld.idx.msk [tilespmem:v36+s3+$0x0], $0xffff;
	_ =	sdelay $0x4  }
0x7a: {  	[tilespmem:$0x10D40] =	vst v1  }
0x7b: {  	v1 =	vld.idx.msk [tilespmem:v37+s3+$0x0], $0xffff;
	_ =	sdelay $0x4  }
0x7c: {  	[tilespmem:$0x10D50] =	vst v1  }
0x7d: {  	v1 =	vld.idx.msk [tilespmem:v38+s3+$0x0], $0xffff;
	_ =	sdelay $0x4  }
0x7e: {  	[tilespmem:$0x10D60] =	vst v1  }
0x7f: {  	v1 =	vld.idx.msk [tilespmem:v39+s3+$0x0], $0xffff;
	_ =	sdelay $0x4  }
0x80: {  	[tilespmem:$0x10D70] =	vst v1  }
0x81: {  	[tilespmem:s15], [sflag:$0x1] =	stream.indirect.gather [hbm4b:s2+s13], $0x80, s14, s13, $0xb8;
	[tilespmem:$0x10F00] =	vst v63  }
0x82: {  	_ =	swait.ge [sflag:s26], $0x4000  }
0x83: {  	[sflag:s26] =	ssyncset.done $0x0  }
0x84: {  	s0 =	rddreg [dreg:$0x5];
	[sflag:s26] =	ssyncadd.s32 $0xFFFFC000  }
0x85: {  	[hbm4b:s0+s23] =	stream.strided.scatter [tilespmem:s17], [sflag:$0x6], $0x4000, s24, s23, $0x38;
	[tilespmem:$0x10F00] =	vst v63  }
0x86: {  	_ =	swait.ge [sflag:s28], $0x4000  }
0x87: {  	[sflag:s28] =	ssyncset.done $0x0  }
0x88: {  	[sflag:s28] =	ssyncadd.s32 $0xFFFFC000  }
0x89: {  	v1 =	vld.idx.msk [tilespmem:v40+s3+$0x0], $0xffff;
	_ =	sdelay $0x4  }
0x8a: {  	[tilespmem:$0x10D80] =	vst v1  }
0x8b: {  	v1 =	vld.idx.msk [tilespmem:v41+s3+$0x0], $0xffff;
	_ =	sdelay $0x4  }
0x8c: {  	[tilespmem:$0x10D90] =	vst v1  }
0x8d: {  	v1 =	vld.idx.msk [tilespmem:v42+s3+$0x0], $0xffff;
	_ =	sdelay $0x4  }
0x8e: {  	[tilespmem:$0x10DA0] =	vst v1  }
0x8f: {  	v1 =	vld.idx.msk [tilespmem:v43+s3+$0x0], $0xffff;
	_ =	sdelay $0x4  }
0x90: {  	[tilespmem:$0x10DB0] =	vst v1  }
0x91: {  	v1 =	vld.idx.msk [tilespmem:v44+s3+$0x0], $0xffff;
	_ =	sdelay $0x4  }
0x92: {  	[tilespmem:$0x10DC0] =	vst v1  }
0x93: {  	v1 =	vld.idx.msk [tilespmem:v45+s3+$0x0], $0xffff;
	_ =	sdelay $0x4  }
0x94: {  	[tilespmem:$0x10DD0] =	vst v1  }
0x95: {  	v1 =	vld.idx.msk [tilespmem:v46+s3+$0x0], $0xffff;
	_ =	sdelay $0x4  }
0x96: {  	[tilespmem:$0x10DE0] =	vst v1  }
0x97: {  	v1 =	vld.idx.msk [tilespmem:v47+s3+$0x0], $0xffff;
	_ =	sdelay $0x4  }
0x98: {  	[tilespmem:$0x10DF0] =	vst v1  }
0x99: {  	[tilespmem:s17], [sflag:$0x2] =	stream.indirect.gather [hbm4b:s2+s13], $0x80, s16, s13, $0xb8;
	[tilespmem:$0x10F00] =	vst v63  }
0x9a: {  	_ =	swait.ge [sflag:s29], $0x4000  }
0x9b: {  	[sflag:s29] =	ssyncset.done $0x0  }
0x9c: {  	s0 =	rddreg [dreg:$0x6];
	[sflag:s29] =	ssyncadd.s32 $0xFFFFC000  }
0x9d: {  	[hbm4b:s0+s23] =	stream.strided.scatter [tilespmem:s19], [sflag:$0x7], $0x4000, s24, s23, $0x38;
	[tilespmem:$0x10F00] =	vst v63  }
0x9e: {  	_ =	swait.ge [sflag:s30], $0x4000  }
0x9f: {  	[sflag:s30] =	ssyncset.done $0x0  }
0xa0: {  	[sflag:s30] =	ssyncadd.s32 $0xFFFFC000  }
0xa1: {  	v1 =	vld.idx.msk [tilespmem:v48+s3+$0x0], $0xffff;
	_ =	sdelay $0x4  }
0xa2: {  	[tilespmem:$0x10E00] =	vst v1  }
0xa3: {  	v1 =	vld.idx.msk [tilespmem:v49+s3+$0x0], $0xffff;
	_ =	sdelay $0x4  }
0xa4: {  	[tilespmem:$0x10E10] =	vst v1  }
0xa5: {  	v1 =	vld.idx.msk [tilespmem:v50+s3+$0x0], $0xffff;
	_ =	sdelay $0x4  }
0xa6: {  	[tilespmem:$0x10E20] =	vst v1  }
0xa7: {  	v1 =	vld.idx.msk [tilespmem:v51+s3+$0x0], $0xffff;
	_ =	sdelay $0x4  }
0xa8: {  	[tilespmem:$0x10E30] =	vst v1  }
0xa9: {  	v1 =	vld.idx.msk [tilespmem:v52+s3+$0x0], $0xffff;
	_ =	sdelay $0x4  }
0xaa: {  	[tilespmem:$0x10E40] =	vst v1  }
0xab: {  	v1 =	vld.idx.msk [tilespmem:v53+s3+$0x0], $0xffff;
	_ =	sdelay $0x4  }
0xac: {  	[tilespmem:$0x10E50] =	vst v1  }
0xad: {  	v1 =	vld.idx.msk [tilespmem:v54+s3+$0x0], $0xffff;
	_ =	sdelay $0x4  }
0xae: {  	[tilespmem:$0x10E60] =	vst v1  }
0xaf: {  	v1 =	vld.idx.msk [tilespmem:v55+s3+$0x0], $0xffff;
	_ =	sdelay $0x4  }
0xb0: {  	[tilespmem:$0x10E70] =	vst v1  }
0xb1: {  	[tilespmem:s19], [sflag:$0x3] =	stream.indirect.gather [hbm4b:s2+s13], $0x80, s18, s13, $0xb8;
	[tilespmem:$0x10F00] =	vst v63  }
0xb2: {  	_ =	swait.ge [sflag:s31], $0x4000  }
0xb3: {  	[sflag:s31] =	ssyncset.done $0x0  }
0xb4: {  	s0 =	rddreg [dreg:$0x7];
	[sflag:s31] =	ssyncadd.s32 $0xFFFFC000  }
0xb5: {  	[hbm4b:s0+s23] =	stream.strided.scatter [tilespmem:s21], [sflag:$0x8], $0x4000, s24, s23, $0x38;
	[tilespmem:$0x10F00] =	vst v63  }
0xb6: {  	_ =	swait.ge [sflag:s1], $0x4000  }
0xb7: {  	[sflag:s1] =	ssyncset.done $0x0  }
0xb8: {  	[sflag:s1] =	ssyncadd.s32 $0xFFFFC000  }
0xb9: {  	v1 =	vld.idx.msk [tilespmem:v56+s3+$0x0], $0xffff;
	_ =	sdelay $0x4  }
0xba: {  	[tilespmem:$0x10E80] =	vst v1  }
0xbb: {  	v1 =	vld.idx.msk [tilespmem:v57+s3+$0x0], $0xffff;
	_ =	sdelay $0x4  }
0xbc: {  	[tilespmem:$0x10E90] =	vst v1  }
0xbd: {  	v1 =	vld.idx.msk [tilespmem:v58+s3+$0x0], $0xffff;
	_ =	sdelay $0x4  }
0xbe: {  	[tilespmem:$0x10EA0] =	vst v1  }
0xbf: {  	v1 =	vld.idx.msk [tilespmem:v59+s3+$0x0], $0xffff;
	_ =	sdelay $0x4  }
0xc0: {  	[tilespmem:$0x10EB0] =	vst v1  }
0xc1: {  	v1 =	vld.idx.msk [tilespmem:v60+s3+$0x0], $0xffff;
	_ =	sdelay $0x4  }
0xc2: {  	[tilespmem:$0x10EC0] =	vst v1  }
0xc3: {  	v1 =	vld.idx.msk [tilespmem:v61+s3+$0x0], $0xffff;
	_ =	sdelay $0x4  }
0xc4: {  	[tilespmem:$0x10ED0] =	vst v1  }
0xc5: {  	v1 =	vld.idx.msk [tilespmem:v62+s3+$0x0], $0xffff;
	_ =	sdelay $0x4  }
0xc6: {  	[tilespmem:$0x10EE0] =	vst v1  }
0xc7: {  	v1 =	vld.idx.msk [tilespmem:v63+s3+$0x0], $0xffff;
	_ =	sdelay $0x4  }
0xc8: {  	[tilespmem:$0x10EF0] =	vst v1  }
0xc9: {  	[tilespmem:s21], [sflag:$0x4] =	stream.indirect.gather [hbm4b:s2+s13], $0x80, s20, s13, $0xb8;
	[tilespmem:$0x10F00] =	vst v63  }
0xca: {  	_ =	swait.ge [sflag:s22], $0x4000  }
0xcb: {  	[sflag:s22] =	ssyncset.done $0x0  }
0xcc: {  	v1 =	vadd.s32 $0x8, v0;
	s0 =	rddreg [dreg:$0x8];
	[sflag:s22] =	ssyncadd.s32 $0xFFFFC000  }
0xcd: {  	[hbm4b:s0+s23] =	stream.strided.scatter [tilespmem:s15], [sflag:$0x5], $0x4000, s24, s23, $0x38;
	[tilespmem:$0x10F00] =	vst v63  }
0xce: {  	_ =	swait.ge [sflag:s25], $0x4000  }
0xcf: {  	[sflag:s25] =	ssyncset.done $0x0  }
0xd0: {  	[sflag:s25] =	ssyncadd.s32 $0xFFFFC000  }
0xd1: {  	v1 =	vld.idx.msk [tilespmem:v1+s3+$0x0], $0xffff  }
0xd2: {  	v2 =	vadd.s32 $0x1A8, v0;
	_ =	sdelay $0x3  }
0xd3: {  	[tilespmem:$0x10D00] =	vst v1  }
0xd4: {  	v1 =	vld.idx.msk [tilespmem:v2+s3+$0x0], $0xffff  }
0xd5: {  	v2 =	vadd.s32 $0x348, v0;
	_ =	sdelay $0x3  }
0xd6: {  	[tilespmem:$0x10D10] =	vst v1  }
0xd7: {  	v1 =	vld.idx.msk [tilespmem:v2+s3+$0x0], $0xffff  }
0xd8: {  	v2 =	vadd.s32 $0x4E8, v0;
	_ =	sdelay $0x3  }
0xd9: {  	[tilespmem:$0x10D20] =	vst v1  }
0xda: {  	v1 =	vld.idx.msk [tilespmem:v2+s3+$0x0], $0xffff  }
0xdb: {  	v2 =	vadd.s32 $0x688, v0;
	_ =	sdelay $0x3  }
0xdc: {  	[tilespmem:$0x10D30] =	vst v1  }
0xdd: {  	v1 =	vld.idx.msk [tilespmem:v2+s3+$0x0], $0xffff  }
0xde: {  	v2 =	vadd.s32 $0x828, v0;
	_ =	sdelay $0x3  }
0xdf: {  	[tilespmem:$0x10D40] =	vst v1  }
0xe0: {  	v1 =	vld.idx.msk [tilespmem:v2+s3+$0x0], $0xffff  }
0xe1: {  	v2 =	vadd.s32 $0x9C8, v0;
	_ =	sdelay $0x3  }
0xe2: {  	[tilespmem:$0x10D50] =	vst v1  }
0xe3: {  	v1 =	vld.idx.msk [tilespmem:v2+s3+$0x0], $0xffff  }
0xe4: {  	v2 =	vadd.s32 $0xB68, v0;
	_ =	sdelay $0x3  }
0xe5: {  	[tilespmem:$0x10D60] =	vst v1  }
0xe6: {  	v1 =	vld.idx.msk [tilespmem:v2+s3+$0x0], $0xffff;
	_ =	sdelay $0x4  }
0xe7: {  	[tilespmem:$0x10D70] =	vst v1  }
0xe8: {  	[tilespmem:s15], [sflag:$0x1] =	stream.indirect.gather [hbm4b:s2+s13], $0x80, s14, s13, $0xb8;
	[tilespmem:$0x10F00] =	vst v63  }
0xe9: {  	_ =	swait.ge [sflag:s26], $0x4000  }
0xea: {  	[sflag:s26] =	ssyncset.done $0x0  }
0xeb: {  	v1 =	vadd.s32 $0x9, v0;
	s0 =	rddreg [dreg:$0x9];
	[sflag:s26] =	ssyncadd.s32 $0xFFFFC000  }
0xec: {  	[hbm4b:s0+s23] =	stream.strided.scatter [tilespmem:s17], [sflag:$0x6], $0x4000, s24, s23, $0x38;
	[tilespmem:$0x10F00] =	vst v63  }
0xed: {  	_ =	swait.ge [sflag:s28], $0x4000  }
0xee: {  	[sflag:s28] =	ssyncset.done $0x0  }
0xef: {  	[sflag:s28] =	ssyncadd.s32 $0xFFFFC000  }
0xf0: {  	v1 =	vld.idx.msk [tilespmem:v1+s3+$0x0], $0xffff  }
0xf1: {  	v2 =	vadd.s32 $0x1A9, v0;
	_ =	sdelay $0x3  }
0xf2: {  	[tilespmem:$0x10D80] =	vst v1  }
0xf3: {  	v1 =	vld.idx.msk [tilespmem:v2+s3+$0x0], $0xffff  }
0xf4: {  	v2 =	vadd.s32 $0x349, v0;
	_ =	sdelay $0x3  }
0xf5: {  	[tilespmem:$0x10D90] =	vst v1  }
0xf6: {  	v1 =	vld.idx.msk [tilespmem:v2+s3+$0x0], $0xffff  }
0xf7: {  	v2 =	vadd.s32 $0x4E9, v0;
	_ =	sdelay $0x3  }
0xf8: {  	[tilespmem:$0x10DA0] =	vst v1  }
0xf9: {  	v1 =	vld.idx.msk [tilespmem:v2+s3+$0x0], $0xffff  }
0xfa: {  	v2 =	vadd.s32 $0x689, v0;
	_ =	sdelay $0x3  }
0xfb: {  	[tilespmem:$0x10DB0] =	vst v1  }
0xfc: {  	v1 =	vld.idx.msk [tilespmem:v2+s3+$0x0], $0xffff  }
0xfd: {  	v2 =	vadd.s32 $0x829, v0;
	_ =	sdelay $0x3  }
0xfe: {  	[tilespmem:$0x10DC0] =	vst v1  }
0xff: {  	v1 =	vld.idx.msk [tilespmem:v2+s3+$0x0], $0xffff  }
0x100: {  	v2 =	vadd.s32 $0x9C9, v0;
	_ =	sdelay $0x3  }
0x101: {  	[tilespmem:$0x10DD0] =	vst v1  }
0x102: {  	v1 =	vld.idx.msk [tilespmem:v2+s3+$0x0], $0xffff  }
0x103: {  	v2 =	vadd.s32 $0xB69, v0;
	_ =	sdelay $0x3  }
0x104: {  	[tilespmem:$0x10DE0] =	vst v1  }
0x105: {  	v1 =	vld.idx.msk [tilespmem:v2+s3+$0x0], $0xffff;
	_ =	sdelay $0x4  }
0x106: {  	[tilespmem:$0x10DF0] =	vst v1  }
0x107: {  	[tilespmem:s17], [sflag:$0x2] =	stream.indirect.gather [hbm4b:s2+s13], $0x80, s16, s13, $0xb8;
	[tilespmem:$0x10F00] =	vst v63  }
0x108: {  	_ =	swait.ge [sflag:s29], $0x4000  }
0x109: {  	[sflag:s29] =	ssyncset.done $0x0  }
0x10a: {  	v1 =	vadd.s32 $0xA, v0;
	s0 =	rddreg [dreg:$0xa];
	[sflag:s29] =	ssyncadd.s32 $0xFFFFC000  }
0x10b: {  	[hbm4b:s0+s23] =	stream.strided.scatter [tilespmem:s19], [sflag:$0x7], $0x4000, s24, s23, $0x38;
	[tilespmem:$0x10F00] =	vst v63  }
0x10c: {  	_ =	swait.ge [sflag:s30], $0x4000  }
0x10d: {  	[sflag:s30] =	ssyncset.done $0x0  }
0x10e: {  	[sflag:s30] =	ssyncadd.s32 $0xFFFFC000  }
0x10f: {  	v1 =	vld.idx.msk [tilespmem:v1+s3+$0x0], $0xffff  }
0x110: {  	v2 =	vadd.s32 $0x1AA, v0;
	_ =	sdelay $0x3  }
0x111: {  	[tilespmem:$0x10E00] =	vst v1  }
0x112: {  	v1 =	vld.idx.msk [tilespmem:v2+s3+$0x0], $0xffff  }
0x113: {  	v2 =	vadd.s32 $0x34A, v0;
	_ =	sdelay $0x3  }
0x114: {  	[tilespmem:$0x10E10] =	vst v1  }
0x115: {  	v1 =	vld.idx.msk [tilespmem:v2+s3+$0x0], $0xffff  }
0x116: {  	v2 =	vadd.s32 $0x4EA, v0;
	_ =	sdelay $0x3  }
0x117: {  	[tilespmem:$0x10E20] =	vst v1  }
0x118: {  	v1 =	vld.idx.msk [tilespmem:v2+s3+$0x0], $0xffff  }
0x119: {  	v2 =	vadd.s32 $0x68A, v0;
	_ =	sdelay $0x3  }
0x11a: {  	[tilespmem:$0x10E30] =	vst v1  }
0x11b: {  	v1 =	vld.idx.msk [tilespmem:v2+s3+$0x0], $0xffff  }
0x11c: {  	v2 =	vadd.s32 $0x82A, v0;
	_ =	sdelay $0x3  }
0x11d: {  	[tilespmem:$0x10E40] =	vst v1  }
0x11e: {  	v1 =	vld.idx.msk [tilespmem:v2+s3+$0x0], $0xffff  }
0x11f: {  	v2 =	vadd.s32 $0x9CA, v0;
	_ =	sdelay $0x3  }
0x120: {  	[tilespmem:$0x10E50] =	vst v1  }
0x121: {  	v1 =	vld.idx.msk [tilespmem:v2+s3+$0x0], $0xffff  }
0x122: {  	v2 =	vadd.s32 $0xB6A, v0;
	_ =	sdelay $0x3  }
0x123: {  	[tilespmem:$0x10E60] =	vst v1  }
0x124: {  	v1 =	vld.idx.msk [tilespmem:v2+s3+$0x0], $0xffff;
	_ =	sdelay $0x4  }
0x125: {  	[tilespmem:$0x10E70] =	vst v1  }
0x126: {  	[tilespmem:s19], [sflag:$0x3] =	stream.indirect.gather [hbm4b:s2+s13], $0x80, s18, s13, $0xb8;
	[tilespmem:$0x10F00] =	vst v63  }
0x127: {  	_ =	swait.ge [sflag:s31], $0x4000  }
0x128: {  	[sflag:s31] =	ssyncset.done $0x0  }
0x129: {  	v1 =	vadd.s32 $0xB, v0;
	s0 =	rddreg [dreg:$0xb];
	[sflag:s31] =	ssyncadd.s32 $0xFFFFC000  }
0x12a: {  	[hbm4b:s0+s23] =	stream.strided.scatter [tilespmem:s21], [sflag:$0x8], $0x4000, s24, s23, $0x38;
	[tilespmem:$0x10F00] =	vst v63  }
0x12b: {  	_ =	swait.ge [sflag:s1], $0x4000  }
0x12c: {  	[sflag:s1] =	ssyncset.done $0x0  }
0x12d: {  	[sflag:s1] =	ssyncadd.s32 $0xFFFFC000  }
0x12e: {  	v1 =	vld.idx.msk [tilespmem:v1+s3+$0x0], $0xffff  }
0x12f: {  	v2 =	vadd.s32 $0x1AB, v0;
	_ =	sdelay $0x3  }
0x130: {  	[tilespmem:$0x10E80] =	vst v1  }
0x131: {  	v1 =	vld.idx.msk [tilespmem:v2+s3+$0x0], $0xffff  }
0x132: {  	v2 =	vadd.s32 $0x34B, v0;
	_ =	sdelay $0x3  }
0x133: {  	[tilespmem:$0x10E90] =	vst v1  }
0x134: {  	v1 =	vld.idx.msk [tilespmem:v2+s3+$0x0], $0xffff  }
0x135: {  	v2 =	vadd.s32 $0x4EB, v0;
	_ =	sdelay $0x3  }
0x136: {  	[tilespmem:$0x10EA0] =	vst v1  }
0x137: {  	v1 =	vld.idx.msk [tilespmem:v2+s3+$0x0], $0xffff  }
0x138: {  	v2 =	vadd.s32 $0x68B, v0;
	_ =	sdelay $0x3  }
0x139: {  	[tilespmem:$0x10EB0] =	vst v1  }
0x13a: {  	v1 =	vld.idx.msk [tilespmem:v2+s3+$0x0], $0xffff  }
0x13b: {  	v2 =	vadd.s32 $0x82B, v0;
	_ =	sdelay $0x3  }
0x13c: {  	[tilespmem:$0x10EC0] =	vst v1  }
0x13d: {  	v1 =	vld.idx.msk [tilespmem:v2+s3+$0x0], $0xffff  }
0x13e: {  	v2 =	vadd.s32 $0x9CB, v0;
	_ =	sdelay $0x3  }
0x13f: {  	[tilespmem:$0x10ED0] =	vst v1  }
0x140: {  	v1 =	vld.idx.msk [tilespmem:v2+s3+$0x0], $0xffff  }
0x141: {  	v2 =	vadd.s32 $0xB6B, v0;
	_ =	sdelay $0x3  }
0x142: {  	[tilespmem:$0x10EE0] =	vst v1  }
0x143: {  	v1 =	vld.idx.msk [tilespmem:v2+s3+$0x0], $0xffff;
	_ =	sdelay $0x4  }
0x144: {  	[tilespmem:$0x10EF0] =	vst v1  }
0x145: {  	[tilespmem:s21], [sflag:$0x4] =	stream.indirect.gather [hbm4b:s2+s13], $0x80, s20, s13, $0xb8;
	[tilespmem:$0x10F00] =	vst v63  }
0x146: {  	_ =	swait.ge [sflag:s22], $0x4000  }
0x147: {  	[sflag:s22] =	ssyncset.done $0x0  }
0x148: {  	v1 =	vadd.s32 $0xC, v0;
	s0 =	rddreg [dreg:$0xc];
	[sflag:s22] =	ssyncadd.s32 $0xFFFFC000  }
0x149: {  	[hbm4b:s0+s23] =	stream.strided.scatter [tilespmem:s15], [sflag:$0x5], $0x4000, s24, s23, $0x38;
	[tilespmem:$0x10F00] =	vst v63  }
0x14a: {  	_ =	swait.ge [sflag:s25], $0x4000  }
0x14b: {  	[sflag:s25] =	ssyncset.done $0x0  }
0x14c: {  	[sflag:s25] =	ssyncadd.s32 $0xFFFFC000  }
0x14d: {  	v1 =	vld.idx.msk [tilespmem:v1+s3+$0x0], $0xffff  }
0x14e: {  	v2 =	vadd.s32 $0x1AC, v0;
	_ =	sdelay $0x3  }
0x14f: {  	[tilespmem:$0x10D00] =	vst v1  }
0x150: {  	v1 =	vld.idx.msk [tilespmem:v2+s3+$0x0], $0xffff  }
0x151: {  	v2 =	vadd.s32 $0x34C, v0;
	_ =	sdelay $0x3  }
0x152: {  	[tilespmem:$0x10D10] =	vst v1  }
0x153: {  	v1 =	vld.idx.msk [tilespmem:v2+s3+$0x0], $0xffff  }
0x154: {  	v2 =	vadd.s32 $0x4EC, v0;
	_ =	sdelay $0x3  }
0x155: {  	[tilespmem:$0x10D20] =	vst v1  }
0x156: {  	v1 =	vld.idx.msk [tilespmem:v2+s3+$0x0], $0xffff  }
0x157: {  	v2 =	vadd.s32 $0x68C, v0;
	_ =	sdelay $0x3  }
0x158: {  	[tilespmem:$0x10D30] =	vst v1  }
0x159: {  	v1 =	vld.idx.msk [tilespmem:v2+s3+$0x0], $0xffff  }
0x15a: {  	v2 =	vadd.s32 $0x82C, v0;
	_ =	sdelay $0x3  }
0x15b: {  	[tilespmem:$0x10D40] =	vst v1  }
0x15c: {  	v1 =	vld.idx.msk [tilespmem:v2+s3+$0x0], $0xffff  }
0x15d: {  	v2 =	vadd.s32 $0x9CC, v0;
	_ =	sdelay $0x3  }
0x15e: {  	[tilespmem:$0x10D50] =	vst v1  }
0x15f: {  	v1 =	vld.idx.msk [tilespmem:v2+s3+$0x0], $0xffff  }
0x160: {  	v2 =	vadd.s32 $0xB6C, v0;
	_ =	sdelay $0x3  }
0x161: {  	[tilespmem:$0x10D60] =	vst v1  }
0x162: {  	v1 =	vld.idx.msk [tilespmem:v2+s3+$0x0], $0xffff;
	_ =	sdelay $0x4  }
0x163: {  	[tilespmem:$0x10D70] =	vst v1  }
0x164: {  	[tilespmem:s15], [sflag:$0x1] =	stream.indirect.gather [hbm4b:s2+s13], $0x80, s14, s13, $0xb8;
	[tilespmem:$0x10F00] =	vst v63  }
0x165: {  	_ =	swait.ge [sflag:s26], $0x4000  }
0x166: {  	[sflag:s26] =	ssyncset.done $0x0  }
0x167: {  	v1 =	vadd.s32 $0xD, v0;
	s0 =	rddreg [dreg:$0xd];
	[sflag:s26] =	ssyncadd.s32 $0xFFFFC000  }
0x168: {  	[hbm4b:s0+s23] =	stream.strided.scatter [tilespmem:s17], [sflag:$0x6], $0x4000, s24, s23, $0x38;
	[tilespmem:$0x10F00] =	vst v63  }
0x169: {  	_ =	swait.ge [sflag:s28], $0x4000  }
0x16a: {  	[sflag:s28] =	ssyncset.done $0x0  }
0x16b: {  	[sflag:s28] =	ssyncadd.s32 $0xFFFFC000  }
0x16c: {  	v1 =	vld.idx.msk [tilespmem:v1+s3+$0x0], $0xffff  }
0x16d: {  	v2 =	vadd.s32 $0x1AD, v0;
	_ =	sdelay $0x3  }
0x16e: {  	[tilespmem:$0x10D80] =	vst v1  }
0x16f: {  	v1 =	vld.idx.msk [tilespmem:v2+s3+$0x0], $0xffff  }
0x170: {  	v2 =	vadd.s32 $0x34D, v0;
	_ =	sdelay $0x3  }
0x171: {  	[tilespmem:$0x10D90] =	vst v1  }
0x172: {  	v1 =	vld.idx.msk [tilespmem:v2+s3+$0x0], $0xffff  }
0x173: {  	v2 =	vadd.s32 $0x4ED, v0;
	_ =	sdelay $0x3  }
0x174: {  	[tilespmem:$0x10DA0] =	vst v1  }
0x175: {  	v1 =	vld.idx.msk [tilespmem:v2+s3+$0x0], $0xffff  }
0x176: {  	v2 =	vadd.s32 $0x68D, v0;
	_ =	sdelay $0x3  }
0x177: {  	[tilespmem:$0x10DB0] =	vst v1  }
0x178: {  	v1 =	vld.idx.msk [tilespmem:v2+s3+$0x0], $0xffff  }
0x179: {  	v2 =	vadd.s32 $0x82D, v0;
	_ =	sdelay $0x3  }
0x17a: {  	[tilespmem:$0x10DC0] =	vst v1  }
0x17b: {  	v1 =	vld.idx.msk [tilespmem:v2+s3+$0x0], $0xffff  }
0x17c: {  	v2 =	vadd.s32 $0x9CD, v0;
	_ =	sdelay $0x3  }
0x17d: {  	[tilespmem:$0x10DD0] =	vst v1  }
0x17e: {  	v1 =	vld.idx.msk [tilespmem:v2+s3+$0x0], $0xffff  }
0x17f: {  	v2 =	vadd.s32 $0xB6D, v0;
	_ =	sdelay $0x3  }
0x180: {  	[tilespmem:$0x10DE0] =	vst v1  }
0x181: {  	v1 =	vld.idx.msk [tilespmem:v2+s3+$0x0], $0xffff;
	_ =	sdelay $0x4  }
0x182: {  	[tilespmem:$0x10DF0] =	vst v1  }
0x183: {  	[tilespmem:s17], [sflag:$0x2] =	stream.indirect.gather [hbm4b:s2+s13], $0x80, s16, s13, $0xb8;
	[tilespmem:$0x10F00] =	vst v63  }
0x184: {  	_ =	swait.ge [sflag:s29], $0x4000  }
0x185: {  	[sflag:s29] =	ssyncset.done $0x0  }
0x186: {  	v1 =	vadd.s32 $0xE, v0;
	s0 =	rddreg [dreg:$0xe];
	[sflag:s29] =	ssyncadd.s32 $0xFFFFC000  }
0x187: {  	[hbm4b:s0+s23] =	stream.strided.scatter [tilespmem:s19], [sflag:$0x7], $0x4000, s24, s23, $0x38;
	[tilespmem:$0x10F00] =	vst v63  }
0x188: {  	_ =	swait.ge [sflag:s30], $0x4000  }
0x189: {  	[sflag:s30] =	ssyncset.done $0x0  }
0x18a: {  	[sflag:s30] =	ssyncadd.s32 $0xFFFFC000  }
0x18b: {  	v1 =	vld.idx.msk [tilespmem:v1+s3+$0x0], $0xffff  }
0x18c: {  	v2 =	vadd.s32 $0x1AE, v0;
	_ =	sdelay $0x3  }
0x18d: {  	[tilespmem:$0x10E00] =	vst v1  }
0x18e: {  	v1 =	vld.idx.msk [tilespmem:v2+s3+$0x0], $0xffff  }
0x18f: {  	v2 =	vadd.s32 $0x34E, v0;
	_ =	sdelay $0x3  }
0x190: {  	[tilespmem:$0x10E10] =	vst v1  }
0x191: {  	v1 =	vld.idx.msk [tilespmem:v2+s3+$0x0], $0xffff  }
0x192: {  	v2 =	vadd.s32 $0x4EE, v0;
	_ =	sdelay $0x3  }
0x193: {  	[tilespmem:$0x10E20] =	vst v1  }
0x194: {  	v1 =	vld.idx.msk [tilespmem:v2+s3+$0x0], $0xffff  }
0x195: {  	v2 =	vadd.s32 $0x68E, v0;
	_ =	sdelay $0x3  }
0x196: {  	[tilespmem:$0x10E30] =	vst v1  }
0x197: {  	v1 =	vld.idx.msk [tilespmem:v2+s3+$0x0], $0xffff  }
0x198: {  	v2 =	vadd.s32 $0x82E, v0;
	_ =	sdelay $0x3  }
0x199: {  	[tilespmem:$0x10E40] =	vst v1  }
0x19a: {  	v1 =	vld.idx.msk [tilespmem:v2+s3+$0x0], $0xffff  }
0x19b: {  	v2 =	vadd.s32 $0x9CE, v0;
	_ =	sdelay $0x3  }
0x19c: {  	[tilespmem:$0x10E50] =	vst v1  }
0x19d: {  	v1 =	vld.idx.msk [tilespmem:v2+s3+$0x0], $0xffff  }
0x19e: {  	v2 =	vadd.s32 $0xB6E, v0;
	_ =	sdelay $0x3  }
0x19f: {  	[tilespmem:$0x10E60] =	vst v1  }
0x1a0: {  	v1 =	vld.idx.msk [tilespmem:v2+s3+$0x0], $0xffff;
	_ =	sdelay $0x4  }
0x1a1: {  	[tilespmem:$0x10E70] =	vst v1  }
0x1a2: {  	[tilespmem:s19], [sflag:$0x3] =	stream.indirect.gather [hbm4b:s2+s13], $0x80, s18, s13, $0xb8;
	[tilespmem:$0x10F00] =	vst v63  }
0x1a3: {  	_ =	swait.ge [sflag:s31], $0x4000  }
0x1a4: {  	[sflag:s31] =	ssyncset.done $0x0  }
0x1a5: {  	v1 =	vadd.s32 $0xF, v0;
	s0 =	rddreg [dreg:$0xf];
	[sflag:s31] =	ssyncadd.s32 $0xFFFFC000  }
0x1a6: {  	[hbm4b:s0+s23] =	stream.strided.scatter [tilespmem:s21], [sflag:$0x8], $0x4000, s24, s23, $0x38;
	[tilespmem:$0x10F00] =	vst v63  }
0x1a7: {  	_ =	swait.ge [sflag:s1], $0x4000  }
0x1a8: {  	[sflag:s1] =	ssyncset.done $0x0  }
0x1a9: {  	[sflag:s1] =	ssyncadd.s32 $0xFFFFC000  }
0x1aa: {  	v1 =	vld.idx.msk [tilespmem:v1+s3+$0x0], $0xffff  }
0x1ab: {  	v2 =	vadd.s32 $0x1AF, v0;
	_ =	sdelay $0x3  }
0x1ac: {  	[tilespmem:$0x10E80] =	vst v1  }
0x1ad: {  	v1 =	vld.idx.msk [tilespmem:v2+s3+$0x0], $0xffff  }
0x1ae: {  	v2 =	vadd.s32 $0x34F, v0;
	_ =	sdelay $0x3  }
0x1af: {  	[tilespmem:$0x10E90] =	vst v1  }
0x1b0: {  	v1 =	vld.idx.msk [tilespmem:v2+s3+$0x0], $0xffff  }
0x1b1: {  	v2 =	vadd.s32 $0x4EF, v0;
	_ =	sdelay $0x3  }
0x1b2: {  	[tilespmem:$0x10EA0] =	vst v1  }
0x1b3: {  	v1 =	vld.idx.msk [tilespmem:v2+s3+$0x0], $0xffff  }
0x1b4: {  	v2 =	vadd.s32 $0x68F, v0;
	_ =	sdelay $0x3  }
0x1b5: {  	[tilespmem:$0x10EB0] =	vst v1  }
0x1b6: {  	v1 =	vld.idx.msk [tilespmem:v2+s3+$0x0], $0xffff  }
0x1b7: {  	v2 =	vadd.s32 $0x82F, v0;
	_ =	sdelay $0x3  }
0x1b8: {  	[tilespmem:$0x10EC0] =	vst v1  }
0x1b9: {  	v1 =	vld.idx.msk [tilespmem:v2+s3+$0x0], $0xffff  }
0x1ba: {  	v2 =	vadd.s32 $0x9CF, v0;
	_ =	sdelay $0x3  }
0x1bb: {  	[tilespmem:$0x10ED0] =	vst v1  }
0x1bc: {  	v1 =	vld.idx.msk [tilespmem:v2+s3+$0x0], $0xffff  }
0x1bd: {  	v2 =	vadd.s32 $0xB6F, v0;
	_ =	sdelay $0x3  }
0x1be: {  	[tilespmem:$0x10EE0] =	vst v1  }
0x1bf: {  	v1 =	vld.idx.msk [tilespmem:v2+s3+$0x0], $0xffff;
	_ =	sdelay $0x4  }
0x1c0: {  	[tilespmem:$0x10EF0] =	vst v1  }
0x1c1: {  	[tilespmem:s21], [sflag:$0x4] =	stream.indirect.gather [hbm4b:s2+s13], $0x80, s20, s13, $0xb8;
	[tilespmem:$0x10F00] =	vst v63  }
0x1c2: {  	_ =	swait.ge [sflag:s22], $0x4000  }
0x1c3: {  	[sflag:s22] =	ssyncset.done $0x0  }
0x1c4: {  	v1 =	vadd.s32 $0x10, v0;
	s0 =	rddreg [dreg:$0x10];
	[sflag:s22] =	ssyncadd.s32 $0xFFFFC000  }
0x1c5: {  	[hbm4b:s0+s23] =	stream.strided.scatter [tilespmem:s15], [sflag:$0x5], $0x4000, s24, s23, $0x38;
	[tilespmem:$0x10F00] =	vst v63  }
0x1c6: {  	_ =	swait.ge [sflag:s25], $0x4000  }
0x1c7: {  	[sflag:s25] =	ssyncset.done $0x0  }
0x1c8: {  	[sflag:s25] =	ssyncadd.s32 $0xFFFFC000  }
0x1c9: {  	v1 =	vld.idx.msk [tilespmem:v1+s3+$0x0], $0xffff  }
0x1ca: {  	v2 =	vadd.s32 $0x1B0, v0;
	_ =	sdelay $0x3  }
0x1cb: {  	[tilespmem:$0x10D00] =	vst v1  }
0x1cc: {  	v1 =	vld.idx.msk [tilespmem:v2+s3+$0x0], $0xffff  }
0x1cd: {  	v2 =	vadd.s32 $0x350, v0;
	_ =	sdelay $0x3  }
0x1ce: {  	[tilespmem:$0x10D10] =	vst v1  }
0x1cf: {  	v1 =	vld.idx.msk [tilespmem:v2+s3+$0x0], $0xffff  }
0x1d0: {  	v2 =	vadd.s32 $0x4F0, v0;
	_ =	sdelay $0x3  }
0x1d1: {  	[tilespmem:$0x10D20] =	vst v1  }
0x1d2: {  	v1 =	vld.idx.msk [tilespmem:v2+s3+$0x0], $0xffff  }
0x1d3: {  	v2 =	vadd.s32 $0x690, v0;
	_ =	sdelay $0x3  }
0x1d4: {  	[tilespmem:$0x10D30] =	vst v1  }
0x1d5: {  	v1 =	vld.idx.msk [tilespmem:v2+s3+$0x0], $0xffff  }
0x1d6: {  	v2 =	vadd.s32 $0x830, v0;
	_ =	sdelay $0x3  }
0x1d7: {  	[tilespmem:$0x10D40] =	vst v1  }
0x1d8: {  	v1 =	vld.idx.msk [tilespmem:v2+s3+$0x0], $0xffff  }
0x1d9: {  	v2 =	vadd.s32 $0x9D0, v0;
	_ =	sdelay $0x3  }
0x1da: {  	[tilespmem:$0x10D50] =	vst v1  }
0x1db: {  	v1 =	vld.idx.msk [tilespmem:v2+s3+$0x0], $0xffff  }
0x1dc: {  	v2 =	vadd.s32 $0xB70, v0;
	_ =	sdelay $0x3  }
0x1dd: {  	[tilespmem:$0x10D60] =	vst v1  }
0x1de: {  	v1 =	vld.idx.msk [tilespmem:v2+s3+$0x0], $0xffff;
	_ =	sdelay $0x4  }
0x1df: {  	[tilespmem:$0x10D70] =	vst v1  }
0x1e0: {  	[tilespmem:s15], [sflag:$0x1] =	stream.indirect.gather [hbm4b:s2+s13], $0x80, s14, s13, $0xb8;
	[tilespmem:$0x10F00] =	vst v63  }
0x1e1: {  	_ =	swait.ge [sflag:s26], $0x4000  }
0x1e2: {  	[sflag:s26] =	ssyncset.done $0x0  }
0x1e3: {  	v1 =	vadd.s32 $0x11, v0;
	s0 =	rddreg [dreg:$0x11];
	[sflag:s26] =	ssyncadd.s32 $0xFFFFC000  }
0x1e4: {  	[hbm4b:s0+s23] =	stream.strided.scatter [tilespmem:s17], [sflag:$0x6], $0x4000, s24, s23, $0x38;
	[tilespmem:$0x10F00] =	vst v63  }
0x1e5: {  	_ =	swait.ge [sflag:s28], $0x4000  }
0x1e6: {  	[sflag:s28] =	ssyncset.done $0x0  }
0x1e7: {  	[sflag:s28] =	ssyncadd.s32 $0xFFFFC000  }
0x1e8: {  	v1 =	vld.idx.msk [tilespmem:v1+s3+$0x0], $0xffff  }
0x1e9: {  	v2 =	vadd.s32 $0x1B1, v0;
	_ =	sdelay $0x3  }
0x1ea: {  	[tilespmem:$0x10D80] =	vst v1  }
0x1eb: {  	v1 =	vld.idx.msk [tilespmem:v2+s3+$0x0], $0xffff  }
0x1ec: {  	v2 =	vadd.s32 $0x351, v0;
	_ =	sdelay $0x3  }
0x1ed: {  	[tilespmem:$0x10D90] =	vst v1  }
0x1ee: {  	v1 =	vld.idx.msk [tilespmem:v2+s3+$0x0], $0xffff  }
0x1ef: {  	v2 =	vadd.s32 $0x4F1, v0;
	_ =	sdelay $0x3  }
0x1f0: {  	[tilespmem:$0x10DA0] =	vst v1  }
0x1f1: {  	v1 =	vld.idx.msk [tilespmem:v2+s3+$0x0], $0xffff  }
0x1f2: {  	v2 =	vadd.s32 $0x691, v0;
	_ =	sdelay $0x3  }
0x1f3: {  	[tilespmem:$0x10DB0] =	vst v1  }
0x1f4: {  	v1 =	vld.idx.msk [tilespmem:v2+s3+$0x0], $0xffff  }
0x1f5: {  	v2 =	vadd.s32 $0x831, v0;
	_ =	sdelay $0x3  }
0x1f6: {  	[tilespmem:$0x10DC0] =	vst v1  }
0x1f7: {  	v1 =	vld.idx.msk [tilespmem:v2+s3+$0x0], $0xffff  }
0x1f8: {  	v2 =	vadd.s32 $0x9D1, v0;
	_ =	sdelay $0x3  }
0x1f9: {  	[tilespmem:$0x10DD0] =	vst v1  }
0x1fa: {  	v1 =	vld.idx.msk [tilespmem:v2+s3+$0x0], $0xffff  }
0x1fb: {  	v2 =	vadd.s32 $0xB71, v0;
	_ =	sdelay $0x3  }
0x1fc: {  	[tilespmem:$0x10DE0] =	vst v1  }
0x1fd: {  	v1 =	vld.idx.msk [tilespmem:v2+s3+$0x0], $0xffff;
	_ =	sdelay $0x4  }
0x1fe: {  	[tilespmem:$0x10DF0] =	vst v1  }
0x1ff: {  	[tilespmem:s17], [sflag:$0x2] =	stream.indirect.gather [hbm4b:s2+s13], $0x80, s16, s13, $0xb8;
	[tilespmem:$0x10F00] =	vst v63  }
0x200: {  	_ =	swait.ge [sflag:s29], $0x4000  }
0x201: {  	[sflag:s29] =	ssyncset.done $0x0  }
0x202: {  	v1 =	vadd.s32 $0x12, v0;
	s0 =	rddreg [dreg:$0x12];
	[sflag:s29] =	ssyncadd.s32 $0xFFFFC000  }
0x203: {  	[hbm4b:s0+s23] =	stream.strided.scatter [tilespmem:s19], [sflag:$0x7], $0x4000, s24, s23, $0x38;
	[tilespmem:$0x10F00] =	vst v63  }
0x204: {  	_ =	swait.ge [sflag:s30], $0x4000  }
0x205: {  	[sflag:s30] =	ssyncset.done $0x0  }
0x206: {  	[sflag:s30] =	ssyncadd.s32 $0xFFFFC000  }
0x207: {  	v1 =	vld.idx.msk [tilespmem:v1+s3+$0x0], $0xffff  }
0x208: {  	v2 =	vadd.s32 $0x1B2, v0;
	_ =	sdelay $0x3  }
0x209: {  	[tilespmem:$0x10E00] =	vst v1  }
0x20a: {  	v1 =	vld.idx.msk [tilespmem:v2+s3+$0x0], $0xffff  }
0x20b: {  	v2 =	vadd.s32 $0x352, v0;
	_ =	sdelay $0x3  }
0x20c: {  	[tilespmem:$0x10E10] =	vst v1  }
0x20d: {  	v1 =	vld.idx.msk [tilespmem:v2+s3+$0x0], $0xffff  }
0x20e: {  	v2 =	vadd.s32 $0x4F2, v0;
	_ =	sdelay $0x3  }
0x20f: {  	[tilespmem:$0x10E20] =	vst v1  }
0x210: {  	v1 =	vld.idx.msk [tilespmem:v2+s3+$0x0], $0xffff  }
0x211: {  	v2 =	vadd.s32 $0x692, v0;
	_ =	sdelay $0x3  }
0x212: {  	[tilespmem:$0x10E30] =	vst v1  }
0x213: {  	v1 =	vld.idx.msk [tilespmem:v2+s3+$0x0], $0xffff  }
0x214: {  	v2 =	vadd.s32 $0x832, v0;
	_ =	sdelay $0x3  }
0x215: {  	[tilespmem:$0x10E40] =	vst v1  }
0x216: {  	v1 =	vld.idx.msk [tilespmem:v2+s3+$0x0], $0xffff  }
0x217: {  	v2 =	vadd.s32 $0x9D2, v0;
	_ =	sdelay $0x3  }
0x218: {  	[tilespmem:$0x10E50] =	vst v1  }
0x219: {  	v1 =	vld.idx.msk [tilespmem:v2+s3+$0x0], $0xffff  }
0x21a: {  	v2 =	vadd.s32 $0xB72, v0;
	_ =	sdelay $0x3  }
0x21b: {  	[tilespmem:$0x10E60] =	vst v1  }
0x21c: {  	v1 =	vld.idx.msk [tilespmem:v2+s3+$0x0], $0xffff;
	_ =	sdelay $0x4  }
0x21d: {  	[tilespmem:$0x10E70] =	vst v1  }
0x21e: {  	[tilespmem:s19], [sflag:$0x3] =	stream.indirect.gather [hbm4b:s2+s13], $0x80, s18, s13, $0xb8;
	[tilespmem:$0x10F00] =	vst v63  }
0x21f: {  	_ =	swait.ge [sflag:s31], $0x4000  }
0x220: {  	[sflag:s31] =	ssyncset.done $0x0  }
0x221: {  	v1 =	vadd.s32 $0x13, v0;
	s0 =	rddreg [dreg:$0x13];
	[sflag:s31] =	ssyncadd.s32 $0xFFFFC000  }
0x222: {  	[hbm4b:s0+s23] =	stream.strided.scatter [tilespmem:s21], [sflag:$0x8], $0x4000, s24, s23, $0x38;
	[tilespmem:$0x10F00] =	vst v63  }
0x223: {  	_ =	swait.ge [sflag:s1], $0x4000  }
0x224: {  	[sflag:s1] =	ssyncset.done $0x0  }
0x225: {  	[sflag:s1] =	ssyncadd.s32 $0xFFFFC000  }
0x226: {  	v1 =	vld.idx.msk [tilespmem:v1+s3+$0x0], $0xffff  }
0x227: {  	v2 =	vadd.s32 $0x1B3, v0;
	_ =	sdelay $0x3  }
0x228: {  	[tilespmem:$0x10E80] =	vst v1  }
0x229: {  	v1 =	vld.idx.msk [tilespmem:v2+s3+$0x0], $0xffff  }
0x22a: {  	v2 =	vadd.s32 $0x353, v0;
	_ =	sdelay $0x3  }
0x22b: {  	[tilespmem:$0x10E90] =	vst v1  }
0x22c: {  	v1 =	vld.idx.msk [tilespmem:v2+s3+$0x0], $0xffff  }
0x22d: {  	v2 =	vadd.s32 $0x4F3, v0;
	_ =	sdelay $0x3  }
0x22e: {  	[tilespmem:$0x10EA0] =	vst v1  }
0x22f: {  	v1 =	vld.idx.msk [tilespmem:v2+s3+$0x0], $0xffff  }
0x230: {  	v2 =	vadd.s32 $0x693, v0;
	_ =	sdelay $0x3  }
0x231: {  	[tilespmem:$0x10EB0] =	vst v1  }
0x232: {  	v1 =	vld.idx.msk [tilespmem:v2+s3+$0x0], $0xffff  }
0x233: {  	v2 =	vadd.s32 $0x833, v0;
	_ =	sdelay $0x3  }
0x234: {  	[tilespmem:$0x10EC0] =	vst v1  }
0x235: {  	v1 =	vld.idx.msk [tilespmem:v2+s3+$0x0], $0xffff  }
0x236: {  	v2 =	vadd.s32 $0x9D3, v0;
	_ =	sdelay $0x3  }
0x237: {  	[tilespmem:$0x10ED0] =	vst v1  }
0x238: {  	v1 =	vld.idx.msk [tilespmem:v2+s3+$0x0], $0xffff  }
0x239: {  	v2 =	vadd.s32 $0xB73, v0;
	_ =	sdelay $0x3  }
0x23a: {  	[tilespmem:$0x10EE0] =	vst v1  }
0x23b: {  	v1 =	vld.idx.msk [tilespmem:v2+s3+$0x0], $0xffff;
	_ =	sdelay $0x4  }
0x23c: {  	[tilespmem:$0x10EF0] =	vst v1  }
0x23d: {  	[tilespmem:s21], [sflag:$0x4] =	stream.indirect.gather [hbm4b:s2+s13], $0x80, s20, s13, $0xb8;
	[tilespmem:$0x10F00] =	vst v63  }
0x23e: {  	_ =	swait.ge [sflag:s22], $0x4000  }
0x23f: {  	[sflag:s22] =	ssyncset.done $0x0  }
0x240: {  	v1 =	vadd.s32 $0x14, v0;
	s0 =	rddreg [dreg:$0x14];
	[sflag:s22] =	ssyncadd.s32 $0xFFFFC000  }
0x241: {  	[hbm4b:s0+s23] =	stream.strided.scatter [tilespmem:s15], [sflag:$0x5], $0x4000, s24, s23, $0x38;
	[tilespmem:$0x10F00] =	vst v63  }
0x242: {  	_ =	swait.ge [sflag:s25], $0x4000  }
0x243: {  	[sflag:s25] =	ssyncset.done $0x0  }
0x244: {  	[sflag:s25] =	ssyncadd.s32 $0xFFFFC000  }
0x245: {  	v1 =	vld.idx.msk [tilespmem:v1+s3+$0x0], $0xffff  }
0x246: {  	v2 =	vadd.s32 $0x1B4, v0;
	_ =	sdelay $0x3  }
0x247: {  	[tilespmem:$0x10D00] =	vst v1  }
0x248: {  	v1 =	vld.idx.msk [tilespmem:v2+s3+$0x0], $0xffff  }
0x249: {  	v2 =	vadd.s32 $0x354, v0;
	_ =	sdelay $0x3  }
0x24a: {  	[tilespmem:$0x10D10] =	vst v1  }
0x24b: {  	v1 =	vld.idx.msk [tilespmem:v2+s3+$0x0], $0xffff  }
0x24c: {  	v2 =	vadd.s32 $0x4F4, v0;
	_ =	sdelay $0x3  }
0x24d: {  	[tilespmem:$0x10D20] =	vst v1  }
0x24e: {  	v1 =	vld.idx.msk [tilespmem:v2+s3+$0x0], $0xffff  }
0x24f: {  	v2 =	vadd.s32 $0x694, v0;
	_ =	sdelay $0x3  }
0x250: {  	[tilespmem:$0x10D30] =	vst v1  }
0x251: {  	v1 =	vld.idx.msk [tilespmem:v2+s3+$0x0], $0xffff  }
0x252: {  	v2 =	vadd.s32 $0x834, v0;
	_ =	sdelay $0x3  }
0x253: {  	[tilespmem:$0x10D40] =	vst v1  }
0x254: {  	v1 =	vld.idx.msk [tilespmem:v2+s3+$0x0], $0xffff  }
0x255: {  	v2 =	vadd.s32 $0x9D4, v0;
	_ =	sdelay $0x3  }
0x256: {  	[tilespmem:$0x10D50] =	vst v1  }
0x257: {  	v1 =	vld.idx.msk [tilespmem:v2+s3+$0x0], $0xffff  }
0x258: {  	v2 =	vadd.s32 $0xB74, v0;
	_ =	sdelay $0x3  }
0x259: {  	[tilespmem:$0x10D60] =	vst v1  }
0x25a: {  	v1 =	vld.idx.msk [tilespmem:v2+s3+$0x0], $0xffff;
	_ =	sdelay $0x4  }
0x25b: {  	[tilespmem:$0x10D70] =	vst v1  }
0x25c: {  	[tilespmem:s15], [sflag:$0x1] =	stream.indirect.gather [hbm4b:s2+s13], $0x80, s14, s13, $0xb8;
	[tilespmem:$0x10F00] =	vst v63  }
0x25d: {  	_ =	swait.ge [sflag:s26], $0x4000  }
0x25e: {  	[sflag:s26] =	ssyncset.done $0x0  }
0x25f: {  	v1 =	vadd.s32 $0x15, v0;
	s0 =	rddreg [dreg:$0x15];
	[sflag:s26] =	ssyncadd.s32 $0xFFFFC000  }
0x260: {  	[hbm4b:s0+s23] =	stream.strided.scatter [tilespmem:s17], [sflag:$0x6], $0x4000, s24, s23, $0x38;
	[tilespmem:$0x10F00] =	vst v63  }
0x261: {  	_ =	swait.ge [sflag:s28], $0x4000  }
0x262: {  	[sflag:s28] =	ssyncset.done $0x0  }
0x263: {  	[sflag:s28] =	ssyncadd.s32 $0xFFFFC000  }
0x264: {  	v1 =	vld.idx.msk [tilespmem:v1+s3+$0x0], $0xffff  }
0x265: {  	v2 =	vadd.s32 $0x1B5, v0;
	_ =	sdelay $0x3  }
0x266: {  	[tilespmem:$0x10D80] =	vst v1  }
0x267: {  	v1 =	vld.idx.msk [tilespmem:v2+s3+$0x0], $0xffff  }
0x268: {  	v2 =	vadd.s32 $0x355, v0;
	_ =	sdelay $0x3  }
0x269: {  	[tilespmem:$0x10D90] =	vst v1  }
0x26a: {  	v1 =	vld.idx.msk [tilespmem:v2+s3+$0x0], $0xffff  }
0x26b: {  	v2 =	vadd.s32 $0x4F5, v0;
	_ =	sdelay $0x3  }
0x26c: {  	[tilespmem:$0x10DA0] =	vst v1  }
0x26d: {  	v1 =	vld.idx.msk [tilespmem:v2+s3+$0x0], $0xffff  }
0x26e: {  	v2 =	vadd.s32 $0x695, v0;
	_ =	sdelay $0x3  }
0x26f: {  	[tilespmem:$0x10DB0] =	vst v1  }
0x270: {  	v1 =	vld.idx.msk [tilespmem:v2+s3+$0x0], $0xffff  }
0x271: {  	v2 =	vadd.s32 $0x835, v0;
	_ =	sdelay $0x3  }
0x272: {  	[tilespmem:$0x10DC0] =	vst v1  }
0x273: {  	v1 =	vld.idx.msk [tilespmem:v2+s3+$0x0], $0xffff  }
0x274: {  	v2 =	vadd.s32 $0x9D5, v0;
	_ =	sdelay $0x3  }
0x275: {  	[tilespmem:$0x10DD0] =	vst v1  }
0x276: {  	v1 =	vld.idx.msk [tilespmem:v2+s3+$0x0], $0xffff  }
0x277: {  	v2 =	vadd.s32 $0xB75, v0;
	_ =	sdelay $0x3  }
0x278: {  	[tilespmem:$0x10DE0] =	vst v1  }
0x279: {  	v1 =	vld.idx.msk [tilespmem:v2+s3+$0x0], $0xffff;
	_ =	sdelay $0x4  }
0x27a: {  	[tilespmem:$0x10DF0] =	vst v1  }
0x27b: {  	[tilespmem:s17], [sflag:$0x2] =	stream.indirect.gather [hbm4b:s2+s13], $0x80, s16, s13, $0xb8;
	[tilespmem:$0x10F00] =	vst v63  }
0x27c: {  	_ =	swait.ge [sflag:s29], $0x4000  }
0x27d: {  	[sflag:s29] =	ssyncset.done $0x0  }
0x27e: {  	v1 =	vadd.s32 $0x16, v0;
	s0 =	rddreg [dreg:$0x16];
	[sflag:s29] =	ssyncadd.s32 $0xFFFFC000  }
0x27f: {  	[hbm4b:s0+s23] =	stream.strided.scatter [tilespmem:s19], [sflag:$0x7], $0x4000, s24, s23, $0x38;
	[tilespmem:$0x10F00] =	vst v63  }
0x280: {  	_ =	swait.ge [sflag:s30], $0x4000  }
0x281: {  	[sflag:s30] =	ssyncset.done $0x0  }
0x282: {  	[sflag:s30] =	ssyncadd.s32 $0xFFFFC000  }
0x283: {  	v1 =	vld.idx.msk [tilespmem:v1+s3+$0x0], $0xffff  }
0x284: {  	v2 =	vadd.s32 $0x1B6, v0;
	_ =	sdelay $0x3  }
0x285: {  	[tilespmem:$0x10E00] =	vst v1  }
0x286: {  	v1 =	vld.idx.msk [tilespmem:v2+s3+$0x0], $0xffff  }
0x287: {  	v2 =	vadd.s32 $0x356, v0;
	_ =	sdelay $0x3  }
0x288: {  	[tilespmem:$0x10E10] =	vst v1  }
0x289: {  	v1 =	vld.idx.msk [tilespmem:v2+s3+$0x0], $0xffff  }
0x28a: {  	v2 =	vadd.s32 $0x4F6, v0;
	_ =	sdelay $0x3  }
0x28b: {  	[tilespmem:$0x10E20] =	vst v1  }
0x28c: {  	v1 =	vld.idx.msk [tilespmem:v2+s3+$0x0], $0xffff  }
0x28d: {  	v2 =	vadd.s32 $0x696, v0;
	_ =	sdelay $0x3  }
0x28e: {  	[tilespmem:$0x10E30] =	vst v1  }
0x28f: {  	v1 =	vld.idx.msk [tilespmem:v2+s3+$0x0], $0xffff  }
0x290: {  	v2 =	vadd.s32 $0x836, v0;
	_ =	sdelay $0x3  }
0x291: {  	[tilespmem:$0x10E40] =	vst v1  }
0x292: {  	v1 =	vld.idx.msk [tilespmem:v2+s3+$0x0], $0xffff  }
0x293: {  	v2 =	vadd.s32 $0x9D6, v0;
	_ =	sdelay $0x3  }
0x294: {  	[tilespmem:$0x10E50] =	vst v1  }
0x295: {  	v1 =	vld.idx.msk [tilespmem:v2+s3+$0x0], $0xffff  }
0x296: {  	v2 =	vadd.s32 $0xB76, v0;
	_ =	sdelay $0x3  }
0x297: {  	[tilespmem:$0x10E60] =	vst v1  }
0x298: {  	v1 =	vld.idx.msk [tilespmem:v2+s3+$0x0], $0xffff;
	_ =	sdelay $0x4  }
0x299: {  	[tilespmem:$0x10E70] =	vst v1  }
0x29a: {  	[tilespmem:s19], [sflag:$0x3] =	stream.indirect.gather [hbm4b:s2+s13], $0x80, s18, s13, $0xb8;
	[tilespmem:$0x10F00] =	vst v63  }
0x29b: {  	_ =	swait.ge [sflag:s31], $0x4000  }
0x29c: {  	[sflag:s31] =	ssyncset.done $0x0  }
0x29d: {  	v1 =	vadd.s32 $0x17, v0;
	[sflag:s31] =	ssyncadd.s32 $0xFFFFC000  }
0x29e: {  	[hbm4b:s4+s23] =	stream.strided.scatter [tilespmem:s21], [sflag:$0x8], $0x4000, s24, s23, $0x38;
	[tilespmem:$0x10F00] =	vst v63  }
0x29f: {  	_ =	swait.ge [sflag:s1], $0x4000  }
0x2a0: {  	[sflag:s1] =	ssyncset.done $0x0  }
0x2a1: {  	[sflag:s1] =	ssyncadd.s32 $0xFFFFC000  }
0x2a2: {  	v1 =	vld.idx.msk [tilespmem:v1+s3+$0x0], $0xffff  }
0x2a3: {  	v2 =	vadd.s32 $0x1B7, v0;
	_ =	sdelay $0x3  }
0x2a4: {  	[tilespmem:$0x10E80] =	vst v1  }
0x2a5: {  	v1 =	vld.idx.msk [tilespmem:v2+s3+$0x0], $0xffff  }
0x2a6: {  	v2 =	vadd.s32 $0x357, v0;
	_ =	sdelay $0x3  }
0x2a7: {  	[tilespmem:$0x10E90] =	vst v1  }
0x2a8: {  	v1 =	vld.idx.msk [tilespmem:v2+s3+$0x0], $0xffff  }
0x2a9: {  	v2 =	vadd.s32 $0x4F7, v0;
	_ =	sdelay $0x3  }
0x2aa: {  	[tilespmem:$0x10EA0] =	vst v1  }
0x2ab: {  	v1 =	vld.idx.msk [tilespmem:v2+s3+$0x0], $0xffff  }
0x2ac: {  	v2 =	vadd.s32 $0x697, v0;
	_ =	sdelay $0x3  }
0x2ad: {  	[tilespmem:$0x10EB0] =	vst v1  }
0x2ae: {  	v1 =	vld.idx.msk [tilespmem:v2+s3+$0x0], $0xffff  }
0x2af: {  	v2 =	vadd.s32 $0x837, v0;
	_ =	sdelay $0x3  }
0x2b0: {  	[tilespmem:$0x10EC0] =	vst v1  }
0x2b1: {  	v1 =	vld.idx.msk [tilespmem:v2+s3+$0x0], $0xffff  }
0x2b2: {  	v2 =	vadd.s32 $0x9D7, v0;
	_ =	sdelay $0x3  }
0x2b3: {  	[tilespmem:$0x10ED0] =	vst v1  }
0x2b4: {  	v1 =	vld.idx.msk [tilespmem:v2+s3+$0x0], $0xffff  }
0x2b5: {  	v2 =	vadd.s32 $0xB77, v0;
	_ =	sdelay $0x3  }
0x2b6: {  	[tilespmem:$0x10EE0] =	vst v1  }
0x2b7: {  	v1 =	vld.idx.msk [tilespmem:v2+s3+$0x0], $0xffff;
	_ =	sdelay $0x4  }
0x2b8: {  	[tilespmem:$0x10EF0] =	vst v1  }
0x2b9: {  	[tilespmem:s21], [sflag:$0x4] =	stream.indirect.gather [hbm4b:s2+s13], $0x80, s20, s13, $0xb8;
	[tilespmem:$0x10F00] =	vst v63  }
0x2ba: {  	_ =	swait.ge [sflag:s22], $0x4000  }
0x2bb: {  	[sflag:s22] =	ssyncset.done $0x0  }
0x2bc: {  	v1 =	vadd.s32 $0x18, v0;
	[sflag:s22] =	ssyncadd.s32 $0xFFFFC000  }
0x2bd: {  	[hbm4b:s5+s23] =	stream.strided.scatter [tilespmem:s15], [sflag:$0x5], $0x4000, s24, s23, $0x38;
	[tilespmem:$0x10F00] =	vst v63  }
0x2be: {  	_ =	swait.ge [sflag:s25], $0x4000  }
0x2bf: {  	[sflag:s25] =	ssyncset.done $0x0  }
0x2c0: {  	[sflag:s25] =	ssyncadd.s32 $0xFFFFC000  }
0x2c1: {  	v1 =	vld.idx.msk [tilespmem:v1+s3+$0x0], $0xffff  }
0x2c2: {  	v2 =	vadd.s32 $0x1B8, v0;
	_ =	sdelay $0x3  }
0x2c3: {  	[tilespmem:$0x10D00] =	vst v1  }
0x2c4: {  	v1 =	vld.idx.msk [tilespmem:v2+s3+$0x0], $0xffff  }
0x2c5: {  	v2 =	vadd.s32 $0x358, v0;
	_ =	sdelay $0x3  }
0x2c6: {  	[tilespmem:$0x10D10] =	vst v1  }
0x2c7: {  	v1 =	vld.idx.msk [tilespmem:v2+s3+$0x0], $0xffff  }
0x2c8: {  	v2 =	vadd.s32 $0x4F8, v0;
	_ =	sdelay $0x3  }
0x2c9: {  	[tilespmem:$0x10D20] =	vst v1  }
0x2ca: {  	v1 =	vld.idx.msk [tilespmem:v2+s3+$0x0], $0xffff  }
0x2cb: {  	v2 =	vadd.s32 $0x698, v0;
	_ =	sdelay $0x3  }
0x2cc: {  	[tilespmem:$0x10D30] =	vst v1  }
0x2cd: {  	v1 =	vld.idx.msk [tilespmem:v2+s3+$0x0], $0xffff  }
0x2ce: {  	v2 =	vadd.s32 $0x838, v0;
	_ =	sdelay $0x3  }
0x2cf: {  	[tilespmem:$0x10D40] =	vst v1  }
0x2d0: {  	v1 =	vld.idx.msk [tilespmem:v2+s3+$0x0], $0xffff  }
0x2d1: {  	v2 =	vadd.s32 $0x9D8, v0;
	_ =	sdelay $0x3  }
0x2d2: {  	[tilespmem:$0x10D50] =	vst v1  }
0x2d3: {  	v1 =	vld.idx.msk [tilespmem:v2+s3+$0x0], $0xffff  }
0x2d4: {  	v2 =	vadd.s32 $0xB78, v0;
	_ =	sdelay $0x3  }
0x2d5: {  	[tilespmem:$0x10D60] =	vst v1  }
0x2d6: {  	v1 =	vld.idx.msk [tilespmem:v2+s3+$0x0], $0xffff;
	_ =	sdelay $0x4  }
0x2d7: {  	[tilespmem:$0x10D70] =	vst v1  }
0x2d8: {  	[tilespmem:s15], [sflag:$0x1] =	stream.indirect.gather [hbm4b:s2+s13], $0x80, s14, s13, $0xb8;
	[tilespmem:$0x10F00] =	vst v63  }
0x2d9: {  	_ =	swait.ge [sflag:s26], $0x4000  }
0x2da: {  	[sflag:s26] =	ssyncset.done $0x0  }
0x2db: {  	v1 =	vadd.s32 $0x19, v0;
	[sflag:s26] =	ssyncadd.s32 $0xFFFFC000  }
0x2dc: {  	[hbm4b:s6+s23] =	stream.strided.scatter [tilespmem:s17], [sflag:$0x6], $0x4000, s24, s23, $0x38;
	[tilespmem:$0x10F00] =	vst v63  }
0x2dd: {  	_ =	swait.ge [sflag:s28], $0x4000  }
0x2de: {  	[sflag:s28] =	ssyncset.done $0x0  }
0x2df: {  	[sflag:s28] =	ssyncadd.s32 $0xFFFFC000  }
0x2e0: {  	v1 =	vld.idx.msk [tilespmem:v1+s3+$0x0], $0xffff  }
0x2e1: {  	v2 =	vadd.s32 $0x1B9, v0;
	_ =	sdelay $0x3  }
0x2e2: {  	[tilespmem:$0x10D80] =	vst v1  }
0x2e3: {  	v1 =	vld.idx.msk [tilespmem:v2+s3+$0x0], $0xffff  }
0x2e4: {  	v2 =	vadd.s32 $0x359, v0;
	_ =	sdelay $0x3  }
0x2e5: {  	[tilespmem:$0x10D90] =	vst v1  }
0x2e6: {  	v1 =	vld.idx.msk [tilespmem:v2+s3+$0x0], $0xffff  }
0x2e7: {  	v2 =	vadd.s32 $0x4F9, v0;
	_ =	sdelay $0x3  }
0x2e8: {  	[tilespmem:$0x10DA0] =	vst v1  }
0x2e9: {  	v1 =	vld.idx.msk [tilespmem:v2+s3+$0x0], $0xffff  }
0x2ea: {  	v2 =	vadd.s32 $0x699, v0;
	_ =	sdelay $0x3  }
0x2eb: {  	[tilespmem:$0x10DB0] =	vst v1  }
0x2ec: {  	v1 =	vld.idx.msk [tilespmem:v2+s3+$0x0], $0xffff  }
0x2ed: {  	v2 =	vadd.s32 $0x839, v0;
	_ =	sdelay $0x3  }
0x2ee: {  	[tilespmem:$0x10DC0] =	vst v1  }
0x2ef: {  	v1 =	vld.idx.msk [tilespmem:v2+s3+$0x0], $0xffff  }
0x2f0: {  	v2 =	vadd.s32 $0x9D9, v0;
	_ =	sdelay $0x3  }
0x2f1: {  	[tilespmem:$0x10DD0] =	vst v1  }
0x2f2: {  	v1 =	vld.idx.msk [tilespmem:v2+s3+$0x0], $0xffff  }
0x2f3: {  	v2 =	vadd.s32 $0xB79, v0;
	_ =	sdelay $0x3  }
0x2f4: {  	[tilespmem:$0x10DE0] =	vst v1  }
0x2f5: {  	v1 =	vld.idx.msk [tilespmem:v2+s3+$0x0], $0xffff;
	_ =	sdelay $0x4  }
0x2f6: {  	[tilespmem:$0x10DF0] =	vst v1  }
0x2f7: {  	[tilespmem:s17], [sflag:$0x2] =	stream.indirect.gather [hbm4b:s2+s13], $0x80, s16, s13, $0xb8;
	[tilespmem:$0x10F00] =	vst v63  }
0x2f8: {  	_ =	swait.ge [sflag:s29], $0x4000  }
0x2f9: {  	[sflag:s29] =	ssyncset.done $0x0  }
0x2fa: {  	[sflag:s29] =	ssyncadd.s32 $0xFFFFC000  }
0x2fb: {  	[hbm4b:s7+s23] =	stream.strided.scatter [tilespmem:s19], [sflag:$0x7], $0x4000, s24, s23, $0x38;
	[tilespmem:$0x10F00] =	vst v63  }
0x2fc: {  	_ =	swait.ge [sflag:s31], $0x4000  }
0x2fd: {  	[sflag:s31] =	ssyncset.done $0x0  }
0x2fe: {  	[sflag:s31] =	ssyncadd.s32 $0xFFFFC000  }
0x2ff: {  	[hbm4b:s8+s23] =	stream.strided.scatter [tilespmem:s21], [sflag:$0x8], $0x4000, s24, s23, $0x38;
	[tilespmem:$0x10F00] =	vst v63  }
0x300: {  	_ =	swait.ge [sflag:s22], $0x4000  }
0x301: {  	[sflag:s22] =	ssyncset.done $0x0  }
0x302: {  	[sflag:s22] =	ssyncadd.s32 $0xFFFFC000  }
0x303: {  	[hbm4b:s9+s23] =	stream.strided.scatter [tilespmem:s15], [sflag:$0x5], $0x4000, s24, s23, $0x38;
	[tilespmem:$0x10F00] =	vst v63  }
0x304: {  	_ =	swait.ge [sflag:s26], $0x4000  }
0x305: {  	[sflag:s26] =	ssyncset.done $0x0  }
0x306: {  	[sflag:s26] =	ssyncadd.s32 $0xFFFFC000  }
0x307: {  	[hbm4b:s10+s23] =	stream.strided.scatter [tilespmem:s17], [sflag:$0x6], $0x4000, s24, s23, $0x38;
	[tilespmem:$0x10F00] =	vst v63  }
0x308: {  	_ =	swait.ge [sflag:s30], $0x4000  }
0x309: {  	[sflag:s30] =	ssyncset.done $0x0  }
0x30a: {  	[sflag:s30] =	ssyncadd.s32 $0xFFFFC000  }
0x30b: {  	_ =	swait.ge [sflag:s1], $0x4000  }
0x30c: {  	[sflag:s1] =	ssyncset.done $0x0  }
0x30d: {  	[sflag:s1] =	ssyncadd.s32 $0xFFFFC000  }
0x30e: {  	p0 =	sne.s32 s11, $0x1;
	_ =	swait.ge [sflag:s25], $0x4000  }
.Ltmp0:
0x30f: {  	[sflag:s25] =	ssyncset.done $0x0;
	(pc) =	sbr.rel @p0 .LBB2_1-.Ltmp0, $4  }
0x310: {  	[sflag:s25] =	ssyncadd.s32 $0xFFFFC000  }
0x311: {  	_ =	swait.ge [sflag:s28], $0x4000  }
0x312: {  	[sflag:s28] =	ssyncset.done $0x0  }
0x313: {  	s11 =	sadd.s32 $0xFFFFFFFF, s11;
	[sflag:s28] =	ssyncadd.s32 $0xFFFFC000  }
0x314: {  	_ =	sfence.sel $0x180000  }
0x315: {  	[bflag:$0x0] =	sbarrier.arrive $0xFFFF  }
0x316: {  	_ =	strace $0x90000047  }
0x317: {  	s0 =	stileid.u32;
	[bflag:$0x2] =	sbarrier.arrive $0xFFFF  }
0x318: {  	p0 =	sne.s32 s0, $0x0;
	s0 =	rddreg [dreg:$0x2]  }
0x319: {  	s0 =	sadd.s32 @!p0 $0x100000, s0  }
0x31a: {  	[sflag:s0] =	ssyncadd.tile.s32 @!p0 $0x1;
	_ =	shalt  }
.Lfunc_end2:
_tile_overlayer_lowered:
.L_overlay_start_2:
0x31b: {  	(tag) =	ssettag $0x2  }
0x31c: {  	s0 =	rddreg [dreg:$0x0];
	s2 =	stileid.u32  }
0x31d: {  	s1 =	rddreg [dreg:$0x1];
	p0 =	sne.s32 s2, $0x0  }
0x31e: {  	s3 =	rddreg [dreg:$0x2];
	[bflag:$0x3] =	sbarrier.arrive $0xFFFF;
	s2 =	simm.s32 @!p0 $0x1C09  }
0x31f: {  	[timem:s3], [sflag:s2] =	dma.local @!p0 [hbm:s0], s1  }
0x320: {  	s0 =	simm.s32 @!p0 $0x9  }
0x321: {  	_ =	swait.ge @!p0 [sflag:s0], s1  }
0x322: {  	s1 =	ssub.s32 @!p0 $0x0, s1;
	[sflag:s0] =	ssyncset.done @!p0 $0x0  }
0x323: {  	[sflag:s0] =	ssyncadd.s32 @!p0 s1  }
0x324: {  	[bflag:$0x3] =	sbarrier.arrive $0xFFFF  }
0x325: {  	_ =	shalt  }

</sc_bundles>
